<compile_context>
chip_gen: v7x
topology: tpu7x:2x2x1
jax: 0.10.2.dev20260603
libtpu: 0.0.44.dev20260713+nightly
codegen_flags: <defaults>
</compile_context>

<pallas_src>
import functools

import jax
import jax.numpy as jnp
from jax import lax
from jax.experimental import pallas as pl
from jax.experimental.pallas import tpu as pltpu
from jax.experimental.pallas import tpu_sc as plsc

_N = 50000
_E = 1600000
_NIN = 24
_NPLANE = 12
_GROUPS = _E // 128
_PLANE_STRIDE = _GROUPS * 256

_NC = 2
_NS = 16
_NW = _NC * _NS

_G = 5
_CE = _G * 128
_CSEG = _G * 256
_CIDX = _G * 256
_CVREG = _CE // 16
_NCHUNK = _GROUPS // _G
_ITER2 = (-(-_NCHUNK // _NW) + 1) // 2

_NB = 1000


def _mlp_body(x_ref, w1_ref, b1_ref, w2_ref, b2_ref, o_ref):
    z = jnp.dot(x_ref[...], w1_ref[...], preferred_element_type=jnp.float32)
    z = z + b1_ref[...]
    h = z * (1.0 / (1.0 + jnp.exp(-z)))
    o_ref[...] = jnp.dot(h, w2_ref[...], preferred_element_type=jnp.float32) + b2_ref[...]


def _node_mlp(x2d, W1, b1, W2, b2):
    grid = (_N // _NB,)
    return pl.pallas_call(
        _mlp_body,
        grid=grid,
        in_specs=[
            pl.BlockSpec((_NB, _NIN), lambda i: (i, 0)),
            pl.BlockSpec((_NIN, 128), lambda i: (0, 0)),
            pl.BlockSpec((1, 128), lambda i: (0, 0)),
            pl.BlockSpec((128, 1), lambda i: (0, 0)),
            pl.BlockSpec((1, 1), lambda i: (0, 0)),
        ],
        out_specs=pl.BlockSpec((_NB, 1), lambda i: (i, 0)),
        out_shape=jax.ShapeDtypeStruct((_N, 1), jnp.float32),
    )(x2d, W1, b1.reshape(1, 128), W2, b2.reshape(1, 1))


def _fused_body(nw_hbm, idx_hbm, attr_hbm, out_hbm,
                table_v, idx_v0, idx_v1, ew_v0, ew_v1,
                attr_v0, attr_v1, prod_v0, prod_v1,
                sin0, sin1, sout0, sout1):
    idx_v = (idx_v0, idx_v1)
    ew_v = (ew_v0, ew_v1)
    attr_v = (attr_v0, attr_v1)
    prod_v = (prod_v0, prod_v1)
    sin = (sin0, sin1)
    sout = (sout0, sout1)

    wid = lax.axis_index("s") * _NC + lax.axis_index("c")
    pltpu.sync_copy(nw_hbm, table_v)

    def start_in(c, b):
        pltpu.async_copy(idx_hbm.at[pl.ds(c * _CIDX, _CIDX)], idx_v[b], sin[b])
        for p in range(_NPLANE):
            pltpu.async_copy(
                attr_hbm.at[pl.ds(p * _PLANE_STRIDE + c * _CSEG, _CSEG)],
                attr_v[b].at[pl.ds(p * _CSEG, _CSEG)],
                sin[b],
            )

    def wait_in(b):
        pltpu.make_async_copy(idx_hbm.at[pl.ds(0, _CIDX)], idx_v[b], sin[b]).wait()
        pltpu.make_async_copy(
            attr_hbm.at[pl.ds(0, _NPLANE * _CSEG)], attr_v[b], sin[b]
        ).wait()

    def start_out(c, b):
        for p in range(_NPLANE):
            pltpu.async_copy(
                prod_v[b].at[pl.ds(p * _CSEG, _CSEG)],
                out_hbm.at[pl.ds(p * _PLANE_STRIDE + c * _CSEG, _CSEG)],
                sout[b],
            )

    def wait_out(b):
        pltpu.make_async_copy(
            prod_v[b], out_hbm.at[pl.ds(0, _NPLANE * _CSEG)], sout[b]
        ).wait()

    start_in(wid, 0)

    def outer(i2, carry):
        for b in range(2):
            c = wid + (2 * i2 + b) * _NW
            cp = c - 2 * _NW
            cn = c + _NW

            @pl.when(cn < _NCHUNK)
            def _():
                start_in(cn, 1 - b)

            @pl.when(cp >= 0)
            def _():
                wait_out(b)

            @pl.when(c < _NCHUNK)
            def _():
                wait_in(b)

                @plsc.parallel_loop(0, _CVREG, unroll=4)
                def gather_w(st):
                    g = st // 8
                    s = st % 8
                    iv = idx_v[b][pl.ds(g * 256 + s * 16, 16)]
                    ew_v[b][pl.ds(st * 16, 16)] = plsc.load_gather(table_v, [iv])

                @plsc.parallel_loop(0, _CVREG, unroll=2)
                def mul_all(st):
                    m = ew_v[b][pl.ds(st * 16, 16)]
                    base = (st // 8) * 256 + (st % 8) * 16
                    for p in range(_NPLANE):
                        for d3 in range(2):
                            a = p * _CSEG + base + d3 * 128
                            prod_v[b][pl.ds(a, 16)] = attr_v[b][pl.ds(a, 16)] * m

                start_out(c, b)

        return carry

    lax.fori_loop(0, _ITER2, outer, 0)

    for b in range(2):
        c_last = wid + (2 * (_ITER2 - 1) + b) * _NW

        @pl.when(c_last < _NCHUNK)
        def _():
            wait_out(b)


def _edge_fused(nw_flat, idx_flat, attr_flat):
    mesh = plsc.VectorSubcoreMesh(core_axis_name="c", subcore_axis_name="s")
    call = pl.kernel(
        _fused_body,
        out_type=jax.ShapeDtypeStruct((_E * _NIN,), jnp.float32),
        mesh=mesh,
        scratch_types=[
            pltpu.VMEM((_N,), jnp.float32),
            pltpu.VMEM((_CIDX,), jnp.int32),
            pltpu.VMEM((_CIDX,), jnp.int32),
            pltpu.VMEM((_CE,), jnp.float32),
            pltpu.VMEM((_CE,), jnp.float32),
            pltpu.VMEM((_NPLANE * _CSEG,), jnp.float32),
            pltpu.VMEM((_NPLANE * _CSEG,), jnp.float32),
            pltpu.VMEM((_NPLANE * _CSEG,), jnp.float32),
            pltpu.VMEM((_NPLANE * _CSEG,), jnp.float32),
            pltpu.SemaphoreType.DMA,
            pltpu.SemaphoreType.DMA,
            pltpu.SemaphoreType.DMA,
            pltpu.SemaphoreType.DMA,
        ],
        compiler_params=pltpu.CompilerParams(needs_layout_passes=False),
    )
    return call(nw_flat, idx_flat, attr_flat)


def _to_native_flat(a4d):
    r = a4d.reshape(_GROUPS, 128, 4, 3, 2)
    p = r.transpose(2, 3, 0, 4, 1)
    return p.reshape(_E * _NIN)


def _from_native_flat(flat):
    p = flat.reshape(4, 3, _GROUPS, 2, 128)
    r = p.transpose(0, 1, 3, 2, 4)
    t = r.reshape(4, 3, 2, _E)
    return t.transpose(3, 0, 1, 2)


def _idx_native_flat(edge_index):
    return edge_index.reshape(2, _GROUPS, 128).transpose(1, 0, 2).reshape(2 * _E)


def kernel(node_feat, edge_attri, edge_index, W1, b1, W2, b2):
    x2d = node_feat.reshape(_N, _NIN)
    nw = _node_mlp(x2d, W1, b1, W2, b2)
    out_flat = _edge_fused(
        nw.reshape(_N),
        _idx_native_flat(edge_index),
        _to_native_flat(edge_attri),
    )
    return _from_native_flat(out_flat)

# --- scband reference (transcript-rebuilt; emitter-appended) ---
"""Pipeline reference for scband-message-bchi-2156073583070 (READ-ONLY COPY).

The authoritative reference and input builder live on the scoring server;
editing this copy changes nothing except your own understanding.
"""

import jax, jax.numpy as jnp
import numpy as np

N_NODES = 50000
N_EDGES = 1600000
R, A, C = 4, 3, 2
N_IN = R * A * C  # 24
N_HIDDEN = 128


def setup_inputs(seed: int = 0) -> dict:
    key = jax.random.key(seed)
    k1, k2, k3, k4, k5, k6, k7 = jax.random.split(key, 7)
    node_feat = jax.random.normal(k1, (N_NODES, R, A, C), dtype=jnp.float32)
    edge_attri = jax.random.normal(k2, (N_EDGES, R, A, C), dtype=jnp.float32)
    edge_index = jax.random.randint(k3, (2, N_EDGES), 0, N_NODES, dtype=jnp.int32)
    # hnet = build_mlp(n_in=24, n_out=1, n_hidden=128, n_layers=2): Linear(24,128) -> silu -> Linear(128,1)
    W1 = jax.random.normal(k4, (N_IN, N_HIDDEN), dtype=jnp.float32) / np.sqrt(N_IN)
    b1 = jnp.zeros((N_HIDDEN,), dtype=jnp.float32)
    W2 = jax.random.normal(k5, (N_HIDDEN, 1), dtype=jnp.float32) / np.sqrt(N_HIDDEN)
    b2 = jnp.zeros((1,), dtype=jnp.float32)
    return {"node_feat": node_feat, "edge_attri": edge_attri, "edge_index": edge_index,
            "W1": W1, "b1": b1, "W2": W2, "b2": b2}


def reference(node_feat, edge_attri, edge_index, W1, b1, W2, b2):
    # MessageBchi.forward with shared_channels=True, shared_l=True (nl=nc=1)
    n_nodes = node_feat.shape[0]
    features = node_feat.reshape(n_nodes, -1)                 # [N, n_in]
    h = jax.nn.silu(features @ W1 + b1)                       # hnet hidden layer
    node_weight = (h @ W2 + b2).reshape(n_nodes, 1, 1)        # [N, nl=1, nc=1]
    edge_weight = jnp.take(node_weight, edge_index[0], axis=0)  # gather [E, 1, 1]
    message = edge_attri * edge_weight[:, None, :, :]         # [E, R, A, C]
    return message

if __name__ == "__main__":
    import jax
    _d = setup_inputs()
    print(jax.jit(kernel)(*tuple(_d.values())))

</pallas_src>

<mosaic_0001>
#map = affine_map<(d0, d1) -> (0)>
module attributes {stable_mosaic.version = 14 : i64} {
  func.func @_fused_body(%arg0: i32, %arg1: i32, %arg2: memref<50000xf32, #tpu.memory_space<hbm>>, %arg3: memref<3200000xi32, #tpu.memory_space<hbm>>, %arg4: memref<38400000xf32, #tpu.memory_space<hbm>>, %arg5: memref<38400000xf32, #tpu.memory_space<hbm>>, %arg6: memref<50000xf32, #tpu.memory_space<vmem>>, %arg7: memref<1280xi32, #tpu.memory_space<vmem>>, %arg8: memref<1280xi32, #tpu.memory_space<vmem>>, %arg9: memref<640xf32, #tpu.memory_space<vmem>>, %arg10: memref<640xf32, #tpu.memory_space<vmem>>, %arg11: memref<15360xf32, #tpu.memory_space<vmem>>, %arg12: memref<15360xf32, #tpu.memory_space<vmem>>, %arg13: memref<15360xf32, #tpu.memory_space<vmem>>, %arg14: memref<15360xf32, #tpu.memory_space<vmem>>, %arg15: memref<!tpu.dma_semaphore, #tpu.memory_space<semaphore_mem>>, %arg16: memref<!tpu.dma_semaphore, #tpu.memory_space<semaphore_mem>>, %arg17: memref<!tpu.dma_semaphore, #tpu.memory_space<semaphore_mem>>, %arg18: memref<!tpu.dma_semaphore, #tpu.memory_space<semaphore_mem>>) attributes {dimension_semantics = [#tpu.dimension_semantics<core_parallel>, #tpu.dimension_semantics<subcore_parallel>], iteration_bounds = array<i64: 2, 16>, scalar_prefetch = 0 : i64, scratch_operands = 13 : i64, tpu.core_type = #tpu.core_type<sc_vector_subcore>, window_params = [{transform_indices = #map}, {transform_indices = #map}, {transform_indices = #map}, {transform_indices = #map}]} {
    %mul3A = arith.constant 2 : i32
    %mul3A_0 = arith.muli %arg1, %mul3A : i32
    %add3A = arith.addi %mul3A_0, %arg0 : i32
    "tpu.region"() ({
      %run_scoped3A = tpu.sem_alloc : memref<!tpu.dma_semaphore, #tpu.memory_space<semaphore_mem>>
      tpu.enqueue_dma source(%arg2 : memref<50000xf32, #tpu.memory_space<hbm>>) target(%arg6 : memref<50000xf32, #tpu.memory_space<vmem>>) target_semaphore(%run_scoped3A : memref<!tpu.dma_semaphore, #tpu.memory_space<semaphore_mem>>)
      tpu.wait_dma2 semaphore(%run_scoped3A : memref<!tpu.dma_semaphore, #tpu.memory_space<semaphore_mem>>) src(%arg2 : memref<50000xf32, #tpu.memory_space<hbm>>) dst(%arg6 : memref<50000xf32, #tpu.memory_space<vmem>>)
      tpu.yield
    }) : () -> ()
    %mul3A_1 = arith.constant 1280 : i32
    %mul3A_2 = arith.muli %add3A, %mul3A_1 : i32
    %dma_start3A = tpu.memref_slice %arg3[%mul3A_2] : memref<3200000xi32, #tpu.memory_space<hbm>> -> memref<1280xi32, #tpu.memory_space<hbm>>
    %dma_start3A_3 = tpu.memref_slice %arg3[%mul3A_2] : memref<3200000xi32, #tpu.memory_space<hbm>> -> memref<1280xi32, #tpu.memory_space<hbm>>
    tpu.enqueue_dma source(%dma_start3A_3 : memref<1280xi32, #tpu.memory_space<hbm>>) target(%arg7 : memref<1280xi32, #tpu.memory_space<vmem>>) target_semaphore(%arg15 : memref<!tpu.dma_semaphore, #tpu.memory_space<semaphore_mem>>)
    %mul3A_4 = arith.constant 1280 : i32
    %mul3A_5 = arith.muli %add3A, %mul3A_4 : i32
    %add3A_6 = arith.constant 0 : i32
    %add3A_7 = arith.addi %add3A_6, %mul3A_5 : i32
    %dma_start3A_8 = arith.constant 0 : i32
    %dma_start3A_9 = tpu.memref_slice %arg11[%dma_start3A_8] : memref<15360xf32, #tpu.memory_space<vmem>> -> memref<1280xf32, #tpu.memory_space<vmem>>
    %dma_start3A_10 = tpu.memref_slice %arg4[%add3A_7] : memref<38400000xf32, #tpu.memory_space<hbm>> -> memref<1280xf32, #tpu.memory_space<hbm>>
    %dma_start3A_11 = arith.constant 0 : i32
    %dma_start3A_12 = tpu.memref_slice %arg11[%dma_start3A_11] : memref<15360xf32, #tpu.memory_space<vmem>> -> memref<1280xf32, #tpu.memory_space<vmem>>
    %dma_start3A_13 = tpu.memref_slice %arg4[%add3A_7] : memref<38400000xf32, #tpu.memory_space<hbm>> -> memref<1280xf32, #tpu.memory_space<hbm>>
    tpu.enqueue_dma source(%dma_start3A_13 : memref<1280xf32, #tpu.memory_space<hbm>>) target(%dma_start3A_12 : memref<1280xf32, #tpu.memory_space<vmem>>) target_semaphore(%arg15 : memref<!tpu.dma_semaphore, #tpu.memory_space<semaphore_mem>>)
    %mul3A_14 = arith.constant 1280 : i32
    %mul3A_15 = arith.muli %add3A, %mul3A_14 : i32
    %add3A_16 = arith.constant 3200000 : i32
    %add3A_17 = arith.addi %add3A_16, %mul3A_15 : i32
    %dma_start3A_18 = arith.constant 1280 : i32
    %dma_start3A_19 = tpu.memref_slice %arg11[%dma_start3A_18] : memref<15360xf32, #tpu.memory_space<vmem>> -> memref<1280xf32, #tpu.memory_space<vmem>>
    %dma_start3A_20 = tpu.memref_slice %arg4[%add3A_17] : memref<38400000xf32, #tpu.memory_space<hbm>> -> memref<1280xf32, #tpu.memory_space<hbm>>
    %dma_start3A_21 = arith.constant 1280 : i32
    %dma_start3A_22 = tpu.memref_slice %arg11[%dma_start3A_21] : memref<15360xf32, #tpu.memory_space<vmem>> -> memref<1280xf32, #tpu.memory_space<vmem>>
    %dma_start3A_23 = tpu.memref_slice %arg4[%add3A_17] : memref<38400000xf32, #tpu.memory_space<hbm>> -> memref<1280xf32, #tpu.memory_space<hbm>>
    tpu.enqueue_dma source(%dma_start3A_23 : memref<1280xf32, #tpu.memory_space<hbm>>) target(%dma_start3A_22 : memref<1280xf32, #tpu.memory_space<vmem>>) target_semaphore(%arg15 : memref<!tpu.dma_semaphore, #tpu.memory_space<semaphore_mem>>)
    %mul3A_24 = arith.constant 1280 : i32
    %mul3A_25 = arith.muli %add3A, %mul3A_24 : i32
    %add3A_26 = arith.constant 6400000 : i32
    %add3A_27 = arith.addi %add3A_26, %mul3A_25 : i32
    %dma_start3A_28 = arith.constant 2560 : i32
    %dma_start3A_29 = tpu.memref_slice %arg11[%dma_start3A_28] : memref<15360xf32, #tpu.memory_space<vmem>> -> memref<1280xf32, #tpu.memory_space<vmem>>
    %dma_start3A_30 = tpu.memref_slice %arg4[%add3A_27] : memref<38400000xf32, #tpu.memory_space<hbm>> -> memref<1280xf32, #tpu.memory_space<hbm>>
    %dma_start3A_31 = arith.constant 2560 : i32
    %dma_start3A_32 = tpu.memref_slice %arg11[%dma_start3A_31] : memref<15360xf32, #tpu.memory_space<vmem>> -> memref<1280xf32, #tpu.memory_space<vmem>>
    %dma_start3A_33 = tpu.memref_slice %arg4[%add3A_27] : memref<38400000xf32, #tpu.memory_space<hbm>> -> memref<1280xf32, #tpu.memory_space<hbm>>
    tpu.enqueue_dma source(%dma_start3A_33 : memref<1280xf32, #tpu.memory_space<hbm>>) target(%dma_start3A_32 : memref<1280xf32, #tpu.memory_space<vmem>>) target_semaphore(%arg15 : memref<!tpu.dma_semaphore, #tpu.memory_space<semaphore_mem>>)
    %mul3A_34 = arith.constant 1280 : i32
    %mul3A_35 = arith.muli %add3A, %mul3A_34 : i32
    %add3A_36 = arith.constant 9600000 : i32
    %add3A_37 = arith.addi %add3A_36, %mul3A_35 : i32
    %dma_start3A_38 = arith.constant 3840 : i32
    %dma_start3A_39 = tpu.memref_slice %arg11[%dma_start3A_38] : memref<15360xf32, #tpu.memory_space<vmem>> -> memref<1280xf32, #tpu.memory_space<vmem>>
    %dma_start3A_40 = tpu.memref_slice %arg4[%add3A_37] : memref<38400000xf32, #tpu.memory_space<hbm>> -> memref<1280xf32, #tpu.memory_space<hbm>>
    %dma_start3A_41 = arith.constant 3840 : i32
    %dma_start3A_42 = tpu.memref_slice %arg11[%dma_start3A_41] : memref<15360xf32, #tpu.memory_space<vmem>> -> memref<1280xf32, #tpu.memory_space<vmem>>
    %dma_start3A_43 = tpu.memref_slice %arg4[%add3A_37] : memref<38400000xf32, #tpu.memory_space<hbm>> -> memref<1280xf32, #tpu.memory_space<hbm>>
    tpu.enqueue_dma source(%dma_start3A_43 : memref<1280xf32, #tpu.memory_space<hbm>>) target(%dma_start3A_42 : memref<1280xf32, #tpu.memory_space<vmem>>) target_semaphore(%arg15 : memref<!tpu.dma_semaphore, #tpu.memory_space<semaphore_mem>>)
    %mul3A_44 = arith.constant 1280 : i32
    %mul3A_45 = arith.muli %add3A, %mul3A_44 : i32
    %add3A_46 = arith.constant 12800000 : i32
    %add3A_47 = arith.addi %add3A_46, %mul3A_45 : i32
    %dma_start3A_48 = arith.constant 5120 : i32
    %dma_start3A_49 = tpu.memref_slice %arg11[%dma_start3A_48] : memref<15360xf32, #tpu.memory_space<vmem>> -> memref<1280xf32, #tpu.memory_space<vmem>>
    %dma_start3A_50 = tpu.memref_slice %arg4[%add3A_47] : memref<38400000xf32, #tpu.memory_space<hbm>> -> memref<1280xf32, #tpu.memory_space<hbm>>
    %dma_start3A_51 = arith.constant 5120 : i32
    %dma_start3A_52 = tpu.memref_slice %arg11[%dma_start3A_51] : memref<15360xf32, #tpu.memory_space<vmem>> -> memref<1280xf32, #tpu.memory_space<vmem>>
    %dma_start3A_53 = tpu.memref_slice %arg4[%add3A_47] : memref<38400000xf32, #tpu.memory_space<hbm>> -> memref<1280xf32, #tpu.memory_space<hbm>>
    tpu.enqueue_dma source(%dma_start3A_53 : memref<1280xf32, #tpu.memory_space<hbm>>) target(%dma_start3A_52 : memref<1280xf32, #tpu.memory_space<vmem>>) target_semaphore(%arg15 : memref<!tpu.dma_semaphore, #tpu.memory_space<semaphore_mem>>)
    %mul3A_54 = arith.constant 1280 : i32
    %mul3A_55 = arith.muli %add3A, %mul3A_54 : i32
    %add3A_56 = arith.constant 16000000 : i32
    %add3A_57 = arith.addi %add3A_56, %mul3A_55 : i32
    %dma_start3A_58 = arith.constant 6400 : i32
    %dma_start3A_59 = tpu.memref_slice %arg11[%dma_start3A_58] : memref<15360xf32, #tpu.memory_space<vmem>> -> memref<1280xf32, #tpu.memory_space<vmem>>
    %dma_start3A_60 = tpu.memref_slice %arg4[%add3A_57] : memref<38400000xf32, #tpu.memory_space<hbm>> -> memref<1280xf32, #tpu.memory_space<hbm>>
    %dma_start3A_61 = arith.constant 6400 : i32
    %dma_start3A_62 = tpu.memref_slice %arg11[%dma_start3A_61] : memref<15360xf32, #tpu.memory_space<vmem>> -> memref<1280xf32, #tpu.memory_space<vmem>>
    %dma_start3A_63 = tpu.memref_slice %arg4[%add3A_57] : memref<38400000xf32, #tpu.memory_space<hbm>> -> memref<1280xf32, #tpu.memory_space<hbm>>
    tpu.enqueue_dma source(%dma_start3A_63 : memref<1280xf32, #tpu.memory_space<hbm>>) target(%dma_start3A_62 : memref<1280xf32, #tpu.memory_space<vmem>>) target_semaphore(%arg15 : memref<!tpu.dma_semaphore, #tpu.memory_space<semaphore_mem>>)
    %mul3A_64 = arith.constant 1280 : i32
    %mul3A_65 = arith.muli %add3A, %mul3A_64 : i32
    %add3A_66 = arith.constant 19200000 : i32
    %add3A_67 = arith.addi %add3A_66, %mul3A_65 : i32
    %dma_start3A_68 = arith.constant 7680 : i32
    %dma_start3A_69 = tpu.memref_slice %arg11[%dma_start3A_68] : memref<15360xf32, #tpu.memory_space<vmem>> -> memref<1280xf32, #tpu.memory_space<vmem>>
    %dma_start3A_70 = tpu.memref_slice %arg4[%add3A_67] : memref<38400000xf32, #tpu.memory_space<hbm>> -> memref<1280xf32, #tpu.memory_space<hbm>>
    %dma_start3A_71 = arith.constant 7680 : i32
    %dma_start3A_72 = tpu.memref_slice %arg11[%dma_start3A_71] : memref<15360xf32, #tpu.memory_space<vmem>> -> memref<1280xf32, #tpu.memory_space<vmem>>
    %dma_start3A_73 = tpu.memref_slice %arg4[%add3A_67] : memref<38400000xf32, #tpu.memory_space<hbm>> -> memref<1280xf32, #tpu.memory_space<hbm>>
    tpu.enqueue_dma source(%dma_start3A_73 : memref<1280xf32, #tpu.memory_space<hbm>>) target(%dma_start3A_72 : memref<1280xf32, #tpu.memory_space<vmem>>) target_semaphore(%arg15 : memref<!tpu.dma_semaphore, #tpu.memory_space<semaphore_mem>>)
    %mul3A_74 = arith.constant 1280 : i32
    %mul3A_75 = arith.muli %add3A, %mul3A_74 : i32
    %add3A_76 = arith.constant 22400000 : i32
    %add3A_77 = arith.addi %add3A_76, %mul3A_75 : i32
    %dma_start3A_78 = arith.constant 8960 : i32
    %dma_start3A_79 = tpu.memref_slice %arg11[%dma_start3A_78] : memref<15360xf32, #tpu.memory_space<vmem>> -> memref<1280xf32, #tpu.memory_space<vmem>>
    %dma_start3A_80 = tpu.memref_slice %arg4[%add3A_77] : memref<38400000xf32, #tpu.memory_space<hbm>> -> memref<1280xf32, #tpu.memory_space<hbm>>
    %dma_start3A_81 = arith.constant 8960 : i32
    %dma_start3A_82 = tpu.memref_slice %arg11[%dma_start3A_81] : memref<15360xf32, #tpu.memory_space<vmem>> -> memref<1280xf32, #tpu.memory_space<vmem>>
    %dma_start3A_83 = tpu.memref_slice %arg4[%add3A_77] : memref<38400000xf32, #tpu.memory_space<hbm>> -> memref<1280xf32, #tpu.memory_space<hbm>>
    tpu.enqueue_dma source(%dma_start3A_83 : memref<1280xf32, #tpu.memory_space<hbm>>) target(%dma_start3A_82 : memref<1280xf32, #tpu.memory_space<vmem>>) target_semaphore(%arg15 : memref<!tpu.dma_semaphore, #tpu.memory_space<semaphore_mem>>)
    %mul3A_84 = arith.constant 1280 : i32
    %mul3A_85 = arith.muli %add3A, %mul3A_84 : i32
    %add3A_86 = arith.constant 25600000 : i32
    %add3A_87 = arith.addi %add3A_86, %mul3A_85 : i32
    %dma_start3A_88 = arith.constant 10240 : i32
    %dma_start3A_89 = tpu.memref_slice %arg11[%dma_start3A_88] : memref<15360xf32, #tpu.memory_space<vmem>> -> memref<1280xf32, #tpu.memory_space<vmem>>
    %dma_start3A_90 = tpu.memref_slice %arg4[%add3A_87] : memref<38400000xf32, #tpu.memory_space<hbm>> -> memref<1280xf32, #tpu.memory_space<hbm>>
    %dma_start3A_91 = arith.constant 10240 : i32
    %dma_start3A_92 = tpu.memref_slice %arg11[%dma_start3A_91] : memref<15360xf32, #tpu.memory_space<vmem>> -> memref<1280xf32, #tpu.memory_space<vmem>>
    %dma_start3A_93 = tpu.memref_slice %arg4[%add3A_87] : memref<38400000xf32, #tpu.memory_space<hbm>> -> memref<1280xf32, #tpu.memory_space<hbm>>
    tpu.enqueue_dma source(%dma_start3A_93 : memref<1280xf32, #tpu.memory_space<hbm>>) target(%dma_start3A_92 : memref<1280xf32, #tpu.memory_space<vmem>>) target_semaphore(%arg15 : memref<!tpu.dma_semaphore, #tpu.memory_space<semaphore_mem>>)
    %mul3A_94 = arith.constant 1280 : i32
    %mul3A_95 = arith.muli %add3A, %mul3A_94 : i32
    %add3A_96 = arith.constant 28800000 : i32
    %add3A_97 = arith.addi %add3A_96, %mul3A_95 : i32
    %dma_start3A_98 = arith.constant 11520 : i32
    %dma_start3A_99 = tpu.memref_slice %arg11[%dma_start3A_98] : memref<15360xf32, #tpu.memory_space<vmem>> -> memref<1280xf32, #tpu.memory_space<vmem>>
    %dma_start3A_100 = tpu.memref_slice %arg4[%add3A_97] : memref<38400000xf32, #tpu.memory_space<hbm>> -> memref<1280xf32, #tpu.memory_space<hbm>>
    %dma_start3A_101 = arith.constant 11520 : i32
    %dma_start3A_102 = tpu.memref_slice %arg11[%dma_start3A_101] : memref<15360xf32, #tpu.memory_space<vmem>> -> memref<1280xf32, #tpu.memory_space<vmem>>
    %dma_start3A_103 = tpu.memref_slice %arg4[%add3A_97] : memref<38400000xf32, #tpu.memory_space<hbm>> -> memref<1280xf32, #tpu.memory_space<hbm>>
    tpu.enqueue_dma source(%dma_start3A_103 : memref<1280xf32, #tpu.memory_space<hbm>>) target(%dma_start3A_102 : memref<1280xf32, #tpu.memory_space<vmem>>) target_semaphore(%arg15 : memref<!tpu.dma_semaphore, #tpu.memory_space<semaphore_mem>>)
    %mul3A_104 = arith.constant 1280 : i32
    %mul3A_105 = arith.muli %add3A, %mul3A_104 : i32
    %add3A_106 = arith.constant 32000000 : i32
    %add3A_107 = arith.addi %add3A_106, %mul3A_105 : i32
    %dma_start3A_108 = arith.constant 12800 : i32
    %dma_start3A_109 = tpu.memref_slice %arg11[%dma_start3A_108] : memref<15360xf32, #tpu.memory_space<vmem>> -> memref<1280xf32, #tpu.memory_space<vmem>>
    %dma_start3A_110 = tpu.memref_slice %arg4[%add3A_107] : memref<38400000xf32, #tpu.memory_space<hbm>> -> memref<1280xf32, #tpu.memory_space<hbm>>
    %dma_start3A_111 = arith.constant 12800 : i32
    %dma_start3A_112 = tpu.memref_slice %arg11[%dma_start3A_111] : memref<15360xf32, #tpu.memory_space<vmem>> -> memref<1280xf32, #tpu.memory_space<vmem>>
    %dma_start3A_113 = tpu.memref_slice %arg4[%add3A_107] : memref<38400000xf32, #tpu.memory_space<hbm>> -> memref<1280xf32, #tpu.memory_space<hbm>>
    tpu.enqueue_dma source(%dma_start3A_113 : memref<1280xf32, #tpu.memory_space<hbm>>) target(%dma_start3A_112 : memref<1280xf32, #tpu.memory_space<vmem>>) target_semaphore(%arg15 : memref<!tpu.dma_semaphore, #tpu.memory_space<semaphore_mem>>)
    %mul3A_114 = arith.constant 1280 : i32
    %mul3A_115 = arith.muli %add3A, %mul3A_114 : i32
    %add3A_116 = arith.constant 35200000 : i32
    %add3A_117 = arith.addi %add3A_116, %mul3A_115 : i32
    %dma_start3A_118 = arith.constant 14080 : i32
    %dma_start3A_119 = tpu.memref_slice %arg11[%dma_start3A_118] : memref<15360xf32, #tpu.memory_space<vmem>> -> memref<1280xf32, #tpu.memory_space<vmem>>
    %dma_start3A_120 = tpu.memref_slice %arg4[%add3A_117] : memref<38400000xf32, #tpu.memory_space<hbm>> -> memref<1280xf32, #tpu.memory_space<hbm>>
    %dma_start3A_121 = arith.constant 14080 : i32
    %dma_start3A_122 = tpu.memref_slice %arg11[%dma_start3A_121] : memref<15360xf32, #tpu.memory_space<vmem>> -> memref<1280xf32, #tpu.memory_space<vmem>>
    %dma_start3A_123 = tpu.memref_slice %arg4[%add3A_117] : memref<38400000xf32, #tpu.memory_space<hbm>> -> memref<1280xf32, #tpu.memory_space<hbm>>
    tpu.enqueue_dma source(%dma_start3A_123 : memref<1280xf32, #tpu.memory_space<hbm>>) target(%dma_start3A_122 : memref<1280xf32, #tpu.memory_space<vmem>>) target_semaphore(%arg15 : memref<!tpu.dma_semaphore, #tpu.memory_space<semaphore_mem>>)
    %scan3A = arith.constant 0 : i32
    %scan3A_124 = arith.constant 0 : i32
    %scan3A_125 = arith.constant 40 : i32
    %scan3A_126 = arith.addi %scan3A_124, %scan3A_125 : i32
    %scan3A_127 = arith.constant 1 : i32
    scf.for %scan3A_140 = %scan3A_124 to %scan3A_126 step %scan3A_127  : i32 {
      %mul3A_141 = arith.constant 2 : i32
      %mul3A_142 = arith.muli %mul3A_141, %scan3A_140 : i32
      %add3A_143 = arith.constant 0 : i32
      %add3A_144 = arith.addi %mul3A_142, %add3A_143 : i32
      %mul3A_145 = arith.constant 32 : i32
      %mul3A_146 = arith.muli %add3A_144, %mul3A_145 : i32
      %add3A_147 = arith.addi %add3A, %mul3A_146 : i32
      %sub3A = arith.constant 64 : i32
      %sub3A_148 = arith.subi %add3A_147, %sub3A : i32
      %add3A_149 = arith.constant 32 : i32
      %add3A_150 = arith.addi %add3A_147, %add3A_149 : i32
      %lt3A_151 = arith.constant 2500 : i32
      %lt3A_152 = arith.cmpi slt, %add3A_150, %lt3A_151 : i32
      %convert_element_type3A_153 = arith.extui %lt3A_152 : i1 to i32
      %cond3A_154 = arith.constant 0 : i32
      %cond3A_155 = arith.cmpi ne, %convert_element_type3A_153, %cond3A_154 : i32
      scf.if %cond3A_155 {
        %mul3A_191 = arith.constant 1280 : i32
        %mul3A_192 = arith.muli %add3A_150, %mul3A_191 : i32
        %dma_start3A_193 = tpu.memref_slice %arg3[%mul3A_192] : memref<3200000xi32, #tpu.memory_space<hbm>> -> memref<1280xi32, #tpu.memory_space<hbm>>
        %dma_start3A_194 = tpu.memref_slice %arg3[%mul3A_192] : memref<3200000xi32, #tpu.memory_space<hbm>> -> memref<1280xi32, #tpu.memory_space<hbm>>
        tpu.enqueue_dma source(%dma_start3A_194 : memref<1280xi32, #tpu.memory_space<hbm>>) target(%arg8 : memref<1280xi32, #tpu.memory_space<vmem>>) target_semaphore(%arg16 : memref<!tpu.dma_semaphore, #tpu.memory_space<semaphore_mem>>)
        %mul3A_195 = arith.constant 1280 : i32
        %mul3A_196 = arith.muli %add3A_150, %mul3A_195 : i32
        %add3A_197 = arith.constant 0 : i32
        %add3A_198 = arith.addi %add3A_197, %mul3A_196 : i32
        %dma_start3A_199 = arith.constant 0 : i32
        %dma_start3A_200 = tpu.memref_slice %arg12[%dma_start3A_199] : memref<15360xf32, #tpu.memory_space<vmem>> -> memref<1280xf32, #tpu.memory_space<vmem>>
        %dma_start3A_201 = tpu.memref_slice %arg4[%add3A_198] : memref<38400000xf32, #tpu.memory_space<hbm>> -> memref<1280xf32, #tpu.memory_space<hbm>>
        %dma_start3A_202 = arith.constant 0 : i32
        %dma_start3A_203 = tpu.memref_slice %arg12[%dma_start3A_202] : memref<15360xf32, #tpu.memory_space<vmem>> -> memref<1280xf32, #tpu.memory_space<vmem>>
        %dma_start3A_204 = tpu.memref_slice %arg4[%add3A_198] : memref<38400000xf32, #tpu.memory_space<hbm>> -> memref<1280xf32, #tpu.memory_space<hbm>>
        tpu.enqueue_dma source(%dma_start3A_204 : memref<1280xf32, #tpu.memory_space<hbm>>) target(%dma_start3A_203 : memref<1280xf32, #tpu.memory_space<vmem>>) target_semaphore(%arg16 : memref<!tpu.dma_semaphore, #tpu.memory_space<semaphore_mem>>)
        %mul3A_205 = arith.constant 1280 : i32
        %mul3A_206 = arith.muli %add3A_150, %mul3A_205 : i32
        %add3A_207 = arith.constant 3200000 : i32
        %add3A_208 = arith.addi %add3A_207, %mul3A_206 : i32
        %dma_start3A_209 = arith.constant 1280 : i32
        %dma_start3A_210 = tpu.memref_slice %arg12[%dma_start3A_209] : memref<15360xf32, #tpu.memory_space<vmem>> -> memref<1280xf32, #tpu.memory_space<vmem>>
        %dma_start3A_211 = tpu.memref_slice %arg4[%add3A_208] : memref<38400000xf32, #tpu.memory_space<hbm>> -> memref<1280xf32, #tpu.memory_space<hbm>>
        %dma_start3A_212 = arith.constant 1280 : i32
        %dma_start3A_213 = tpu.memref_slice %arg12[%dma_start3A_212] : memref<15360xf32, #tpu.memory_space<vmem>> -> memref<1280xf32, #tpu.memory_space<vmem>>
        %dma_start3A_214 = tpu.memref_slice %arg4[%add3A_208] : memref<38400000xf32, #tpu.memory_space<hbm>> -> memref<1280xf32, #tpu.memory_space<hbm>>
        tpu.enqueue_dma source(%dma_start3A_214 : memref<1280xf32, #tpu.memory_space<hbm>>) target(%dma_start3A_213 : memref<1280xf32, #tpu.memory_space<vmem>>) target_semaphore(%arg16 : memref<!tpu.dma_semaphore, #tpu.memory_space<semaphore_mem>>)
        %mul3A_215 = arith.constant 1280 : i32
        %mul3A_216 = arith.muli %add3A_150, %mul3A_215 : i32
        %add3A_217 = arith.constant 6400000 : i32
        %add3A_218 = arith.addi %add3A_217, %mul3A_216 : i32
        %dma_start3A_219 = arith.constant 2560 : i32
        %dma_start3A_220 = tpu.memref_slice %arg12[%dma_start3A_219] : memref<15360xf32, #tpu.memory_space<vmem>> -> memref<1280xf32, #tpu.memory_space<vmem>>
        %dma_start3A_221 = tpu.memref_slice %arg4[%add3A_218] : memref<38400000xf32, #tpu.memory_space<hbm>> -> memref<1280xf32, #tpu.memory_space<hbm>>
        %dma_start3A_222 = arith.constant 2560 : i32
        %dma_start3A_223 = tpu.memref_slice %arg12[%dma_start3A_222] : memref<15360xf32, #tpu.memory_space<vmem>> -> memref<1280xf32, #tpu.memory_space<vmem>>
        %dma_start3A_224 = tpu.memref_slice %arg4[%add3A_218] : memref<38400000xf32, #tpu.memory_space<hbm>> -> memref<1280xf32, #tpu.memory_space<hbm>>
        tpu.enqueue_dma source(%dma_start3A_224 : memref<1280xf32, #tpu.memory_space<hbm>>) target(%dma_start3A_223 : memref<1280xf32, #tpu.memory_space<vmem>>) target_semaphore(%arg16 : memref<!tpu.dma_semaphore, #tpu.memory_space<semaphore_mem>>)
        %mul3A_225 = arith.constant 1280 : i32
        %mul3A_226 = arith.muli %add3A_150, %mul3A_225 : i32
        %add3A_227 = arith.constant 9600000 : i32
        %add3A_228 = arith.addi %add3A_227, %mul3A_226 : i32
        %dma_start3A_229 = arith.constant 3840 : i32
        %dma_start3A_230 = tpu.memref_slice %arg12[%dma_start3A_229] : memref<15360xf32, #tpu.memory_space<vmem>> -> memref<1280xf32, #tpu.memory_space<vmem>>
        %dma_start3A_231 = tpu.memref_slice %arg4[%add3A_228] : memref<38400000xf32, #tpu.memory_space<hbm>> -> memref<1280xf32, #tpu.memory_space<hbm>>
        %dma_start3A_232 = arith.constant 3840 : i32
        %dma_start3A_233 = tpu.memref_slice %arg12[%dma_start3A_232] : memref<15360xf32, #tpu.memory_space<vmem>> -> memref<1280xf32, #tpu.memory_space<vmem>>
        %dma_start3A_234 = tpu.memref_slice %arg4[%add3A_228] : memref<38400000xf32, #tpu.memory_space<hbm>> -> memref<1280xf32, #tpu.memory_space<hbm>>
        tpu.enqueue_dma source(%dma_start3A_234 : memref<1280xf32, #tpu.memory_space<hbm>>) target(%dma_start3A_233 : memref<1280xf32, #tpu.memory_space<vmem>>) target_semaphore(%arg16 : memref<!tpu.dma_semaphore, #tpu.memory_space<semaphore_mem>>)
        %mul3A_235 = arith.constant 1280 : i32
        %mul3A_236 = arith.muli %add3A_150, %mul3A_235 : i32
        %add3A_237 = arith.constant 12800000 : i32
        %add3A_238 = arith.addi %add3A_237, %mul3A_236 : i32
        %dma_start3A_239 = arith.constant 5120 : i32
        %dma_start3A_240 = tpu.memref_slice %arg12[%dma_start3A_239] : memref<15360xf32, #tpu.memory_space<vmem>> -> memref<1280xf32, #tpu.memory_space<vmem>>
        %dma_start3A_241 = tpu.memref_slice %arg4[%add3A_238] : memref<38400000xf32, #tpu.memory_space<hbm>> -> memref<1280xf32, #tpu.memory_space<hbm>>
        %dma_start3A_242 = arith.constant 5120 : i32
        %dma_start3A_243 = tpu.memref_slice %arg12[%dma_start3A_242] : memref<15360xf32, #tpu.memory_space<vmem>> -> memref<1280xf32, #tpu.memory_space<vmem>>
        %dma_start3A_244 = tpu.memref_slice %arg4[%add3A_238] : memref<38400000xf32, #tpu.memory_space<hbm>> -> memref<1280xf32, #tpu.memory_space<hbm>>
        tpu.enqueue_dma source(%dma_start3A_244 : memref<1280xf32, #tpu.memory_space<hbm>>) target(%dma_start3A_243 : memref<1280xf32, #tpu.memory_space<vmem>>) target_semaphore(%arg16 : memref<!tpu.dma_semaphore, #tpu.memory_space<semaphore_mem>>)
        %mul3A_245 = arith.constant 1280 : i32
        %mul3A_246 = arith.muli %add3A_150, %mul3A_245 : i32
        %add3A_247 = arith.constant 16000000 : i32
        %add3A_248 = arith.addi %add3A_247, %mul3A_246 : i32
        %dma_start3A_249 = arith.constant 6400 : i32
        %dma_start3A_250 = tpu.memref_slice %arg12[%dma_start3A_249] : memref<15360xf32, #tpu.memory_space<vmem>> -> memref<1280xf32, #tpu.memory_space<vmem>>
        %dma_start3A_251 = tpu.memref_slice %arg4[%add3A_248] : memref<38400000xf32, #tpu.memory_space<hbm>> -> memref<1280xf32, #tpu.memory_space<hbm>>
        %dma_start3A_252 = arith.constant 6400 : i32
        %dma_start3A_253 = tpu.memref_slice %arg12[%dma_start3A_252] : memref<15360xf32, #tpu.memory_space<vmem>> -> memref<1280xf32, #tpu.memory_space<vmem>>
        %dma_start3A_254 = tpu.memref_slice %arg4[%add3A_248] : memref<38400000xf32, #tpu.memory_space<hbm>> -> memref<1280xf32, #tpu.memory_space<hbm>>
        tpu.enqueue_dma source(%dma_start3A_254 : memref<1280xf32, #tpu.memory_space<hbm>>) target(%dma_start3A_253 : memref<1280xf32, #tpu.memory_space<vmem>>) target_semaphore(%arg16 : memref<!tpu.dma_semaphore, #tpu.memory_space<semaphore_mem>>)
        %mul3A_255 = arith.constant 1280 : i32
        %mul3A_256 = arith.muli %add3A_150, %mul3A_255 : i32
        %add3A_257 = arith.constant 19200000 : i32
        %add3A_258 = arith.addi %add3A_257, %mul3A_256 : i32
        %dma_start3A_259 = arith.constant 7680 : i32
        %dma_start3A_260 = tpu.memref_slice %arg12[%dma_start3A_259] : memref<15360xf32, #tpu.memory_space<vmem>> -> memref<1280xf32, #tpu.memory_space<vmem>>
        %dma_start3A_261 = tpu.memref_slice %arg4[%add3A_258] : memref<38400000xf32, #tpu.memory_space<hbm>> -> memref<1280xf32, #tpu.memory_space<hbm>>
        %dma_start3A_262 = arith.constant 7680 : i32
        %dma_start3A_263 = tpu.memref_slice %arg12[%dma_start3A_262] : memref<15360xf32, #tpu.memory_space<vmem>> -> memref<1280xf32, #tpu.memory_space<vmem>>
        %dma_start3A_264 = tpu.memref_slice %arg4[%add3A_258] : memref<38400000xf32, #tpu.memory_space<hbm>> -> memref<1280xf32, #tpu.memory_space<hbm>>
        tpu.enqueue_dma source(%dma_start3A_264 : memref<1280xf32, #tpu.memory_space<hbm>>) target(%dma_start3A_263 : memref<1280xf32, #tpu.memory_space<vmem>>) target_semaphore(%arg16 : memref<!tpu.dma_semaphore, #tpu.memory_space<semaphore_mem>>)
        %mul3A_265 = arith.constant 1280 : i32
        %mul3A_266 = arith.muli %add3A_150, %mul3A_265 : i32
        %add3A_267 = arith.constant 22400000 : i32
        %add3A_268 = arith.addi %add3A_267, %mul3A_266 : i32
        %dma_start3A_269 = arith.constant 8960 : i32
        %dma_start3A_270 = tpu.memref_slice %arg12[%dma_start3A_269] : memref<15360xf32, #tpu.memory_space<vmem>> -> memref<1280xf32, #tpu.memory_space<vmem>>
        %dma_start3A_271 = tpu.memref_slice %arg4[%add3A_268] : memref<38400000xf32, #tpu.memory_space<hbm>> -> memref<1280xf32, #tpu.memory_space<hbm>>
        %dma_start3A_272 = arith.constant 8960 : i32
        %dma_start3A_273 = tpu.memref_slice %arg12[%dma_start3A_272] : memref<15360xf32, #tpu.memory_space<vmem>> -> memref<1280xf32, #tpu.memory_space<vmem>>
        %dma_start3A_274 = tpu.memref_slice %arg4[%add3A_268] : memref<38400000xf32, #tpu.memory_space<hbm>> -> memref<1280xf32, #tpu.memory_space<hbm>>
        tpu.enqueue_dma source(%dma_start3A_274 : memref<1280xf32, #tpu.memory_space<hbm>>) target(%dma_start3A_273 : memref<1280xf32, #tpu.memory_space<vmem>>) target_semaphore(%arg16 : memref<!tpu.dma_semaphore, #tpu.memory_space<semaphore_mem>>)
        %mul3A_275 = arith.constant 1280 : i32
        %mul3A_276 = arith.muli %add3A_150, %mul3A_275 : i32
        %add3A_277 = arith.constant 25600000 : i32
        %add3A_278 = arith.addi %add3A_277, %mul3A_276 : i32
        %dma_start3A_279 = arith.constant 10240 : i32
        %dma_start3A_280 = tpu.memref_slice %arg12[%dma_start3A_279] : memref<15360xf32, #tpu.memory_space<vmem>> -> memref<1280xf32, #tpu.memory_space<vmem>>
        %dma_start3A_281 = tpu.memref_slice %arg4[%add3A_278] : memref<38400000xf32, #tpu.memory_space<hbm>> -> memref<1280xf32, #tpu.memory_space<hbm>>
        %dma_start3A_282 = arith.constant 10240 : i32
        %dma_start3A_283 = tpu.memref_slice %arg12[%dma_start3A_282] : memref<15360xf32, #tpu.memory_space<vmem>> -> memref<1280xf32, #tpu.memory_space<vmem>>
        %dma_start3A_284 = tpu.memref_slice %arg4[%add3A_278] : memref<38400000xf32, #tpu.memory_space<hbm>> -> memref<1280xf32, #tpu.memory_space<hbm>>
        tpu.enqueue_dma source(%dma_start3A_284 : memref<1280xf32, #tpu.memory_space<hbm>>) target(%dma_start3A_283 : memref<1280xf32, #tpu.memory_space<vmem>>) target_semaphore(%arg16 : memref<!tpu.dma_semaphore, #tpu.memory_space<semaphore_mem>>)
        %mul3A_285 = arith.constant 1280 : i32
        %mul3A_286 = arith.muli %add3A_150, %mul3A_285 : i32
        %add3A_287 = arith.constant 28800000 : i32
        %add3A_288 = arith.addi %add3A_287, %mul3A_286 : i32
        %dma_start3A_289 = arith.constant 11520 : i32
        %dma_start3A_290 = tpu.memref_slice %arg12[%dma_start3A_289] : memref<15360xf32, #tpu.memory_space<vmem>> -> memref<1280xf32, #tpu.memory_space<vmem>>
        %dma_start3A_291 = tpu.memref_slice %arg4[%add3A_288] : memref<38400000xf32, #tpu.memory_space<hbm>> -> memref<1280xf32, #tpu.memory_space<hbm>>
        %dma_start3A_292 = arith.constant 11520 : i32
        %dma_start3A_293 = tpu.memref_slice %arg12[%dma_start3A_292] : memref<15360xf32, #tpu.memory_space<vmem>> -> memref<1280xf32, #tpu.memory_space<vmem>>
        %dma_start3A_294 = tpu.memref_slice %arg4[%add3A_288] : memref<38400000xf32, #tpu.memory_space<hbm>> -> memref<1280xf32, #tpu.memory_space<hbm>>
        tpu.enqueue_dma source(%dma_start3A_294 : memref<1280xf32, #tpu.memory_space<hbm>>) target(%dma_start3A_293 : memref<1280xf32, #tpu.memory_space<vmem>>) target_semaphore(%arg16 : memref<!tpu.dma_semaphore, #tpu.memory_space<semaphore_mem>>)
        %mul3A_295 = arith.constant 1280 : i32
        %mul3A_296 = arith.muli %add3A_150, %mul3A_295 : i32
        %add3A_297 = arith.constant 32000000 : i32
        %add3A_298 = arith.addi %add3A_297, %mul3A_296 : i32
        %dma_start3A_299 = arith.constant 12800 : i32
        %dma_start3A_300 = tpu.memref_slice %arg12[%dma_start3A_299] : memref<15360xf32, #tpu.memory_space<vmem>> -> memref<1280xf32, #tpu.memory_space<vmem>>
        %dma_start3A_301 = tpu.memref_slice %arg4[%add3A_298] : memref<38400000xf32, #tpu.memory_space<hbm>> -> memref<1280xf32, #tpu.memory_space<hbm>>
        %dma_start3A_302 = arith.constant 12800 : i32
        %dma_start3A_303 = tpu.memref_slice %arg12[%dma_start3A_302] : memref<15360xf32, #tpu.memory_space<vmem>> -> memref<1280xf32, #tpu.memory_space<vmem>>
        %dma_start3A_304 = tpu.memref_slice %arg4[%add3A_298] : memref<38400000xf32, #tpu.memory_space<hbm>> -> memref<1280xf32, #tpu.memory_space<hbm>>
        tpu.enqueue_dma source(%dma_start3A_304 : memref<1280xf32, #tpu.memory_space<hbm>>) target(%dma_start3A_303 : memref<1280xf32, #tpu.memory_space<vmem>>) target_semaphore(%arg16 : memref<!tpu.dma_semaphore, #tpu.memory_space<semaphore_mem>>)
        %mul3A_305 = arith.constant 1280 : i32
        %mul3A_306 = arith.muli %add3A_150, %mul3A_305 : i32
        %add3A_307 = arith.constant 35200000 : i32
        %add3A_308 = arith.addi %add3A_307, %mul3A_306 : i32
        %dma_start3A_309 = arith.constant 14080 : i32
        %dma_start3A_310 = tpu.memref_slice %arg12[%dma_start3A_309] : memref<15360xf32, #tpu.memory_space<vmem>> -> memref<1280xf32, #tpu.memory_space<vmem>>
        %dma_start3A_311 = tpu.memref_slice %arg4[%add3A_308] : memref<38400000xf32, #tpu.memory_space<hbm>> -> memref<1280xf32, #tpu.memory_space<hbm>>
        %dma_start3A_312 = arith.constant 14080 : i32
        %dma_start3A_313 = tpu.memref_slice %arg12[%dma_start3A_312] : memref<15360xf32, #tpu.memory_space<vmem>> -> memref<1280xf32, #tpu.memory_space<vmem>>
        %dma_start3A_314 = tpu.memref_slice %arg4[%add3A_308] : memref<38400000xf32, #tpu.memory_space<hbm>> -> memref<1280xf32, #tpu.memory_space<hbm>>
        tpu.enqueue_dma source(%dma_start3A_314 : memref<1280xf32, #tpu.memory_space<hbm>>) target(%dma_start3A_313 : memref<1280xf32, #tpu.memory_space<vmem>>) target_semaphore(%arg16 : memref<!tpu.dma_semaphore, #tpu.memory_space<semaphore_mem>>)
      } else {
      }
      %ge3A = arith.constant 0 : i32
      %ge3A_156 = arith.cmpi sge, %sub3A_148, %ge3A : i32
      %convert_element_type3A_157 = arith.extui %ge3A_156 : i1 to i32
      %cond3A_158 = arith.constant 0 : i32
      %cond3A_159 = arith.cmpi ne, %convert_element_type3A_157, %cond3A_158 : i32
      scf.if %cond3A_159 {
        %dma_wait3A = arith.constant 0 : i32
        %dma_wait3A_191 = tpu.memref_slice %arg5[%dma_wait3A] : memref<38400000xf32, #tpu.memory_space<hbm>> -> memref<15360xf32, #tpu.memory_space<hbm>>
        %dma_wait3A_192 = arith.constant 0 : i32
        %dma_wait3A_193 = tpu.memref_slice %arg5[%dma_wait3A_192] : memref<38400000xf32, #tpu.memory_space<hbm>> -> memref<15360xf32, #tpu.memory_space<hbm>>
        tpu.wait_dma2 semaphore(%arg17 : memref<!tpu.dma_semaphore, #tpu.memory_space<semaphore_mem>>) src(%arg13 : memref<15360xf32, #tpu.memory_space<vmem>>) dst(%dma_wait3A_193 : memref<15360xf32, #tpu.memory_space<hbm>>)
      } else {
      }
      %lt3A_160 = arith.constant 2500 : i32
      %lt3A_161 = arith.cmpi slt, %add3A_147, %lt3A_160 : i32
      %convert_element_type3A_162 = arith.extui %lt3A_161 : i1 to i32
      %cond3A_163 = arith.constant 0 : i32
      %cond3A_164 = arith.cmpi ne, %convert_element_type3A_162, %cond3A_163 : i32
      scf.if %cond3A_164 {
        %dma_wait3A = arith.constant 0 : i32
        %dma_wait3A_191 = tpu.memref_slice %arg3[%dma_wait3A] : memref<3200000xi32, #tpu.memory_space<hbm>> -> memref<1280xi32, #tpu.memory_space<hbm>>
        %dma_wait3A_192 = arith.constant 0 : i32
        %dma_wait3A_193 = tpu.memref_slice %arg3[%dma_wait3A_192] : memref<3200000xi32, #tpu.memory_space<hbm>> -> memref<1280xi32, #tpu.memory_space<hbm>>
        tpu.wait_dma2 semaphore(%arg15 : memref<!tpu.dma_semaphore, #tpu.memory_space<semaphore_mem>>) src(%dma_wait3A_193 : memref<1280xi32, #tpu.memory_space<hbm>>) dst(%arg7 : memref<1280xi32, #tpu.memory_space<vmem>>)
        %dma_wait3A_194 = arith.constant 0 : i32
        %dma_wait3A_195 = tpu.memref_slice %arg4[%dma_wait3A_194] : memref<38400000xf32, #tpu.memory_space<hbm>> -> memref<15360xf32, #tpu.memory_space<hbm>>
        %dma_wait3A_196 = arith.constant 0 : i32
        %dma_wait3A_197 = tpu.memref_slice %arg4[%dma_wait3A_196] : memref<38400000xf32, #tpu.memory_space<hbm>> -> memref<15360xf32, #tpu.memory_space<hbm>>
        tpu.wait_dma2 semaphore(%arg15 : memref<!tpu.dma_semaphore, #tpu.memory_space<semaphore_mem>>) src(%dma_wait3A_197 : memref<15360xf32, #tpu.memory_space<hbm>>) dst(%arg11 : memref<15360xf32, #tpu.memory_space<vmem>>)
        %parallel_loop3A = arith.constant 0 : i32
        %parallel_loop3A_198 = arith.constant 40 : i32
        %parallel_loop3A_199 = arith.constant 1 : i32
        scf.for %parallel_loop3A_323 = %parallel_loop3A to %parallel_loop3A_198 step %parallel_loop3A_199  : i32 {
          %parallel_loop3A_324 = arith.constant 8 : i32
          %parallel_loop3A_325 = arith.divsi %parallel_loop3A_323, %parallel_loop3A_324 : i32
          %parallel_loop3A_326 = arith.constant 0 : i32
          %parallel_loop3A_327 = arith.cmpi sgt, %parallel_loop3A_323, %parallel_loop3A_326 : i32
          %parallel_loop3A_328 = arith.extui %parallel_loop3A_327 : i1 to i32
          %parallel_loop3A_329 = arith.constant 0 : i32
          %parallel_loop3A_330 = arith.cmpi slt, %parallel_loop3A_323, %parallel_loop3A_329 : i32
          %parallel_loop3A_331 = arith.extui %parallel_loop3A_330 : i1 to i32
          %parallel_loop3A_332 = arith.subi %parallel_loop3A_328, %parallel_loop3A_331 : i32
          %parallel_loop3A_333 = arith.constant 0 : i32
          %parallel_loop3A_334 = arith.cmpi sgt, %parallel_loop3A_324, %parallel_loop3A_333 : i32
          %parallel_loop3A_335 = arith.extui %parallel_loop3A_334 : i1 to i32
          %parallel_loop3A_336 = arith.constant 0 : i32
          %parallel_loop3A_337 = arith.cmpi slt, %parallel_loop3A_324, %parallel_loop3A_336 : i32
          %parallel_loop3A_338 = arith.extui %parallel_loop3A_337 : i1 to i32
          %parallel_loop3A_339 = arith.subi %parallel_loop3A_335, %parallel_loop3A_338 : i32
          %parallel_loop3A_340 = arith.cmpi ne, %parallel_loop3A_332, %parallel_loop3A_339 : i32
          %parallel_loop3A_341 = arith.remsi %parallel_loop3A_323, %parallel_loop3A_324 : i32
          %parallel_loop3A_342 = arith.constant 0 : i32
          %parallel_loop3A_343 = arith.cmpi ne, %parallel_loop3A_341, %parallel_loop3A_342 : i32
          %parallel_loop3A_344 = arith.andi %parallel_loop3A_340, %parallel_loop3A_343 : i1
          %parallel_loop3A_345 = arith.constant 1 : i32
          %parallel_loop3A_346 = arith.subi %parallel_loop3A_325, %parallel_loop3A_345 : i32
          %parallel_loop3A_347 = arith.select %parallel_loop3A_344, %parallel_loop3A_346, %parallel_loop3A_325 : i32
          %parallel_loop3A_348 = arith.constant 8 : i32
          %parallel_loop3A_349 = arith.constant 0 : i32
          %parallel_loop3A_350 = arith.cmpi eq, %parallel_loop3A_348, %parallel_loop3A_349 : i32
          %parallel_loop3A_351 = arith.constant 1 : i32
          %parallel_loop3A_352 = arith.select %parallel_loop3A_350, %parallel_loop3A_351, %parallel_loop3A_348 : i32
          %parallel_loop3A_353 = arith.remsi %parallel_loop3A_323, %parallel_loop3A_352 : i32
          %parallel_loop3A_354 = arith.constant 0 : i32
          %parallel_loop3A_355 = arith.cmpi ne, %parallel_loop3A_353, %parallel_loop3A_354 : i32
          %parallel_loop3A_356 = arith.constant 0 : i32
          %parallel_loop3A_357 = arith.cmpi slt, %parallel_loop3A_353, %parallel_loop3A_356 : i32
          %parallel_loop3A_358 = arith.constant 0 : i32
          %parallel_loop3A_359 = arith.cmpi slt, %parallel_loop3A_352, %parallel_loop3A_358 : i32
          %parallel_loop3A_360 = arith.xori %parallel_loop3A_357, %parallel_loop3A_359 : i1
          %parallel_loop3A_361 = arith.andi %parallel_loop3A_360, %parallel_loop3A_355 : i1
          %parallel_loop3A_362 = arith.addi %parallel_loop3A_353, %parallel_loop3A_352 : i32
          %parallel_loop3A_363 = arith.select %parallel_loop3A_361, %parallel_loop3A_362, %parallel_loop3A_353 : i32
          %parallel_loop3A_364 = arith.constant 256 : i32
          %parallel_loop3A_365 = arith.muli %parallel_loop3A_347, %parallel_loop3A_364 : i32
          %parallel_loop3A_366 = arith.constant 16 : i32
          %parallel_loop3A_367 = arith.muli %parallel_loop3A_363, %parallel_loop3A_366 : i32
          %parallel_loop3A_368 = arith.addi %parallel_loop3A_365, %parallel_loop3A_367 : i32
          %parallel_loop3A_369 = arith.index_cast %parallel_loop3A_368 : i32 to index
          %parallel_loop3A_370 = tpu.vector_load %arg7[%parallel_loop3A_369] {strides = array<i32>} : memref<1280xi32, #tpu.memory_space<vmem>>, vector<16xi32>,
          %parallel_loop3A_371 = tpu.vector_load_idx %arg6[%parallel_loop3A_370] : memref<50000xf32, #tpu.memory_space<vmem>>[vector<16xi32>], vector<16xf32>,
          %parallel_loop3A_372 = arith.constant 16 : i32
          %parallel_loop3A_373 = arith.muli %parallel_loop3A_323, %parallel_loop3A_372 : i32
          %parallel_loop3A_374 = arith.index_cast %parallel_loop3A_373 : i32 to index
          %parallel_loop3A_375 = tpu.vector_load %arg9[%parallel_loop3A_374] {strides = array<i32>} : memref<640xf32, #tpu.memory_space<vmem>>, vector<16xf32>,
          tpu.vector_store %arg9[%parallel_loop3A_374], %parallel_loop3A_371 {strides = array<i32>} : memref<640xf32, #tpu.memory_space<vmem>>, vector<16xf32>,
        } {sc.loop_unroll_factor = 4 : i64, sc.parallel_access}
        %parallel_loop3A_200 = arith.constant 0 : i32
        %parallel_loop3A_201 = arith.constant 40 : i32
        %parallel_loop3A_202 = arith.constant 1 : i32
        scf.for %parallel_loop3A_323 = %parallel_loop3A_200 to %parallel_loop3A_201 step %parallel_loop3A_202  : i32 {
          %parallel_loop3A_324 = arith.constant 16 : i32
          %parallel_loop3A_325 = arith.muli %parallel_loop3A_323, %parallel_loop3A_324 : i32
          %parallel_loop3A_326 = arith.index_cast %parallel_loop3A_325 : i32 to index
          %parallel_loop3A_327 = tpu.vector_load %arg9[%parallel_loop3A_326] {strides = array<i32>} : memref<640xf32, #tpu.memory_space<vmem>>, vector<16xf32>,
          %parallel_loop3A_328 = arith.constant 8 : i32
          %parallel_loop3A_329 = arith.divsi %parallel_loop3A_323, %parallel_loop3A_328 : i32
          %parallel_loop3A_330 = arith.constant 0 : i32
          %parallel_loop3A_331 = arith.cmpi sgt, %parallel_loop3A_323, %parallel_loop3A_330 : i32
          %parallel_loop3A_332 = arith.extui %parallel_loop3A_331 : i1 to i32
          %parallel_loop3A_333 = arith.constant 0 : i32
          %parallel_loop3A_334 = arith.cmpi slt, %parallel_loop3A_323, %parallel_loop3A_333 : i32
          %parallel_loop3A_335 = arith.extui %parallel_loop3A_334 : i1 to i32
          %parallel_loop3A_336 = arith.subi %parallel_loop3A_332, %parallel_loop3A_335 : i32
          %parallel_loop3A_337 = arith.constant 0 : i32
          %parallel_loop3A_338 = arith.cmpi sgt, %parallel_loop3A_328, %parallel_loop3A_337 : i32
          %parallel_loop3A_339 = arith.extui %parallel_loop3A_338 : i1 to i32
          %parallel_loop3A_340 = arith.constant 0 : i32
          %parallel_loop3A_341 = arith.cmpi slt, %parallel_loop3A_328, %parallel_loop3A_340 : i32
          %parallel_loop3A_342 = arith.extui %parallel_loop3A_341 : i1 to i32
          %parallel_loop3A_343 = arith.subi %parallel_loop3A_339, %parallel_loop3A_342 : i32
          %parallel_loop3A_344 = arith.cmpi ne, %parallel_loop3A_336, %parallel_loop3A_343 : i32
          %parallel_loop3A_345 = arith.remsi %parallel_loop3A_323, %parallel_loop3A_328 : i32
          %parallel_loop3A_346 = arith.constant 0 : i32
          %parallel_loop3A_347 = arith.cmpi ne, %parallel_loop3A_345, %parallel_loop3A_346 : i32
          %parallel_loop3A_348 = arith.andi %parallel_loop3A_344, %parallel_loop3A_347 : i1
          %parallel_loop3A_349 = arith.constant 1 : i32
          %parallel_loop3A_350 = arith.subi %parallel_loop3A_329, %parallel_loop3A_349 : i32
          %parallel_loop3A_351 = arith.select %parallel_loop3A_348, %parallel_loop3A_350, %parallel_loop3A_329 : i32
          %parallel_loop3A_352 = arith.constant 256 : i32
          %parallel_loop3A_353 = arith.muli %parallel_loop3A_351, %parallel_loop3A_352 : i32
          %parallel_loop3A_354 = arith.constant 8 : i32
          %parallel_loop3A_355 = arith.constant 0 : i32
          %parallel_loop3A_356 = arith.cmpi eq, %parallel_loop3A_354, %parallel_loop3A_355 : i32
          %parallel_loop3A_357 = arith.constant 1 : i32
          %parallel_loop3A_358 = arith.select %parallel_loop3A_356, %parallel_loop3A_357, %parallel_loop3A_354 : i32
          %parallel_loop3A_359 = arith.remsi %parallel_loop3A_323, %parallel_loop3A_358 : i32
          %parallel_loop3A_360 = arith.constant 0 : i32
          %parallel_loop3A_361 = arith.cmpi ne, %parallel_loop3A_359, %parallel_loop3A_360 : i32
          %parallel_loop3A_362 = arith.constant 0 : i32
          %parallel_loop3A_363 = arith.cmpi slt, %parallel_loop3A_359, %parallel_loop3A_362 : i32
          %parallel_loop3A_364 = arith.constant 0 : i32
          %parallel_loop3A_365 = arith.cmpi slt, %parallel_loop3A_358, %parallel_loop3A_364 : i32
          %parallel_loop3A_366 = arith.xori %parallel_loop3A_363, %parallel_loop3A_365 : i1
          %parallel_loop3A_367 = arith.andi %parallel_loop3A_366, %parallel_loop3A_361 : i1
          %parallel_loop3A_368 = arith.addi %parallel_loop3A_359, %parallel_loop3A_358 : i32
          %parallel_loop3A_369 = arith.select %parallel_loop3A_367, %parallel_loop3A_368, %parallel_loop3A_359 : i32
          %parallel_loop3A_370 = arith.constant 16 : i32
          %parallel_loop3A_371 = arith.muli %parallel_loop3A_369, %parallel_loop3A_370 : i32
          %parallel_loop3A_372 = arith.addi %parallel_loop3A_353, %parallel_loop3A_371 : i32
          %parallel_loop3A_373 = arith.constant 0 : i32
          %parallel_loop3A_374 = arith.addi %parallel_loop3A_373, %parallel_loop3A_372 : i32
          %parallel_loop3A_375 = arith.constant 0 : i32
          %parallel_loop3A_376 = arith.addi %parallel_loop3A_374, %parallel_loop3A_375 : i32
          %parallel_loop3A_377 = arith.index_cast %parallel_loop3A_376 : i32 to index
          %parallel_loop3A_378 = tpu.vector_load %arg11[%parallel_loop3A_377] {strides = array<i32>} : memref<15360xf32, #tpu.memory_space<vmem>>, vector<16xf32>,
          %parallel_loop3A_379 = arith.mulf %parallel_loop3A_378, %parallel_loop3A_327 : vector<16xf32>
          %parallel_loop3A_380 = arith.index_cast %parallel_loop3A_376 : i32 to index
          %parallel_loop3A_381 = tpu.vector_load %arg13[%parallel_loop3A_380] {strides = array<i32>} : memref<15360xf32, #tpu.memory_space<vmem>>, vector<16xf32>,
          tpu.vector_store %arg13[%parallel_loop3A_380], %parallel_loop3A_379 {strides = array<i32>} : memref<15360xf32, #tpu.memory_space<vmem>>, vector<16xf32>,
          %parallel_loop3A_382 = arith.constant 0 : i32
          %parallel_loop3A_383 = arith.addi %parallel_loop3A_382, %parallel_loop3A_372 : i32
          %parallel_loop3A_384 = arith.constant 128 : i32
          %parallel_loop3A_385 = arith.addi %parallel_loop3A_383, %parallel_loop3A_384 : i32
          %parallel_loop3A_386 = arith.index_cast %parallel_loop3A_385 : i32 to index
          %parallel_loop3A_387 = tpu.vector_load %arg11[%parallel_loop3A_386] {strides = array<i32>} : memref<15360xf32, #tpu.memory_space<vmem>>, vector<16xf32>,
          %parallel_loop3A_388 = arith.mulf %parallel_loop3A_387, %parallel_loop3A_327 : vector<16xf32>
          %parallel_loop3A_389 = arith.index_cast %parallel_loop3A_385 : i32 to index
          %parallel_loop3A_390 = tpu.vector_load %arg13[%parallel_loop3A_389] {strides = array<i32>} : memref<15360xf32, #tpu.memory_space<vmem>>, vector<16xf32>,
          tpu.vector_store %arg13[%parallel_loop3A_389], %parallel_loop3A_388 {strides = array<i32>} : memref<15360xf32, #tpu.memory_space<vmem>>, vector<16xf32>,
          %parallel_loop3A_391 = arith.constant 1280 : i32
          %parallel_loop3A_392 = arith.addi %parallel_loop3A_391, %parallel_loop3A_372 : i32
          %parallel_loop3A_393 = arith.constant 0 : i32
          %parallel_loop3A_394 = arith.addi %parallel_loop3A_392, %parallel_loop3A_393 : i32
          %parallel_loop3A_395 = arith.index_cast %parallel_loop3A_394 : i32 to index
          %parallel_loop3A_396 = tpu.vector_load %arg11[%parallel_loop3A_395] {strides = array<i32>} : memref<15360xf32, #tpu.memory_space<vmem>>, vector<16xf32>,
          %parallel_loop3A_397 = arith.mulf %parallel_loop3A_396, %parallel_loop3A_327 : vector<16xf32>
          %parallel_loop3A_398 = arith.index_cast %parallel_loop3A_394 : i32 to index
          %parallel_loop3A_399 = tpu.vector_load %arg13[%parallel_loop3A_398] {strides = array<i32>} : memref<15360xf32, #tpu.memory_space<vmem>>, vector<16xf32>,
          tpu.vector_store %arg13[%parallel_loop3A_398], %parallel_loop3A_397 {strides = array<i32>} : memref<15360xf32, #tpu.memory_space<vmem>>, vector<16xf32>,
          %parallel_loop3A_400 = arith.constant 1280 : i32
          %parallel_loop3A_401 = arith.addi %parallel_loop3A_400, %parallel_loop3A_372 : i32
          %parallel_loop3A_402 = arith.constant 128 : i32
          %parallel_loop3A_403 = arith.addi %parallel_loop3A_401, %parallel_loop3A_402 : i32
          %parallel_loop3A_404 = arith.index_cast %parallel_loop3A_403 : i32 to index
          %parallel_loop3A_405 = tpu.vector_load %arg11[%parallel_loop3A_404] {strides = array<i32>} : memref<15360xf32, #tpu.memory_space<vmem>>, vector<16xf32>,
          %parallel_loop3A_406 = arith.mulf %parallel_loop3A_405, %parallel_loop3A_327 : vector<16xf32>
          %parallel_loop3A_407 = arith.index_cast %parallel_loop3A_403 : i32 to index
          %parallel_loop3A_408 = tpu.vector_load %arg13[%parallel_loop3A_407] {strides = array<i32>} : memref<15360xf32, #tpu.memory_space<vmem>>, vector<16xf32>,
          tpu.vector_store %arg13[%parallel_loop3A_407], %parallel_loop3A_406 {strides = array<i32>} : memref<15360xf32, #tpu.memory_space<vmem>>, vector<16xf32>,
          %parallel_loop3A_409 = arith.constant 2560 : i32
          %parallel_loop3A_410 = arith.addi %parallel_loop3A_409, %parallel_loop3A_372 : i32
          %parallel_loop3A_411 = arith.constant 0 : i32
          %parallel_loop3A_412 = arith.addi %parallel_loop3A_410, %parallel_loop3A_411 : i32
          %parallel_loop3A_413 = arith.index_cast %parallel_loop3A_412 : i32 to index
          %parallel_loop3A_414 = tpu.vector_load %arg11[%parallel_loop3A_413] {strides = array<i32>} : memref<15360xf32, #tpu.memory_space<vmem>>, vector<16xf32>,
          %parallel_loop3A_415 = arith.mulf %parallel_loop3A_414, %parallel_loop3A_327 : vector<16xf32>
          %parallel_loop3A_416 = arith.index_cast %parallel_loop3A_412 : i32 to index
          %parallel_loop3A_417 = tpu.vector_load %arg13[%parallel_loop3A_416] {strides = array<i32>} : memref<15360xf32, #tpu.memory_space<vmem>>, vector<16xf32>,
          tpu.vector_store %arg13[%parallel_loop3A_416], %parallel_loop3A_415 {strides = array<i32>} : memref<15360xf32, #tpu.memory_space<vmem>>, vector<16xf32>,
          %parallel_loop3A_418 = arith.constant 2560 : i32
          %parallel_loop3A_419 = arith.addi %parallel_loop3A_418, %parallel_loop3A_372 : i32
          %parallel_loop3A_420 = arith.constant 128 : i32
          %parallel_loop3A_421 = arith.addi %parallel_loop3A_419, %parallel_loop3A_420 : i32
          %parallel_loop3A_422 = arith.index_cast %parallel_loop3A_421 : i32 to index
          %parallel_loop3A_423 = tpu.vector_load %arg11[%parallel_loop3A_422] {strides = array<i32>} : memref<15360xf32, #tpu.memory_space<vmem>>, vector<16xf32>,
          %parallel_loop3A_424 = arith.mulf %parallel_loop3A_423, %parallel_loop3A_327 : vector<16xf32>
          %parallel_loop3A_425 = arith.index_cast %parallel_loop3A_421 : i32 to index
          %parallel_loop3A_426 = tpu.vector_load %arg13[%parallel_loop3A_425] {strides = array<i32>} : memref<15360xf32, #tpu.memory_space<vmem>>, vector<16xf32>,
          tpu.vector_store %arg13[%parallel_loop3A_425], %parallel_loop3A_424 {strides = array<i32>} : memref<15360xf32, #tpu.memory_space<vmem>>, vector<16xf32>,
          %parallel_loop3A_427 = arith.constant 3840 : i32
          %parallel_loop3A_428 = arith.addi %parallel_loop3A_427, %parallel_loop3A_372 : i32
          %parallel_loop3A_429 = arith.constant 0 : i32
          %parallel_loop3A_430 = arith.addi %parallel_loop3A_428, %parallel_loop3A_429 : i32
          %parallel_loop3A_431 = arith.index_cast %parallel_loop3A_430 : i32 to index
          %parallel_loop3A_432 = tpu.vector_load %arg11[%parallel_loop3A_431] {strides = array<i32>} : memref<15360xf32, #tpu.memory_space<vmem>>, vector<16xf32>,
          %parallel_loop3A_433 = arith.mulf %parallel_loop3A_432, %parallel_loop3A_327 : vector<16xf32>
          %parallel_loop3A_434 = arith.index_cast %parallel_loop3A_430 : i32 to index
          %parallel_loop3A_435 = tpu.vector_load %arg13[%parallel_loop3A_434] {strides = array<i32>} : memref<15360xf32, #tpu.memory_space<vmem>>, vector<16xf32>,
          tpu.vector_store %arg13[%parallel_loop3A_434], %parallel_loop3A_433 {strides = array<i32>} : memref<15360xf32, #tpu.memory_space<vmem>>, vector<16xf32>,
          %parallel_loop3A_436 = arith.constant 3840 : i32
          %parallel_loop3A_437 = arith.addi %parallel_loop3A_436, %parallel_loop3A_372 : i32
          %parallel_loop3A_438 = arith.constant 128 : i32
          %parallel_loop3A_439 = arith.addi %parallel_loop3A_437, %parallel_loop3A_438 : i32
          %parallel_loop3A_440 = arith.index_cast %parallel_loop3A_439 : i32 to index
          %parallel_loop3A_441 = tpu.vector_load %arg11[%parallel_loop3A_440] {strides = array<i32>} : memref<15360xf32, #tpu.memory_space<vmem>>, vector<16xf32>,
          %parallel_loop3A_442 = arith.mulf %parallel_loop3A_441, %parallel_loop3A_327 : vector<16xf32>
          %parallel_loop3A_443 = arith.index_cast %parallel_loop3A_439 : i32 to index
          %parallel_loop3A_444 = tpu.vector_load %arg13[%parallel_loop3A_443] {strides = array<i32>} : memref<15360xf32, #tpu.memory_space<vmem>>, vector<16xf32>,
          tpu.vector_store %arg13[%parallel_loop3A_443], %parallel_loop3A_442 {strides = array<i32>} : memref<15360xf32, #tpu.memory_space<vmem>>, vector<16xf32>,
          %parallel_loop3A_445 = arith.constant 5120 : i32
          %parallel_loop3A_446 = arith.addi %parallel_loop3A_445, %parallel_loop3A_372 : i32
          %parallel_loop3A_447 = arith.constant 0 : i32
          %parallel_loop3A_448 = arith.addi %parallel_loop3A_446, %parallel_loop3A_447 : i32
          %parallel_loop3A_449 = arith.index_cast %parallel_loop3A_448 : i32 to index
          %parallel_loop3A_450 = tpu.vector_load %arg11[%parallel_loop3A_449] {strides = array<i32>} : memref<15360xf32, #tpu.memory_space<vmem>>, vector<16xf32>,
          %parallel_loop3A_451 = arith.mulf %parallel_loop3A_450, %parallel_loop3A_327 : vector<16xf32>
          %parallel_loop3A_452 = arith.index_cast %parallel_loop3A_448 : i32 to index
          %parallel_loop3A_453 = tpu.vector_load %arg13[%parallel_loop3A_452] {strides = array<i32>} : memref<15360xf32, #tpu.memory_space<vmem>>, vector<16xf32>,
          tpu.vector_store %arg13[%parallel_loop3A_452], %parallel_loop3A_451 {strides = array<i32>} : memref<15360xf32, #tpu.memory_space<vmem>>, vector<16xf32>,
          %parallel_loop3A_454 = arith.constant 5120 : i32
          %parallel_loop3A_455 = arith.addi %parallel_loop3A_454, %parallel_loop3A_372 : i32
          %parallel_loop3A_456 = arith.constant 128 : i32
          %parallel_loop3A_457 = arith.addi %parallel_loop3A_455, %parallel_loop3A_456 : i32
          %parallel_loop3A_458 = arith.index_cast %parallel_loop3A_457 : i32 to index
          %parallel_loop3A_459 = tpu.vector_load %arg11[%parallel_loop3A_458] {strides = array<i32>} : memref<15360xf32, #tpu.memory_space<vmem>>, vector<16xf32>,
          %parallel_loop3A_460 = arith.mulf %parallel_loop3A_459, %parallel_loop3A_327 : vector<16xf32>
          %parallel_loop3A_461 = arith.index_cast %parallel_loop3A_457 : i32 to index
          %parallel_loop3A_462 = tpu.vector_load %arg13[%parallel_loop3A_461] {strides = array<i32>} : memref<15360xf32, #tpu.memory_space<vmem>>, vector<16xf32>,
          tpu.vector_store %arg13[%parallel_loop3A_461], %parallel_loop3A_460 {strides = array<i32>} : memref<15360xf32, #tpu.memory_space<vmem>>, vector<16xf32>,
          %parallel_loop3A_463 = arith.constant 6400 : i32
          %parallel_loop3A_464 = arith.addi %parallel_loop3A_463, %parallel_loop3A_372 : i32
          %parallel_loop3A_465 = arith.constant 0 : i32
          %parallel_loop3A_466 = arith.addi %parallel_loop3A_464, %parallel_loop3A_465 : i32
          %parallel_loop3A_467 = arith.index_cast %parallel_loop3A_466 : i32 to index
          %parallel_loop3A_468 = tpu.vector_load %arg11[%parallel_loop3A_467] {strides = array<i32>} : memref<15360xf32, #tpu.memory_space<vmem>>, vector<16xf32>,
          %parallel_loop3A_469 = arith.mulf %parallel_loop3A_468, %parallel_loop3A_327 : vector<16xf32>
          %parallel_loop3A_470 = arith.index_cast %parallel_loop3A_466 : i32 to index
          %parallel_loop3A_471 = tpu.vector_load %arg13[%parallel_loop3A_470] {strides = array<i32>} : memref<15360xf32, #tpu.memory_space<vmem>>, vector<16xf32>,
          tpu.vector_store %arg13[%parallel_loop3A_470], %parallel_loop3A_469 {strides = array<i32>} : memref<15360xf32, #tpu.memory_space<vmem>>, vector<16xf32>,
          %parallel_loop3A_472 = arith.constant 6400 : i32
          %parallel_loop3A_473 = arith.addi %parallel_loop3A_472, %parallel_loop3A_372 : i32
          %parallel_loop3A_474 = arith.constant 128 : i32
          %parallel_loop3A_475 = arith.addi %parallel_loop3A_473, %parallel_loop3A_474 : i32
          %parallel_loop3A_476 = arith.index_cast %parallel_loop3A_475 : i32 to index
          %parallel_loop3A_477 = tpu.vector_load %arg11[%parallel_loop3A_476] {strides = array<i32>} : memref<15360xf32, #tpu.memory_space<vmem>>, vector<16xf32>,
          %parallel_loop3A_478 = arith.mulf %parallel_loop3A_477, %parallel_loop3A_327 : vector<16xf32>
          %parallel_loop3A_479 = arith.index_cast %parallel_loop3A_475 : i32 to index
          %parallel_loop3A_480 = tpu.vector_load %arg13[%parallel_loop3A_479] {strides = array<i32>} : memref<15360xf32, #tpu.memory_space<vmem>>, vector<16xf32>,
          tpu.vector_store %arg13[%parallel_loop3A_479], %parallel_loop3A_478 {strides = array<i32>} : memref<15360xf32, #tpu.memory_space<vmem>>, vector<16xf32>,
          %parallel_loop3A_481 = arith.constant 7680 : i32
          %parallel_loop3A_482 = arith.addi %parallel_loop3A_481, %parallel_loop3A_372 : i32
          %parallel_loop3A_483 = arith.constant 0 : i32
          %parallel_loop3A_484 = arith.addi %parallel_loop3A_482, %parallel_loop3A_483 : i32
          %parallel_loop3A_485 = arith.index_cast %parallel_loop3A_484 : i32 to index
          %parallel_loop3A_486 = tpu.vector_load %arg11[%parallel_loop3A_485] {strides = array<i32>} : memref<15360xf32, #tpu.memory_space<vmem>>, vector<16xf32>,
          %parallel_loop3A_487 = arith.mulf %parallel_loop3A_486, %parallel_loop3A_327 : vector<16xf32>
          %parallel_loop3A_488 = arith.index_cast %parallel_loop3A_484 : i32 to index
          %parallel_loop3A_489 = tpu.vector_load %arg13[%parallel_loop3A_488] {strides = array<i32>} : memref<15360xf32, #tpu.memory_space<vmem>>, vector<16xf32>,
          tpu.vector_store %arg13[%parallel_loop3A_488], %parallel_loop3A_487 {strides = array<i32>} : memref<15360xf32, #tpu.memory_space<vmem>>, vector<16xf32>,
          %parallel_loop3A_490 = arith.constant 7680 : i32
          %parallel_loop3A_491 = arith.addi %parallel_loop3A_490, %parallel_loop3A_372 : i32
          %parallel_loop3A_492 = arith.constant 128 : i32
          %parallel_loop3A_493 = arith.addi %parallel_loop3A_491, %parallel_loop3A_492 : i32
          %parallel_loop3A_494 = arith.index_cast %parallel_loop3A_493 : i32 to index
          %parallel_loop3A_495 = tpu.vector_load %arg11[%parallel_loop3A_494] {strides = array<i32>} : memref<15360xf32, #tpu.memory_space<vmem>>, vector<16xf32>,
          %parallel_loop3A_496 = arith.mulf %parallel_loop3A_495, %parallel_loop3A_327 : vector<16xf32>
          %parallel_loop3A_497 = arith.index_cast %parallel_loop3A_493 : i32 to index
          %parallel_loop3A_498 = tpu.vector_load %arg13[%parallel_loop3A_497] {strides = array<i32>} : memref<15360xf32, #tpu.memory_space<vmem>>, vector<16xf32>,
          tpu.vector_store %arg13[%parallel_loop3A_497], %parallel_loop3A_496 {strides = array<i32>} : memref<15360xf32, #tpu.memory_space<vmem>>, vector<16xf32>,
          %parallel_loop3A_499 = arith.constant 8960 : i32
          %parallel_loop3A_500 = arith.addi %parallel_loop3A_499, %parallel_loop3A_372 : i32
          %parallel_loop3A_501 = arith.constant 0 : i32
          %parallel_loop3A_502 = arith.addi %parallel_loop3A_500, %parallel_loop3A_501 : i32
          %parallel_loop3A_503 = arith.index_cast %parallel_loop3A_502 : i32 to index
          %parallel_loop3A_504 = tpu.vector_load %arg11[%parallel_loop3A_503] {strides = array<i32>} : memref<15360xf32, #tpu.memory_space<vmem>>, vector<16xf32>,
          %parallel_loop3A_505 = arith.mulf %parallel_loop3A_504, %parallel_loop3A_327 : vector<16xf32>
          %parallel_loop3A_506 = arith.index_cast %parallel_loop3A_502 : i32 to index
          %parallel_loop3A_507 = tpu.vector_load %arg13[%parallel_loop3A_506] {strides = array<i32>} : memref<15360xf32, #tpu.memory_space<vmem>>, vector<16xf32>,
          tpu.vector_store %arg13[%parallel_loop3A_506], %parallel_loop3A_505 {strides = array<i32>} : memref<15360xf32, #tpu.memory_space<vmem>>, vector<16xf32>,
          %parallel_loop3A_508 = arith.constant 8960 : i32
          %parallel_loop3A_509 = arith.addi %parallel_loop3A_508, %parallel_loop3A_372 : i32
          %parallel_loop3A_510 = arith.constant 128 : i32
          %parallel_loop3A_511 = arith.addi %parallel_loop3A_509, %parallel_loop3A_510 : i32
          %parallel_loop3A_512 = arith.index_cast %parallel_loop3A_511 : i32 to index
          %parallel_loop3A_513 = tpu.vector_load %arg11[%parallel_loop3A_512] {strides = array<i32>} : memref<15360xf32, #tpu.memory_space<vmem>>, vector<16xf32>,
          %parallel_loop3A_514 = arith.mulf %parallel_loop3A_513, %parallel_loop3A_327 : vector<16xf32>
          %parallel_loop3A_515 = arith.index_cast %parallel_loop3A_511 : i32 to index
          %parallel_loop3A_516 = tpu.vector_load %arg13[%parallel_loop3A_515] {strides = array<i32>} : memref<15360xf32, #tpu.memory_space<vmem>>, vector<16xf32>,
          tpu.vector_store %arg13[%parallel_loop3A_515], %parallel_loop3A_514 {strides = array<i32>} : memref<15360xf32, #tpu.memory_space<vmem>>, vector<16xf32>,
          %parallel_loop3A_517 = arith.constant 10240 : i32
          %parallel_loop3A_518 = arith.addi %parallel_loop3A_517, %parallel_loop3A_372 : i32
          %parallel_loop3A_519 = arith.constant 0 : i32
          %parallel_loop3A_520 = arith.addi %parallel_loop3A_518, %parallel_loop3A_519 : i32
          %parallel_loop3A_521 = arith.index_cast %parallel_loop3A_520 : i32 to index
          %parallel_loop3A_522 = tpu.vector_load %arg11[%parallel_loop3A_521] {strides = array<i32>} : memref<15360xf32, #tpu.memory_space<vmem>>, vector<16xf32>,
          %parallel_loop3A_523 = arith.mulf %parallel_loop3A_522, %parallel_loop3A_327 : vector<16xf32>
          %parallel_loop3A_524 = arith.index_cast %parallel_loop3A_520 : i32 to index
          %parallel_loop3A_525 = tpu.vector_load %arg13[%parallel_loop3A_524] {strides = array<i32>} : memref<15360xf32, #tpu.memory_space<vmem>>, vector<16xf32>,
          tpu.vector_store %arg13[%parallel_loop3A_524], %parallel_loop3A_523 {strides = array<i32>} : memref<15360xf32, #tpu.memory_space<vmem>>, vector<16xf32>,
          %parallel_loop3A_526 = arith.constant 10240 : i32
          %parallel_loop3A_527 = arith.addi %parallel_loop3A_526, %parallel_loop3A_372 : i32
          %parallel_loop3A_528 = arith.constant 128 : i32
          %parallel_loop3A_529 = arith.addi %parallel_loop3A_527, %parallel_loop3A_528 : i32
          %parallel_loop3A_530 = arith.index_cast %parallel_loop3A_529 : i32 to index
          %parallel_loop3A_531 = tpu.vector_load %arg11[%parallel_loop3A_530] {strides = array<i32>} : memref<15360xf32, #tpu.memory_space<vmem>>, vector<16xf32>,
          %parallel_loop3A_532 = arith.mulf %parallel_loop3A_531, %parallel_loop3A_327 : vector<16xf32>
          %parallel_loop3A_533 = arith.index_cast %parallel_loop3A_529 : i32 to index
          %parallel_loop3A_534 = tpu.vector_load %arg13[%parallel_loop3A_533] {strides = array<i32>} : memref<15360xf32, #tpu.memory_space<vmem>>, vector<16xf32>,
          tpu.vector_store %arg13[%parallel_loop3A_533], %parallel_loop3A_532 {strides = array<i32>} : memref<15360xf32, #tpu.memory_space<vmem>>, vector<16xf32>,
          %parallel_loop3A_535 = arith.constant 11520 : i32
          %parallel_loop3A_536 = arith.addi %parallel_loop3A_535, %parallel_loop3A_372 : i32
          %parallel_loop3A_537 = arith.constant 0 : i32
          %parallel_loop3A_538 = arith.addi %parallel_loop3A_536, %parallel_loop3A_537 : i32
          %parallel_loop3A_539 = arith.index_cast %parallel_loop3A_538 : i32 to index
          %parallel_loop3A_540 = tpu.vector_load %arg11[%parallel_loop3A_539] {strides = array<i32>} : memref<15360xf32, #tpu.memory_space<vmem>>, vector<16xf32>,
          %parallel_loop3A_541 = arith.mulf %parallel_loop3A_540, %parallel_loop3A_327 : vector<16xf32>
          %parallel_loop3A_542 = arith.index_cast %parallel_loop3A_538 : i32 to index
          %parallel_loop3A_543 = tpu.vector_load %arg13[%parallel_loop3A_542] {strides = array<i32>} : memref<15360xf32, #tpu.memory_space<vmem>>, vector<16xf32>,
          tpu.vector_store %arg13[%parallel_loop3A_542], %parallel_loop3A_541 {strides = array<i32>} : memref<15360xf32, #tpu.memory_space<vmem>>, vector<16xf32>,
          %parallel_loop3A_544 = arith.constant 11520 : i32
          %parallel_loop3A_545 = arith.addi %parallel_loop3A_544, %parallel_loop3A_372 : i32
          %parallel_loop3A_546 = arith.constant 128 : i32
          %parallel_loop3A_547 = arith.addi %parallel_loop3A_545, %parallel_loop3A_546 : i32
          %parallel_loop3A_548 = arith.index_cast %parallel_loop3A_547 : i32 to index
          %parallel_loop3A_549 = tpu.vector_load %arg11[%parallel_loop3A_548] {strides = array<i32>} : memref<15360xf32, #tpu.memory_space<vmem>>, vector<16xf32>,
          %parallel_loop3A_550 = arith.mulf %parallel_loop3A_549, %parallel_loop3A_327 : vector<16xf32>
          %parallel_loop3A_551 = arith.index_cast %parallel_loop3A_547 : i32 to index
          %parallel_loop3A_552 = tpu.vector_load %arg13[%parallel_loop3A_551] {strides = array<i32>} : memref<15360xf32, #tpu.memory_space<vmem>>, vector<16xf32>,
          tpu.vector_store %arg13[%parallel_loop3A_551], %parallel_loop3A_550 {strides = array<i32>} : memref<15360xf32, #tpu.memory_space<vmem>>, vector<16xf32>,
          %parallel_loop3A_553 = arith.constant 12800 : i32
          %parallel_loop3A_554 = arith.addi %parallel_loop3A_553, %parallel_loop3A_372 : i32
          %parallel_loop3A_555 = arith.constant 0 : i32
          %parallel_loop3A_556 = arith.addi %parallel_loop3A_554, %parallel_loop3A_555 : i32
          %parallel_loop3A_557 = arith.index_cast %parallel_loop3A_556 : i32 to index
          %parallel_loop3A_558 = tpu.vector_load %arg11[%parallel_loop3A_557] {strides = array<i32>} : memref<15360xf32, #tpu.memory_space<vmem>>, vector<16xf32>,
          %parallel_loop3A_559 = arith.mulf %parallel_loop3A_558, %parallel_loop3A_327 : vector<16xf32>
          %parallel_loop3A_560 = arith.index_cast %parallel_loop3A_556 : i32 to index
          %parallel_loop3A_561 = tpu.vector_load %arg13[%parallel_loop3A_560] {strides = array<i32>} : memref<15360xf32, #tpu.memory_space<vmem>>, vector<16xf32>,
          tpu.vector_store %arg13[%parallel_loop3A_560], %parallel_loop3A_559 {strides = array<i32>} : memref<15360xf32, #tpu.memory_space<vmem>>, vector<16xf32>,
          %parallel_loop3A_562 = arith.constant 12800 : i32
          %parallel_loop3A_563 = arith.addi %parallel_loop3A_562, %parallel_loop3A_372 : i32
          %parallel_loop3A_564 = arith.constant 128 : i32
          %parallel_loop3A_565 = arith.addi %parallel_loop3A_563, %parallel_loop3A_564 : i32
          %parallel_loop3A_566 = arith.index_cast %parallel_loop3A_565 : i32 to index
          %parallel_loop3A_567 = tpu.vector_load %arg11[%parallel_loop3A_566] {strides = array<i32>} : memref<15360xf32, #tpu.memory_space<vmem>>, vector<16xf32>,
          %parallel_loop3A_568 = arith.mulf %parallel_loop3A_567, %parallel_loop3A_327 : vector<16xf32>
          %parallel_loop3A_569 = arith.index_cast %parallel_loop3A_565 : i32 to index
          %parallel_loop3A_570 = tpu.vector_load %arg13[%parallel_loop3A_569] {strides = array<i32>} : memref<15360xf32, #tpu.memory_space<vmem>>, vector<16xf32>,
          tpu.vector_store %arg13[%parallel_loop3A_569], %parallel_loop3A_568 {strides = array<i32>} : memref<15360xf32, #tpu.memory_space<vmem>>, vector<16xf32>,
          %parallel_loop3A_571 = arith.constant 14080 : i32
          %parallel_loop3A_572 = arith.addi %parallel_loop3A_571, %parallel_loop3A_372 : i32
          %parallel_loop3A_573 = arith.constant 0 : i32
          %parallel_loop3A_574 = arith.addi %parallel_loop3A_572, %parallel_loop3A_573 : i32
          %parallel_loop3A_575 = arith.index_cast %parallel_loop3A_574 : i32 to index
          %parallel_loop3A_576 = tpu.vector_load %arg11[%parallel_loop3A_575] {strides = array<i32>} : memref<15360xf32, #tpu.memory_space<vmem>>, vector<16xf32>,
          %parallel_loop3A_577 = arith.mulf %parallel_loop3A_576, %parallel_loop3A_327 : vector<16xf32>
          %parallel_loop3A_578 = arith.index_cast %parallel_loop3A_574 : i32 to index
          %parallel_loop3A_579 = tpu.vector_load %arg13[%parallel_loop3A_578] {strides = array<i32>} : memref<15360xf32, #tpu.memory_space<vmem>>, vector<16xf32>,
          tpu.vector_store %arg13[%parallel_loop3A_578], %parallel_loop3A_577 {strides = array<i32>} : memref<15360xf32, #tpu.memory_space<vmem>>, vector<16xf32>,
          %parallel_loop3A_580 = arith.constant 14080 : i32
          %parallel_loop3A_581 = arith.addi %parallel_loop3A_580, %parallel_loop3A_372 : i32
          %parallel_loop3A_582 = arith.constant 128 : i32
          %parallel_loop3A_583 = arith.addi %parallel_loop3A_581, %parallel_loop3A_582 : i32
          %parallel_loop3A_584 = arith.index_cast %parallel_loop3A_583 : i32 to index
          %parallel_loop3A_585 = tpu.vector_load %arg11[%parallel_loop3A_584] {strides = array<i32>} : memref<15360xf32, #tpu.memory_space<vmem>>, vector<16xf32>,
          %parallel_loop3A_586 = arith.mulf %parallel_loop3A_585, %parallel_loop3A_327 : vector<16xf32>
          %parallel_loop3A_587 = arith.index_cast %parallel_loop3A_583 : i32 to index
          %parallel_loop3A_588 = tpu.vector_load %arg13[%parallel_loop3A_587] {strides = array<i32>} : memref<15360xf32, #tpu.memory_space<vmem>>, vector<16xf32>,
          tpu.vector_store %arg13[%parallel_loop3A_587], %parallel_loop3A_586 {strides = array<i32>} : memref<15360xf32, #tpu.memory_space<vmem>>, vector<16xf32>,
        } {sc.loop_unroll_factor = 2 : i64, sc.parallel_access}
        %mul3A_203 = arith.constant 1280 : i32
        %mul3A_204 = arith.muli %add3A_147, %mul3A_203 : i32
        %add3A_205 = arith.constant 0 : i32
        %add3A_206 = arith.addi %add3A_205, %mul3A_204 : i32
        %dma_start3A_207 = arith.constant 0 : i32
        %dma_start3A_208 = tpu.memref_slice %arg13[%dma_start3A_207] : memref<15360xf32, #tpu.memory_space<vmem>> -> memref<1280xf32, #tpu.memory_space<vmem>>
        %dma_start3A_209 = tpu.memref_slice %arg5[%add3A_206] : memref<38400000xf32, #tpu.memory_space<hbm>> -> memref<1280xf32, #tpu.memory_space<hbm>>
        %dma_start3A_210 = tpu.memref_slice %arg5[%add3A_206] : memref<38400000xf32, #tpu.memory_space<hbm>> -> memref<1280xf32, #tpu.memory_space<hbm>>
        %dma_start3A_211 = arith.constant 0 : i32
        %dma_start3A_212 = tpu.memref_slice %arg13[%dma_start3A_211] : memref<15360xf32, #tpu.memory_space<vmem>> -> memref<1280xf32, #tpu.memory_space<vmem>>
        tpu.enqueue_dma source(%dma_start3A_212 : memref<1280xf32, #tpu.memory_space<vmem>>) target(%dma_start3A_210 : memref<1280xf32, #tpu.memory_space<hbm>>) target_semaphore(%arg17 : memref<!tpu.dma_semaphore, #tpu.memory_space<semaphore_mem>>)
        %mul3A_213 = arith.constant 1280 : i32
        %mul3A_214 = arith.muli %add3A_147, %mul3A_213 : i32
        %add3A_215 = arith.constant 3200000 : i32
        %add3A_216 = arith.addi %add3A_215, %mul3A_214 : i32
        %dma_start3A_217 = arith.constant 1280 : i32
        %dma_start3A_218 = tpu.memref_slice %arg13[%dma_start3A_217] : memref<15360xf32, #tpu.memory_space<vmem>> -> memref<1280xf32, #tpu.memory_space<vmem>>
        %dma_start3A_219 = tpu.memref_slice %arg5[%add3A_216] : memref<38400000xf32, #tpu.memory_space<hbm>> -> memref<1280xf32, #tpu.memory_space<hbm>>
        %dma_start3A_220 = tpu.memref_slice %arg5[%add3A_216] : memref<38400000xf32, #tpu.memory_space<hbm>> -> memref<1280xf32, #tpu.memory_space<hbm>>
        %dma_start3A_221 = arith.constant 1280 : i32
        %dma_start3A_222 = tpu.memref_slice %arg13[%dma_start3A_221] : memref<15360xf32, #tpu.memory_space<vmem>> -> memref<1280xf32, #tpu.memory_space<vmem>>
        tpu.enqueue_dma source(%dma_start3A_222 : memref<1280xf32, #tpu.memory_space<vmem>>) target(%dma_start3A_220 : memref<1280xf32, #tpu.memory_space<hbm>>) target_semaphore(%arg17 : memref<!tpu.dma_semaphore, #tpu.memory_space<semaphore_mem>>)
        %mul3A_223 = arith.constant 1280 : i32
        %mul3A_224 = arith.muli %add3A_147, %mul3A_223 : i32
        %add3A_225 = arith.constant 6400000 : i32
        %add3A_226 = arith.addi %add3A_225, %mul3A_224 : i32
        %dma_start3A_227 = arith.constant 2560 : i32
        %dma_start3A_228 = tpu.memref_slice %arg13[%dma_start3A_227] : memref<15360xf32, #tpu.memory_space<vmem>> -> memref<1280xf32, #tpu.memory_space<vmem>>
        %dma_start3A_229 = tpu.memref_slice %arg5[%add3A_226] : memref<38400000xf32, #tpu.memory_space<hbm>> -> memref<1280xf32, #tpu.memory_space<hbm>>
        %dma_start3A_230 = tpu.memref_slice %arg5[%add3A_226] : memref<38400000xf32, #tpu.memory_space<hbm>> -> memref<1280xf32, #tpu.memory_space<hbm>>
        %dma_start3A_231 = arith.constant 2560 : i32
        %dma_start3A_232 = tpu.memref_slice %arg13[%dma_start3A_231] : memref<15360xf32, #tpu.memory_space<vmem>> -> memref<1280xf32, #tpu.memory_space<vmem>>
        tpu.enqueue_dma source(%dma_start3A_232 : memref<1280xf32, #tpu.memory_space<vmem>>) target(%dma_start3A_230 : memref<1280xf32, #tpu.memory_space<hbm>>) target_semaphore(%arg17 : memref<!tpu.dma_semaphore, #tpu.memory_space<semaphore_mem>>)
        %mul3A_233 = arith.constant 1280 : i32
        %mul3A_234 = arith.muli %add3A_147, %mul3A_233 : i32
        %add3A_235 = arith.constant 9600000 : i32
        %add3A_236 = arith.addi %add3A_235, %mul3A_234 : i32
        %dma_start3A_237 = arith.constant 3840 : i32
        %dma_start3A_238 = tpu.memref_slice %arg13[%dma_start3A_237] : memref<15360xf32, #tpu.memory_space<vmem>> -> memref<1280xf32, #tpu.memory_space<vmem>>
        %dma_start3A_239 = tpu.memref_slice %arg5[%add3A_236] : memref<38400000xf32, #tpu.memory_space<hbm>> -> memref<1280xf32, #tpu.memory_space<hbm>>
        %dma_start3A_240 = tpu.memref_slice %arg5[%add3A_236] : memref<38400000xf32, #tpu.memory_space<hbm>> -> memref<1280xf32, #tpu.memory_space<hbm>>
        %dma_start3A_241 = arith.constant 3840 : i32
        %dma_start3A_242 = tpu.memref_slice %arg13[%dma_start3A_241] : memref<15360xf32, #tpu.memory_space<vmem>> -> memref<1280xf32, #tpu.memory_space<vmem>>
        tpu.enqueue_dma source(%dma_start3A_242 : memref<1280xf32, #tpu.memory_space<vmem>>) target(%dma_start3A_240 : memref<1280xf32, #tpu.memory_space<hbm>>) target_semaphore(%arg17 : memref<!tpu.dma_semaphore, #tpu.memory_space<semaphore_mem>>)
        %mul3A_243 = arith.constant 1280 : i32
        %mul3A_244 = arith.muli %add3A_147, %mul3A_243 : i32
        %add3A_245 = arith.constant 12800000 : i32
        %add3A_246 = arith.addi %add3A_245, %mul3A_244 : i32
        %dma_start3A_247 = arith.constant 5120 : i32
        %dma_start3A_248 = tpu.memref_slice %arg13[%dma_start3A_247] : memref<15360xf32, #tpu.memory_space<vmem>> -> memref<1280xf32, #tpu.memory_space<vmem>>
        %dma_start3A_249 = tpu.memref_slice %arg5[%add3A_246] : memref<38400000xf32, #tpu.memory_space<hbm>> -> memref<1280xf32, #tpu.memory_space<hbm>>
        %dma_start3A_250 = tpu.memref_slice %arg5[%add3A_246] : memref<38400000xf32, #tpu.memory_space<hbm>> -> memref<1280xf32, #tpu.memory_space<hbm>>
        %dma_start3A_251 = arith.constant 5120 : i32
        %dma_start3A_252 = tpu.memref_slice %arg13[%dma_start3A_251] : memref<15360xf32, #tpu.memory_space<vmem>> -> memref<1280xf32, #tpu.memory_space<vmem>>
        tpu.enqueue_dma source(%dma_start3A_252 : memref<1280xf32, #tpu.memory_space<vmem>>) target(%dma_start3A_250 : memref<1280xf32, #tpu.memory_space<hbm>>) target_semaphore(%arg17 : memref<!tpu.dma_semaphore, #tpu.memory_space<semaphore_mem>>)
        %mul3A_253 = arith.constant 1280 : i32
        %mul3A_254 = arith.muli %add3A_147, %mul3A_253 : i32
        %add3A_255 = arith.constant 16000000 : i32
        %add3A_256 = arith.addi %add3A_255, %mul3A_254 : i32
        %dma_start3A_257 = arith.constant 6400 : i32
        %dma_start3A_258 = tpu.memref_slice %arg13[%dma_start3A_257] : memref<15360xf32, #tpu.memory_space<vmem>> -> memref<1280xf32, #tpu.memory_space<vmem>>
        %dma_start3A_259 = tpu.memref_slice %arg5[%add3A_256] : memref<38400000xf32, #tpu.memory_space<hbm>> -> memref<1280xf32, #tpu.memory_space<hbm>>
        %dma_start3A_260 = tpu.memref_slice %arg5[%add3A_256] : memref<38400000xf32, #tpu.memory_space<hbm>> -> memref<1280xf32, #tpu.memory_space<hbm>>
        %dma_start3A_261 = arith.constant 6400 : i32
        %dma_start3A_262 = tpu.memref_slice %arg13[%dma_start3A_261] : memref<15360xf32, #tpu.memory_space<vmem>> -> memref<1280xf32, #tpu.memory_space<vmem>>
        tpu.enqueue_dma source(%dma_start3A_262 : memref<1280xf32, #tpu.memory_space<vmem>>) target(%dma_start3A_260 : memref<1280xf32, #tpu.memory_space<hbm>>) target_semaphore(%arg17 : memref<!tpu.dma_semaphore, #tpu.memory_space<semaphore_mem>>)
        %mul3A_263 = arith.constant 1280 : i32
        %mul3A_264 = arith.muli %add3A_147, %mul3A_263 : i32
        %add3A_265 = arith.constant 19200000 : i32
        %add3A_266 = arith.addi %add3A_265, %mul3A_264 : i32
        %dma_start3A_267 = arith.constant 7680 : i32
        %dma_start3A_268 = tpu.memref_slice %arg13[%dma_start3A_267] : memref<15360xf32, #tpu.memory_space<vmem>> -> memref<1280xf32, #tpu.memory_space<vmem>>
        %dma_start3A_269 = tpu.memref_slice %arg5[%add3A_266] : memref<38400000xf32, #tpu.memory_space<hbm>> -> memref<1280xf32, #tpu.memory_space<hbm>>
        %dma_start3A_270 = tpu.memref_slice %arg5[%add3A_266] : memref<38400000xf32, #tpu.memory_space<hbm>> -> memref<1280xf32, #tpu.memory_space<hbm>>
        %dma_start3A_271 = arith.constant 7680 : i32
        %dma_start3A_272 = tpu.memref_slice %arg13[%dma_start3A_271] : memref<15360xf32, #tpu.memory_space<vmem>> -> memref<1280xf32, #tpu.memory_space<vmem>>
        tpu.enqueue_dma source(%dma_start3A_272 : memref<1280xf32, #tpu.memory_space<vmem>>) target(%dma_start3A_270 : memref<1280xf32, #tpu.memory_space<hbm>>) target_semaphore(%arg17 : memref<!tpu.dma_semaphore, #tpu.memory_space<semaphore_mem>>)
        %mul3A_273 = arith.constant 1280 : i32
        %mul3A_274 = arith.muli %add3A_147, %mul3A_273 : i32
        %add3A_275 = arith.constant 22400000 : i32
        %add3A_276 = arith.addi %add3A_275, %mul3A_274 : i32
        %dma_start3A_277 = arith.constant 8960 : i32
        %dma_start3A_278 = tpu.memref_slice %arg13[%dma_start3A_277] : memref<15360xf32, #tpu.memory_space<vmem>> -> memref<1280xf32, #tpu.memory_space<vmem>>
        %dma_start3A_279 = tpu.memref_slice %arg5[%add3A_276] : memref<38400000xf32, #tpu.memory_space<hbm>> -> memref<1280xf32, #tpu.memory_space<hbm>>
        %dma_start3A_280 = tpu.memref_slice %arg5[%add3A_276] : memref<38400000xf32, #tpu.memory_space<hbm>> -> memref<1280xf32, #tpu.memory_space<hbm>>
        %dma_start3A_281 = arith.constant 8960 : i32
        %dma_start3A_282 = tpu.memref_slice %arg13[%dma_start3A_281] : memref<15360xf32, #tpu.memory_space<vmem>> -> memref<1280xf32, #tpu.memory_space<vmem>>
        tpu.enqueue_dma source(%dma_start3A_282 : memref<1280xf32, #tpu.memory_space<vmem>>) target(%dma_start3A_280 : memref<1280xf32, #tpu.memory_space<hbm>>) target_semaphore(%arg17 : memref<!tpu.dma_semaphore, #tpu.memory_space<semaphore_mem>>)
        %mul3A_283 = arith.constant 1280 : i32
        %mul3A_284 = arith.muli %add3A_147, %mul3A_283 : i32
        %add3A_285 = arith.constant 25600000 : i32
        %add3A_286 = arith.addi %add3A_285, %mul3A_284 : i32
        %dma_start3A_287 = arith.constant 10240 : i32
        %dma_start3A_288 = tpu.memref_slice %arg13[%dma_start3A_287] : memref<15360xf32, #tpu.memory_space<vmem>> -> memref<1280xf32, #tpu.memory_space<vmem>>
        %dma_start3A_289 = tpu.memref_slice %arg5[%add3A_286] : memref<38400000xf32, #tpu.memory_space<hbm>> -> memref<1280xf32, #tpu.memory_space<hbm>>
        %dma_start3A_290 = tpu.memref_slice %arg5[%add3A_286] : memref<38400000xf32, #tpu.memory_space<hbm>> -> memref<1280xf32, #tpu.memory_space<hbm>>
        %dma_start3A_291 = arith.constant 10240 : i32
        %dma_start3A_292 = tpu.memref_slice %arg13[%dma_start3A_291] : memref<15360xf32, #tpu.memory_space<vmem>> -> memref<1280xf32, #tpu.memory_space<vmem>>
        tpu.enqueue_dma source(%dma_start3A_292 : memref<1280xf32, #tpu.memory_space<vmem>>) target(%dma_start3A_290 : memref<1280xf32, #tpu.memory_space<hbm>>) target_semaphore(%arg17 : memref<!tpu.dma_semaphore, #tpu.memory_space<semaphore_mem>>)
        %mul3A_293 = arith.constant 1280 : i32
        %mul3A_294 = arith.muli %add3A_147, %mul3A_293 : i32
        %add3A_295 = arith.constant 28800000 : i32
        %add3A_296 = arith.addi %add3A_295, %mul3A_294 : i32
        %dma_start3A_297 = arith.constant 11520 : i32
        %dma_start3A_298 = tpu.memref_slice %arg13[%dma_start3A_297] : memref<15360xf32, #tpu.memory_space<vmem>> -> memref<1280xf32, #tpu.memory_space<vmem>>
        %dma_start3A_299 = tpu.memref_slice %arg5[%add3A_296] : memref<38400000xf32, #tpu.memory_space<hbm>> -> memref<1280xf32, #tpu.memory_space<hbm>>
        %dma_start3A_300 = tpu.memref_slice %arg5[%add3A_296] : memref<38400000xf32, #tpu.memory_space<hbm>> -> memref<1280xf32, #tpu.memory_space<hbm>>
        %dma_start3A_301 = arith.constant 11520 : i32
        %dma_start3A_302 = tpu.memref_slice %arg13[%dma_start3A_301] : memref<15360xf32, #tpu.memory_space<vmem>> -> memref<1280xf32, #tpu.memory_space<vmem>>
        tpu.enqueue_dma source(%dma_start3A_302 : memref<1280xf32, #tpu.memory_space<vmem>>) target(%dma_start3A_300 : memref<1280xf32, #tpu.memory_space<hbm>>) target_semaphore(%arg17 : memref<!tpu.dma_semaphore, #tpu.memory_space<semaphore_mem>>)
        %mul3A_303 = arith.constant 1280 : i32
        %mul3A_304 = arith.muli %add3A_147, %mul3A_303 : i32
        %add3A_305 = arith.constant 32000000 : i32
        %add3A_306 = arith.addi %add3A_305, %mul3A_304 : i32
        %dma_start3A_307 = arith.constant 12800 : i32
        %dma_start3A_308 = tpu.memref_slice %arg13[%dma_start3A_307] : memref<15360xf32, #tpu.memory_space<vmem>> -> memref<1280xf32, #tpu.memory_space<vmem>>
        %dma_start3A_309 = tpu.memref_slice %arg5[%add3A_306] : memref<38400000xf32, #tpu.memory_space<hbm>> -> memref<1280xf32, #tpu.memory_space<hbm>>
        %dma_start3A_310 = tpu.memref_slice %arg5[%add3A_306] : memref<38400000xf32, #tpu.memory_space<hbm>> -> memref<1280xf32, #tpu.memory_space<hbm>>
        %dma_start3A_311 = arith.constant 12800 : i32
        %dma_start3A_312 = tpu.memref_slice %arg13[%dma_start3A_311] : memref<15360xf32, #tpu.memory_space<vmem>> -> memref<1280xf32, #tpu.memory_space<vmem>>
        tpu.enqueue_dma source(%dma_start3A_312 : memref<1280xf32, #tpu.memory_space<vmem>>) target(%dma_start3A_310 : memref<1280xf32, #tpu.memory_space<hbm>>) target_semaphore(%arg17 : memref<!tpu.dma_semaphore, #tpu.memory_space<semaphore_mem>>)
        %mul3A_313 = arith.constant 1280 : i32
        %mul3A_314 = arith.muli %add3A_147, %mul3A_313 : i32
        %add3A_315 = arith.constant 35200000 : i32
        %add3A_316 = arith.addi %add3A_315, %mul3A_314 : i32
        %dma_start3A_317 = arith.constant 14080 : i32
        %dma_start3A_318 = tpu.memref_slice %arg13[%dma_start3A_317] : memref<15360xf32, #tpu.memory_space<vmem>> -> memref<1280xf32, #tpu.memory_space<vmem>>
        %dma_start3A_319 = tpu.memref_slice %arg5[%add3A_316] : memref<38400000xf32, #tpu.memory_space<hbm>> -> memref<1280xf32, #tpu.memory_space<hbm>>
        %dma_start3A_320 = tpu.memref_slice %arg5[%add3A_316] : memref<38400000xf32, #tpu.memory_space<hbm>> -> memref<1280xf32, #tpu.memory_space<hbm>>
        %dma_start3A_321 = arith.constant 14080 : i32
        %dma_start3A_322 = tpu.memref_slice %arg13[%dma_start3A_321] : memref<15360xf32, #tpu.memory_space<vmem>> -> memref<1280xf32, #tpu.memory_space<vmem>>
        tpu.enqueue_dma source(%dma_start3A_322 : memref<1280xf32, #tpu.memory_space<vmem>>) target(%dma_start3A_320 : memref<1280xf32, #tpu.memory_space<hbm>>) target_semaphore(%arg17 : memref<!tpu.dma_semaphore, #tpu.memory_space<semaphore_mem>>)
      } else {
      }
      %mul3A_165 = arith.constant 2 : i32
      %mul3A_166 = arith.muli %mul3A_165, %scan3A_140 : i32
      %add3A_167 = arith.constant 1 : i32
      %add3A_168 = arith.addi %mul3A_166, %add3A_167 : i32
      %mul3A_169 = arith.constant 32 : i32
      %mul3A_170 = arith.muli %add3A_168, %mul3A_169 : i32
      %add3A_171 = arith.addi %add3A, %mul3A_170 : i32
      %sub3A_172 = arith.constant 64 : i32
      %sub3A_173 = arith.subi %add3A_171, %sub3A_172 : i32
      %add3A_174 = arith.constant 32 : i32
      %add3A_175 = arith.addi %add3A_171, %add3A_174 : i32
      %lt3A_176 = arith.constant 2500 : i32
      %lt3A_177 = arith.cmpi slt, %add3A_175, %lt3A_176 : i32
      %convert_element_type3A_178 = arith.extui %lt3A_177 : i1 to i32
      %cond3A_179 = arith.constant 0 : i32
      %cond3A_180 = arith.cmpi ne, %convert_element_type3A_178, %cond3A_179 : i32
      scf.if %cond3A_180 {
        %mul3A_191 = arith.constant 1280 : i32
        %mul3A_192 = arith.muli %add3A_175, %mul3A_191 : i32
        %dma_start3A_193 = tpu.memref_slice %arg3[%mul3A_192] : memref<3200000xi32, #tpu.memory_space<hbm>> -> memref<1280xi32, #tpu.memory_space<hbm>>
        %dma_start3A_194 = tpu.memref_slice %arg3[%mul3A_192] : memref<3200000xi32, #tpu.memory_space<hbm>> -> memref<1280xi32, #tpu.memory_space<hbm>>
        tpu.enqueue_dma source(%dma_start3A_194 : memref<1280xi32, #tpu.memory_space<hbm>>) target(%arg7 : memref<1280xi32, #tpu.memory_space<vmem>>) target_semaphore(%arg15 : memref<!tpu.dma_semaphore, #tpu.memory_space<semaphore_mem>>)
        %mul3A_195 = arith.constant 1280 : i32
        %mul3A_196 = arith.muli %add3A_175, %mul3A_195 : i32
        %add3A_197 = arith.constant 0 : i32
        %add3A_198 = arith.addi %add3A_197, %mul3A_196 : i32
        %dma_start3A_199 = arith.constant 0 : i32
        %dma_start3A_200 = tpu.memref_slice %arg11[%dma_start3A_199] : memref<15360xf32, #tpu.memory_space<vmem>> -> memref<1280xf32, #tpu.memory_space<vmem>>
        %dma_start3A_201 = tpu.memref_slice %arg4[%add3A_198] : memref<38400000xf32, #tpu.memory_space<hbm>> -> memref<1280xf32, #tpu.memory_space<hbm>>
        %dma_start3A_202 = arith.constant 0 : i32
        %dma_start3A_203 = tpu.memref_slice %arg11[%dma_start3A_202] : memref<15360xf32, #tpu.memory_space<vmem>> -> memref<1280xf32, #tpu.memory_space<vmem>>
        %dma_start3A_204 = tpu.memref_slice %arg4[%add3A_198] : memref<38400000xf32, #tpu.memory_space<hbm>> -> memref<1280xf32, #tpu.memory_space<hbm>>
        tpu.enqueue_dma source(%dma_start3A_204 : memref<1280xf32, #tpu.memory_space<hbm>>) target(%dma_start3A_203 : memref<1280xf32, #tpu.memory_space<vmem>>) target_semaphore(%arg15 : memref<!tpu.dma_semaphore, #tpu.memory_space<semaphore_mem>>)
        %mul3A_205 = arith.constant 1280 : i32
        %mul3A_206 = arith.muli %add3A_175, %mul3A_205 : i32
        %add3A_207 = arith.constant 3200000 : i32
        %add3A_208 = arith.addi %add3A_207, %mul3A_206 : i32
        %dma_start3A_209 = arith.constant 1280 : i32
        %dma_start3A_210 = tpu.memref_slice %arg11[%dma_start3A_209] : memref<15360xf32, #tpu.memory_space<vmem>> -> memref<1280xf32, #tpu.memory_space<vmem>>
        %dma_start3A_211 = tpu.memref_slice %arg4[%add3A_208] : memref<38400000xf32, #tpu.memory_space<hbm>> -> memref<1280xf32, #tpu.memory_space<hbm>>
        %dma_start3A_212 = arith.constant 1280 : i32
        %dma_start3A_213 = tpu.memref_slice %arg11[%dma_start3A_212] : memref<15360xf32, #tpu.memory_space<vmem>> -> memref<1280xf32, #tpu.memory_space<vmem>>
        %dma_start3A_214 = tpu.memref_slice %arg4[%add3A_208] : memref<38400000xf32, #tpu.memory_space<hbm>> -> memref<1280xf32, #tpu.memory_space<hbm>>
        tpu.enqueue_dma source(%dma_start3A_214 : memref<1280xf32, #tpu.memory_space<hbm>>) target(%dma_start3A_213 : memref<1280xf32, #tpu.memory_space<vmem>>) target_semaphore(%arg15 : memref<!tpu.dma_semaphore, #tpu.memory_space<semaphore_mem>>)
        %mul3A_215 = arith.constant 1280 : i32
        %mul3A_216 = arith.muli %add3A_175, %mul3A_215 : i32
        %add3A_217 = arith.constant 6400000 : i32
        %add3A_218 = arith.addi %add3A_217, %mul3A_216 : i32
        %dma_start3A_219 = arith.constant 2560 : i32
        %dma_start3A_220 = tpu.memref_slice %arg11[%dma_start3A_219] : memref<15360xf32, #tpu.memory_space<vmem>> -> memref<1280xf32, #tpu.memory_space<vmem>>
        %dma_start3A_221 = tpu.memref_slice %arg4[%add3A_218] : memref<38400000xf32, #tpu.memory_space<hbm>> -> memref<1280xf32, #tpu.memory_space<hbm>>
        %dma_start3A_222 = arith.constant 2560 : i32
        %dma_start3A_223 = tpu.memref_slice %arg11[%dma_start3A_222] : memref<15360xf32, #tpu.memory_space<vmem>> -> memref<1280xf32, #tpu.memory_space<vmem>>
        %dma_start3A_224 = tpu.memref_slice %arg4[%add3A_218] : memref<38400000xf32, #tpu.memory_space<hbm>> -> memref<1280xf32, #tpu.memory_space<hbm>>
        tpu.enqueue_dma source(%dma_start3A_224 : memref<1280xf32, #tpu.memory_space<hbm>>) target(%dma_start3A_223 : memref<1280xf32, #tpu.memory_space<vmem>>) target_semaphore(%arg15 : memref<!tpu.dma_semaphore, #tpu.memory_space<semaphore_mem>>)
        %mul3A_225 = arith.constant 1280 : i32
        %mul3A_226 = arith.muli %add3A_175, %mul3A_225 : i32
        %add3A_227 = arith.constant 9600000 : i32
        %add3A_228 = arith.addi %add3A_227, %mul3A_226 : i32
        %dma_start3A_229 = arith.constant 3840 : i32
        %dma_start3A_230 = tpu.memref_slice %arg11[%dma_start3A_229] : memref<15360xf32, #tpu.memory_space<vmem>> -> memref<1280xf32, #tpu.memory_space<vmem>>
        %dma_start3A_231 = tpu.memref_slice %arg4[%add3A_228] : memref<38400000xf32, #tpu.memory_space<hbm>> -> memref<1280xf32, #tpu.memory_space<hbm>>
        %dma_start3A_232 = arith.constant 3840 : i32
        %dma_start3A_233 = tpu.memref_slice %arg11[%dma_start3A_232] : memref<15360xf32, #tpu.memory_space<vmem>> -> memref<1280xf32, #tpu.memory_space<vmem>>
        %dma_start3A_234 = tpu.memref_slice %arg4[%add3A_228] : memref<38400000xf32, #tpu.memory_space<hbm>> -> memref<1280xf32, #tpu.memory_space<hbm>>
        tpu.enqueue_dma source(%dma_start3A_234 : memref<1280xf32, #tpu.memory_space<hbm>>) target(%dma_start3A_233 : memref<1280xf32, #tpu.memory_space<vmem>>) target_semaphore(%arg15 : memref<!tpu.dma_semaphore, #tpu.memory_space<semaphore_mem>>)
        %mul3A_235 = arith.constant 1280 : i32
        %mul3A_236 = arith.muli %add3A_175, %mul3A_235 : i32
        %add3A_237 = arith.constant 12800000 : i32
        %add3A_238 = arith.addi %add3A_237, %mul3A_236 : i32
        %dma_start3A_239 = arith.constant 5120 : i32
        %dma_start3A_240 = tpu.memref_slice %arg11[%dma_start3A_239] : memref<15360xf32, #tpu.memory_space<vmem>> -> memref<1280xf32, #tpu.memory_space<vmem>>
        %dma_start3A_241 = tpu.memref_slice %arg4[%add3A_238] : memref<38400000xf32, #tpu.memory_space<hbm>> -> memref<1280xf32, #tpu.memory_space<hbm>>
        %dma_start3A_242 = arith.constant 5120 : i32
        %dma_start3A_243 = tpu.memref_slice %arg11[%dma_start3A_242] : memref<15360xf32, #tpu.memory_space<vmem>> -> memref<1280xf32, #tpu.memory_space<vmem>>
        %dma_start3A_244 = tpu.memref_slice %arg4[%add3A_238] : memref<38400000xf32, #tpu.memory_space<hbm>> -> memref<1280xf32, #tpu.memory_space<hbm>>
        tpu.enqueue_dma source(%dma_start3A_244 : memref<1280xf32, #tpu.memory_space<hbm>>) target(%dma_start3A_243 : memref<1280xf32, #tpu.memory_space<vmem>>) target_semaphore(%arg15 : memref<!tpu.dma_semaphore, #tpu.memory_space<semaphore_mem>>)
        %mul3A_245 = arith.constant 1280 : i32
        %mul3A_246 = arith.muli %add3A_175, %mul3A_245 : i32
        %add3A_247 = arith.constant 16000000 : i32
        %add3A_248 = arith.addi %add3A_247, %mul3A_246 : i32
        %dma_start3A_249 = arith.constant 6400 : i32
        %dma_start3A_250 = tpu.memref_slice %arg11[%dma_start3A_249] : memref<15360xf32, #tpu.memory_space<vmem>> -> memref<1280xf32, #tpu.memory_space<vmem>>
        %dma_start3A_251 = tpu.memref_slice %arg4[%add3A_248] : memref<38400000xf32, #tpu.memory_space<hbm>> -> memref<1280xf32, #tpu.memory_space<hbm>>
        %dma_start3A_252 = arith.constant 6400 : i32
        %dma_start3A_253 = tpu.memref_slice %arg11[%dma_start3A_252] : memref<15360xf32, #tpu.memory_space<vmem>> -> memref<1280xf32, #tpu.memory_space<vmem>>
        %dma_start3A_254 = tpu.memref_slice %arg4[%add3A_248] : memref<38400000xf32, #tpu.memory_space<hbm>> -> memref<1280xf32, #tpu.memory_space<hbm>>
        tpu.enqueue_dma source(%dma_start3A_254 : memref<1280xf32, #tpu.memory_space<hbm>>) target(%dma_start3A_253 : memref<1280xf32, #tpu.memory_space<vmem>>) target_semaphore(%arg15 : memref<!tpu.dma_semaphore, #tpu.memory_space<semaphore_mem>>)
        %mul3A_255 = arith.constant 1280 : i32
        %mul3A_256 = arith.muli %add3A_175, %mul3A_255 : i32
        %add3A_257 = arith.constant 19200000 : i32
        %add3A_258 = arith.addi %add3A_257, %mul3A_256 : i32
        %dma_start3A_259 = arith.constant 7680 : i32
        %dma_start3A_260 = tpu.memref_slice %arg11[%dma_start3A_259] : memref<15360xf32, #tpu.memory_space<vmem>> -> memref<1280xf32, #tpu.memory_space<vmem>>
        %dma_start3A_261 = tpu.memref_slice %arg4[%add3A_258] : memref<38400000xf32, #tpu.memory_space<hbm>> -> memref<1280xf32, #tpu.memory_space<hbm>>
        %dma_start3A_262 = arith.constant 7680 : i32
        %dma_start3A_263 = tpu.memref_slice %arg11[%dma_start3A_262] : memref<15360xf32, #tpu.memory_space<vmem>> -> memref<1280xf32, #tpu.memory_space<vmem>>
        %dma_start3A_264 = tpu.memref_slice %arg4[%add3A_258] : memref<38400000xf32, #tpu.memory_space<hbm>> -> memref<1280xf32, #tpu.memory_space<hbm>>
        tpu.enqueue_dma source(%dma_start3A_264 : memref<1280xf32, #tpu.memory_space<hbm>>) target(%dma_start3A_263 : memref<1280xf32, #tpu.memory_space<vmem>>) target_semaphore(%arg15 : memref<!tpu.dma_semaphore, #tpu.memory_space<semaphore_mem>>)
        %mul3A_265 = arith.constant 1280 : i32
        %mul3A_266 = arith.muli %add3A_175, %mul3A_265 : i32
        %add3A_267 = arith.constant 22400000 : i32
        %add3A_268 = arith.addi %add3A_267, %mul3A_266 : i32
        %dma_start3A_269 = arith.constant 8960 : i32
        %dma_start3A_270 = tpu.memref_slice %arg11[%dma_start3A_269] : memref<15360xf32, #tpu.memory_space<vmem>> -> memref<1280xf32, #tpu.memory_space<vmem>>
        %dma_start3A_271 = tpu.memref_slice %arg4[%add3A_268] : memref<38400000xf32, #tpu.memory_space<hbm>> -> memref<1280xf32, #tpu.memory_space<hbm>>
        %dma_start3A_272 = arith.constant 8960 : i32
        %dma_start3A_273 = tpu.memref_slice %arg11[%dma_start3A_272] : memref<15360xf32, #tpu.memory_space<vmem>> -> memref<1280xf32, #tpu.memory_space<vmem>>
        %dma_start3A_274 = tpu.memref_slice %arg4[%add3A_268] : memref<38400000xf32, #tpu.memory_space<hbm>> -> memref<1280xf32, #tpu.memory_space<hbm>>
        tpu.enqueue_dma source(%dma_start3A_274 : memref<1280xf32, #tpu.memory_space<hbm>>) target(%dma_start3A_273 : memref<1280xf32, #tpu.memory_space<vmem>>) target_semaphore(%arg15 : memref<!tpu.dma_semaphore, #tpu.memory_space<semaphore_mem>>)
        %mul3A_275 = arith.constant 1280 : i32
        %mul3A_276 = arith.muli %add3A_175, %mul3A_275 : i32
        %add3A_277 = arith.constant 25600000 : i32
        %add3A_278 = arith.addi %add3A_277, %mul3A_276 : i32
        %dma_start3A_279 = arith.constant 10240 : i32
        %dma_start3A_280 = tpu.memref_slice %arg11[%dma_start3A_279] : memref<15360xf32, #tpu.memory_space<vmem>> -> memref<1280xf32, #tpu.memory_space<vmem>>
        %dma_start3A_281 = tpu.memref_slice %arg4[%add3A_278] : memref<38400000xf32, #tpu.memory_space<hbm>> -> memref<1280xf32, #tpu.memory_space<hbm>>
        %dma_start3A_282 = arith.constant 10240 : i32
        %dma_start3A_283 = tpu.memref_slice %arg11[%dma_start3A_282] : memref<15360xf32, #tpu.memory_space<vmem>> -> memref<1280xf32, #tpu.memory_space<vmem>>
        %dma_start3A_284 = tpu.memref_slice %arg4[%add3A_278] : memref<38400000xf32, #tpu.memory_space<hbm>> -> memref<1280xf32, #tpu.memory_space<hbm>>
        tpu.enqueue_dma source(%dma_start3A_284 : memref<1280xf32, #tpu.memory_space<hbm>>) target(%dma_start3A_283 : memref<1280xf32, #tpu.memory_space<vmem>>) target_semaphore(%arg15 : memref<!tpu.dma_semaphore, #tpu.memory_space<semaphore_mem>>)
        %mul3A_285 = arith.constant 1280 : i32
        %mul3A_286 = arith.muli %add3A_175, %mul3A_285 : i32
        %add3A_287 = arith.constant 28800000 : i32
        %add3A_288 = arith.addi %add3A_287, %mul3A_286 : i32
        %dma_start3A_289 = arith.constant 11520 : i32
        %dma_start3A_290 = tpu.memref_slice %arg11[%dma_start3A_289] : memref<15360xf32, #tpu.memory_space<vmem>> -> memref<1280xf32, #tpu.memory_space<vmem>>
        %dma_start3A_291 = tpu.memref_slice %arg4[%add3A_288] : memref<38400000xf32, #tpu.memory_space<hbm>> -> memref<1280xf32, #tpu.memory_space<hbm>>
        %dma_start3A_292 = arith.constant 11520 : i32
        %dma_start3A_293 = tpu.memref_slice %arg11[%dma_start3A_292] : memref<15360xf32, #tpu.memory_space<vmem>> -> memref<1280xf32, #tpu.memory_space<vmem>>
        %dma_start3A_294 = tpu.memref_slice %arg4[%add3A_288] : memref<38400000xf32, #tpu.memory_space<hbm>> -> memref<1280xf32, #tpu.memory_space<hbm>>
        tpu.enqueue_dma source(%dma_start3A_294 : memref<1280xf32, #tpu.memory_space<hbm>>) target(%dma_start3A_293 : memref<1280xf32, #tpu.memory_space<vmem>>) target_semaphore(%arg15 : memref<!tpu.dma_semaphore, #tpu.memory_space<semaphore_mem>>)
        %mul3A_295 = arith.constant 1280 : i32
        %mul3A_296 = arith.muli %add3A_175, %mul3A_295 : i32
        %add3A_297 = arith.constant 32000000 : i32
        %add3A_298 = arith.addi %add3A_297, %mul3A_296 : i32
        %dma_start3A_299 = arith.constant 12800 : i32
        %dma_start3A_300 = tpu.memref_slice %arg11[%dma_start3A_299] : memref<15360xf32, #tpu.memory_space<vmem>> -> memref<1280xf32, #tpu.memory_space<vmem>>
        %dma_start3A_301 = tpu.memref_slice %arg4[%add3A_298] : memref<38400000xf32, #tpu.memory_space<hbm>> -> memref<1280xf32, #tpu.memory_space<hbm>>
        %dma_start3A_302 = arith.constant 12800 : i32
        %dma_start3A_303 = tpu.memref_slice %arg11[%dma_start3A_302] : memref<15360xf32, #tpu.memory_space<vmem>> -> memref<1280xf32, #tpu.memory_space<vmem>>
        %dma_start3A_304 = tpu.memref_slice %arg4[%add3A_298] : memref<38400000xf32, #tpu.memory_space<hbm>> -> memref<1280xf32, #tpu.memory_space<hbm>>
        tpu.enqueue_dma source(%dma_start3A_304 : memref<1280xf32, #tpu.memory_space<hbm>>) target(%dma_start3A_303 : memref<1280xf32, #tpu.memory_space<vmem>>) target_semaphore(%arg15 : memref<!tpu.dma_semaphore, #tpu.memory_space<semaphore_mem>>)
        %mul3A_305 = arith.constant 1280 : i32
        %mul3A_306 = arith.muli %add3A_175, %mul3A_305 : i32
        %add3A_307 = arith.constant 35200000 : i32
        %add3A_308 = arith.addi %add3A_307, %mul3A_306 : i32
        %dma_start3A_309 = arith.constant 14080 : i32
        %dma_start3A_310 = tpu.memref_slice %arg11[%dma_start3A_309] : memref<15360xf32, #tpu.memory_space<vmem>> -> memref<1280xf32, #tpu.memory_space<vmem>>
        %dma_start3A_311 = tpu.memref_slice %arg4[%add3A_308] : memref<38400000xf32, #tpu.memory_space<hbm>> -> memref<1280xf32, #tpu.memory_space<hbm>>
        %dma_start3A_312 = arith.constant 14080 : i32
        %dma_start3A_313 = tpu.memref_slice %arg11[%dma_start3A_312] : memref<15360xf32, #tpu.memory_space<vmem>> -> memref<1280xf32, #tpu.memory_space<vmem>>
        %dma_start3A_314 = tpu.memref_slice %arg4[%add3A_308] : memref<38400000xf32, #tpu.memory_space<hbm>> -> memref<1280xf32, #tpu.memory_space<hbm>>
        tpu.enqueue_dma source(%dma_start3A_314 : memref<1280xf32, #tpu.memory_space<hbm>>) target(%dma_start3A_313 : memref<1280xf32, #tpu.memory_space<vmem>>) target_semaphore(%arg15 : memref<!tpu.dma_semaphore, #tpu.memory_space<semaphore_mem>>)
      } else {
      }
      %ge3A_181 = arith.constant 0 : i32
      %ge3A_182 = arith.cmpi sge, %sub3A_173, %ge3A_181 : i32
      %convert_element_type3A_183 = arith.extui %ge3A_182 : i1 to i32
      %cond3A_184 = arith.constant 0 : i32
      %cond3A_185 = arith.cmpi ne, %convert_element_type3A_183, %cond3A_184 : i32
      scf.if %cond3A_185 {
        %dma_wait3A = arith.constant 0 : i32
        %dma_wait3A_191 = tpu.memref_slice %arg5[%dma_wait3A] : memref<38400000xf32, #tpu.memory_space<hbm>> -> memref<15360xf32, #tpu.memory_space<hbm>>
        %dma_wait3A_192 = arith.constant 0 : i32
        %dma_wait3A_193 = tpu.memref_slice %arg5[%dma_wait3A_192] : memref<38400000xf32, #tpu.memory_space<hbm>> -> memref<15360xf32, #tpu.memory_space<hbm>>
        tpu.wait_dma2 semaphore(%arg18 : memref<!tpu.dma_semaphore, #tpu.memory_space<semaphore_mem>>) src(%arg14 : memref<15360xf32, #tpu.memory_space<vmem>>) dst(%dma_wait3A_193 : memref<15360xf32, #tpu.memory_space<hbm>>)
      } else {
      }
      %lt3A_186 = arith.constant 2500 : i32
      %lt3A_187 = arith.cmpi slt, %add3A_171, %lt3A_186 : i32
      %convert_element_type3A_188 = arith.extui %lt3A_187 : i1 to i32
      %cond3A_189 = arith.constant 0 : i32
      %cond3A_190 = arith.cmpi ne, %convert_element_type3A_188, %cond3A_189 : i32
      scf.if %cond3A_190 {
        %dma_wait3A = arith.constant 0 : i32
        %dma_wait3A_191 = tpu.memref_slice %arg3[%dma_wait3A] : memref<3200000xi32, #tpu.memory_space<hbm>> -> memref<1280xi32, #tpu.memory_space<hbm>>
        %dma_wait3A_192 = arith.constant 0 : i32
        %dma_wait3A_193 = tpu.memref_slice %arg3[%dma_wait3A_192] : memref<3200000xi32, #tpu.memory_space<hbm>> -> memref<1280xi32, #tpu.memory_space<hbm>>
        tpu.wait_dma2 semaphore(%arg16 : memref<!tpu.dma_semaphore, #tpu.memory_space<semaphore_mem>>) src(%dma_wait3A_193 : memref<1280xi32, #tpu.memory_space<hbm>>) dst(%arg8 : memref<1280xi32, #tpu.memory_space<vmem>>)
        %dma_wait3A_194 = arith.constant 0 : i32
        %dma_wait3A_195 = tpu.memref_slice %arg4[%dma_wait3A_194] : memref<38400000xf32, #tpu.memory_space<hbm>> -> memref<15360xf32, #tpu.memory_space<hbm>>
        %dma_wait3A_196 = arith.constant 0 : i32
        %dma_wait3A_197 = tpu.memref_slice %arg4[%dma_wait3A_196] : memref<38400000xf32, #tpu.memory_space<hbm>> -> memref<15360xf32, #tpu.memory_space<hbm>>
        tpu.wait_dma2 semaphore(%arg16 : memref<!tpu.dma_semaphore, #tpu.memory_space<semaphore_mem>>) src(%dma_wait3A_197 : memref<15360xf32, #tpu.memory_space<hbm>>) dst(%arg12 : memref<15360xf32, #tpu.memory_space<vmem>>)
        %parallel_loop3A = arith.constant 0 : i32
        %parallel_loop3A_198 = arith.constant 40 : i32
        %parallel_loop3A_199 = arith.constant 1 : i32
        scf.for %parallel_loop3A_323 = %parallel_loop3A to %parallel_loop3A_198 step %parallel_loop3A_199  : i32 {
          %parallel_loop3A_324 = arith.constant 8 : i32
          %parallel_loop3A_325 = arith.divsi %parallel_loop3A_323, %parallel_loop3A_324 : i32
          %parallel_loop3A_326 = arith.constant 0 : i32
          %parallel_loop3A_327 = arith.cmpi sgt, %parallel_loop3A_323, %parallel_loop3A_326 : i32
          %parallel_loop3A_328 = arith.extui %parallel_loop3A_327 : i1 to i32
          %parallel_loop3A_329 = arith.constant 0 : i32
          %parallel_loop3A_330 = arith.cmpi slt, %parallel_loop3A_323, %parallel_loop3A_329 : i32
          %parallel_loop3A_331 = arith.extui %parallel_loop3A_330 : i1 to i32
          %parallel_loop3A_332 = arith.subi %parallel_loop3A_328, %parallel_loop3A_331 : i32
          %parallel_loop3A_333 = arith.constant 0 : i32
          %parallel_loop3A_334 = arith.cmpi sgt, %parallel_loop3A_324, %parallel_loop3A_333 : i32
          %parallel_loop3A_335 = arith.extui %parallel_loop3A_334 : i1 to i32
          %parallel_loop3A_336 = arith.constant 0 : i32
          %parallel_loop3A_337 = arith.cmpi slt, %parallel_loop3A_324, %parallel_loop3A_336 : i32
          %parallel_loop3A_338 = arith.extui %parallel_loop3A_337 : i1 to i32
          %parallel_loop3A_339 = arith.subi %parallel_loop3A_335, %parallel_loop3A_338 : i32
          %parallel_loop3A_340 = arith.cmpi ne, %parallel_loop3A_332, %parallel_loop3A_339 : i32
          %parallel_loop3A_341 = arith.remsi %parallel_loop3A_323, %parallel_loop3A_324 : i32
          %parallel_loop3A_342 = arith.constant 0 : i32
          %parallel_loop3A_343 = arith.cmpi ne, %parallel_loop3A_341, %parallel_loop3A_342 : i32
          %parallel_loop3A_344 = arith.andi %parallel_loop3A_340, %parallel_loop3A_343 : i1
          %parallel_loop3A_345 = arith.constant 1 : i32
          %parallel_loop3A_346 = arith.subi %parallel_loop3A_325, %parallel_loop3A_345 : i32
          %parallel_loop3A_347 = arith.select %parallel_loop3A_344, %parallel_loop3A_346, %parallel_loop3A_325 : i32
          %parallel_loop3A_348 = arith.constant 8 : i32
          %parallel_loop3A_349 = arith.constant 0 : i32
          %parallel_loop3A_350 = arith.cmpi eq, %parallel_loop3A_348, %parallel_loop3A_349 : i32
          %parallel_loop3A_351 = arith.constant 1 : i32
          %parallel_loop3A_352 = arith.select %parallel_loop3A_350, %parallel_loop3A_351, %parallel_loop3A_348 : i32
          %parallel_loop3A_353 = arith.remsi %parallel_loop3A_323, %parallel_loop3A_352 : i32
          %parallel_loop3A_354 = arith.constant 0 : i32
          %parallel_loop3A_355 = arith.cmpi ne, %parallel_loop3A_353, %parallel_loop3A_354 : i32
          %parallel_loop3A_356 = arith.constant 0 : i32
          %parallel_loop3A_357 = arith.cmpi slt, %parallel_loop3A_353, %parallel_loop3A_356 : i32
          %parallel_loop3A_358 = arith.constant 0 : i32
          %parallel_loop3A_359 = arith.cmpi slt, %parallel_loop3A_352, %parallel_loop3A_358 : i32
          %parallel_loop3A_360 = arith.xori %parallel_loop3A_357, %parallel_loop3A_359 : i1
          %parallel_loop3A_361 = arith.andi %parallel_loop3A_360, %parallel_loop3A_355 : i1
          %parallel_loop3A_362 = arith.addi %parallel_loop3A_353, %parallel_loop3A_352 : i32
          %parallel_loop3A_363 = arith.select %parallel_loop3A_361, %parallel_loop3A_362, %parallel_loop3A_353 : i32
          %parallel_loop3A_364 = arith.constant 256 : i32
          %parallel_loop3A_365 = arith.muli %parallel_loop3A_347, %parallel_loop3A_364 : i32
          %parallel_loop3A_366 = arith.constant 16 : i32
          %parallel_loop3A_367 = arith.muli %parallel_loop3A_363, %parallel_loop3A_366 : i32
          %parallel_loop3A_368 = arith.addi %parallel_loop3A_365, %parallel_loop3A_367 : i32
          %parallel_loop3A_369 = arith.index_cast %parallel_loop3A_368 : i32 to index
          %parallel_loop3A_370 = tpu.vector_load %arg8[%parallel_loop3A_369] {strides = array<i32>} : memref<1280xi32, #tpu.memory_space<vmem>>, vector<16xi32>,
          %parallel_loop3A_371 = tpu.vector_load_idx %arg6[%parallel_loop3A_370] : memref<50000xf32, #tpu.memory_space<vmem>>[vector<16xi32>], vector<16xf32>,
          %parallel_loop3A_372 = arith.constant 16 : i32
          %parallel_loop3A_373 = arith.muli %parallel_loop3A_323, %parallel_loop3A_372 : i32
          %parallel_loop3A_374 = arith.index_cast %parallel_loop3A_373 : i32 to index
          %parallel_loop3A_375 = tpu.vector_load %arg10[%parallel_loop3A_374] {strides = array<i32>} : memref<640xf32, #tpu.memory_space<vmem>>, vector<16xf32>,
          tpu.vector_store %arg10[%parallel_loop3A_374], %parallel_loop3A_371 {strides = array<i32>} : memref<640xf32, #tpu.memory_space<vmem>>, vector<16xf32>,
        } {sc.loop_unroll_factor = 4 : i64, sc.parallel_access}
        %parallel_loop3A_200 = arith.constant 0 : i32
        %parallel_loop3A_201 = arith.constant 40 : i32
        %parallel_loop3A_202 = arith.constant 1 : i32
        scf.for %parallel_loop3A_323 = %parallel_loop3A_200 to %parallel_loop3A_201 step %parallel_loop3A_202  : i32 {
          %parallel_loop3A_324 = arith.constant 16 : i32
          %parallel_loop3A_325 = arith.muli %parallel_loop3A_323, %parallel_loop3A_324 : i32
          %parallel_loop3A_326 = arith.index_cast %parallel_loop3A_325 : i32 to index
          %parallel_loop3A_327 = tpu.vector_load %arg10[%parallel_loop3A_326] {strides = array<i32>} : memref<640xf32, #tpu.memory_space<vmem>>, vector<16xf32>,
          %parallel_loop3A_328 = arith.constant 8 : i32
          %parallel_loop3A_329 = arith.divsi %parallel_loop3A_323, %parallel_loop3A_328 : i32
          %parallel_loop3A_330 = arith.constant 0 : i32
          %parallel_loop3A_331 = arith.cmpi sgt, %parallel_loop3A_323, %parallel_loop3A_330 : i32
          %parallel_loop3A_332 = arith.extui %parallel_loop3A_331 : i1 to i32
          %parallel_loop3A_333 = arith.constant 0 : i32
          %parallel_loop3A_334 = arith.cmpi slt, %parallel_loop3A_323, %parallel_loop3A_333 : i32
          %parallel_loop3A_335 = arith.extui %parallel_loop3A_334 : i1 to i32
          %parallel_loop3A_336 = arith.subi %parallel_loop3A_332, %parallel_loop3A_335 : i32
          %parallel_loop3A_337 = arith.constant 0 : i32
          %parallel_loop3A_338 = arith.cmpi sgt, %parallel_loop3A_328, %parallel_loop3A_337 : i32
          %parallel_loop3A_339 = arith.extui %parallel_loop3A_338 : i1 to i32
          %parallel_loop3A_340 = arith.constant 0 : i32
          %parallel_loop3A_341 = arith.cmpi slt, %parallel_loop3A_328, %parallel_loop3A_340 : i32
          %parallel_loop3A_342 = arith.extui %parallel_loop3A_341 : i1 to i32
          %parallel_loop3A_343 = arith.subi %parallel_loop3A_339, %parallel_loop3A_342 : i32
          %parallel_loop3A_344 = arith.cmpi ne, %parallel_loop3A_336, %parallel_loop3A_343 : i32
          %parallel_loop3A_345 = arith.remsi %parallel_loop3A_323, %parallel_loop3A_328 : i32
          %parallel_loop3A_346 = arith.constant 0 : i32
          %parallel_loop3A_347 = arith.cmpi ne, %parallel_loop3A_345, %parallel_loop3A_346 : i32
          %parallel_loop3A_348 = arith.andi %parallel_loop3A_344, %parallel_loop3A_347 : i1
          %parallel_loop3A_349 = arith.constant 1 : i32
          %parallel_loop3A_350 = arith.subi %parallel_loop3A_329, %parallel_loop3A_349 : i32
          %parallel_loop3A_351 = arith.select %parallel_loop3A_348, %parallel_loop3A_350, %parallel_loop3A_329 : i32
          %parallel_loop3A_352 = arith.constant 256 : i32
          %parallel_loop3A_353 = arith.muli %parallel_loop3A_351, %parallel_loop3A_352 : i32
          %parallel_loop3A_354 = arith.constant 8 : i32
          %parallel_loop3A_355 = arith.constant 0 : i32
          %parallel_loop3A_356 = arith.cmpi eq, %parallel_loop3A_354, %parallel_loop3A_355 : i32
          %parallel_loop3A_357 = arith.constant 1 : i32
          %parallel_loop3A_358 = arith.select %parallel_loop3A_356, %parallel_loop3A_357, %parallel_loop3A_354 : i32
          %parallel_loop3A_359 = arith.remsi %parallel_loop3A_323, %parallel_loop3A_358 : i32
          %parallel_loop3A_360 = arith.constant 0 : i32
          %parallel_loop3A_361 = arith.cmpi ne, %parallel_loop3A_359, %parallel_loop3A_360 : i32
          %parallel_loop3A_362 = arith.constant 0 : i32
          %parallel_loop3A_363 = arith.cmpi slt, %parallel_loop3A_359, %parallel_loop3A_362 : i32
          %parallel_loop3A_364 = arith.constant 0 : i32
          %parallel_loop3A_365 = arith.cmpi slt, %parallel_loop3A_358, %parallel_loop3A_364 : i32
          %parallel_loop3A_366 = arith.xori %parallel_loop3A_363, %parallel_loop3A_365 : i1
          %parallel_loop3A_367 = arith.andi %parallel_loop3A_366, %parallel_loop3A_361 : i1
          %parallel_loop3A_368 = arith.addi %parallel_loop3A_359, %parallel_loop3A_358 : i32
          %parallel_loop3A_369 = arith.select %parallel_loop3A_367, %parallel_loop3A_368, %parallel_loop3A_359 : i32
          %parallel_loop3A_370 = arith.constant 16 : i32
          %parallel_loop3A_371 = arith.muli %parallel_loop3A_369, %parallel_loop3A_370 : i32
          %parallel_loop3A_372 = arith.addi %parallel_loop3A_353, %parallel_loop3A_371 : i32
          %parallel_loop3A_373 = arith.constant 0 : i32
          %parallel_loop3A_374 = arith.addi %parallel_loop3A_373, %parallel_loop3A_372 : i32
          %parallel_loop3A_375 = arith.constant 0 : i32
          %parallel_loop3A_376 = arith.addi %parallel_loop3A_374, %parallel_loop3A_375 : i32
          %parallel_loop3A_377 = arith.index_cast %parallel_loop3A_376 : i32 to index
          %parallel_loop3A_378 = tpu.vector_load %arg12[%parallel_loop3A_377] {strides = array<i32>} : memref<15360xf32, #tpu.memory_space<vmem>>, vector<16xf32>,
          %parallel_loop3A_379 = arith.mulf %parallel_loop3A_378, %parallel_loop3A_327 : vector<16xf32>
          %parallel_loop3A_380 = arith.index_cast %parallel_loop3A_376 : i32 to index
          %parallel_loop3A_381 = tpu.vector_load %arg14[%parallel_loop3A_380] {strides = array<i32>} : memref<15360xf32, #tpu.memory_space<vmem>>, vector<16xf32>,
          tpu.vector_store %arg14[%parallel_loop3A_380], %parallel_loop3A_379 {strides = array<i32>} : memref<15360xf32, #tpu.memory_space<vmem>>, vector<16xf32>,
          %parallel_loop3A_382 = arith.constant 0 : i32
          %parallel_loop3A_383 = arith.addi %parallel_loop3A_382, %parallel_loop3A_372 : i32
          %parallel_loop3A_384 = arith.constant 128 : i32
          %parallel_loop3A_385 = arith.addi %parallel_loop3A_383, %parallel_loop3A_384 : i32
          %parallel_loop3A_386 = arith.index_cast %parallel_loop3A_385 : i32 to index
          %parallel_loop3A_387 = tpu.vector_load %arg12[%parallel_loop3A_386] {strides = array<i32>} : memref<15360xf32, #tpu.memory_space<vmem>>, vector<16xf32>,
          %parallel_loop3A_388 = arith.mulf %parallel_loop3A_387, %parallel_loop3A_327 : vector<16xf32>
          %parallel_loop3A_389 = arith.index_cast %parallel_loop3A_385 : i32 to index
          %parallel_loop3A_390 = tpu.vector_load %arg14[%parallel_loop3A_389] {strides = array<i32>} : memref<15360xf32, #tpu.memory_space<vmem>>, vector<16xf32>,
          tpu.vector_store %arg14[%parallel_loop3A_389], %parallel_loop3A_388 {strides = array<i32>} : memref<15360xf32, #tpu.memory_space<vmem>>, vector<16xf32>,
          %parallel_loop3A_391 = arith.constant 1280 : i32
          %parallel_loop3A_392 = arith.addi %parallel_loop3A_391, %parallel_loop3A_372 : i32
          %parallel_loop3A_393 = arith.constant 0 : i32
          %parallel_loop3A_394 = arith.addi %parallel_loop3A_392, %parallel_loop3A_393 : i32
          %parallel_loop3A_395 = arith.index_cast %parallel_loop3A_394 : i32 to index
          %parallel_loop3A_396 = tpu.vector_load %arg12[%parallel_loop3A_395] {strides = array<i32>} : memref<15360xf32, #tpu.memory_space<vmem>>, vector<16xf32>,
          %parallel_loop3A_397 = arith.mulf %parallel_loop3A_396, %parallel_loop3A_327 : vector<16xf32>
          %parallel_loop3A_398 = arith.index_cast %parallel_loop3A_394 : i32 to index
          %parallel_loop3A_399 = tpu.vector_load %arg14[%parallel_loop3A_398] {strides = array<i32>} : memref<15360xf32, #tpu.memory_space<vmem>>, vector<16xf32>,
          tpu.vector_store %arg14[%parallel_loop3A_398], %parallel_loop3A_397 {strides = array<i32>} : memref<15360xf32, #tpu.memory_space<vmem>>, vector<16xf32>,
          %parallel_loop3A_400 = arith.constant 1280 : i32
          %parallel_loop3A_401 = arith.addi %parallel_loop3A_400, %parallel_loop3A_372 : i32
          %parallel_loop3A_402 = arith.constant 128 : i32
          %parallel_loop3A_403 = arith.addi %parallel_loop3A_401, %parallel_loop3A_402 : i32
          %parallel_loop3A_404 = arith.index_cast %parallel_loop3A_403 : i32 to index
          %parallel_loop3A_405 = tpu.vector_load %arg12[%parallel_loop3A_404] {strides = array<i32>} : memref<15360xf32, #tpu.memory_space<vmem>>, vector<16xf32>,
          %parallel_loop3A_406 = arith.mulf %parallel_loop3A_405, %parallel_loop3A_327 : vector<16xf32>
          %parallel_loop3A_407 = arith.index_cast %parallel_loop3A_403 : i32 to index
          %parallel_loop3A_408 = tpu.vector_load %arg14[%parallel_loop3A_407] {strides = array<i32>} : memref<15360xf32, #tpu.memory_space<vmem>>, vector<16xf32>,
          tpu.vector_store %arg14[%parallel_loop3A_407], %parallel_loop3A_406 {strides = array<i32>} : memref<15360xf32, #tpu.memory_space<vmem>>, vector<16xf32>,
          %parallel_loop3A_409 = arith.constant 2560 : i32
          %parallel_loop3A_410 = arith.addi %parallel_loop3A_409, %parallel_loop3A_372 : i32
          %parallel_loop3A_411 = arith.constant 0 : i32
          %parallel_loop3A_412 = arith.addi %parallel_loop3A_410, %parallel_loop3A_411 : i32
          %parallel_loop3A_413 = arith.index_cast %parallel_loop3A_412 : i32 to index
          %parallel_loop3A_414 = tpu.vector_load %arg12[%parallel_loop3A_413] {strides = array<i32>} : memref<15360xf32, #tpu.memory_space<vmem>>, vector<16xf32>,
          %parallel_loop3A_415 = arith.mulf %parallel_loop3A_414, %parallel_loop3A_327 : vector<16xf32>
          %parallel_loop3A_416 = arith.index_cast %parallel_loop3A_412 : i32 to index
          %parallel_loop3A_417 = tpu.vector_load %arg14[%parallel_loop3A_416] {strides = array<i32>} : memref<15360xf32, #tpu.memory_space<vmem>>, vector<16xf32>,
          tpu.vector_store %arg14[%parallel_loop3A_416], %parallel_loop3A_415 {strides = array<i32>} : memref<15360xf32, #tpu.memory_space<vmem>>, vector<16xf32>,
          %parallel_loop3A_418 = arith.constant 2560 : i32
          %parallel_loop3A_419 = arith.addi %parallel_loop3A_418, %parallel_loop3A_372 : i32
          %parallel_loop3A_420 = arith.constant 128 : i32
          %parallel_loop3A_421 = arith.addi %parallel_loop3A_419, %parallel_loop3A_420 : i32
          %parallel_loop3A_422 = arith.index_cast %parallel_loop3A_421 : i32 to index
          %parallel_loop3A_423 = tpu.vector_load %arg12[%parallel_loop3A_422] {strides = array<i32>} : memref<15360xf32, #tpu.memory_space<vmem>>, vector<16xf32>,
          %parallel_loop3A_424 = arith.mulf %parallel_loop3A_423, %parallel_loop3A_327 : vector<16xf32>
          %parallel_loop3A_425 = arith.index_cast %parallel_loop3A_421 : i32 to index
          %parallel_loop3A_426 = tpu.vector_load %arg14[%parallel_loop3A_425] {strides = array<i32>} : memref<15360xf32, #tpu.memory_space<vmem>>, vector<16xf32>,
          tpu.vector_store %arg14[%parallel_loop3A_425], %parallel_loop3A_424 {strides = array<i32>} : memref<15360xf32, #tpu.memory_space<vmem>>, vector<16xf32>,
          %parallel_loop3A_427 = arith.constant 3840 : i32
          %parallel_loop3A_428 = arith.addi %parallel_loop3A_427, %parallel_loop3A_372 : i32
          %parallel_loop3A_429 = arith.constant 0 : i32
          %parallel_loop3A_430 = arith.addi %parallel_loop3A_428, %parallel_loop3A_429 : i32
          %parallel_loop3A_431 = arith.index_cast %parallel_loop3A_430 : i32 to index
          %parallel_loop3A_432 = tpu.vector_load %arg12[%parallel_loop3A_431] {strides = array<i32>} : memref<15360xf32, #tpu.memory_space<vmem>>, vector<16xf32>,
          %parallel_loop3A_433 = arith.mulf %parallel_loop3A_432, %parallel_loop3A_327 : vector<16xf32>
          %parallel_loop3A_434 = arith.index_cast %parallel_loop3A_430 : i32 to index
          %parallel_loop3A_435 = tpu.vector_load %arg14[%parallel_loop3A_434] {strides = array<i32>} : memref<15360xf32, #tpu.memory_space<vmem>>, vector<16xf32>,
          tpu.vector_store %arg14[%parallel_loop3A_434], %parallel_loop3A_433 {strides = array<i32>} : memref<15360xf32, #tpu.memory_space<vmem>>, vector<16xf32>,
          %parallel_loop3A_436 = arith.constant 3840 : i32
          %parallel_loop3A_437 = arith.addi %parallel_loop3A_436, %parallel_loop3A_372 : i32
          %parallel_loop3A_438 = arith.constant 128 : i32
          %parallel_loop3A_439 = arith.addi %parallel_loop3A_437, %parallel_loop3A_438 : i32
          %parallel_loop3A_440 = arith.index_cast %parallel_loop3A_439 : i32 to index
          %parallel_loop3A_441 = tpu.vector_load %arg12[%parallel_loop3A_440] {strides = array<i32>} : memref<15360xf32, #tpu.memory_space<vmem>>, vector<16xf32>,
          %parallel_loop3A_442 = arith.mulf %parallel_loop3A_441, %parallel_loop3A_327 : vector<16xf32>
          %parallel_loop3A_443 = arith.index_cast %parallel_loop3A_439 : i32 to index
          %parallel_loop3A_444 = tpu.vector_load %arg14[%parallel_loop3A_443] {strides = array<i32>} : memref<15360xf32, #tpu.memory_space<vmem>>, vector<16xf32>,
          tpu.vector_store %arg14[%parallel_loop3A_443], %parallel_loop3A_442 {strides = array<i32>} : memref<15360xf32, #tpu.memory_space<vmem>>, vector<16xf32>,
          %parallel_loop3A_445 = arith.constant 5120 : i32
          %parallel_loop3A_446 = arith.addi %parallel_loop3A_445, %parallel_loop3A_372 : i32
          %parallel_loop3A_447 = arith.constant 0 : i32
          %parallel_loop3A_448 = arith.addi %parallel_loop3A_446, %parallel_loop3A_447 : i32
          %parallel_loop3A_449 = arith.index_cast %parallel_loop3A_448 : i32 to index
          %parallel_loop3A_450 = tpu.vector_load %arg12[%parallel_loop3A_449] {strides = array<i32>} : memref<15360xf32, #tpu.memory_space<vmem>>, vector<16xf32>,
          %parallel_loop3A_451 = arith.mulf %parallel_loop3A_450, %parallel_loop3A_327 : vector<16xf32>
          %parallel_loop3A_452 = arith.index_cast %parallel_loop3A_448 : i32 to index
          %parallel_loop3A_453 = tpu.vector_load %arg14[%parallel_loop3A_452] {strides = array<i32>} : memref<15360xf32, #tpu.memory_space<vmem>>, vector<16xf32>,
          tpu.vector_store %arg14[%parallel_loop3A_452], %parallel_loop3A_451 {strides = array<i32>} : memref<15360xf32, #tpu.memory_space<vmem>>, vector<16xf32>,
          %parallel_loop3A_454 = arith.constant 5120 : i32
          %parallel_loop3A_455 = arith.addi %parallel_loop3A_454, %parallel_loop3A_372 : i32
          %parallel_loop3A_456 = arith.constant 128 : i32
          %parallel_loop3A_457 = arith.addi %parallel_loop3A_455, %parallel_loop3A_456 : i32
          %parallel_loop3A_458 = arith.index_cast %parallel_loop3A_457 : i32 to index
          %parallel_loop3A_459 = tpu.vector_load %arg12[%parallel_loop3A_458] {strides = array<i32>} : memref<15360xf32, #tpu.memory_space<vmem>>, vector<16xf32>,
          %parallel_loop3A_460 = arith.mulf %parallel_loop3A_459, %parallel_loop3A_327 : vector<16xf32>
          %parallel_loop3A_461 = arith.index_cast %parallel_loop3A_457 : i32 to index
          %parallel_loop3A_462 = tpu.vector_load %arg14[%parallel_loop3A_461] {strides = array<i32>} : memref<15360xf32, #tpu.memory_space<vmem>>, vector<16xf32>,
          tpu.vector_store %arg14[%parallel_loop3A_461], %parallel_loop3A_460 {strides = array<i32>} : memref<15360xf32, #tpu.memory_space<vmem>>, vector<16xf32>,
          %parallel_loop3A_463 = arith.constant 6400 : i32
          %parallel_loop3A_464 = arith.addi %parallel_loop3A_463, %parallel_loop3A_372 : i32
          %parallel_loop3A_465 = arith.constant 0 : i32
          %parallel_loop3A_466 = arith.addi %parallel_loop3A_464, %parallel_loop3A_465 : i32
          %parallel_loop3A_467 = arith.index_cast %parallel_loop3A_466 : i32 to index
          %parallel_loop3A_468 = tpu.vector_load %arg12[%parallel_loop3A_467] {strides = array<i32>} : memref<15360xf32, #tpu.memory_space<vmem>>, vector<16xf32>,
          %parallel_loop3A_469 = arith.mulf %parallel_loop3A_468, %parallel_loop3A_327 : vector<16xf32>
          %parallel_loop3A_470 = arith.index_cast %parallel_loop3A_466 : i32 to index
          %parallel_loop3A_471 = tpu.vector_load %arg14[%parallel_loop3A_470] {strides = array<i32>} : memref<15360xf32, #tpu.memory_space<vmem>>, vector<16xf32>,
          tpu.vector_store %arg14[%parallel_loop3A_470], %parallel_loop3A_469 {strides = array<i32>} : memref<15360xf32, #tpu.memory_space<vmem>>, vector<16xf32>,
          %parallel_loop3A_472 = arith.constant 6400 : i32
          %parallel_loop3A_473 = arith.addi %parallel_loop3A_472, %parallel_loop3A_372 : i32
          %parallel_loop3A_474 = arith.constant 128 : i32
          %parallel_loop3A_475 = arith.addi %parallel_loop3A_473, %parallel_loop3A_474 : i32
          %parallel_loop3A_476 = arith.index_cast %parallel_loop3A_475 : i32 to index
          %parallel_loop3A_477 = tpu.vector_load %arg12[%parallel_loop3A_476] {strides = array<i32>} : memref<15360xf32, #tpu.memory_space<vmem>>, vector<16xf32>,
          %parallel_loop3A_478 = arith.mulf %parallel_loop3A_477, %parallel_loop3A_327 : vector<16xf32>
          %parallel_loop3A_479 = arith.index_cast %parallel_loop3A_475 : i32 to index
          %parallel_loop3A_480 = tpu.vector_load %arg14[%parallel_loop3A_479] {strides = array<i32>} : memref<15360xf32, #tpu.memory_space<vmem>>, vector<16xf32>,
          tpu.vector_store %arg14[%parallel_loop3A_479], %parallel_loop3A_478 {strides = array<i32>} : memref<15360xf32, #tpu.memory_space<vmem>>, vector<16xf32>,
          %parallel_loop3A_481 = arith.constant 7680 : i32
          %parallel_loop3A_482 = arith.addi %parallel_loop3A_481, %parallel_loop3A_372 : i32
          %parallel_loop3A_483 = arith.constant 0 : i32
          %parallel_loop3A_484 = arith.addi %parallel_loop3A_482, %parallel_loop3A_483 : i32
          %parallel_loop3A_485 = arith.index_cast %parallel_loop3A_484 : i32 to index
          %parallel_loop3A_486 = tpu.vector_load %arg12[%parallel_loop3A_485] {strides = array<i32>} : memref<15360xf32, #tpu.memory_space<vmem>>, vector<16xf32>,
          %parallel_loop3A_487 = arith.mulf %parallel_loop3A_486, %parallel_loop3A_327 : vector<16xf32>
          %parallel_loop3A_488 = arith.index_cast %parallel_loop3A_484 : i32 to index
          %parallel_loop3A_489 = tpu.vector_load %arg14[%parallel_loop3A_488] {strides = array<i32>} : memref<15360xf32, #tpu.memory_space<vmem>>, vector<16xf32>,
          tpu.vector_store %arg14[%parallel_loop3A_488], %parallel_loop3A_487 {strides = array<i32>} : memref<15360xf32, #tpu.memory_space<vmem>>, vector<16xf32>,
          %parallel_loop3A_490 = arith.constant 7680 : i32
          %parallel_loop3A_491 = arith.addi %parallel_loop3A_490, %parallel_loop3A_372 : i32
          %parallel_loop3A_492 = arith.constant 128 : i32
          %parallel_loop3A_493 = arith.addi %parallel_loop3A_491, %parallel_loop3A_492 : i32
          %parallel_loop3A_494 = arith.index_cast %parallel_loop3A_493 : i32 to index
          %parallel_loop3A_495 = tpu.vector_load %arg12[%parallel_loop3A_494] {strides = array<i32>} : memref<15360xf32, #tpu.memory_space<vmem>>, vector<16xf32>,
          %parallel_loop3A_496 = arith.mulf %parallel_loop3A_495, %parallel_loop3A_327 : vector<16xf32>
          %parallel_loop3A_497 = arith.index_cast %parallel_loop3A_493 : i32 to index
          %parallel_loop3A_498 = tpu.vector_load %arg14[%parallel_loop3A_497] {strides = array<i32>} : memref<15360xf32, #tpu.memory_space<vmem>>, vector<16xf32>,
          tpu.vector_store %arg14[%parallel_loop3A_497], %parallel_loop3A_496 {strides = array<i32>} : memref<15360xf32, #tpu.memory_space<vmem>>, vector<16xf32>,
          %parallel_loop3A_499 = arith.constant 8960 : i32
          %parallel_loop3A_500 = arith.addi %parallel_loop3A_499, %parallel_loop3A_372 : i32
          %parallel_loop3A_501 = arith.constant 0 : i32
          %parallel_loop3A_502 = arith.addi %parallel_loop3A_500, %parallel_loop3A_501 : i32
          %parallel_loop3A_503 = arith.index_cast %parallel_loop3A_502 : i32 to index
          %parallel_loop3A_504 = tpu.vector_load %arg12[%parallel_loop3A_503] {strides = array<i32>} : memref<15360xf32, #tpu.memory_space<vmem>>, vector<16xf32>,
          %parallel_loop3A_505 = arith.mulf %parallel_loop3A_504, %parallel_loop3A_327 : vector<16xf32>
          %parallel_loop3A_506 = arith.index_cast %parallel_loop3A_502 : i32 to index
          %parallel_loop3A_507 = tpu.vector_load %arg14[%parallel_loop3A_506] {strides = array<i32>} : memref<15360xf32, #tpu.memory_space<vmem>>, vector<16xf32>,
          tpu.vector_store %arg14[%parallel_loop3A_506], %parallel_loop3A_505 {strides = array<i32>} : memref<15360xf32, #tpu.memory_space<vmem>>, vector<16xf32>,
          %parallel_loop3A_508 = arith.constant 8960 : i32
          %parallel_loop3A_509 = arith.addi %parallel_loop3A_508, %parallel_loop3A_372 : i32
          %parallel_loop3A_510 = arith.constant 128 : i32
          %parallel_loop3A_511 = arith.addi %parallel_loop3A_509, %parallel_loop3A_510 : i32
          %parallel_loop3A_512 = arith.index_cast %parallel_loop3A_511 : i32 to index
          %parallel_loop3A_513 = tpu.vector_load %arg12[%parallel_loop3A_512] {strides = array<i32>} : memref<15360xf32, #tpu.memory_space<vmem>>, vector<16xf32>,
          %parallel_loop3A_514 = arith.mulf %parallel_loop3A_513, %parallel_loop3A_327 : vector<16xf32>
          %parallel_loop3A_515 = arith.index_cast %parallel_loop3A_511 : i32 to index
          %parallel_loop3A_516 = tpu.vector_load %arg14[%parallel_loop3A_515] {strides = array<i32>} : memref<15360xf32, #tpu.memory_space<vmem>>, vector<16xf32>,
          tpu.vector_store %arg14[%parallel_loop3A_515], %parallel_loop3A_514 {strides = array<i32>} : memref<15360xf32, #tpu.memory_space<vmem>>, vector<16xf32>,
          %parallel_loop3A_517 = arith.constant 10240 : i32
          %parallel_loop3A_518 = arith.addi %parallel_loop3A_517, %parallel_loop3A_372 : i32
          %parallel_loop3A_519 = arith.constant 0 : i32
          %parallel_loop3A_520 = arith.addi %parallel_loop3A_518, %parallel_loop3A_519 : i32
          %parallel_loop3A_521 = arith.index_cast %parallel_loop3A_520 : i32 to index
          %parallel_loop3A_522 = tpu.vector_load %arg12[%parallel_loop3A_521] {strides = array<i32>} : memref<15360xf32, #tpu.memory_space<vmem>>, vector<16xf32>,
          %parallel_loop3A_523 = arith.mulf %parallel_loop3A_522, %parallel_loop3A_327 : vector<16xf32>
          %parallel_loop3A_524 = arith.index_cast %parallel_loop3A_520 : i32 to index
          %parallel_loop3A_525 = tpu.vector_load %arg14[%parallel_loop3A_524] {strides = array<i32>} : memref<15360xf32, #tpu.memory_space<vmem>>, vector<16xf32>,
          tpu.vector_store %arg14[%parallel_loop3A_524], %parallel_loop3A_523 {strides = array<i32>} : memref<15360xf32, #tpu.memory_space<vmem>>, vector<16xf32>,
          %parallel_loop3A_526 = arith.constant 10240 : i32
          %parallel_loop3A_527 = arith.addi %parallel_loop3A_526, %parallel_loop3A_372 : i32
          %parallel_loop3A_528 = arith.constant 128 : i32
          %parallel_loop3A_529 = arith.addi %parallel_loop3A_527, %parallel_loop3A_528 : i32
          %parallel_loop3A_530 = arith.index_cast %parallel_loop3A_529 : i32 to index
          %parallel_loop3A_531 = tpu.vector_load %arg12[%parallel_loop3A_530] {strides = array<i32>} : memref<15360xf32, #tpu.memory_space<vmem>>, vector<16xf32>,
          %parallel_loop3A_532 = arith.mulf %parallel_loop3A_531, %parallel_loop3A_327 : vector<16xf32>
          %parallel_loop3A_533 = arith.index_cast %parallel_loop3A_529 : i32 to index
          %parallel_loop3A_534 = tpu.vector_load %arg14[%parallel_loop3A_533] {strides = array<i32>} : memref<15360xf32, #tpu.memory_space<vmem>>, vector<16xf32>,
          tpu.vector_store %arg14[%parallel_loop3A_533], %parallel_loop3A_532 {strides = array<i32>} : memref<15360xf32, #tpu.memory_space<vmem>>, vector<16xf32>,
          %parallel_loop3A_535 = arith.constant 11520 : i32
          %parallel_loop3A_536 = arith.addi %parallel_loop3A_535, %parallel_loop3A_372 : i32
          %parallel_loop3A_537 = arith.constant 0 : i32
          %parallel_loop3A_538 = arith.addi %parallel_loop3A_536, %parallel_loop3A_537 : i32
          %parallel_loop3A_539 = arith.index_cast %parallel_loop3A_538 : i32 to index
          %parallel_loop3A_540 = tpu.vector_load %arg12[%parallel_loop3A_539] {strides = array<i32>} : memref<15360xf32, #tpu.memory_space<vmem>>, vector<16xf32>,
          %parallel_loop3A_541 = arith.mulf %parallel_loop3A_540, %parallel_loop3A_327 : vector<16xf32>
          %parallel_loop3A_542 = arith.index_cast %parallel_loop3A_538 : i32 to index
          %parallel_loop3A_543 = tpu.vector_load %arg14[%parallel_loop3A_542] {strides = array<i32>} : memref<15360xf32, #tpu.memory_space<vmem>>, vector<16xf32>,
          tpu.vector_store %arg14[%parallel_loop3A_542], %parallel_loop3A_541 {strides = array<i32>} : memref<15360xf32, #tpu.memory_space<vmem>>, vector<16xf32>,
          %parallel_loop3A_544 = arith.constant 11520 : i32
          %parallel_loop3A_545 = arith.addi %parallel_loop3A_544, %parallel_loop3A_372 : i32
          %parallel_loop3A_546 = arith.constant 128 : i32
          %parallel_loop3A_547 = arith.addi %parallel_loop3A_545, %parallel_loop3A_546 : i32
          %parallel_loop3A_548 = arith.index_cast %parallel_loop3A_547 : i32 to index
          %parallel_loop3A_549 = tpu.vector_load %arg12[%parallel_loop3A_548] {strides = array<i32>} : memref<15360xf32, #tpu.memory_space<vmem>>, vector<16xf32>,
          %parallel_loop3A_550 = arith.mulf %parallel_loop3A_549, %parallel_loop3A_327 : vector<16xf32>
          %parallel_loop3A_551 = arith.index_cast %parallel_loop3A_547 : i32 to index
          %parallel_loop3A_552 = tpu.vector_load %arg14[%parallel_loop3A_551] {strides = array<i32>} : memref<15360xf32, #tpu.memory_space<vmem>>, vector<16xf32>,
          tpu.vector_store %arg14[%parallel_loop3A_551], %parallel_loop3A_550 {strides = array<i32>} : memref<15360xf32, #tpu.memory_space<vmem>>, vector<16xf32>,
          %parallel_loop3A_553 = arith.constant 12800 : i32
          %parallel_loop3A_554 = arith.addi %parallel_loop3A_553, %parallel_loop3A_372 : i32
          %parallel_loop3A_555 = arith.constant 0 : i32
          %parallel_loop3A_556 = arith.addi %parallel_loop3A_554, %parallel_loop3A_555 : i32
          %parallel_loop3A_557 = arith.index_cast %parallel_loop3A_556 : i32 to index
          %parallel_loop3A_558 = tpu.vector_load %arg12[%parallel_loop3A_557] {strides = array<i32>} : memref<15360xf32, #tpu.memory_space<vmem>>, vector<16xf32>,
          %parallel_loop3A_559 = arith.mulf %parallel_loop3A_558, %parallel_loop3A_327 : vector<16xf32>
          %parallel_loop3A_560 = arith.index_cast %parallel_loop3A_556 : i32 to index
          %parallel_loop3A_561 = tpu.vector_load %arg14[%parallel_loop3A_560] {strides = array<i32>} : memref<15360xf32, #tpu.memory_space<vmem>>, vector<16xf32>,
          tpu.vector_store %arg14[%parallel_loop3A_560], %parallel_loop3A_559 {strides = array<i32>} : memref<15360xf32, #tpu.memory_space<vmem>>, vector<16xf32>,
          %parallel_loop3A_562 = arith.constant 12800 : i32
          %parallel_loop3A_563 = arith.addi %parallel_loop3A_562, %parallel_loop3A_372 : i32
          %parallel_loop3A_564 = arith.constant 128 : i32
          %parallel_loop3A_565 = arith.addi %parallel_loop3A_563, %parallel_loop3A_564 : i32
          %parallel_loop3A_566 = arith.index_cast %parallel_loop3A_565 : i32 to index
          %parallel_loop3A_567 = tpu.vector_load %arg12[%parallel_loop3A_566] {strides = array<i32>} : memref<15360xf32, #tpu.memory_space<vmem>>, vector<16xf32>,
          %parallel_loop3A_568 = arith.mulf %parallel_loop3A_567, %parallel_loop3A_327 : vector<16xf32>
          %parallel_loop3A_569 = arith.index_cast %parallel_loop3A_565 : i32 to index
          %parallel_loop3A_570 = tpu.vector_load %arg14[%parallel_loop3A_569] {strides = array<i32>} : memref<15360xf32, #tpu.memory_space<vmem>>, vector<16xf32>,
          tpu.vector_store %arg14[%parallel_loop3A_569], %parallel_loop3A_568 {strides = array<i32>} : memref<15360xf32, #tpu.memory_space<vmem>>, vector<16xf32>,
          %parallel_loop3A_571 = arith.constant 14080 : i32
          %parallel_loop3A_572 = arith.addi %parallel_loop3A_571, %parallel_loop3A_372 : i32
          %parallel_loop3A_573 = arith.constant 0 : i32
          %parallel_loop3A_574 = arith.addi %parallel_loop3A_572, %parallel_loop3A_573 : i32
          %parallel_loop3A_575 = arith.index_cast %parallel_loop3A_574 : i32 to index
          %parallel_loop3A_576 = tpu.vector_load %arg12[%parallel_loop3A_575] {strides = array<i32>} : memref<15360xf32, #tpu.memory_space<vmem>>, vector<16xf32>,
          %parallel_loop3A_577 = arith.mulf %parallel_loop3A_576, %parallel_loop3A_327 : vector<16xf32>
          %parallel_loop3A_578 = arith.index_cast %parallel_loop3A_574 : i32 to index
          %parallel_loop3A_579 = tpu.vector_load %arg14[%parallel_loop3A_578] {strides = array<i32>} : memref<15360xf32, #tpu.memory_space<vmem>>, vector<16xf32>,
          tpu.vector_store %arg14[%parallel_loop3A_578], %parallel_loop3A_577 {strides = array<i32>} : memref<15360xf32, #tpu.memory_space<vmem>>, vector<16xf32>,
          %parallel_loop3A_580 = arith.constant 14080 : i32
          %parallel_loop3A_581 = arith.addi %parallel_loop3A_580, %parallel_loop3A_372 : i32
          %parallel_loop3A_582 = arith.constant 128 : i32
          %parallel_loop3A_583 = arith.addi %parallel_loop3A_581, %parallel_loop3A_582 : i32
          %parallel_loop3A_584 = arith.index_cast %parallel_loop3A_583 : i32 to index
          %parallel_loop3A_585 = tpu.vector_load %arg12[%parallel_loop3A_584] {strides = array<i32>} : memref<15360xf32, #tpu.memory_space<vmem>>, vector<16xf32>,
          %parallel_loop3A_586 = arith.mulf %parallel_loop3A_585, %parallel_loop3A_327 : vector<16xf32>
          %parallel_loop3A_587 = arith.index_cast %parallel_loop3A_583 : i32 to index
          %parallel_loop3A_588 = tpu.vector_load %arg14[%parallel_loop3A_587] {strides = array<i32>} : memref<15360xf32, #tpu.memory_space<vmem>>, vector<16xf32>,
          tpu.vector_store %arg14[%parallel_loop3A_587], %parallel_loop3A_586 {strides = array<i32>} : memref<15360xf32, #tpu.memory_space<vmem>>, vector<16xf32>,
        } {sc.loop_unroll_factor = 2 : i64, sc.parallel_access}
        %mul3A_203 = arith.constant 1280 : i32
        %mul3A_204 = arith.muli %add3A_171, %mul3A_203 : i32
        %add3A_205 = arith.constant 0 : i32
        %add3A_206 = arith.addi %add3A_205, %mul3A_204 : i32
        %dma_start3A_207 = arith.constant 0 : i32
        %dma_start3A_208 = tpu.memref_slice %arg14[%dma_start3A_207] : memref<15360xf32, #tpu.memory_space<vmem>> -> memref<1280xf32, #tpu.memory_space<vmem>>
        %dma_start3A_209 = tpu.memref_slice %arg5[%add3A_206] : memref<38400000xf32, #tpu.memory_space<hbm>> -> memref<1280xf32, #tpu.memory_space<hbm>>
        %dma_start3A_210 = tpu.memref_slice %arg5[%add3A_206] : memref<38400000xf32, #tpu.memory_space<hbm>> -> memref<1280xf32, #tpu.memory_space<hbm>>
        %dma_start3A_211 = arith.constant 0 : i32
        %dma_start3A_212 = tpu.memref_slice %arg14[%dma_start3A_211] : memref<15360xf32, #tpu.memory_space<vmem>> -> memref<1280xf32, #tpu.memory_space<vmem>>
        tpu.enqueue_dma source(%dma_start3A_212 : memref<1280xf32, #tpu.memory_space<vmem>>) target(%dma_start3A_210 : memref<1280xf32, #tpu.memory_space<hbm>>) target_semaphore(%arg18 : memref<!tpu.dma_semaphore, #tpu.memory_space<semaphore_mem>>)
        %mul3A_213 = arith.constant 1280 : i32
        %mul3A_214 = arith.muli %add3A_171, %mul3A_213 : i32
        %add3A_215 = arith.constant 3200000 : i32
        %add3A_216 = arith.addi %add3A_215, %mul3A_214 : i32
        %dma_start3A_217 = arith.constant 1280 : i32
        %dma_start3A_218 = tpu.memref_slice %arg14[%dma_start3A_217] : memref<15360xf32, #tpu.memory_space<vmem>> -> memref<1280xf32, #tpu.memory_space<vmem>>
        %dma_start3A_219 = tpu.memref_slice %arg5[%add3A_216] : memref<38400000xf32, #tpu.memory_space<hbm>> -> memref<1280xf32, #tpu.memory_space<hbm>>
        %dma_start3A_220 = tpu.memref_slice %arg5[%add3A_216] : memref<38400000xf32, #tpu.memory_space<hbm>> -> memref<1280xf32, #tpu.memory_space<hbm>>
        %dma_start3A_221 = arith.constant 1280 : i32
        %dma_start3A_222 = tpu.memref_slice %arg14[%dma_start3A_221] : memref<15360xf32, #tpu.memory_space<vmem>> -> memref<1280xf32, #tpu.memory_space<vmem>>
        tpu.enqueue_dma source(%dma_start3A_222 : memref<1280xf32, #tpu.memory_space<vmem>>) target(%dma_start3A_220 : memref<1280xf32, #tpu.memory_space<hbm>>) target_semaphore(%arg18 : memref<!tpu.dma_semaphore, #tpu.memory_space<semaphore_mem>>)
        %mul3A_223 = arith.constant 1280 : i32
        %mul3A_224 = arith.muli %add3A_171, %mul3A_223 : i32
        %add3A_225 = arith.constant 6400000 : i32
        %add3A_226 = arith.addi %add3A_225, %mul3A_224 : i32
        %dma_start3A_227 = arith.constant 2560 : i32
        %dma_start3A_228 = tpu.memref_slice %arg14[%dma_start3A_227] : memref<15360xf32, #tpu.memory_space<vmem>> -> memref<1280xf32, #tpu.memory_space<vmem>>
        %dma_start3A_229 = tpu.memref_slice %arg5[%add3A_226] : memref<38400000xf32, #tpu.memory_space<hbm>> -> memref<1280xf32, #tpu.memory_space<hbm>>
        %dma_start3A_230 = tpu.memref_slice %arg5[%add3A_226] : memref<38400000xf32, #tpu.memory_space<hbm>> -> memref<1280xf32, #tpu.memory_space<hbm>>
        %dma_start3A_231 = arith.constant 2560 : i32
        %dma_start3A_232 = tpu.memref_slice %arg14[%dma_start3A_231] : memref<15360xf32, #tpu.memory_space<vmem>> -> memref<1280xf32, #tpu.memory_space<vmem>>
        tpu.enqueue_dma source(%dma_start3A_232 : memref<1280xf32, #tpu.memory_space<vmem>>) target(%dma_start3A_230 : memref<1280xf32, #tpu.memory_space<hbm>>) target_semaphore(%arg18 : memref<!tpu.dma_semaphore, #tpu.memory_space<semaphore_mem>>)
        %mul3A_233 = arith.constant 1280 : i32
        %mul3A_234 = arith.muli %add3A_171, %mul3A_233 : i32
        %add3A_235 = arith.constant 9600000 : i32
        %add3A_236 = arith.addi %add3A_235, %mul3A_234 : i32
        %dma_start3A_237 = arith.constant 3840 : i32
        %dma_start3A_238 = tpu.memref_slice %arg14[%dma_start3A_237] : memref<15360xf32, #tpu.memory_space<vmem>> -> memref<1280xf32, #tpu.memory_space<vmem>>
        %dma_start3A_239 = tpu.memref_slice %arg5[%add3A_236] : memref<38400000xf32, #tpu.memory_space<hbm>> -> memref<1280xf32, #tpu.memory_space<hbm>>
        %dma_start3A_240 = tpu.memref_slice %arg5[%add3A_236] : memref<38400000xf32, #tpu.memory_space<hbm>> -> memref<1280xf32, #tpu.memory_space<hbm>>
        %dma_start3A_241 = arith.constant 3840 : i32
        %dma_start3A_242 = tpu.memref_slice %arg14[%dma_start3A_241] : memref<15360xf32, #tpu.memory_space<vmem>> -> memref<1280xf32, #tpu.memory_space<vmem>>
        tpu.enqueue_dma source(%dma_start3A_242 : memref<1280xf32, #tpu.memory_space<vmem>>) target(%dma_start3A_240 : memref<1280xf32, #tpu.memory_space<hbm>>) target_semaphore(%arg18 : memref<!tpu.dma_semaphore, #tpu.memory_space<semaphore_mem>>)
        %mul3A_243 = arith.constant 1280 : i32
        %mul3A_244 = arith.muli %add3A_171, %mul3A_243 : i32
        %add3A_245 = arith.constant 12800000 : i32
        %add3A_246 = arith.addi %add3A_245, %mul3A_244 : i32
        %dma_start3A_247 = arith.constant 5120 : i32
        %dma_start3A_248 = tpu.memref_slice %arg14[%dma_start3A_247] : memref<15360xf32, #tpu.memory_space<vmem>> -> memref<1280xf32, #tpu.memory_space<vmem>>
        %dma_start3A_249 = tpu.memref_slice %arg5[%add3A_246] : memref<38400000xf32, #tpu.memory_space<hbm>> -> memref<1280xf32, #tpu.memory_space<hbm>>
        %dma_start3A_250 = tpu.memref_slice %arg5[%add3A_246] : memref<38400000xf32, #tpu.memory_space<hbm>> -> memref<1280xf32, #tpu.memory_space<hbm>>
        %dma_start3A_251 = arith.constant 5120 : i32
        %dma_start3A_252 = tpu.memref_slice %arg14[%dma_start3A_251] : memref<15360xf32, #tpu.memory_space<vmem>> -> memref<1280xf32, #tpu.memory_space<vmem>>
        tpu.enqueue_dma source(%dma_start3A_252 : memref<1280xf32, #tpu.memory_space<vmem>>) target(%dma_start3A_250 : memref<1280xf32, #tpu.memory_space<hbm>>) target_semaphore(%arg18 : memref<!tpu.dma_semaphore, #tpu.memory_space<semaphore_mem>>)
        %mul3A_253 = arith.constant 1280 : i32
        %mul3A_254 = arith.muli %add3A_171, %mul3A_253 : i32
        %add3A_255 = arith.constant 16000000 : i32
        %add3A_256 = arith.addi %add3A_255, %mul3A_254 : i32
        %dma_start3A_257 = arith.constant 6400 : i32
        %dma_start3A_258 = tpu.memref_slice %arg14[%dma_start3A_257] : memref<15360xf32, #tpu.memory_space<vmem>> -> memref<1280xf32, #tpu.memory_space<vmem>>
        %dma_start3A_259 = tpu.memref_slice %arg5[%add3A_256] : memref<38400000xf32, #tpu.memory_space<hbm>> -> memref<1280xf32, #tpu.memory_space<hbm>>
        %dma_start3A_260 = tpu.memref_slice %arg5[%add3A_256] : memref<38400000xf32, #tpu.memory_space<hbm>> -> memref<1280xf32, #tpu.memory_space<hbm>>
        %dma_start3A_261 = arith.constant 6400 : i32
        %dma_start3A_262 = tpu.memref_slice %arg14[%dma_start3A_261] : memref<15360xf32, #tpu.memory_space<vmem>> -> memref<1280xf32, #tpu.memory_space<vmem>>
        tpu.enqueue_dma source(%dma_start3A_262 : memref<1280xf32, #tpu.memory_space<vmem>>) target(%dma_start3A_260 : memref<1280xf32, #tpu.memory_space<hbm>>) target_semaphore(%arg18 : memref<!tpu.dma_semaphore, #tpu.memory_space<semaphore_mem>>)
        %mul3A_263 = arith.constant 1280 : i32
        %mul3A_264 = arith.muli %add3A_171, %mul3A_263 : i32
        %add3A_265 = arith.constant 19200000 : i32
        %add3A_266 = arith.addi %add3A_265, %mul3A_264 : i32
        %dma_start3A_267 = arith.constant 7680 : i32
        %dma_start3A_268 = tpu.memref_slice %arg14[%dma_start3A_267] : memref<15360xf32, #tpu.memory_space<vmem>> -> memref<1280xf32, #tpu.memory_space<vmem>>
        %dma_start3A_269 = tpu.memref_slice %arg5[%add3A_266] : memref<38400000xf32, #tpu.memory_space<hbm>> -> memref<1280xf32, #tpu.memory_space<hbm>>
        %dma_start3A_270 = tpu.memref_slice %arg5[%add3A_266] : memref<38400000xf32, #tpu.memory_space<hbm>> -> memref<1280xf32, #tpu.memory_space<hbm>>
        %dma_start3A_271 = arith.constant 7680 : i32
        %dma_start3A_272 = tpu.memref_slice %arg14[%dma_start3A_271] : memref<15360xf32, #tpu.memory_space<vmem>> -> memref<1280xf32, #tpu.memory_space<vmem>>
        tpu.enqueue_dma source(%dma_start3A_272 : memref<1280xf32, #tpu.memory_space<vmem>>) target(%dma_start3A_270 : memref<1280xf32, #tpu.memory_space<hbm>>) target_semaphore(%arg18 : memref<!tpu.dma_semaphore, #tpu.memory_space<semaphore_mem>>)
        %mul3A_273 = arith.constant 1280 : i32
        %mul3A_274 = arith.muli %add3A_171, %mul3A_273 : i32
        %add3A_275 = arith.constant 22400000 : i32
        %add3A_276 = arith.addi %add3A_275, %mul3A_274 : i32
        %dma_start3A_277 = arith.constant 8960 : i32
        %dma_start3A_278 = tpu.memref_slice %arg14[%dma_start3A_277] : memref<15360xf32, #tpu.memory_space<vmem>> -> memref<1280xf32, #tpu.memory_space<vmem>>
        %dma_start3A_279 = tpu.memref_slice %arg5[%add3A_276] : memref<38400000xf32, #tpu.memory_space<hbm>> -> memref<1280xf32, #tpu.memory_space<hbm>>
        %dma_start3A_280 = tpu.memref_slice %arg5[%add3A_276] : memref<38400000xf32, #tpu.memory_space<hbm>> -> memref<1280xf32, #tpu.memory_space<hbm>>
        %dma_start3A_281 = arith.constant 8960 : i32
        %dma_start3A_282 = tpu.memref_slice %arg14[%dma_start3A_281] : memref<15360xf32, #tpu.memory_space<vmem>> -> memref<1280xf32, #tpu.memory_space<vmem>>
        tpu.enqueue_dma source(%dma_start3A_282 : memref<1280xf32, #tpu.memory_space<vmem>>) target(%dma_start3A_280 : memref<1280xf32, #tpu.memory_space<hbm>>) target_semaphore(%arg18 : memref<!tpu.dma_semaphore, #tpu.memory_space<semaphore_mem>>)
        %mul3A_283 = arith.constant 1280 : i32
        %mul3A_284 = arith.muli %add3A_171, %mul3A_283 : i32
        %add3A_285 = arith.constant 25600000 : i32
        %add3A_286 = arith.addi %add3A_285, %mul3A_284 : i32
        %dma_start3A_287 = arith.constant 10240 : i32
        %dma_start3A_288 = tpu.memref_slice %arg14[%dma_start3A_287] : memref<15360xf32, #tpu.memory_space<vmem>> -> memref<1280xf32, #tpu.memory_space<vmem>>
        %dma_start3A_289 = tpu.memref_slice %arg5[%add3A_286] : memref<38400000xf32, #tpu.memory_space<hbm>> -> memref<1280xf32, #tpu.memory_space<hbm>>
        %dma_start3A_290 = tpu.memref_slice %arg5[%add3A_286] : memref<38400000xf32, #tpu.memory_space<hbm>> -> memref<1280xf32, #tpu.memory_space<hbm>>
        %dma_start3A_291 = arith.constant 10240 : i32
        %dma_start3A_292 = tpu.memref_slice %arg14[%dma_start3A_291] : memref<15360xf32, #tpu.memory_space<vmem>> -> memref<1280xf32, #tpu.memory_space<vmem>>
        tpu.enqueue_dma source(%dma_start3A_292 : memref<1280xf32, #tpu.memory_space<vmem>>) target(%dma_start3A_290 : memref<1280xf32, #tpu.memory_space<hbm>>) target_semaphore(%arg18 : memref<!tpu.dma_semaphore, #tpu.memory_space<semaphore_mem>>)
        %mul3A_293 = arith.constant 1280 : i32
        %mul3A_294 = arith.muli %add3A_171, %mul3A_293 : i32
        %add3A_295 = arith.constant 28800000 : i32
        %add3A_296 = arith.addi %add3A_295, %mul3A_294 : i32
        %dma_start3A_297 = arith.constant 11520 : i32
        %dma_start3A_298 = tpu.memref_slice %arg14[%dma_start3A_297] : memref<15360xf32, #tpu.memory_space<vmem>> -> memref<1280xf32, #tpu.memory_space<vmem>>
        %dma_start3A_299 = tpu.memref_slice %arg5[%add3A_296] : memref<38400000xf32, #tpu.memory_space<hbm>> -> memref<1280xf32, #tpu.memory_space<hbm>>
        %dma_start3A_300 = tpu.memref_slice %arg5[%add3A_296] : memref<38400000xf32, #tpu.memory_space<hbm>> -> memref<1280xf32, #tpu.memory_space<hbm>>
        %dma_start3A_301 = arith.constant 11520 : i32
        %dma_start3A_302 = tpu.memref_slice %arg14[%dma_start3A_301] : memref<15360xf32, #tpu.memory_space<vmem>> -> memref<1280xf32, #tpu.memory_space<vmem>>
        tpu.enqueue_dma source(%dma_start3A_302 : memref<1280xf32, #tpu.memory_space<vmem>>) target(%dma_start3A_300 : memref<1280xf32, #tpu.memory_space<hbm>>) target_semaphore(%arg18 : memref<!tpu.dma_semaphore, #tpu.memory_space<semaphore_mem>>)
        %mul3A_303 = arith.constant 1280 : i32
        %mul3A_304 = arith.muli %add3A_171, %mul3A_303 : i32
        %add3A_305 = arith.constant 32000000 : i32
        %add3A_306 = arith.addi %add3A_305, %mul3A_304 : i32
        %dma_start3A_307 = arith.constant 12800 : i32
        %dma_start3A_308 = tpu.memref_slice %arg14[%dma_start3A_307] : memref<15360xf32, #tpu.memory_space<vmem>> -> memref<1280xf32, #tpu.memory_space<vmem>>
        %dma_start3A_309 = tpu.memref_slice %arg5[%add3A_306] : memref<38400000xf32, #tpu.memory_space<hbm>> -> memref<1280xf32, #tpu.memory_space<hbm>>
        %dma_start3A_310 = tpu.memref_slice %arg5[%add3A_306] : memref<38400000xf32, #tpu.memory_space<hbm>> -> memref<1280xf32, #tpu.memory_space<hbm>>
        %dma_start3A_311 = arith.constant 12800 : i32
        %dma_start3A_312 = tpu.memref_slice %arg14[%dma_start3A_311] : memref<15360xf32, #tpu.memory_space<vmem>> -> memref<1280xf32, #tpu.memory_space<vmem>>
        tpu.enqueue_dma source(%dma_start3A_312 : memref<1280xf32, #tpu.memory_space<vmem>>) target(%dma_start3A_310 : memref<1280xf32, #tpu.memory_space<hbm>>) target_semaphore(%arg18 : memref<!tpu.dma_semaphore, #tpu.memory_space<semaphore_mem>>)
        %mul3A_313 = arith.constant 1280 : i32
        %mul3A_314 = arith.muli %add3A_171, %mul3A_313 : i32
        %add3A_315 = arith.constant 35200000 : i32
        %add3A_316 = arith.addi %add3A_315, %mul3A_314 : i32
        %dma_start3A_317 = arith.constant 14080 : i32
        %dma_start3A_318 = tpu.memref_slice %arg14[%dma_start3A_317] : memref<15360xf32, #tpu.memory_space<vmem>> -> memref<1280xf32, #tpu.memory_space<vmem>>
        %dma_start3A_319 = tpu.memref_slice %arg5[%add3A_316] : memref<38400000xf32, #tpu.memory_space<hbm>> -> memref<1280xf32, #tpu.memory_space<hbm>>
        %dma_start3A_320 = tpu.memref_slice %arg5[%add3A_316] : memref<38400000xf32, #tpu.memory_space<hbm>> -> memref<1280xf32, #tpu.memory_space<hbm>>
        %dma_start3A_321 = arith.constant 14080 : i32
        %dma_start3A_322 = tpu.memref_slice %arg14[%dma_start3A_321] : memref<15360xf32, #tpu.memory_space<vmem>> -> memref<1280xf32, #tpu.memory_space<vmem>>
        tpu.enqueue_dma source(%dma_start3A_322 : memref<1280xf32, #tpu.memory_space<vmem>>) target(%dma_start3A_320 : memref<1280xf32, #tpu.memory_space<hbm>>) target_semaphore(%arg18 : memref<!tpu.dma_semaphore, #tpu.memory_space<semaphore_mem>>)
      } else {
      }
    }
    %scan3A_128 = arith.constant 40 : i32
    %add3A_129 = arith.constant 2496 : i32
    %add3A_130 = arith.addi %add3A, %add3A_129 : i32
    %lt3A = arith.constant 2500 : i32
    %lt3A_131 = arith.cmpi slt, %add3A_130, %lt3A : i32
    %convert_element_type3A = arith.extui %lt3A_131 : i1 to i32
    %cond3A = arith.constant 0 : i32
    %cond3A_132 = arith.cmpi ne, %convert_element_type3A, %cond3A : i32
    scf.if %cond3A_132 {
      %dma_wait3A = arith.constant 0 : i32
      %dma_wait3A_140 = tpu.memref_slice %arg5[%dma_wait3A] : memref<38400000xf32, #tpu.memory_space<hbm>> -> memref<15360xf32, #tpu.memory_space<hbm>>
      %dma_wait3A_141 = arith.constant 0 : i32
      %dma_wait3A_142 = tpu.memref_slice %arg5[%dma_wait3A_141] : memref<38400000xf32, #tpu.memory_space<hbm>> -> memref<15360xf32, #tpu.memory_space<hbm>>
      tpu.wait_dma2 semaphore(%arg17 : memref<!tpu.dma_semaphore, #tpu.memory_space<semaphore_mem>>) src(%arg13 : memref<15360xf32, #tpu.memory_space<vmem>>) dst(%dma_wait3A_142 : memref<15360xf32, #tpu.memory_space<hbm>>)
    } else {
    }
    %add3A_133 = arith.constant 2528 : i32
    %add3A_134 = arith.addi %add3A, %add3A_133 : i32
    %lt3A_135 = arith.constant 2500 : i32
    %lt3A_136 = arith.cmpi slt, %add3A_134, %lt3A_135 : i32
    %convert_element_type3A_137 = arith.extui %lt3A_136 : i1 to i32
    %cond3A_138 = arith.constant 0 : i32
    %cond3A_139 = arith.cmpi ne, %convert_element_type3A_137, %cond3A_138 : i32
    scf.if %cond3A_139 {
      %dma_wait3A = arith.constant 0 : i32
      %dma_wait3A_140 = tpu.memref_slice %arg5[%dma_wait3A] : memref<38400000xf32, #tpu.memory_space<hbm>> -> memref<15360xf32, #tpu.memory_space<hbm>>
      %dma_wait3A_141 = arith.constant 0 : i32
      %dma_wait3A_142 = tpu.memref_slice %arg5[%dma_wait3A_141] : memref<38400000xf32, #tpu.memory_space<hbm>> -> memref<15360xf32, #tpu.memory_space<hbm>>
      tpu.wait_dma2 semaphore(%arg18 : memref<!tpu.dma_semaphore, #tpu.memory_space<semaphore_mem>>) src(%arg14 : memref<15360xf32, #tpu.memory_space<vmem>>) dst(%dma_wait3A_142 : memref<15360xf32, #tpu.memory_space<hbm>>)
    } else {
    }
    return
  }
}

module attributes {stable_mosaic.version = 14 : i64} {
  func.func @_mlp_body(%arg0: i32, %arg1: memref<1000x24xf32, #tpu.memory_space<vmem>>, %arg2: memref<24x128xf32, #tpu.memory_space<vmem>>, %arg3: memref<1x128xf32, #tpu.memory_space<vmem>>, %arg4: memref<128x1xf32, #tpu.memory_space<vmem>>, %arg5: memref<1x1xf32, #tpu.memory_space<vmem>>, %arg6: memref<1000x1xf32, #tpu.memory_space<vmem>>) attributes {dimension_semantics = [#tpu.dimension_semantics<arbitrary>], iteration_bounds = array<i64: 50>, scalar_prefetch = 0 : i64, scratch_operands = 0 : i64, tpu.core_type = #tpu.core_type<tc>, window_params = [{transform_indices = @transform_0, window_bounds = array<i64: 1000, 24>}, {pipeline_mode = #tpu.pipeline_mode<synchronous>, transform_indices = @transform_1, window_bounds = array<i64: 24, 128>}, {pipeline_mode = #tpu.pipeline_mode<synchronous>, transform_indices = @transform_2, window_bounds = array<i64: 1, 128>}, {pipeline_mode = #tpu.pipeline_mode<synchronous>, transform_indices = @transform_3, window_bounds = array<i64: 128, 1>}, {pipeline_mode = #tpu.pipeline_mode<synchronous>, transform_indices = @transform_4, window_bounds = array<i64: 1, 1>}, {transform_indices = @transform_5, window_bounds = array<i64: 1000, 1>}]} {
    %get3A = arith.constant 0 : index
    %get3A_0 = arith.constant 0 : index
    %get3A_1 = vector.load %arg1[%get3A, %get3A_0] : memref<1000x24xf32, #tpu.memory_space<vmem>>, vector<1000x24xf32>
    %get3A_2 = arith.constant 0 : index
    %get3A_3 = arith.constant 0 : index
    %get3A_4 = vector.load %arg2[%get3A_2, %get3A_3] : memref<24x128xf32, #tpu.memory_space<vmem>>, vector<24x128xf32>
    %dot_general3A = arith.constant dense<0.000000e+00> : vector<1000x128xf32>
    %dot_general3A_5 = tpu.matmul %get3A_1, %get3A_4, %dot_general3A {dimension_numbers = #tpu.dot_dimension_numbers<[1], [0], [0], [1], [0, 0, 1, 1], [], []>, transpose_lhs_hint = false} : vector<1000x24xf32>, vector<24x128xf32>, vector<1000x128xf32> -> vector<1000x128xf32>
    %get3A_6 = arith.constant 0 : index
    %get3A_7 = arith.constant 0 : index
    %get3A_8 = vector.load %arg3[%get3A_6, %get3A_7] : memref<1x128xf32, #tpu.memory_space<vmem>>, vector<1x128xf32>
    %add3A = vector.broadcast %get3A_8 : vector<1x128xf32> to vector<1000x128xf32>
    %add3A_9 = arith.addf %dot_general3A_5, %add3A : vector<1000x128xf32>
    %neg3A = arith.constant 0.000000e+00 : f32
    %neg3A_10 = vector.broadcast %neg3A : f32 to vector<1000x128xf32>
    %neg3A_11 = arith.subf %neg3A_10, %add3A_9 : vector<1000x128xf32>
    %exp3A = math.exp %neg3A_11 : vector<1000x128xf32>
    %add3A_12 = arith.constant 1.000000e+00 : f32
    %add3A_13 = vector.broadcast %add3A_12 : f32 to vector<1000x128xf32>
    %add3A_14 = arith.addf %add3A_13, %exp3A : vector<1000x128xf32>
    %div3A = arith.constant 1.000000e+00 : f32
    %div3A_15 = vector.broadcast %div3A : f32 to vector<1000x128xf32>
    %div3A_16 = arith.divf %div3A_15, %add3A_14 : vector<1000x128xf32>
    %mul3A = arith.mulf %add3A_9, %div3A_16 : vector<1000x128xf32>
    %get3A_17 = arith.constant 0 : index
    %get3A_18 = arith.constant 0 : index
    %get3A_19 = vector.load %arg4[%get3A_17, %get3A_18] : memref<128x1xf32, #tpu.memory_space<vmem>>, vector<128x1xf32>
    %dot_general3A_20 = arith.constant dense<0.000000e+00> : vector<1000x1xf32>
    %dot_general3A_21 = tpu.matmul %mul3A, %get3A_19, %dot_general3A_20 {dimension_numbers = #tpu.dot_dimension_numbers<[1], [0], [0], [1], [0, 0, 1, 1], [], []>, transpose_lhs_hint = false} : vector<1000x128xf32>, vector<128x1xf32>, vector<1000x1xf32> -> vector<1000x1xf32>
    %get3A_22 = arith.constant 0 : index
    %get3A_23 = arith.constant 0 : index
    %get3A_24 = vector.load %arg5[%get3A_22, %get3A_23] : memref<1x1xf32, #tpu.memory_space<vmem>>, vector<1x1xf32>
    %add3A_25 = vector.broadcast %get3A_24 : vector<1x1xf32> to vector<1000x1xf32>
    %add3A_26 = arith.addf %dot_general3A_21, %add3A_25 : vector<1000x1xf32>
    %swap3A = arith.constant 0 : index
    %swap3A_27 = arith.constant 0 : index
    %swap3A_28 = vector.load %arg6[%swap3A, %swap3A_27] : memref<1000x1xf32, #tpu.memory_space<vmem>>, vector<1000x1xf32>
    tpu.vector_store %arg6[%swap3A, %swap3A_27], %add3A_26 {strides = array<i32>} : memref<1000x1xf32, #tpu.memory_space<vmem>>, vector<1000x1xf32>,
    return
  }
  func.func @transform_0(%arg0: i32) -> (i32, i32) {
    %c0_i32 = arith.constant 0 : i32
    %c0_i32_0 = arith.constant 0 : i32
    return %arg0, %c0_i32 : i32, i32
  }
  func.func @transform_1(%arg0: i32) -> (i32, i32) {
    %c0_i32 = arith.constant 0 : i32
    %c0_i32_0 = arith.constant 0 : i32
    %c0_i32_1 = arith.constant 0 : i32
    return %c0_i32, %c0_i32_0 : i32, i32
  }
  func.func @transform_2(%arg0: i32) -> (i32, i32) {
    %c0_i32 = arith.constant 0 : i32
    %c0_i32_0 = arith.constant 0 : i32
    %c0_i32_1 = arith.constant 0 : i32
    return %c0_i32, %c0_i32_0 : i32, i32
  }
  func.func @transform_3(%arg0: i32) -> (i32, i32) {
    %c0_i32 = arith.constant 0 : i32
    %c0_i32_0 = arith.constant 0 : i32
    %c0_i32_1 = arith.constant 0 : i32
    return %c0_i32, %c0_i32_0 : i32, i32
  }
  func.func @transform_4(%arg0: i32) -> (i32, i32) {
    %c0_i32 = arith.constant 0 : i32
    %c0_i32_0 = arith.constant 0 : i32
    %c0_i32_1 = arith.constant 0 : i32
    return %c0_i32, %c0_i32_0 : i32, i32
  }
  func.func @transform_5(%arg0: i32) -> (i32, i32) {
    %c0_i32 = arith.constant 0 : i32
    %c0_i32_0 = arith.constant 0 : i32
    return %arg0, %c0_i32 : i32, i32
  }
}

</mosaic_0001>

<sc_bundles>
// kernel: kernel.4.cloned.1.call-start
scs
__scs_entry_jumppad:
0x0: {  	(pc) =	sbr.rel $0x88, $3  }
0x1: {  	(tag) =	ssettag $0x0;
	lr =	simm.s32 $0x1  }
0x2: {  	[smem:$0x3F9A] =	sst lr;
	_ =	strace $0xD0000000  }
0x3: {  	_ = 	snop  }
0x4: {  	_ = 	snop  }
0x5: {  	_ = 	snop  }
0x6: {  	_ = 	snop  }
0x7: {  	_ = 	snop  }
__scs_overlays_trampoline_lowered:
0x8: {  	[smem:$0x3FA9] =	sst s0  }
0x9: {  	[smem:$0x3FAA] =	sst s1  }
0xa: {  	[smem:$0x3FAB] =	sst s2  }
0xb: {  	[smem:$0x3FAC] =	sst s3  }
0xc: {  	[smem:$0x3FAD] =	sst s4  }
0xd: {  	[smem:$0x3FAE] =	sst s5  }
0xe: {  	[smem:$0x3FAF] =	sst s6  }
0xf: {  	[smem:$0x3FB0] =	sst s7  }
0x10: {  	[smem:$0x3FB1] =	sst s8  }
0x11: {  	[smem:$0x3FB2] =	sst s9;
	s0 =	simm.s32 @!p0 $0x0  }
0x12: {  	s1 =	sld [smem:$0x3F98];
	s0 =	simm.s32 @p0 $0x1  }
0x13: {  	[smem:$0x3FB3] =	sst s0;
	s0 =	simm.s32 @!p1 $0x0  }
0x14: {  	s2 =	sld [smem:$0x3F97];
	s0 =	simm.s32 @p1 $0x1  }
0x15: {  	[smem:$0x3FB4] =	sst s0;
	s0 =	simm.s32 @!p2 $0x0  }
0x16: {  	s3 =	sld [smem:$0x3FDB];
	s0 =	simm.s32 @p2 $0x1  }
0x17: {  	s4 =	simm.s32 $0x1BF5;
	[smem:$0x3FB6] =	sst s0  }
0x18: {  	s0 =	sld [smem:$0x3F99];
	_ =	swait.ge [sflag:s4], $0x0  }
0x19: {  	s7 =	sld [smem:$0x3F9A]  }
0x1a: {  	s8 =	sadd.s32 $0xFFFFE003, lr  }
0x1b: {  	s9 =	sadd.s32 $0xFFFFFEF7, lr;
	s5 =	simm.s32 $0xFFFFFFFF;
	p2 =	slt.u32 s8, $0xFFFFF086  }
0x1c: {  	p1 =	slt.u32 s9, $0xF7A;
	s5 =	simm.s32 @!p2 $0x0  }
0x1d: {  	s5 =	simm.s32 @p1 $0x1;
	p0 =	seq.s32 s7, s2  }
0x1e: {  	s7 =	smul.u32 @!p0 $0xF7A, s2;
	p2 =	seq.s32 @!p0 s5, $0x0  }
0x1f: {  	s9 =	smul.u32 $0xF7A, s1;
	s8 =	simm.s32 @!p0 $0x1BF5;
	p2 =	por !p2, p0  }
0x20: {  	[sflag:s8] =	ssyncset.s32 @!p0 $0xFFFFF086;
	s6 =	sadd.s32 @!p0 s3, s7;
	s7 =	simm.s32 @!p0 $0x108  }
0x21: {  	s3 =	sadd.s32 s3, s9;
	s6 =	sadd.s32 @!p0 $0x88, s6;
	s7 =	simm.s32 @p2 $0x1082  }
0x22: {  	[simem:s7], [sflag:s8] =	dma.local @!p0 [hbm:s6], $0xF7A  }
0x23: {  	s9 =	sor.u32 $0xD0000000, s2;
	s6 =	simm.s32 $0x108;
	_ =	swait.ge @!p0 [sflag:s8], $0x0  }
0x24: {  	s3 =	sadd.s32 $0x88, s3;
	s6 =	simm.s32 @!p1 $0x1082;
	[sflag:s4] =	ssyncset.s32 $0xFFFFF086  }
0x25: {  	[simem:s6], [sflag:s4] =	dma.local [hbm:s3], $0xF7A  }
0x26: {  	[smem:$0x3F9A] =	sst s1;
	(tag) =	ssettag s2;
	_ =	strace s9  }
0x27: {  	s1 =	sld [smem:$0x3FAA]  }
0x28: {  	s2 =	sld [smem:$0x3FAB]  }
0x29: {  	s4 =	sld [smem:$0x3FAD]  }
0x2a: {  	p0 =	seq.s32 s5, $0x0;
	s5 =	sld [smem:$0x3FAE]  }
0x2b: {  	s6 =	sld [smem:$0x3FAF]  }
0x2c: {  	s7 =	sld [smem:$0x3FB0]  }
0x2d: {  	s3 =	simm.s32 $0x108;
	s8 =	sld [smem:$0x3FB1]  }
0x2e: {  	s3 =	simm.s32 @!p0 $0x1082;
	s9 =	sld [smem:$0x3FB2]  }
0x2f: {  	lr =	sadd.s32 s0, s3;
	s0 =	sld [smem:$0x3FA9]  }
0x30: {  	s3 =	sld [smem:$0x3FAC]  }
0x31: {  	[smem:$0x3FB5] =	sst s10  }
0x32: {  	s10 =	sld [smem:$0x3FB3];
	_ =	sdelay $0x3  }
0x33: {  	p0 =	seq.s32 s10, $0x1;
	s10 =	sld [smem:$0x3FB5];
	_ =	sdelay $0x3  }
0x34: {  	[smem:$0x3FB5] =	sst s10  }
0x35: {  	s10 =	sld [smem:$0x3FB4];
	_ =	sdelay $0x3  }
0x36: {  	p1 =	seq.s32 s10, $0x1;
	s10 =	sld [smem:$0x3FB5];
	_ =	sdelay $0x3  }
0x37: {  	[smem:$0x3FB5] =	sst s10  }
0x38: {  	s10 =	sld [smem:$0x3FB6]  }
0x39: {  	_ = 	snop;
	(pc) =	sbr.ind lr, $3  }
0x3a: {  	_ = 	snop  }
0x3b: {  	_ = 	snop  }
0x3c: {  	p2 =	seq.s32 s10, $0x1;
	s10 =	sld [smem:$0x3FB5]  }
0x3d: {  	_ =	shalt  }
0x3e: {  	_ =	shalt  }
0x3f: {  	_ =	shalt  }
0x40: {  	_ =	shalt  }
0x41: {  	_ =	shalt  }
0x42: {  	_ =	shalt  }
0x43: {  	_ =	shalt  }
0x44: {  	_ =	shalt  }
0x45: {  	_ =	shalt  }
0x46: {  	_ =	shalt  }
0x47: {  	_ =	shalt  }
0x48: {  	_ =	shalt  }
0x49: {  	_ =	shalt  }
0x4a: {  	_ =	shalt  }
0x4b: {  	_ =	shalt  }
0x4c: {  	_ =	shalt  }
0x4d: {  	_ =	shalt  }
0x4e: {  	_ =	shalt  }
0x4f: {  	_ =	shalt  }
0x50: {  	_ =	shalt  }
0x51: {  	_ =	shalt  }
0x52: {  	_ =	shalt  }
0x53: {  	_ =	shalt  }
0x54: {  	_ =	shalt  }
0x55: {  	_ =	shalt  }
0x56: {  	_ =	shalt  }
0x57: {  	_ =	shalt  }
0x58: {  	_ =	shalt  }
0x59: {  	_ =	shalt  }
0x5a: {  	_ =	shalt  }
0x5b: {  	_ =	shalt  }
0x5c: {  	_ =	shalt  }
0x5d: {  	_ =	shalt  }
0x5e: {  	_ =	shalt  }
0x5f: {  	_ =	shalt  }
0x60: {  	_ =	shalt  }
0x61: {  	_ =	shalt  }
0x62: {  	_ =	shalt  }
0x63: {  	_ =	shalt  }
0x64: {  	_ =	shalt  }
0x65: {  	_ =	shalt  }
0x66: {  	_ =	shalt  }
0x67: {  	_ =	shalt  }
0x68: {  	_ =	shalt  }
0x69: {  	_ =	shalt  }
0x6a: {  	_ =	shalt  }
0x6b: {  	_ =	shalt  }
0x6c: {  	_ =	shalt  }
0x6d: {  	_ =	shalt  }
0x6e: {  	_ =	shalt  }
0x6f: {  	_ =	shalt  }
0x70: {  	_ =	shalt  }
0x71: {  	_ =	shalt  }
0x72: {  	_ =	shalt  }
0x73: {  	_ =	shalt  }
0x74: {  	_ =	shalt  }
0x75: {  	_ =	shalt  }
0x76: {  	_ =	shalt  }
0x77: {  	_ =	shalt  }
0x78: {  	_ =	shalt  }
0x79: {  	_ =	shalt  }
0x7a: {  	_ =	shalt  }
0x7b: {  	_ =	shalt  }
0x7c: {  	_ =	shalt  }
0x7d: {  	_ =	shalt  }
0x7e: {  	_ =	shalt  }
0x7f: {  	_ =	shalt  }
0x80: {  	_ =	shalt  }
0x81: {  	_ =	shalt  }
0x82: {  	_ =	shalt  }
0x83: {  	_ =	shalt  }
0x84: {  	_ =	shalt  }
0x85: {  	_ =	shalt  }
0x86: {  	_ =	shalt  }
0x87: {  	_ =	shalt  }
.Lfunc_end0:
.L_simem_size_0:
called_computation.1_lowered:
.L_overlay_start_0:
0x88: {  	s2 =	sld [smem:$0x3FD9]  }
0x89: {  	s3 =	sld [smem:$0x3FFE];
	_ =	sdelay $0x1  }
0x8a: {  	s1 =	srdreg.scid  }
0x8b: {  	s0 =	sand.u32 $0x1, s1  }
0x8c: {  	s17 =	sshll.u32 s0, $0xA;
	s2 =	sadd.s32 s3, s2  }
0x8d: {  	s2 =	sadd.s32 s2, s17  }
0x8e: {  	[smem:$0x3FC1] =	sst s2  }
0x8f: {  	_ = 	snop  }
0x90: {  	s2 =	sld [smem:$0x3FD0];
	(tm) =	ssettm $0x1  }
0x91: {  	s18 =	sld [smem:$0x3FFB];
	_ =	sdelay $0x3  }
0x92: {  	_ =	strace s18  }
0x93: {  	s3 =	sld [smem:$0x3FFC];
	_ =	sdelay $0x3  }
0x94: {  	_ =	strace s3  }
0x95: {  	s3 =	sld [smem:$0x3FFD];
	_ =	sdelay $0x3  }
0x96: {  	_ =	strace s3  }
0x97: {  	_ =	strace $0x8FFFFFFF  }
0x98: {  	s19 =	sld [smem:$0x3FDB];
	_ =	sdelay $0x1  }
0x99: {  	s4 =	simm.s32 $_scs_section_size  }
0x9a: {  	s5 =	simm.s32 $_size__tile_overlayer_lowered;
	s6 =	simm.s32 $_tile_overlayer_lowered  }
0x9b: {  	s22 =	simm.s32 $0x1BFF;
	s21 =	sshll.u32 s6, $0x1;
	s3 =	sadd.s32 s4, s19  }
0x9c: {  	s7 =	simm.s32 $0x0;
	s20 =	sshll.u32 s5, $0x1;
	s5 =	sadd.s32 s21, s3  }
0x9d: {  	[timem:s7], [sflag:s22] =	dma.local [hbm:s5], s20  }
0x9e: {  	_ =	swait.ge [sflag:s22], s20  }
0x9f: {  	s4 =	ssub.s32 $0x0, s20;
	[sflag:s22] =	ssyncset.done $0x0  }
0xa0: {  	[sflag:s22] =	ssyncadd.s32 s4;
	_ =	sdelay $0x1  }
0xa1: {  	s23 =	simm.s32 $0x1B8B  }
0xa2: {  	_ =	swait.ge [sflag:s23], $0x1  }
0xa3: {  	[sflag:s23] =	ssyncset.done $0x0  }
0xa4: {  	s25 =	simm.s32 $0x1B8E;
	s24 =	sld [smem:$0x3FFE];
	[sflag:s23] =	ssyncadd.s32 $0xFFFFFFFF  }
0xa5: {  	s26 =	simm.s32 $execute0_lowered;
	[smem:$0x3FD2] =	sst s25  }
0xa6: {  	s5 =	sshll.u32 s26, $0x1;
	_ =	strace $0x80000049;
	[dreg:$0x1] =	wrdreg $0xFFFFFFFF  }
0xa7: {  	s28 =	simm.s32 $_size_execute0_lowered;
	s3 =	sadd.s32 s3, s5;
	[dreg:$0x0] =	wrdreg $0x0  }
0xa8: {  	s5 =	sshll.u32 s28, $0x1;
	[dreg:$0x2] =	wrdreg s3  }
0xa9: {  	[dreg:$0x3] =	wrdreg s5  }
0xaa: {  	[dreg:$0x4] =	wrdreg $0xC0  }
0xab: {  	_ =	task [dreg:s7], $0x5FFFF  }
0xac: {  	[dreg:$0x1] =	wrdreg $0xFFFFFFFF  }
0xad: {  	[dreg:$0x0] =	wrdreg $0x60  }
0xae: {  	[dreg:$0x2] =	wrdreg s24  }
0xaf: {  	[dreg:$0x3] =	wrdreg s2  }
0xb0: {  	[dreg:$0x4] =	wrdreg $0x9  }
0xb1: {  	_ =	task.clear_ibuf [dreg:s7], $0x5FFFF;
	_ =	strace $0x90000049  }
0xb2: {  	s29 =	simm.s32 $0x9;
	_ =	strace $0x8000004B  }
0xb3: {  	_ =	swait.ge [sflag:s29], $0x1  }
0xb4: {  	[sflag:s29] =	ssyncadd.s32 $0xFFFFFFFF  }
0xb5: {  	_ =	strace $0x9000004B  }
0xb6: {  	_ =	sfence  }
0xb7: {  	s30 =	sld [smem:$0x0];
	_ =	sdelay $0x2  }
0xb8: {  	s31 =	sshll.u32 s1, $0xD;
	s1 =	sshrl.u32 s1, $0x2  }
0xb9: {  	s3 =	sand.u32 $0x4000, s31;
	s1 =	sadd.s32 s1, s30  }
0xba: {  	s0 =	sor.u32 s3, s0;
	s1 =	sshll.u32 s1, $0x11  }
0xbb: {  	s0 =	sor.u32 s1, s0  }
0xbc: {  	s0 =	sadd.s32 $0x8F2B, s0  }
0xbd: {  	[sflag:s0] =	ssyncadd.remote.s32 $0x1  }
0xbe: {  	_ =	sfence.sel $0xFFFF  }
0xbf: {  	[dreg:$0x0] =	wrdreg $0xFFFFFFFF;
	(pc) =	sbr.abs _section_cstart, $3  }
0xc0: {  	[dreg:$0x1] =	wrdreg $0xFFFFFFFF  }
0xc1: {  	_ =	task.clear_ibuf [dreg:s7], $0x2FFFF;
	_ =	strace $0x9FFFFFFF  }
0xc2: {  	(tm) =	ssettm $0x7FFFFFFF  }
0xc3: {  	_ =	shalt  }
tec
execute0_lowered:
.L_overlay_start_1:
0x0: {  	(tag) =	ssettag $0x1  }
0x1: {  	s0 =	rddreg [dreg:$0x0]  }
0x2: {  	s1 =	srdreg.scid;
	s3 =	stileid.u32;
	s4 =	simm.s32 $0x0  }
0x3: {  	s1 =	sand.u32 $0x1, s1;
	s2 =	sshll.u32 s3, $0x1;
	[smem:$0x7FF] =	sst s4  }
0x4: {  	s16 =	sadd.s32 $0xA4F200, s0;
	s17 =	sadd.s32 $0x496000, s0;
	s2 =	sor.u32 s1, s2  }
0x5: {  	s18 =	ssub.s32 $0x2, s1;
	[smem:$0x7EC] =	sst s2;
	s2 =	smul.u32 $0x500, s2  }
0x6: {  	s22 =	sshrl.u32 s18, $0x1;
	_ =	strace $0x8000004A;
	[smem:$0x7ED] =	sst s16  }
0x7: {  	s5 =	sadd.s32 $0x92A000, s0;
	[smem:$0x7EE] =	sst s17;
	s0 =	ssub.s32 s18, s22  }
0x8: {  	[smem:$0x7F6] =	sst s5;
	s2 =	sshrl.u32 s2, $0x3;
	s0 =	smax.u32 s0, $0x1  }
0x9: {  	s26 =	sadd.s32 s5, s2;
	[smem:$0x7FD] =	sst s0  }
0xa: {  	s4 =	sadd.s32 s17, s2;
	[smem:$0x7F7] =	sst s26  }
0xb: {  	s19 =	sadd.s32 $0x61A80, s4;
	[smem:$0x7FB] =	sst s4  }
0xc: {  	s20 =	sadd.s32 $0xC3500, s4;
	[smem:$0x7EF] =	sst s19  }
0xd: {  	s21 =	sadd.s32 $0x124F80, s4;
	[smem:$0x7F0] =	sst s20  }
0xe: {  	s6 =	sadd.s32 $0x186A00, s4;
	[smem:$0x7F1] =	sst s21  }
0xf: {  	s23 =	sadd.s32 $0x1E8480, s4;
	[smem:$0x7F2] =	sst s6  }
0x10: {  	s24 =	sadd.s32 $0x249F00, s4;
	[smem:$0x7F3] =	sst s23  }
0x11: {  	s25 =	sadd.s32 $0x2AB980, s4;
	[smem:$0x7F4] =	sst s24  }
.Ltmp0:
0x12: {  	s28 =	sadd.s32 $0x30D400, s4;
	[smem:$0x7F5] =	sst s25;
	(pc) =	sbr.rel .LBB2_1-.Ltmp0, $4  }
0x13: {  	s29 =	sadd.s32 $0x36EE80, s4;
	[smem:$0x7F8] =	sst s28  }
0x14: {  	s30 =	sadd.s32 $0x3D0900, s4;
	[smem:$0x7F9] =	sst s29  }
0x15: {  	s31 =	sadd.s32 $0x432380, s4;
	[smem:$0x7FA] =	sst s30  }
0x16: {  	p0 =	sgt.u32 s3, $0x1;
	s2 =	simm.s32 $0x0;
	[smem:$0x7FC] =	sst s31  }
.LBB2_15:
0x17: {  	s0 =	simm.s32 @!p0 $0x3  }
0x18: {  	_ =	swait.ge @!p0 [sflag:s0], $0x3C00  }
0x19: {  	s2 =	sld [smem:$0x7EB]  }
0x1a: {  	s1 =	sld [smem:$0x7FD];
	_ =	sdelay $0x1  }
0x1b: {  	s2 =	sadd.s32 $0x1, s2  }
0x1c: {  	p1 =	sne.s32 s2, s1  }
.Ltmp1:
0x1d: {  	_ = 	snop;
	(pc) =	sbr.rel @!p1 .LBB2_16-.Ltmp1, $3  }
0x1e: {  	_ =	sdelay $0x1  }
0x1f: {  	[sflag:s0] =	ssyncset.done @!p0 $0x0  }
0x20: {  	[sflag:s0] =	ssyncadd.s32 @!p0 $0xFFFFC400  }
.LBB2_1:
0x21: {  	s1 =	sld [smem:$0x7ED];
	_ =	sdelay $0x1  }
0x22: {  	[smem:$0x7EB] =	sst s2;
	s0 =	simm.s32 $0x0;
	s4 =	simm.s32 $0x5  }
0x23: {  	[tilespmem:s0], [sflag:$0x5] =	stream.linear.gather [hbm4b:s1+s0], $0xC380, $0x38;
	[tilespmem:$0x1C280] =	vst v63  }
0x24: {  	_ =	swait.ge [sflag:s4], $0xC380  }
0x25: {  	s5 =	sld [smem:$0x7F7]  }
0x26: {  	[sflag:s4] =	ssyncset.done $0x0  }
0x27: {  	s6 =	simm.s32 $0xC380;
	s7 =	sld [smem:$0x7FB];
	[sflag:s4] =	ssyncadd.s32 $0xFFFF3C80  }
0x28: {  	[tilespmem:s6], [sflag:$0x1] =	stream.linear.gather [hbm4b:s5+s0], $0x500, $0x38;
	[tilespmem:$0x1C280] =	vst v63  }
0x29: {  	s8 =	simm.s32 $0xD280;
	s9 =	sld [smem:$0x7EF]  }
0x2a: {  	[tilespmem:s8], [sflag:$0x1] =	stream.linear.gather [hbm4b:s7+s0], $0x500, $0x38;
	[tilespmem:$0x1C280] =	vst v63  }
0x2b: {  	s10 =	simm.s32 $0xD780;
	s11 =	sld [smem:$0x7F0]  }
0x2c: {  	[tilespmem:s10], [sflag:$0x1] =	stream.linear.gather [hbm4b:s9+s0], $0x500, $0x38;
	[tilespmem:$0x1C280] =	vst v63  }
0x2d: {  	s12 =	simm.s32 $0xDC80;
	s13 =	sld [smem:$0x7F1]  }
0x2e: {  	[tilespmem:s12], [sflag:$0x1] =	stream.linear.gather [hbm4b:s11+s0], $0x500, $0x38;
	[tilespmem:$0x1C280] =	vst v63  }
0x2f: {  	s14 =	simm.s32 $0xE180;
	s15 =	sld [smem:$0x7F2]  }
0x30: {  	[tilespmem:s14], [sflag:$0x1] =	stream.linear.gather [hbm4b:s13+s0], $0x500, $0x38;
	[tilespmem:$0x1C280] =	vst v63  }
0x31: {  	s16 =	simm.s32 $0xE680;
	s17 =	sld [smem:$0x7F3]  }
0x32: {  	[tilespmem:s16], [sflag:$0x1] =	stream.linear.gather [hbm4b:s15+s0], $0x500, $0x38;
	[tilespmem:$0x1C280] =	vst v63  }
0x33: {  	s18 =	simm.s32 $0xEB80;
	s19 =	sld [smem:$0x7F4]  }
0x34: {  	[tilespmem:s18], [sflag:$0x1] =	stream.linear.gather [hbm4b:s17+s0], $0x500, $0x38;
	[tilespmem:$0x1C280] =	vst v63  }
0x35: {  	s20 =	simm.s32 $0xF080;
	s21 =	sld [smem:$0x7F5]  }
0x36: {  	[tilespmem:s20], [sflag:$0x1] =	stream.linear.gather [hbm4b:s19+s0], $0x500, $0x38;
	[tilespmem:$0x1C280] =	vst v63  }
0x37: {  	s22 =	simm.s32 $0xF580;
	s23 =	sld [smem:$0x7F8]  }
0x38: {  	[tilespmem:s22], [sflag:$0x1] =	stream.linear.gather [hbm4b:s21+s0], $0x500, $0x38;
	[tilespmem:$0x1C280] =	vst v63  }
0x39: {  	s24 =	simm.s32 $0xFA80;
	s25 =	sld [smem:$0x7F9]  }
0x3a: {  	[tilespmem:s24], [sflag:$0x1] =	stream.linear.gather [hbm4b:s23+s0], $0x500, $0x38;
	[tilespmem:$0x1C280] =	vst v63  }
0x3b: {  	s26 =	simm.s32 $0xFF80;
	s28 =	sld [smem:$0x7FA]  }
0x3c: {  	[tilespmem:s26], [sflag:$0x1] =	stream.linear.gather [hbm4b:s25+s0], $0x500, $0x38;
	[tilespmem:$0x1C280] =	vst v63  }
.Ltmp2:
0x3d: {  	_ = 	snop;
	(pc) =	sbr.rel .LBB2_2-.Ltmp2, $4  }
0x3e: {  	s29 =	simm.s32 $0x10480;
	s30 =	sld [smem:$0x7FC]  }
0x3f: {  	[tilespmem:s29], [sflag:$0x1] =	stream.linear.gather [hbm4b:s28+s0], $0x500, $0x38;
	[tilespmem:$0x1C280] =	vst v63  }
0x40: {  	s31 =	simm.s32 $0x10980;
	s4 =	simm.s32 $0x0  }
0x41: {  	[tilespmem:s31], [sflag:$0x1] =	stream.linear.gather [hbm4b:s30+s0], $0x500, $0x38;
	[tilespmem:$0x1C280] =	vst v63  }
.LBB2_14:
0x42: {  	s4 =	sadd.s32 $0x1, s4  }
0x43: {  	p1 =	sne.s32 s4, $0x28  }
.Ltmp3:
0x44: {  	_ = 	snop;
	(pc) =	sbr.rel @!p1 .LBB2_15-.Ltmp3, $1  }
0x45: {  	_ =	sdelay $0x3  }
.LBB2_2:
0x46: {  	s1 =	sld [smem:$0x7EC];
	_ =	sdelay $0x1  }
0x47: {  	s0 =	sshll.u32 s4, $0x6  }
0x48: {  	s5 =	sor.u32 s1, s0  }
0x49: {  	s0 =	sor.u32 $0x20, s5  }
0x4a: {  	s1 =	sld [smem:$0x7F6];
	p1 =	sgt.u32 s0, $0x9C3  }
0x4b: {  	[smem:$0x7E9] =	sst s0;
	s0 =	smul.u32 @!p1 $0x500, s0  }
0x4c: {  	_ = 	snop  }
0x4d: {  	s0 =	sshrl.u32 @!p1 s0, $0x3  }
0x4e: {  	s2 =	simm.s32 @!p1 $0x0;
	s3 =	simm.s32 @!p1 $0xC880;
	s1 =	sadd.s32 @!p1 s1, s0  }
0x4f: {  	[tilespmem:s3], [sflag:$0x2] =	stream.linear.gather @!p1 [hbm4b:s1+s2], $0x500, $0x38;
	[tilespmem:$0x1C280] =	vst v63  }
0x50: {  	s1 =	sld [smem:$0x7EE];
	_ =	sdelay $0x2  }
0x51: {  	s0 =	sadd.s32 @!p1 s1, s0;
	s1 =	simm.s32 @!p1 $0x10E80  }
0x52: {  	[tilespmem:s1], [sflag:$0x2] =	stream.linear.gather @!p1 [hbm4b:s0+s2], $0x500, $0x38;
	[tilespmem:$0x1C280] =	vst v63  }
0x53: {  	s3 =	simm.s32 @!p1 $0x11380;
	s1 =	sadd.s32 @!p1 $0x61A80, s0  }
0x54: {  	[tilespmem:s3], [sflag:$0x2] =	stream.linear.gather @!p1 [hbm4b:s1+s2], $0x500, $0x38;
	[tilespmem:$0x1C280] =	vst v63  }
0x55: {  	s1 =	sadd.s32 @!p1 $0xC3500, s0;
	s3 =	simm.s32 @!p1 $0x11880  }
0x56: {  	[tilespmem:s3], [sflag:$0x2] =	stream.linear.gather @!p1 [hbm4b:s1+s2], $0x500, $0x38;
	[tilespmem:$0x1C280] =	vst v63  }
0x57: {  	s1 =	sadd.s32 @!p1 $0x124F80, s0;
	s3 =	simm.s32 @!p1 $0x11D80  }
0x58: {  	[tilespmem:s3], [sflag:$0x2] =	stream.linear.gather @!p1 [hbm4b:s1+s2], $0x500, $0x38;
	[tilespmem:$0x1C280] =	vst v63  }
0x59: {  	s1 =	sadd.s32 @!p1 $0x186A00, s0;
	s3 =	simm.s32 @!p1 $0x12280  }
0x5a: {  	[tilespmem:s3], [sflag:$0x2] =	stream.linear.gather @!p1 [hbm4b:s1+s2], $0x500, $0x38;
	[tilespmem:$0x1C280] =	vst v63  }
0x5b: {  	s1 =	sadd.s32 @!p1 $0x1E8480, s0;
	s3 =	simm.s32 @!p1 $0x12780  }
0x5c: {  	[tilespmem:s3], [sflag:$0x2] =	stream.linear.gather @!p1 [hbm4b:s1+s2], $0x500, $0x38;
	[tilespmem:$0x1C280] =	vst v63  }
0x5d: {  	s1 =	sadd.s32 @!p1 $0x249F00, s0;
	s3 =	simm.s32 @!p1 $0x12C80  }
0x5e: {  	[tilespmem:s3], [sflag:$0x2] =	stream.linear.gather @!p1 [hbm4b:s1+s2], $0x500, $0x38;
	[tilespmem:$0x1C280] =	vst v63  }
0x5f: {  	s1 =	sadd.s32 @!p1 $0x2AB980, s0;
	s3 =	simm.s32 @!p1 $0x13180  }
0x60: {  	[tilespmem:s3], [sflag:$0x2] =	stream.linear.gather @!p1 [hbm4b:s1+s2], $0x500, $0x38;
	[tilespmem:$0x1C280] =	vst v63  }
0x61: {  	s1 =	sadd.s32 @!p1 $0x30D400, s0;
	s3 =	simm.s32 @!p1 $0x13680  }
0x62: {  	[tilespmem:s3], [sflag:$0x2] =	stream.linear.gather @!p1 [hbm4b:s1+s2], $0x500, $0x38;
	[tilespmem:$0x1C280] =	vst v63  }
0x63: {  	s1 =	sadd.s32 @!p1 $0x36EE80, s0;
	s3 =	simm.s32 @!p1 $0x13B80  }
0x64: {  	[tilespmem:s3], [sflag:$0x2] =	stream.linear.gather @!p1 [hbm4b:s1+s2], $0x500, $0x38;
	[tilespmem:$0x1C280] =	vst v63  }
0x65: {  	s1 =	sadd.s32 @!p1 $0x3D0900, s0;
	s3 =	simm.s32 @!p1 $0x14080  }
0x66: {  	[tilespmem:s3], [sflag:$0x2] =	stream.linear.gather @!p1 [hbm4b:s1+s2], $0x500, $0x38;
	[tilespmem:$0x1C280] =	vst v63  }
0x67: {  	p3 =	sgt.u32 s5, $0x9C3;
	s0 =	sadd.s32 @!p1 $0x432380, s0;
	s1 =	simm.s32 @!p1 $0x14580  }
0x68: {  	[tilespmem:s1], [sflag:$0x2] =	stream.linear.gather @!p1 [hbm4b:s0+s2], $0x500, $0x38;
	[tilespmem:$0x1C280] =	vst v63  }
.Ltmp4:
0x69: {  	p2 =	seq.s32 s4, $0x0;
	(pc) =	sbr.rel @p3 .LBB2_8-.Ltmp4, $4  }
0x6a: {  	s0 =	simm.s32 @!p2 $0x3  }
0x6b: {  	_ =	swait.ge @!p2 [sflag:s0], $0x3C00  }
0x6c: {  	[sflag:s0] =	ssyncset.done @!p2 $0x0  }
0x6d: {  	[smem:$0x7EA] =	sst s4;
	[sflag:s0] =	ssyncadd.s32 @!p2 $0xFFFFC400  }
0x6e: {  	[smem:$0x7E8] =	sst s5;
	s3 =	simm.s32 $0x1  }
0x6f: {  	_ =	swait.ge [sflag:s3], $0x500  }
0x70: {  	s0 =	simm.s32 $0x0;
	[sflag:s3] =	ssyncset.done $0x0  }
0x71: {  	s1 =	sand.u32 $0x1C00, s0;
	[sflag:s3] =	ssyncadd.s32 $0xFFFFFB00  }
0x72: {  	s2 =	simm.s32 $0x30;
	s1 =	sshrl.u32 s1, $0x2;
	_ =	swait.ge [sflag:s3], $0x3C00  }
0x73: {  	s2 =	sand.u32 $0x70, s2;
	s1 =	sadd.s32 $0xC380, s1;
	[sflag:s3] =	ssyncset.done $0x0  }
0x74: {  	s21 =	simm.s32 $0x0;
	s2 =	sor.u32 s2, s1;
	[sflag:s3] =	ssyncadd.s32 $0xFFFFC400  }
0x75: {  	s3 =	sand.u32 $0x40, s21;
	v0 =	vld [tilespmem:s2+$0x0]  }
0x76: {  	s22 =	sor.u32 s3, s1  }
0x77: {  	v2 =	vld [tilespmem:s22+$0x0]  }
0x78: {  	s23 =	simm.s32 $0x10  }
0x79: {  	s24 =	simm.s32 $0x20;
	s4 =	simm.s32 $0x200;
	s2 =	sand.u32 $0x50, s23  }
0x7a: {  	s4 =	sand.u32 $0x1C00, s4;
	s3 =	sand.u32 $0x60, s24;
	s2 =	sor.u32 s2, s1  }
0x7b: {  	s25 =	sshrl.u32 s4, $0x2;
	s3 =	sor.u32 s3, s1;
	s1 =	simm.s32 $0x70;
	v1 =	vld [tilespmem:s2+$0x0]  }
0x7c: {  	v5 =	vld [tilespmem:s3+$0x0];
	s2 =	sadd.s32 $0xC380, s25;
	s26 =	sand.u32 $0x70, s1  }
0x7d: {  	s28 =	simm.s32 $0x40;
	s3 =	sor.u32 s26, s2;
	v3 =	vld.idx.msk [tilespmem:v0+s0+$0x0], $0xffff  }
0x7e: {  	s29 =	simm.s32 $0x50;
	s4 =	sand.u32 $0x40, s28;
	v0 =	vld [tilespmem:s3+$0x0]  }
0x7f: {  	s30 =	simm.s32 $0x60;
	s5 =	sand.u32 $0x50, s29;
	s4 =	sor.u32 s4, s2;
	v6 =	vld.idx.msk [tilespmem:v2+s0+$0x0], $0xffff  }
0x80: {  	s5 =	sor.u32 s5, s2;
	s3 =	sand.u32 $0x60, s30;
	v2 =	vld [tilespmem:s4+$0x0]  }
0x81: {  	v7 =	vld [tilespmem:s5+$0x0];
	s31 =	sor.u32 s3, s2  }
0x82: {  	s2 =	simm.s32 $0xCDA0;
	s3 =	simm.s32 $0x4;
	s4 =	simm.s32 $0x400;
	v4 =	vld [tilespmem:s31+$0x0]  }
.LBB2_4:
0x83: {  	s5 =	sand.u32 $0x1C00, s4;
	s3 =	sadd.s32 $0x4, s3;
	v8 =	vld.idx.msk [tilespmem:v1+s0+$0x0], $0xffff;
	[tilespmem:s2+$0x10] =	vst v3;
	s1 =	sadd.s32 $0x40, s1  }
0x84: {  	s5 =	sshrl.u32 s5, $0x2;
	p3 =	slt.u32 s3, $0x24;
	v9 =	vld.idx.msk [tilespmem:v5+s0+$0x0], $0xffff;
	s6 =	sadd.s32 $0xFFFFFFE0, s1  }
0x85: {  	s7 =	sand.u32 $0x70, s1;
	s8 =	sadd.s32 $0xFFFFFFD0, s1;
	s5 =	sadd.s32 $0xC380, s5;
	[tilespmem:s2+$0xFFFFFFE0] =	vst v6  }
0x86: {  	s9 =	sadd.s32 $0xFFFFFFF0, s1;
	s8 =	sand.u32 $0x40, s8;
	s7 =	sor.u32 s7, s5;
	v3 =	vld.idx.msk [tilespmem:v0+s0+$0x0], $0xffff;
	v1 =	vmov v7  }
.Ltmp5:
0x87: {  	s6 =	sand.u32 $0x50, s6;
	s9 =	sand.u32 $0x60, s9;
	v0 =	vld [tilespmem:s7+$0x0];
	(pc) =	sbr.rel @p3 .LBB2_4-.Ltmp5, $4  }
0x88: {  	s6 =	sor.u32 s6, s5;
	s7 =	sor.u32 s8, s5;
	s5 =	sor.u32 s9, s5;
	v5 =	vmov v4;
	v6 =	vld.idx.msk [tilespmem:v2+s0+$0x0], $0xffff  }
0x89: {  	v2 =	vld [tilespmem:s7+$0x0];
	[tilespmem:s2+$0xFFFFFFF0] =	vst v8  }
0x8a: {  	v7 =	vld [tilespmem:s6+$0x0];
	[tilespmem:s2+$0x0] =	vst v9  }
0x8b: {  	s4 =	sadd.s32 $0x200, s4;
	s2 =	sadd.s32 $0x40, s2;
	v4 =	vld [tilespmem:s5+$0x0]  }
0x8c: {  	_ =	sdelay $0x3  }
0x8d: {  	v1 =	vld.idx.msk [tilespmem:v1+s0+$0x0], $0xffff  }
0x8e: {  	v5 =	vld.idx.msk [tilespmem:v5+s0+$0x0], $0xffff  }
0x8f: {  	v0 =	vld.idx.msk [tilespmem:v0+s0+$0x0], $0xffff  }
0x90: {  	[tilespmem:s2+$0x10] =	vst v3;
	v2 =	vld.idx.msk [tilespmem:v2+s0+$0x0], $0xffff  }
0x91: {  	[tilespmem:s2+$0xFFFFFFE0] =	vst v6;
	v3 =	vld.idx.msk [tilespmem:v7+s0+$0x0], $0xffff  }
0x92: {  	[tilespmem:s2+$0xFFFFFFF0] =	vst v1;
	v1 =	vld.idx.msk [tilespmem:v4+s0+$0x0], $0xffff  }
0x93: {  	s1 =	sadd.s32 $0x40, s2;
	[tilespmem:s2+$0x0] =	vst v5  }
0x94: {  	[tilespmem:s1+$0x10] =	vst v0  }
0x95: {  	[tilespmem:s1+$0xFFFFFFE0] =	vst v2  }
0x96: {  	s10 =	simm.s32 $0x0;
	[tilespmem:s1+$0xFFFFFFF0] =	vst v3  }
0x97: {  	s6 =	simm.s32 $0xCD90;
	s9 =	sand.u32 $0x700, s0;
	s12 =	sand.u32 $0x60, s10;
	[tilespmem:s1+$0x0] =	vst v1  }
0x98: {  	s4 =	sor.u32 s12, s9;
	v11 =	vld [tilespmem:s6+$0xFFFFFFF0]  }
0x99: {  	v0 =	vld [tilespmem:s4+$0xD280]  }
0x9a: {  	v1 =	vld [tilespmem:s4+$0xD300];
	_ =	sdelay $0x3  }
0x9b: {  	v0 =	vmul.f32 v0, v11  }
0x9c: {  	v1 =	vmul.f32 v1, v11  }
0x9d: {  	s11 =	sadd.s32 $0x500, s9;
	[tilespmem:s4+$0x14A80] =	vst v0  }
0x9e: {  	s2 =	sor.u32 s12, s11;
	[tilespmem:s4+$0x14B00] =	vst v1  }
0x9f: {  	v0 =	vld [tilespmem:s2+$0xD280];
	_ =	sdelay $0x4  }
0xa0: {  	v0 =	vmul.f32 v0, v11  }
0xa1: {  	s10 =	sadd.s32 $0x580, s9  }
0xa2: {  	s16 =	sor.u32 s12, s10;
	[tilespmem:s2+$0x14A80] =	vst v0  }
0xa3: {  	v0 =	vld [tilespmem:s16+$0xD280];
	_ =	sdelay $0x4  }
0xa4: {  	v0 =	vmul.f32 v0, v11  }
0xa5: {  	s13 =	sadd.s32 $0xA00, s9  }
0xa6: {  	s17 =	sor.u32 s12, s13;
	[tilespmem:s16+$0x14A80] =	vst v0  }
0xa7: {  	v0 =	vld [tilespmem:s17+$0xD280];
	_ =	sdelay $0x4  }
0xa8: {  	v0 =	vmul.f32 v0, v11  }
0xa9: {  	s3 =	sadd.s32 $0xA80, s9  }
0xaa: {  	s8 =	sor.u32 s12, s3;
	[tilespmem:s17+$0x14A80] =	vst v0  }
0xab: {  	s18 =	simm.s32 $0x10;
	v0 =	vld [tilespmem:s8+$0xD280]  }
0xac: {  	s5 =	sand.u32 $0x70, s18  }
0xad: {  	s7 =	sor.u32 s9, s5  }
0xae: {  	v1 =	vld [tilespmem:s7+$0xD280]  }
0xaf: {  	v8 =	vld [tilespmem:s6+$0x0]  }
0xb0: {  	s21 =	simm.s32 $0x20;
	s22 =	simm.s32 $0x40;
	s15 =	simm.s32 $0xCDB0;
	v2 =	vld [tilespmem:s7+$0xD300];
	v0 =	vmul.f32 v0, v11  }
0xb1: {  	s14 =	sand.u32 $0x700, s22;
	s20 =	sand.u32 $0x60, s21;
	s2 =	sadd.s32 $0xF00, s9  }
0xb2: {  	s0 =	sor.u32 s20, s14;
	s19 =	sor.u32 s12, s2;
	v10 =	vld [tilespmem:s15+$0xFFFFFFF0];
	[tilespmem:s8+$0x14A80] =	vst v0  }
0xb3: {  	v0 =	vld [tilespmem:s19+$0xD280];
	[smem:$0x7C9] =	sst s0  }
0xb4: {  	v1 =	vmul.f32 v1, v8;
	v3 =	vld [tilespmem:s0+$0xD280]  }
0xb5: {  	v2 =	vmul.f32 v2, v8;
	v4 =	vld [tilespmem:s0+$0xD300];
	[smem:$0x7CA] =	sst s7  }
0xb6: {  	[tilespmem:s7+$0x14A80] =	vst v1  }
0xb7: {  	s1 =	sor.u32 s5, s11;
	[tilespmem:s7+$0x14B00] =	vst v2  }
0xb8: {  	v1 =	vld [tilespmem:s1+$0xD280]  }
0xb9: {  	v0 =	vmul.f32 v0, v11  }
0xba: {  	v2 =	vmul.f32 v3, v10  }
0xbb: {  	s11 =	sadd.s32 $0xF80, s9;
	[tilespmem:s19+$0x14A80] =	vst v0;
	v0 =	vmul.f32 v4, v10  }
0xbc: {  	s18 =	sadd.s32 $0x500, s14;
	s16 =	sor.u32 s12, s11;
	[tilespmem:s0+$0x14A80] =	vst v2  }
0xbd: {  	s17 =	sor.u32 s20, s18;
	v2 =	vld [tilespmem:s16+$0xD280];
	[tilespmem:s0+$0x14B00] =	vst v0;
	v0 =	vmul.f32 v1, v8  }
0xbe: {  	v1 =	vld [tilespmem:s17+$0xD280]  }
0xbf: {  	s10 =	sor.u32 s5, s10;
	[tilespmem:s1+$0x14A80] =	vst v0  }
0xc0: {  	v0 =	vld [tilespmem:s10+$0xD280];
	_ =	sdelay $0x1  }
0xc1: {  	v2 =	vmul.f32 v2, v11  }
0xc2: {  	s6 =	sadd.s32 $0x1400, s9;
	v1 =	vmul.f32 v1, v10  }
0xc3: {  	s22 =	sadd.s32 $0x580, s14;
	s23 =	sor.u32 s12, s6;
	[tilespmem:s16+$0x14A80] =	vst v2  }
0xc4: {  	s24 =	sor.u32 s20, s22;
	v2 =	vld [tilespmem:s23+$0xD280];
	[tilespmem:s17+$0x14A80] =	vst v1;
	v0 =	vmul.f32 v0, v8  }
0xc5: {  	v1 =	vld [tilespmem:s24+$0xD280]  }
0xc6: {  	s13 =	sor.u32 s5, s13;
	[tilespmem:s10+$0x14A80] =	vst v0  }
0xc7: {  	v0 =	vld [tilespmem:s13+$0xD280];
	_ =	sdelay $0x1  }
0xc8: {  	v2 =	vmul.f32 v2, v11  }
0xc9: {  	s1 =	sadd.s32 $0x1480, s9;
	v1 =	vmul.f32 v1, v10  }
0xca: {  	s26 =	simm.s32 $0x30;
	s25 =	sor.u32 s12, s1;
	s16 =	sadd.s32 $0xA00, s14;
	[tilespmem:s23+$0x14A80] =	vst v2  }
0xcb: {  	s8 =	sand.u32 $0x70, s26;
	s19 =	sor.u32 s20, s16;
	v2 =	vld [tilespmem:s25+$0xD280];
	[tilespmem:s24+$0x14A80] =	vst v1;
	v0 =	vmul.f32 v0, v8  }
0xcc: {  	s28 =	sor.u32 s14, s8;
	v1 =	vld [tilespmem:s19+$0xD280]  }
0xcd: {  	s21 =	sor.u32 s5, s3;
	v4 =	vld [tilespmem:s28+$0xD280];
	[tilespmem:s13+$0x14A80] =	vst v0  }
0xce: {  	v3 =	vld [tilespmem:s21+$0xD280]  }
0xcf: {  	v0 =	vld [tilespmem:s15+$0x0]  }
0xd0: {  	v5 =	vld [tilespmem:s28+$0xD300];
	v2 =	vmul.f32 v2, v11  }
0xd1: {  	s3 =	sadd.s32 $0x1900, s9;
	[smem:$0x7D0] =	sst s28;
	v1 =	vmul.f32 v1, v10  }
0xd2: {  	s29 =	sor.u32 s12, s3;
	s17 =	sadd.s32 $0xA80, s14;
	[tilespmem:s25+$0x14A80] =	vst v2  }
0xd3: {  	s0 =	sor.u32 s20, s17;
	v2 =	vld [tilespmem:s29+$0xD280];
	[tilespmem:s19+$0x14A80] =	vst v1;
	v3 =	vmul.f32 v3, v8  }
0xd4: {  	v4 =	vmul.f32 v4, v0;
	v1 =	vld [tilespmem:s0+$0xD280]  }
0xd5: {  	s23 =	sor.u32 s5, s2;
	[tilespmem:s21+$0x14A80] =	vst v3;
	v3 =	vmul.f32 v5, v0  }
0xd6: {  	[tilespmem:s28+$0x14A80] =	vst v4;
	v5 =	vld [tilespmem:s23+$0xD280]  }
0xd7: {  	s24 =	sor.u32 s8, s18;
	[tilespmem:s28+$0x14B00] =	vst v3  }
0xd8: {  	v2 =	vmul.f32 v2, v11;
	v3 =	vld [tilespmem:s24+$0xD280]  }
0xd9: {  	s7 =	simm.s32 $0x40;
	s10 =	sadd.s32 $0x1980, s9;
	s2 =	simm.s32 $0xCDD0;
	v1 =	vmul.f32 v1, v10  }
0xda: {  	s13 =	simm.s32 $0x80;
	v9 =	vld [tilespmem:s2+$0xFFFFFFF0];
	s25 =	sor.u32 s12, s10;
	s21 =	sadd.s32 $0xF00, s14;
	[tilespmem:s29+$0x14A80] =	vst v2  }
0xdb: {  	s18 =	sand.u32 $0x60, s7;
	s19 =	sand.u32 $0x700, s13;
	s26 =	sor.u32 s20, s21;
	v2 =	vld [tilespmem:s25+$0xD280];
	[tilespmem:s0+$0x14A80] =	vst v1;
	v4 =	vmul.f32 v5, v8  }
0xdc: {  	s15 =	sor.u32 s18, s19;
	v1 =	vld [tilespmem:s26+$0xD280]  }
0xdd: {  	v5 =	vld [tilespmem:s15+$0xD280];
	[tilespmem:s23+$0x14A80] =	vst v4;
	v3 =	vmul.f32 v3, v0  }
0xde: {  	s29 =	sor.u32 s5, s11;
	v4 =	vld [tilespmem:s15+$0xD300];
	[smem:$0x7CF] =	sst s15  }
0xdf: {  	s28 =	sor.u32 s8, s22;
	v6 =	vld [tilespmem:s29+$0xD280];
	[tilespmem:s24+$0x14A80] =	vst v3  }
0xe0: {  	v2 =	vmul.f32 v2, v11;
	v3 =	vld [tilespmem:s28+$0xD280]  }
0xe1: {  	v1 =	vmul.f32 v1, v10  }
0xe2: {  	s11 =	sadd.s32 $0x1E00, s9;
	[tilespmem:s25+$0x14A80] =	vst v2;
	v2 =	vmul.f32 v5, v9  }
0xe3: {  	s0 =	sor.u32 s12, s11;
	[tilespmem:s26+$0x14A80] =	vst v1;
	v1 =	vmul.f32 v4, v9  }
0xe4: {  	s22 =	sadd.s32 $0xF80, s14;
	v5 =	vld [tilespmem:s0+$0xD280];
	[tilespmem:s15+$0x14A80] =	vst v2;
	v4 =	vmul.f32 v6, v8  }
0xe5: {  	s25 =	sadd.s32 $0x500, s19;
	s26 =	sor.u32 s20, s22;
	[tilespmem:s15+$0x14B00] =	vst v1;
	v3 =	vmul.f32 v3, v0  }
0xe6: {  	s30 =	sor.u32 s18, s25;
	v2 =	vld [tilespmem:s26+$0xD280];
	[tilespmem:s29+$0x14A80] =	vst v4  }
0xe7: {  	s13 =	sor.u32 s5, s6;
	v1 =	vld [tilespmem:s30+$0xD280];
	s29 =	sadd.s32 $0x1E80, s9;
	[tilespmem:s28+$0x14A80] =	vst v3  }
0xe8: {  	s15 =	sor.u32 s8, s16;
	v4 =	vld [tilespmem:s13+$0xD280];
	[smem:$0x7C6] =	sst s29  }
0xe9: {  	v5 =	vmul.f32 v5, v11;
	v3 =	vld [tilespmem:s15+$0xD280];
	_ =	sdelay $0x1  }
0xea: {  	s6 =	sor.u32 s12, s29;
	[tilespmem:s0+$0x14A80] =	vst v5;
	v2 =	vmul.f32 v2, v10  }
0xeb: {  	s16 =	sadd.s32 $0x1400, s14;
	v5 =	vld [tilespmem:s6+$0xD280];
	v1 =	vmul.f32 v1, v9  }
0xec: {  	s7 =	sor.u32 s20, s16;
	s29 =	sadd.s32 $0x580, s19;
	[tilespmem:s26+$0x14A80] =	vst v2;
	v2 =	vmul.f32 v4, v8  }
0xed: {  	[tilespmem:s30+$0x14A80] =	vst v1;
	v1 =	vld [tilespmem:s7+$0xD280];
	s30 =	sor.u32 s18, s29;
	v3 =	vmul.f32 v3, v0  }
0xee: {  	[tilespmem:s13+$0x14A80] =	vst v2;
	s13 =	sor.u32 s5, s1;
	v2 =	vld [tilespmem:s30+$0xD280]  }
0xef: {  	v4 =	vld [tilespmem:s13+$0xD280];
	[tilespmem:s15+$0x14A80] =	vst v3;
	s15 =	sor.u32 s8, s17;
	s17 =	sadd.s32 $0x2300, s9  }
0xf0: {  	v5 =	vmul.f32 v5, v11;
	[smem:$0x7C7] =	sst s17  }
0xf1: {  	v3 =	vld [tilespmem:s15+$0xD280]  }
0xf2: {  	[tilespmem:s6+$0x14A80] =	vst v5;
	v5 =	vmul.f32 v1, v10  }
0xf3: {  	s24 =	sadd.s32 $0x1480, s14;
	s31 =	sor.u32 s12, s17;
	v1 =	vld [tilespmem:s2+$0x0];
	v2 =	vmul.f32 v2, v9  }
0xf4: {  	s0 =	sor.u32 s20, s24;
	s6 =	sadd.s32 $0xA00, s19;
	v6 =	vld [tilespmem:s31+$0xD280];
	[tilespmem:s7+$0x14A80] =	vst v5;
	v4 =	vmul.f32 v4, v8  }
0xf5: {  	s1 =	simm.s32 $0x50;
	[tilespmem:s30+$0x14A80] =	vst v2;
	v2 =	vld [tilespmem:s0+$0xD280];
	s30 =	sor.u32 s18, s6  }
0xf6: {  	s26 =	sand.u32 $0x70, s1;
	s7 =	sor.u32 s5, s3;
	[tilespmem:s13+$0x14A80] =	vst v4;
	v4 =	vld [tilespmem:s30+$0xD280];
	v3 =	vmul.f32 v3, v0  }
0xf7: {  	s13 =	sor.u32 s19, s26;
	v5 =	vld [tilespmem:s7+$0xD280]  }
0xf8: {  	v7 =	vld [tilespmem:s13+$0xD280];
	[tilespmem:s15+$0x14A80] =	vst v3  }
0xf9: {  	v6 =	vmul.f32 v6, v11;
	v3 =	vld [tilespmem:s13+$0xD300];
	s15 =	sadd.s32 $0x2380, s9;
	[smem:$0x7D9] =	sst s13  }
0xfa: {  	s21 =	sor.u32 s8, s21;
	[smem:$0x7C8] =	sst s15  }
0xfb: {  	v2 =	vmul.f32 v2, v10;
	[tilespmem:s31+$0x14A80] =	vst v6;
	v6 =	vld [tilespmem:s21+$0xD280];
	s31 =	sor.u32 s12, s15  }
0xfc: {  	s23 =	sadd.s32 $0x1900, s14;
	v4 =	vmul.f32 v4, v9;
	v12 =	vld [tilespmem:s31+$0xD280]  }
0xfd: {  	s28 =	sadd.s32 $0xA80, s19;
	s17 =	sor.u32 s20, s23;
	[tilespmem:s0+$0x14A80] =	vst v2;
	v2 =	vmul.f32 v5, v8  }
0xfe: {  	[tilespmem:s30+$0x14A80] =	vst v4;
	v4 =	vmul.f32 v7, v1;
	v5 =	vld [tilespmem:s17+$0xD280];
	s30 =	sor.u32 s18, s28  }
0xff: {  	[tilespmem:s7+$0x14A80] =	vst v2;
	v2 =	vmul.f32 v3, v1;
	v3 =	vld [tilespmem:s30+$0xD280]  }
0x100: {  	s1 =	sor.u32 s5, s10;
	[tilespmem:s13+$0x14A80] =	vst v4;
	v4 =	vmul.f32 v6, v0  }
0x101: {  	s10 =	sor.u32 s26, s25;
	v6 =	vld [tilespmem:s1+$0xD280];
	[tilespmem:s13+$0x14B00] =	vst v2;
	v2 =	vmul.f32 v12, v11  }
0x102: {  	s13 =	sor.u32 s8, s22;
	[tilespmem:s21+$0x14A80] =	vst v4;
	v4 =	vld [tilespmem:s10+$0xD280]  }
0x103: {  	v5 =	vmul.f32 v5, v10;
	[tilespmem:s31+$0x14A80] =	vst v2;
	v2 =	vld [tilespmem:s13+$0xD280]  }
0x104: {  	v3 =	vmul.f32 v3, v9;
	v7 =	vld [tilespmem:s4+$0xFA80]  }
0x105: {  	s31 =	sadd.s32 $0x1980, s14;
	[tilespmem:s17+$0x14A80] =	vst v5  }
0x106: {  	s7 =	sadd.s32 $0xF00, s19;
	v5 =	vld [tilespmem:s4+$0xFB00];
	s15 =	sor.u32 s20, s31;
	[tilespmem:s30+$0x14A80] =	vst v3;
	v3 =	vmul.f32 v6, v8  }
0x107: {  	s17 =	sor.u32 s18, s7;
	v6 =	vld [tilespmem:s15+$0xD280];
	v4 =	vmul.f32 v4, v1  }
0x108: {  	s11 =	sor.u32 s5, s11;
	v12 =	vld [tilespmem:s17+$0xD280];
	[tilespmem:s1+$0x14A80] =	vst v3;
	v13 =	vmul.f32 v2, v0  }
0x109: {  	[tilespmem:s10+$0x14A80] =	vst v4;
	v4 =	vmul.f32 v7, v11;
	s10 =	sor.u32 s26, s29;
	v7 =	vld [tilespmem:s11+$0xD280]  }
0x10a: {  	s30 =	simm.s32 $0xCDF0;
	[tilespmem:s13+$0x14A80] =	vst v13;
	v13 =	vld [tilespmem:s10+$0xD280]  }
0x10b: {  	v3 =	vld [tilespmem:s30+$0xFFFFFFF0];
	v5 =	vmul.f32 v5, v11;
	s29 =	sadd.s32 $0x2D00, s9;
	[tilespmem:s4+$0x17280] =	vst v4  }
0x10c: {  	v2 =	vld [tilespmem:s30+$0x0];
	v4 =	vmul.f32 v6, v10;
	[smem:$0x7CC] =	sst s29  }
0x10d: {  	s16 =	sor.u32 s8, s16;
	s25 =	simm.s32 $0x60;
	v6 =	vmul.f32 v12, v9;
	[tilespmem:s4+$0x17300] =	vst v5  }
0x10e: {  	s21 =	sadd.s32 $0x1E00, s14;
	s30 =	simm.s32 $0xC0;
	v5 =	vld [tilespmem:s16+$0xD280];
	s4 =	sor.u32 s12, s29;
	[tilespmem:s15+$0x14A80] =	vst v4;
	v4 =	vmul.f32 v7, v8  }
0x10f: {  	s25 =	sand.u32 $0x60, s25;
	s3 =	sor.u32 s20, s21;
	s13 =	sand.u32 $0x700, s30;
	[tilespmem:s17+$0x14A80] =	vst v6;
	v12 =	vld [tilespmem:s4+$0xD280];
	v13 =	vmul.f32 v13, v1  }
0x110: {  	s15 =	sadd.s32 $0xF80, s19;
	s17 =	sor.u32 s25, s13;
	v6 =	vld [tilespmem:s3+$0xD280];
	[tilespmem:s11+$0x14A80] =	vst v4  }
0x111: {  	s0 =	sor.u32 s18, s15;
	v7 =	vld [tilespmem:s17+$0xD280];
	[tilespmem:s10+$0x14A80] =	vst v13  }
0x112: {  	v14 =	vld [tilespmem:s0+$0xD280];
	s1 =	sld [smem:$0x7C6]  }
0x113: {  	s30 =	simm.s32 $0xCE10;
	v15 =	vld [tilespmem:s17+$0xD300];
	v16 =	vmul.f32 v5, v0  }
0x114: {  	v4 =	vld [tilespmem:s30+$0x0];
	v12 =	vmul.f32 v12, v11  }
0x115: {  	v5 =	vld [tilespmem:s30+$0xFFFFFFF0];
	[tilespmem:s16+$0x14A80] =	vst v16;
	s1 =	sor.u32 s5, s1  }
0x116: {  	s6 =	sor.u32 s26, s6;
	v6 =	vmul.f32 v6, v10;
	[tilespmem:s4+$0x14A80] =	vst v12;
	s4 =	sor.u32 s8, s24;
	s24 =	sadd.s32 $0x2D80, s9;
	v13 =	vld [tilespmem:s1+$0xD280]  }
0x117: {  	v14 =	vmul.f32 v14, v9;
	v12 =	vld [tilespmem:s6+$0xD280];
	[smem:$0x7CE] =	sst s24  }
0x118: {  	s16 =	sor.u32 s12, s24;
	s24 =	sadd.s32 $0x1E80, s14;
	[tilespmem:s3+$0x14A80] =	vst v6;
	v16 =	vld [tilespmem:s4+$0xD280]  }
0x119: {  	v6 =	vmul.f32 v7, v3;
	[tilespmem:s0+$0x14A80] =	vst v14;
	v14 =	vld [tilespmem:s16+$0xD280];
	s11 =	sor.u32 s20, s24  }
0x11a: {  	v7 =	vmul.f32 v15, v3;
	v15 =	vld [tilespmem:s11+$0xD280];
	[smem:$0x7DB] =	sst s17  }
0x11b: {  	s22 =	sadd.s32 $0x1400, s19;
	[tilespmem:s17+$0x14A80] =	vst v6;
	v6 =	vmul.f32 v13, v8  }
0x11c: {  	s29 =	sor.u32 s18, s22;
	[tilespmem:s17+$0x14B00] =	vst v7  }
0x11d: {  	s30 =	sadd.s32 $0x500, s13;
	v17 =	vld [tilespmem:s29+$0xD280];
	s17 =	simm.s32 $0xCE30;
	[tilespmem:s1+$0x14A80] =	vst v6  }
0x11e: {  	s3 =	sor.u32 s25, s30;
	v7 =	vld [tilespmem:s17+$0xFFFFFFF0];
	s1 =	sld [smem:$0x7C7]  }
0x11f: {  	s10 =	smov.u32 s5;
	v12 =	vmul.f32 v12, v1;
	v13 =	vld [tilespmem:s3+$0xD280]  }
0x120: {  	v16 =	vmul.f32 v16, v0;
	v6 =	vld [tilespmem:s17+$0x0];
	[smem:$0x7CB] =	sst s10  }
0x121: {  	v15 =	vmul.f32 v15, v10;
	[tilespmem:s6+$0x14A80] =	vst v12;
	s5 =	sor.u32 s5, s1  }
0x122: {  	[tilespmem:s4+$0x14A80] =	vst v16;
	s1 =	sor.u32 s26, s28;
	v12 =	vld [tilespmem:s5+$0xD280]  }
0x123: {  	v14 =	vmul.f32 v14, v11;
	s4 =	sor.u32 s8, s23;
	s23 =	sadd.s32 $0x2300, s14;
	[tilespmem:s11+$0x14A80] =	vst v15;
	s11 =	sadd.s32 $0x3200, s9;
	v16 =	vld [tilespmem:s1+$0xD280]  }
0x124: {  	s17 =	smov.u32 s8;
	v17 =	vmul.f32 v17, v9;
	v15 =	vld [tilespmem:s4+$0xD280];
	s2 =	sor.u32 s20, s23;
	[smem:$0x7D1] =	sst s11  }
0x125: {  	s8 =	sadd.s32 $0x1480, s19;
	v13 =	vmul.f32 v13, v3;
	s28 =	simm.s32 $0x70;
	[tilespmem:s16+$0x14A80] =	vst v14;
	v14 =	vld [tilespmem:s2+$0xD280];
	s16 =	sor.u32 s12, s11  }
0x126: {  	s0 =	sor.u32 s18, s8;
	s28 =	sand.u32 $0x70, s28;
	[tilespmem:s29+$0x14A80] =	vst v17;
	s29 =	sadd.s32 $0x580, s13;
	v17 =	vld [tilespmem:s16+$0xD280]  }
0x127: {  	[tilespmem:s3+$0x14A80] =	vst v13;
	s11 =	sor.u32 s13, s28;
	v13 =	vld [tilespmem:s0+$0xD280];
	s3 =	sor.u32 s25, s29;
	v12 =	vmul.f32 v12, v8  }
0x128: {  	v18 =	vld [tilespmem:s3+$0xD280];
	[dreg:$0x17] =	wrdreg s11;
	v16 =	vmul.f32 v16, v1  }
0x129: {  	[tilespmem:s5+$0x14A80] =	vst v12;
	v12 =	vmul.f32 v15, v0  }
0x12a: {  	v15 =	vld [tilespmem:s11+$0xD280];
	[tilespmem:s1+$0x14A80] =	vst v16  }
0x12b: {  	s7 =	sor.u32 s26, s7;
	v14 =	vmul.f32 v14, v10;
	v16 =	vld [tilespmem:s11+$0xD300];
	[tilespmem:s4+$0x14A80] =	vst v12;
	s4 =	sadd.s32 $0x2380, s14  }
0x12c: {  	v12 =	vmul.f32 v17, v11;
	v17 =	vld [tilespmem:s7+$0xD280];
	[smem:$0x7CD] =	sst s4  }
0x12d: {  	[tilespmem:s2+$0x14A80] =	vst v14  }
0x12e: {  	[tilespmem:s16+$0x14A80] =	vst v12  }
0x12f: {  	s5 =	sor.u32 s17, s31;
	s6 =	sld [smem:$0x7C8]  }
0x130: {  	v13 =	vmul.f32 v13, v9;
	v14 =	vld [tilespmem:s5+$0xD280]  }
0x131: {  	v18 =	vmul.f32 v18, v3;
	s2 =	sor.u32 s20, s4  }
0x132: {  	s4 =	sadd.s32 $0x1900, s19;
	v12 =	vld [tilespmem:s2+$0xD280];
	[tilespmem:s0+$0x14A80] =	vst v13;
	s6 =	sor.u32 s10, s6  }
0x133: {  	v15 =	vmul.f32 v15, v2;
	s1 =	sor.u32 s18, s4;
	[tilespmem:s3+$0x14A80] =	vst v18;
	s10 =	sadd.s32 $0x3280, s9;
	v13 =	vld [tilespmem:s6+$0xD280]  }
0x134: {  	v16 =	vmul.f32 v16, v2;
	v47 =	vld [tilespmem:s1+$0xD280];
	[smem:$0x7D4] =	sst s10  }
0x135: {  	v14 =	vmul.f32 v14, v0;
	[tilespmem:s11+$0x14A80] =	vst v15  }
0x136: {  	s16 =	sadd.s32 $0xA00, s13;
	v15 =	vmul.f32 v17, v1;
	[tilespmem:s11+$0x14B00] =	vst v16  }
0x137: {  	s3 =	sor.u32 s25, s16;
	v12 =	vmul.f32 v12, v10;
	[tilespmem:s5+$0x14A80] =	vst v14  }
0x138: {  	s0 =	sor.u32 s12, s10;
	v17 =	vld [tilespmem:s3+$0xD280];
	[tilespmem:s7+$0x14A80] =	vst v15;
	v13 =	vmul.f32 v13, v8  }
0x139: {  	v19 =	vld [tilespmem:s0+$0xD280];
	[tilespmem:s2+$0x14A80] =	vst v12  }
0x13a: {  	s30 =	sor.u32 s28, s30;
	[tilespmem:s6+$0x14A80] =	vst v13  }
0x13b: {  	s10 =	sor.u32 s26, s15;
	v15 =	vld [tilespmem:s30+$0xD280];
	s6 =	sld [smem:$0x7C9]  }
0x13c: {  	s11 =	sor.u32 s17, s21;
	v16 =	vmul.f32 v47, v9;
	v14 =	vld [tilespmem:s10+$0xD280]  }
0x13d: {  	s15 =	sadd.s32 $0x1980, s19;
	v12 =	vld [tilespmem:s11+$0xD280];
	v17 =	vmul.f32 v17, v3  }
0x13e: {  	[tilespmem:s1+$0x14A80] =	vst v16;
	v16 =	vmul.f32 v19, v11;
	s1 =	sor.u32 s18, s15;
	v13 =	vld [tilespmem:s6+$0xFA80]  }
0x13f: {  	s31 =	sadd.s32 $0xA80, s13;
	[tilespmem:s3+$0x14A80] =	vst v17;
	v17 =	vld [tilespmem:s1+$0xD280]  }
0x140: {  	s21 =	sadd.s32 $0x3700, s9;
	v15 =	vmul.f32 v15, v2;
	s3 =	sor.u32 s25, s31;
	[tilespmem:s0+$0x14A80] =	vst v16;
	v48 =	vld [tilespmem:s6+$0xFB00]  }
0x141: {  	v14 =	vmul.f32 v14, v1;
	v16 =	vld [tilespmem:s3+$0xD280];
	[smem:$0x7D7] =	sst s21  }
0x142: {  	v12 =	vmul.f32 v12, v0;
	s0 =	sor.u32 s12, s21;
	[tilespmem:s30+$0x14A80] =	vst v15  }
0x143: {  	s7 =	sor.u32 s28, s29;
	s2 =	sld [smem:$0x7CA];
	[tilespmem:s10+$0x14A80] =	vst v14;
	v14 =	vld [tilespmem:s0+$0xD280];
	v13 =	vmul.f32 v13, v10  }
0x144: {  	[tilespmem:s11+$0x14A80] =	vst v12;
	s10 =	sor.u32 s26, s22;
	v12 =	vld [tilespmem:s7+$0xD280]  }
0x145: {  	s29 =	sadd.s32 $0x2D00, s14;
	v49 =	vld [tilespmem:s10+$0xD280];
	v18 =	vmul.f32 v48, v10;
	[tilespmem:s6+$0x17280] =	vst v13  }
0x146: {  	s24 =	sor.u32 s17, s24;
	v15 =	vld [tilespmem:s2+$0xFA80];
	v13 =	vmul.f32 v17, v9;
	[smem:$0x7D3] =	sst s29  }
0x147: {  	v16 =	vmul.f32 v16, v3;
	[tilespmem:s6+$0x17300] =	vst v18;
	v17 =	vld [tilespmem:s24+$0xD280]  }
0x148: {  	s22 =	sadd.s32 $0x1E00, s19;
	s6 =	sor.u32 s20, s29;
	[tilespmem:s1+$0x14A80] =	vst v13  }
0x149: {  	s11 =	sor.u32 s18, s22;
	v14 =	vmul.f32 v14, v11;
	[tilespmem:s3+$0x14A80] =	vst v16;
	s29 =	sadd.s32 $0x3780, s9;
	v13 =	vld [tilespmem:s6+$0xD280]  }
0x14a: {  	s30 =	sadd.s32 $0xF00, s13;
	v12 =	vmul.f32 v12, v2;
	v16 =	vld [tilespmem:s11+$0xD280];
	[smem:$0x7DD] =	sst s29  }
0x14b: {  	s21 =	sor.u32 s25, s30;
	v19 =	vmul.f32 v49, v1;
	[tilespmem:s0+$0x14A80] =	vst v14  }
0x14c: {  	v50 =	vld [tilespmem:s21+$0xD280];
	[tilespmem:s7+$0x14A80] =	vst v12;
	v17 =	vmul.f32 v17, v0  }
0x14d: {  	s3 =	sor.u32 s12, s29;
	v14 =	vld [tilespmem:s2+$0xFB00];
	[tilespmem:s10+$0x14A80] =	vst v19  }
0x14e: {  	s7 =	sor.u32 s28, s16;
	v12 =	vld [tilespmem:s3+$0xD280];
	[tilespmem:s24+$0x14A80] =	vst v17  }
0x14f: {  	s5 =	sor.u32 s26, s8;
	s8 =	sadd.s32 $0x2D80, s14;
	v51 =	vld [tilespmem:s7+$0xD280];
	v13 =	vmul.f32 v13, v10;
	[smem:$0x7D2] =	sst s17  }
0x150: {  	v16 =	vmul.f32 v16, v9;
	v17 =	vld [tilespmem:s5+$0xD280];
	[smem:$0x7D6] =	sst s8  }
0x151: {  	s10 =	sor.u32 s17, s23;
	v18 =	vmul.f32 v50, v3;
	[tilespmem:s6+$0x14A80] =	vst v13  }
0x152: {  	s12 =	sor.u32 s20, s8;
	v15 =	vmul.f32 v15, v8;
	v13 =	vld [tilespmem:s10+$0xD280];
	[tilespmem:s11+$0x14A80] =	vst v16  }
0x153: {  	s0 =	smov.u32 s2;
	s16 =	sadd.s32 $0xF80, s13;
	v14 =	vmul.f32 v14, v8;
	[tilespmem:s21+$0x14A80] =	vst v18;
	v16 =	vld [tilespmem:s12+$0xD280]  }
0x154: {  	s23 =	smov.u32 s25;
	s21 =	sor.u32 s25, s16;
	s25 =	smov.u32 s0;
	[tilespmem:s0+$0x17280] =	vst v15;
	v15 =	vmul.f32 v51, v2  }
0x155: {  	s29 =	sadd.s32 $0x1E80, s19;
	[tilespmem:s25+$0x17300] =	vst v14  }
0x156: {  	s9 =	smov.u32 s17;
	s2 =	sor.u32 s18, s29;
	s17 =	simm.s32 $0x100;
	[tilespmem:s7+$0x14A80] =	vst v15;
	v14 =	vmul.f32 v17, v1  }
0x157: {  	s8 =	sand.u32 $0x700, s17;
	s11 =	simm.s32 $0x80;
	v52 =	vld [tilespmem:s2+$0xD280];
	s17 =	sld [smem:$0x7CB];
	v13 =	vmul.f32 v13, v0  }
0x158: {  	s24 =	sand.u32 $0x60, s11;
	s6 =	sld [smem:$0x7CC];
	[tilespmem:s5+$0x14A80] =	vst v14;
	v16 =	vmul.f32 v16, v10  }
0x159: {  	v53 =	vld [tilespmem:s21+$0xD280];
	s0 =	sor.u32 s24, s8;
	[tilespmem:s10+$0x14A80] =	vst v13  }
0x15a: {  	v17 =	vld [tilespmem:s0+$0xD280];
	[tilespmem:s12+$0x14A80] =	vst v16  }
0x15b: {  	v15 =	vld [tilespmem:s0+$0xD300];
	s6 =	sor.u32 s17, s6;
	s5 =	sld [smem:$0x7CD]  }
0x15c: {  	s7 =	sor.u32 s28, s31;
	v18 =	vmul.f32 v52, v9;
	v14 =	vld [tilespmem:s6+$0xD280]  }
0x15d: {  	s10 =	sor.u32 s26, s4;
	v13 =	vld [tilespmem:s7+$0xD280]  }
0x15e: {  	s11 =	sadd.s32 $0x3200, s14;
	v19 =	vmul.f32 v53, v3;
	v16 =	vld [tilespmem:s10+$0xD280];
	[tilespmem:s2+$0x14A80] =	vst v18;
	s31 =	sor.u32 s9, s5  }
0x15f: {  	s25 =	sadd.s32 $0x2300, s19;
	v17 =	vmul.f32 v17, v5;
	v54 =	vld [tilespmem:s31+$0xD280];
	[smem:$0x7DC] =	sst s11  }
0x160: {  	s2 =	sor.u32 s18, s25;
	[tilespmem:s21+$0x14A80] =	vst v19  }
0x161: {  	v15 =	vmul.f32 v15, v5;
	s11 =	sor.u32 s20, s11;
	v55 =	vld [tilespmem:s2+$0xD280];
	[tilespmem:s0+$0x14A80] =	vst v17  }
0x162: {  	v11 =	vmul.f32 v12, v11;
	s21 =	sadd.s32 $0x1400, s13;
	v12 =	vld [tilespmem:s11+$0xD280];
	[dreg:$0x3] =	wrdreg s0  }
0x163: {  	s4 =	sadd.s32 $0x500, s8;
	s12 =	simm.s32 $0x90;
	v14 =	vmul.f32 v14, v8;
	s1 =	sor.u32 s23, s21;
	[tilespmem:s0+$0x14B00] =	vst v15  }
0x164: {  	s9 =	sand.u32 $0x70, s12;
	v15 =	vld [tilespmem:s1+$0xD280];
	s0 =	sor.u32 s24, s4;
	[tilespmem:s3+$0x14A80] =	vst v11;
	v11 =	vmul.f32 v13, v2  }
0x165: {  	s5 =	smov.u32 s24;
	s24 =	sor.u32 s8, s9;
	[tilespmem:s6+$0x14A80] =	vst v14;
	v14 =	vmul.f32 v16, v1;
	v13 =	vld [tilespmem:s0+$0xD280]  }
0x166: {  	v16 =	vld [tilespmem:s24+$0xD280];
	[tilespmem:s7+$0x14A80] =	vst v11  }
0x167: {  	s7 =	sor.u32 s28, s30;
	v11 =	vld [tilespmem:s24+$0xD300];
	[tilespmem:s10+$0x14A80] =	vst v14;
	s10 =	sor.u32 s26, s15;
	s15 =	sadd.s32 $0x2380, s19;
	v17 =	vmul.f32 v55, v9  }
0x168: {  	v12 =	vmul.f32 v12, v10;
	v14 =	vld [tilespmem:s7+$0xD280];
	[smem:$0x7D5] =	sst s15  }
0x169: {  	[tilespmem:s2+$0x14A80] =	vst v17  }
0x16a: {  	[tilespmem:s11+$0x14A80] =	vst v12  }
0x16b: {  	s2 =	sld [smem:$0x7CE]  }
0x16c: {  	v15 =	vmul.f32 v15, v3  }
0x16d: {  	s3 =	sor.u32 s18, s15;
	v17 =	vld [tilespmem:s10+$0xD280];
	v13 =	vmul.f32 v13, v5  }
0x16e: {  	s12 =	sadd.s32 $0x1480, s13;
	v12 =	vld [tilespmem:s3+$0xD280];
	[tilespmem:s1+$0x14A80] =	vst v15;
	s6 =	sor.u32 s17, s2  }
0x16f: {  	v16 =	vmul.f32 v16, v4;
	[tilespmem:s0+$0x14A80] =	vst v13;
	s0 =	sadd.s32 $0x3280, s14;
	s2 =	sor.u32 s23, s12;
	v15 =	vld [tilespmem:s6+$0xD280]  }
0x170: {  	s15 =	sadd.s32 $0x580, s8;
	v13 =	vld [tilespmem:s2+$0xD280];
	[smem:$0x7DF] =	sst s0  }
0x171: {  	s11 =	sor.u32 s5, s15;
	v11 =	vmul.f32 v11, v4;
	[tilespmem:s24+$0x14A80] =	vst v16  }
0x172: {  	v14 =	vmul.f32 v14, v2;
	v16 =	vld [tilespmem:s11+$0xD280];
	[dreg:$0x5] =	wrdreg s24  }
0x173: {  	v17 =	vmul.f32 v17, v1;
	[tilespmem:s24+$0x14B00] =	vst v11  }
0x174: {  	s1 =	sor.u32 s20, s0;
	v12 =	vmul.f32 v12, v9;
	[tilespmem:s7+$0x14A80] =	vst v14  }
0x175: {  	v11 =	vld [tilespmem:s1+$0xD280];
	[tilespmem:s10+$0x14A80] =	vst v17;
	v17 =	vmul.f32 v54, v0  }
0x176: {  	s4 =	sor.u32 s9, s4;
	[tilespmem:s3+$0x14A80] =	vst v12  }
0x177: {  	s7 =	sor.u32 s28, s16;
	v14 =	vld [tilespmem:s4+$0xD280];
	v13 =	vmul.f32 v13, v3;
	[tilespmem:s31+$0x14A80] =	vst v17  }
0x178: {  	s10 =	sor.u32 s26, s22;
	s16 =	sadd.s32 $0x1900, s13;
	v56 =	vld [tilespmem:s7+$0xD280];
	s22 =	sld [smem:$0x7CF];
	v16 =	vmul.f32 v16, v5  }
0x179: {  	v12 =	vld [tilespmem:s10+$0xD280];
	[tilespmem:s2+$0x14A80] =	vst v13;
	s2 =	sor.u32 s23, s16  }
0x17a: {  	v11 =	vmul.f32 v11, v10;
	[tilespmem:s11+$0x14A80] =	vst v16;
	v16 =	vld [tilespmem:s2+$0xD280]  }
0x17b: {  	s3 =	sadd.s32 $0xA00, s8;
	v17 =	vld [tilespmem:s22+$0xFA80]  }
0x17c: {  	s31 =	sor.u32 s5, s3;
	v13 =	vld [tilespmem:s22+$0xFB00];
	v14 =	vmul.f32 v14, v4;
	[tilespmem:s1+$0x14A80] =	vst v11;
	s1 =	sadd.s32 $0x3700, s14  }
0x17d: {  	v57 =	vld [tilespmem:s31+$0xD280];
	[smem:$0x7E0] =	sst s1  }
0x17e: {  	v11 =	vmul.f32 v56, v2;
	[tilespmem:s4+$0x14A80] =	vst v14  }
0x17f: {  	v12 =	vmul.f32 v12, v1;
	s1 =	sor.u32 s20, s1;
	s11 =	sld [smem:$0x7D0]  }
0x180: {  	s4 =	sor.u32 s9, s15;
	[tilespmem:s7+$0x14A80] =	vst v11;
	v11 =	vld [tilespmem:s1+$0xD280];
	v17 =	vmul.f32 v17, v9  }
0x181: {  	[tilespmem:s10+$0x14A80] =	vst v12;
	v12 =	vld [tilespmem:s4+$0xD280]  }
0x182: {  	s24 =	smov.u32 s5;
	s5 =	sadd.s32 $0x2D00, s19;
	s7 =	sor.u32 s28, s21;
	v13 =	vmul.f32 v13, v9;
	v14 =	vld [tilespmem:s11+$0xFA80];
	[tilespmem:s22+$0x17280] =	vst v17  }
0x183: {  	v17 =	vld [tilespmem:s7+$0xD280];
	[smem:$0x7DE] =	sst s5  }
0x184: {  	s15 =	sadd.s32 $0x1980, s13;
	s10 =	sor.u32 s26, s29;
	v16 =	vmul.f32 v16, v3;
	[tilespmem:s22+$0x17300] =	vst v13  }
0x185: {  	v18 =	vmul.f32 v57, v5;
	v13 =	vld [tilespmem:s10+$0xD280];
	[smem:$0x7D8] =	sst s15  }
0x186: {  	v15 =	vmul.f32 v15, v8;
	[tilespmem:s2+$0x14A80] =	vst v16  }
0x187: {  	s30 =	smov.u32 s23;
	s21 =	sor.u32 s18, s5;
	[tilespmem:s31+$0x14A80] =	vst v18  }
0x188: {  	s29 =	sadd.s32 $0x3780, s14;
	s22 =	sor.u32 s30, s15;
	v11 =	vmul.f32 v11, v10;
	v16 =	vld [tilespmem:s21+$0xD280];
	[tilespmem:s6+$0x14A80] =	vst v15  }
0x189: {  	v12 =	vmul.f32 v12, v4;
	v58 =	vld [tilespmem:s22+$0xD280];
	[smem:$0x7E1] =	sst s29  }
0x18a: {  	s0 =	sadd.s32 $0xA80, s8;
	[tilespmem:s1+$0x14A80] =	vst v11  }
0x18b: {  	s31 =	sor.u32 s24, s0;
	[tilespmem:s4+$0x14A80] =	vst v12  }
0x18c: {  	v17 =	vmul.f32 v17, v2;
	v15 =	vld [tilespmem:s31+$0xD280];
	s1 =	sld [smem:$0x7D1]  }
0x18d: {  	s20 =	sor.u32 s20, s29;
	v11 =	vld [tilespmem:s11+$0xFB00];
	v13 =	vmul.f32 v13, v1  }
0x18e: {  	v12 =	vld [tilespmem:s20+$0xD280];
	[tilespmem:s7+$0x14A80] =	vst v17;
	s7 =	sor.u32 s9, s3  }
0x18f: {  	s14 =	sadd.s32 $0x2D80, s19;
	v16 =	vmul.f32 v16, v9;
	[tilespmem:s10+$0x14A80] =	vst v13;
	v13 =	vld [tilespmem:s7+$0xD280];
	s1 =	sor.u32 s17, s1  }
0x190: {  	v17 =	vld [tilespmem:s1+$0xD280];
	[smem:$0x7E2] =	sst s14  }
0x191: {  	s6 =	smov.u32 s17;
	s10 =	sor.u32 s28, s12;
	v18 =	vmul.f32 v58, v3;
	s17 =	sadd.s32 $0x1E00, s13;
	[tilespmem:s21+$0x14A80] =	vst v16  }
0x192: {  	v15 =	vmul.f32 v15, v5;
	v16 =	vld [tilespmem:s10+$0xD280];
	[smem:$0x7DA] =	sst s17  }
0x193: {  	v14 =	vmul.f32 v14, v0;
	[tilespmem:s22+$0x14A80] =	vst v18  }
0x194: {  	v11 =	vmul.f32 v11, v0;
	[tilespmem:s31+$0x14A80] =	vst v15  }
0x195: {  	[tilespmem:s11+$0x17280] =	vst v14  }
0x196: {  	[tilespmem:s11+$0x17300] =	vst v11;
	v14 =	vmul.f32 v17, v8  }
0x197: {  	s21 =	sor.u32 s18, s14;
	s22 =	sld [smem:$0x7D2]  }
0x198: {  	s5 =	sadd.s32 $0xF00, s8;
	s14 =	sor.u32 s30, s17;
	v59 =	vld [tilespmem:s21+$0xD280];
	s29 =	sld [smem:$0x7D3];
	[tilespmem:s1+$0x14A80] =	vst v14  }
0x199: {  	s15 =	sor.u32 s24, s5;
	v15 =	vld [tilespmem:s14+$0xD280];
	s1 =	sld [smem:$0x7D4]  }
0x19a: {  	s12 =	sor.u32 s26, s25;
	v13 =	vmul.f32 v13, v4;
	v17 =	vld [tilespmem:s15+$0xD280]  }
0x19b: {  	v11 =	vld [tilespmem:s12+$0xD280];
	v16 =	vmul.f32 v16, v2;
	s25 =	sor.u32 s22, s29  }
0x19c: {  	s4 =	sadd.s32 $0x3200, s19;
	v14 =	vld [tilespmem:s25+$0xD280];
	[tilespmem:s7+$0x14A80] =	vst v13;
	s3 =	sor.u32 s6, s1  }
0x19d: {  	s17 =	smov.u32 s24;
	s24 =	smov.u32 s6;
	v18 =	vmul.f32 v59, v9;
	[tilespmem:s10+$0x14A80] =	vst v16;
	s6 =	sor.u32 s9, s0;
	v13 =	vld [tilespmem:s3+$0xD280]  }
0x19e: {  	v15 =	vmul.f32 v15, v3;
	v16 =	vld [tilespmem:s6+$0xD280];
	[smem:$0x7E3] =	sst s4  }
0x19f: {  	s31 =	sor.u32 s28, s16;
	v17 =	vmul.f32 v17, v5;
	[tilespmem:s21+$0x14A80] =	vst v18  }
0x1a0: {  	s29 =	sor.u32 s18, s4;
	v11 =	vmul.f32 v11, v1;
	s10 =	sadd.s32 $0xF80, s8;
	v60 =	vld [tilespmem:s31+$0xD280];
	[tilespmem:s14+$0x14A80] =	vst v15  }
0x1a1: {  	s1 =	sor.u32 s17, s10;
	s21 =	sadd.s32 $0x1E80, s13;
	[tilespmem:s15+$0x14A80] =	vst v17;
	v15 =	vld [tilespmem:s29+$0xD280]  }
0x1a2: {  	v10 =	vmul.f32 v12, v10;
	s16 =	simm.s32 $0x140;
	[tilespmem:s12+$0x14A80] =	vst v11;
	v11 =	vmul.f32 v14, v0;
	s0 =	sor.u32 s30, s21;
	v14 =	vld [tilespmem:s1+$0xD280]  }
0x1a3: {  	v12 =	vld [tilespmem:s0+$0xD280];
	[dreg:$0x15] =	wrdreg s16  }
0x1a4: {  	s2 =	sld [smem:$0x7D5];
	[tilespmem:s20+$0x14A80] =	vst v10;
	v10 =	vmul.f32 v13, v8  }
0x1a5: {  	[tilespmem:s25+$0x14A80] =	vst v11;
	v11 =	vmul.f32 v16, v4  }
0x1a6: {  	s11 =	simm.s32 $0x140;
	[tilespmem:s3+$0x14A80] =	vst v10  }
0x1a7: {  	s11 =	sand.u32 $0x700, s11;
	s7 =	simm.s32 $0xA0;
	s3 =	sld [smem:$0x7D6];
	[tilespmem:s6+$0x14A80] =	vst v11  }
0x1a8: {  	s12 =	sor.u32 s26, s2;
	s2 =	sand.u32 $0x60, s7;
	s6 =	sld [smem:$0x7D7]  }
0x1a9: {  	v13 =	vld [tilespmem:s12+$0xD280];
	s7 =	sor.u32 s2, s11  }
0x1aa: {  	s23 =	smov.u32 s28;
	s28 =	smov.u32 s8;
	s14 =	smov.u32 s24;
	v16 =	vld [tilespmem:s7+$0xD280]  }
0x1ab: {  	v10 =	vld [tilespmem:s7+$0xD300];
	v15 =	vmul.f32 v15, v9;
	s3 =	sor.u32 s22, s3;
	s8 =	sor.u32 s24, s6;
	s24 =	sadd.s32 $0x3280, s19  }
0x1ac: {  	v12 =	vmul.f32 v12, v3;
	v11 =	vld [tilespmem:s3+$0xD280];
	[smem:$0x7E4] =	sst s24  }
0x1ad: {  	s25 =	sadd.s32 $0x2300, s13;
	v14 =	vmul.f32 v14, v5;
	[tilespmem:s29+$0x14A80] =	vst v15;
	v15 =	vld [tilespmem:s8+$0xD280];
	s29 =	sor.u32 s18, s24  }
0x1ae: {  	s20 =	sadd.s32 $0x1400, s28;
	s6 =	simm.s32 $0xB0;
	[tilespmem:s0+$0x14A80] =	vst v12;
	v12 =	vmul.f32 v60, v2;
	s0 =	sor.u32 s30, s25;
	v17 =	vld [tilespmem:s29+$0xD280]  }
0x1af: {  	[tilespmem:s1+$0x14A80] =	vst v14;
	s24 =	sand.u32 $0x70, s6;
	v14 =	vmul.f32 v16, v7;
	s1 =	sor.u32 s17, s20;
	v16 =	vld [tilespmem:s0+$0xD280]  }
0x1b0: {  	s15 =	smov.u32 s22;
	s22 =	smov.u32 s9;
	s9 =	sor.u32 s11, s24;
	[tilespmem:s31+$0x14A80] =	vst v12;
	v12 =	vld [tilespmem:s1+$0xD280]  }
0x1b1: {  	v10 =	vmul.f32 v10, v7;
	v61 =	vld [tilespmem:s9+$0xD280];
	[tilespmem:s7+$0x14A80] =	vst v14  }
0x1b2: {  	v13 =	vmul.f32 v13, v1;
	v14 =	vld [tilespmem:s9+$0xD300];
	[dreg:$0x7] =	wrdreg s7  }
0x1b3: {  	v11 =	vmul.f32 v11, v0;
	[tilespmem:s7+$0x14B00] =	vst v10  }
0x1b4: {  	[tilespmem:s12+$0x14A80] =	vst v13  }
0x1b5: {  	s31 =	sadd.s32 $0x500, s11;
	[tilespmem:s3+$0x14A80] =	vst v11  }
0x1b6: {  	s4 =	sor.u32 s2, s31;
	s3 =	sld [smem:$0x7D8]  }
0x1b7: {  	s12 =	sor.u32 s22, s5;
	s7 =	sadd.s32 $0x3700, s19;
	v10 =	vld [tilespmem:s4+$0xD280];
	v13 =	vmul.f32 v17, v9  }
0x1b8: {  	v11 =	vld [tilespmem:s12+$0xD280];
	[smem:$0x7E5] =	sst s7  }
0x1b9: {  	s16 =	sadd.s32 $0x2380, s13;
	v16 =	vmul.f32 v16, v3;
	[tilespmem:s29+$0x14A80] =	vst v13;
	s6 =	sor.u32 s23, s3  }
0x1ba: {  	v12 =	vmul.f32 v12, v5;
	v13 =	vld [tilespmem:s6+$0xD280];
	[smem:$0x7E7] =	sst s16  }
0x1bb: {  	[tilespmem:s0+$0x14A80] =	vst v16  }
0x1bc: {  	[tilespmem:s1+$0x14A80] =	vst v12  }
0x1bd: {  	s3 =	sor.u32 s18, s7;
	v16 =	vmul.f32 v61, v6;
	s5 =	sld [smem:$0x7D9]  }
0x1be: {  	s16 =	sor.u32 s30, s16;
	v17 =	vld [tilespmem:s3+$0xD280]  }
0x1bf: {  	v12 =	vmul.f32 v14, v6;
	v14 =	vld [tilespmem:s16+$0xD280];
	[tilespmem:s9+$0x14A80] =	vst v16  }
0x1c0: {  	v10 =	vmul.f32 v10, v7;
	v62 =	vld [tilespmem:s5+$0xFA80];
	[dreg:$0xb] =	wrdreg s9  }
0x1c1: {  	s7 =	sadd.s32 $0x1480, s28;
	v11 =	vmul.f32 v11, v4;
	[tilespmem:s9+$0x14B00] =	vst v12  }
0x1c2: {  	s1 =	sor.u32 s17, s7;
	[tilespmem:s4+$0x14A80] =	vst v10;
	v10 =	vmul.f32 v13, v2  }
0x1c3: {  	s31 =	sor.u32 s24, s31;
	s0 =	sadd.s32 $0x580, s11;
	v12 =	vld [tilespmem:s1+$0xD280];
	[tilespmem:s12+$0x14A80] =	vst v11  }
0x1c4: {  	s9 =	sor.u32 s2, s0;
	v13 =	vld [tilespmem:s31+$0xD280];
	[tilespmem:s6+$0x14A80] =	vst v10  }
0x1c5: {  	s10 =	sor.u32 s22, s10;
	s19 =	sadd.s32 $0x3780, s19;
	v16 =	vmul.f32 v17, v9;
	v11 =	vld [tilespmem:s9+$0xD280];
	s6 =	sld [smem:$0x7DA]  }
0x1c6: {  	v14 =	vmul.f32 v14, v3;
	v10 =	vld [tilespmem:s10+$0xD280];
	[smem:$0x7E6] =	sst s19  }
0x1c7: {  	v15 =	vmul.f32 v15, v8;
	[tilespmem:s3+$0x14A80] =	vst v16  }
0x1c8: {  	s18 =	sor.u32 s18, s19;
	[tilespmem:s16+$0x14A80] =	vst v14  }
0x1c9: {  	[tilespmem:s8+$0x14A80] =	vst v15;
	v14 =	vld [tilespmem:s18+$0xD280];
	s12 =	sor.u32 s23, s6  }
0x1ca: {  	v12 =	vmul.f32 v12, v5;
	s8 =	sld [smem:$0x7DB];
	v16 =	vld [tilespmem:s12+$0xD280]  }
0x1cb: {  	v13 =	vmul.f32 v13, v6  }
0x1cc: {  	v11 =	vmul.f32 v11, v7;
	[tilespmem:s1+$0x14A80] =	vst v12  }
0x1cd: {  	s16 =	sadd.s32 $0x1900, s28;
	v10 =	vmul.f32 v10, v4;
	v15 =	vld [tilespmem:s8+$0xFA80];
	[tilespmem:s31+$0x14A80] =	vst v13  }
0x1ce: {  	s29 =	sor.u32 s17, s16;
	v12 =	vld [tilespmem:s8+$0xFB00];
	[tilespmem:s9+$0x14A80] =	vst v11;
	v9 =	vmul.f32 v14, v9  }
0x1cf: {  	s0 =	sor.u32 s24, s0;
	s19 =	sadd.s32 $0xA00, s11;
	v13 =	vld [tilespmem:s29+$0xD280];
	[tilespmem:s10+$0x14A80] =	vst v10;
	v16 =	vmul.f32 v16, v2  }
0x1d0: {  	s9 =	sor.u32 s2, s19;
	v11 =	vld [tilespmem:s0+$0xD280];
	[tilespmem:s18+$0x14A80] =	vst v9  }
0x1d1: {  	s20 =	sor.u32 s22, s20;
	v10 =	vld [tilespmem:s9+$0xD280];
	[tilespmem:s12+$0x14A80] =	vst v16  }
0x1d2: {  	s10 =	sor.u32 s23, s21;
	v14 =	vld [tilespmem:s20+$0xD280];
	v15 =	vmul.f32 v15, v3;
	s1 =	sld [smem:$0x7DC]  }
0x1d3: {  	v9 =	vmul.f32 v12, v3;
	v12 =	vld [tilespmem:s10+$0xD280]  }
0x1d4: {  	s6 =	smov.u32 s15;
	v13 =	vmul.f32 v13, v5;
	[tilespmem:s8+$0x17280] =	vst v15  }
0x1d5: {  	v16 =	vld [tilespmem:s5+$0xFB00];
	v11 =	vmul.f32 v11, v6;
	s18 =	sld [smem:$0x7DD];
	[tilespmem:s8+$0x17300] =	vst v9;
	s12 =	sor.u32 s15, s1;
	s15 =	sadd.s32 $0x2D00, s13  }
0x1d6: {  	v10 =	vmul.f32 v10, v7;
	[tilespmem:s29+$0x14A80] =	vst v13;
	s8 =	sadd.s32 $0x1980, s28;
	v9 =	vld [tilespmem:s12+$0xD280];
	s3 =	sor.u32 s30, s15  }
0x1d7: {  	[tilespmem:s0+$0x14A80] =	vst v11;
	v13 =	vmul.f32 v14, v4;
	s0 =	sor.u32 s17, s8;
	v11 =	vld [tilespmem:s3+$0xD280]  }
0x1d8: {  	[tilespmem:s9+$0x14A80] =	vst v10;
	v10 =	vld [tilespmem:s0+$0xD280];
	v12 =	vmul.f32 v12, v2  }
0x1d9: {  	[tilespmem:s20+$0x14A80] =	vst v13;
	v13 =	vmul.f32 v62, v1  }
0x1da: {  	s21 =	smov.u32 s5;
	[tilespmem:s10+$0x14A80] =	vst v12;
	v12 =	vmul.f32 v16, v1  }
0x1db: {  	[tilespmem:s21+$0x17280] =	vst v13;
	v9 =	vmul.f32 v9, v0  }
0x1dc: {  	s4 =	sor.u32 s24, s19;
	[tilespmem:s21+$0x17300] =	vst v12;
	v11 =	vmul.f32 v11, v3  }
0x1dd: {  	s31 =	sor.u32 s14, s18;
	s18 =	sadd.s32 $0xA80, s11;
	s1 =	sld [smem:$0x7DE];
	[tilespmem:s12+$0x14A80] =	vst v9;
	v9 =	vmul.f32 v10, v5  }
0x1de: {  	v14 =	vld [tilespmem:s4+$0xD280];
	s20 =	sor.u32 s2, s18;
	s12 =	sld [smem:$0x7DF];
	[tilespmem:s3+$0x14A80] =	vst v11  }
0x1df: {  	v16 =	vld [tilespmem:s20+$0xD280];
	[tilespmem:s0+$0x14A80] =	vst v9  }
0x1e0: {  	s7 =	sor.u32 s22, s7;
	v15 =	vld [tilespmem:s31+$0xD280];
	s0 =	sld [smem:$0x7E0]  }
0x1e1: {  	v13 =	vld [tilespmem:s7+$0xD280];
	s10 =	sor.u32 s23, s25;
	s21 =	sor.u32 s6, s12;
	s12 =	sld [smem:$0x7E1]  }
0x1e2: {  	s25 =	sadd.s32 $0x2D80, s13;
	v12 =	vld [tilespmem:s10+$0xD280];
	s19 =	sor.u32 s26, s1  }
0x1e3: {  	s1 =	sor.u32 s30, s25;
	v10 =	vld [tilespmem:s19+$0xD280]  }
0x1e4: {  	s14 =	smov.u32 s30;
	v11 =	vmul.f32 v14, v6;
	v9 =	vmul.f32 v16, v7;
	v16 =	vld [tilespmem:s1+$0xD280];
	s30 =	sor.u32 s6, s0;
	s6 =	sor.u32 s6, s12  }
0x1e5: {  	v14 =	vld [tilespmem:s21+$0xD280];
	[dreg:$0x9] =	wrdreg s6  }
0x1e6: {  	[tilespmem:s4+$0x14A80] =	vst v11  }
0x1e7: {  	[tilespmem:s20+$0x14A80] =	vst v9  }
0x1e8: {  	s4 =	sld [smem:$0x7E2]  }
0x1e9: {  	s20 =	sld [smem:$0x7E3];
	_ =	sdelay $0x1  }
0x1ea: {  	s29 =	smov.u32 s17;
	s3 =	sadd.s32 $0x1E00, s28  }
0x1eb: {  	v13 =	vmul.f32 v13, v4;
	s0 =	sor.u32 s17, s3;
	s17 =	sor.u32 s26, s4;
	s4 =	sor.u32 s26, s20  }
0x1ec: {  	v11 =	vld [tilespmem:s0+$0xD280];
	[dreg:$0x12] =	wrdreg s4  }
0x1ed: {  	[tilespmem:s7+$0x14A80] =	vst v13  }
0x1ee: {  	s5 =	smov.u32 s13;
	s13 =	sld [smem:$0x7E5]  }
0x1ef: {  	s12 =	sor.u32 s24, s18;
	s4 =	sld [smem:$0x7E6]  }
0x1f0: {  	s18 =	sadd.s32 $0xF00, s11;
	s6 =	smov.u32 s11;
	s11 =	smov.u32 s2  }
0x1f1: {  	s20 =	sor.u32 s2, s18;
	s9 =	sld [smem:$0x7E4];
	s2 =	sor.u32 s26, s13  }
0x1f2: {  	v9 =	vmul.f32 v12, v2;
	v17 =	vld [tilespmem:s12+$0xD280];
	[dreg:$0xe] =	wrdreg s2;
	s2 =	sor.u32 s26, s4  }
0x1f3: {  	v63 =	vld [tilespmem:s20+$0xD280];
	[dreg:$0x10] =	wrdreg s2  }
0x1f4: {  	v10 =	vmul.f32 v10, v1;
	s7 =	smov.u32 s23;
	s9 =	sor.u32 s26, s9;
	[tilespmem:s10+$0x14A80] =	vst v9  }
0x1f5: {  	s13 =	sor.u32 s22, s16;
	s26 =	sor.u32 s23, s15;
	s16 =	sld [smem:$0x7E7]  }
0x1f6: {  	s15 =	smov.u32 s17;
	s4 =	simm.s32 $0xA;
	[tilespmem:s19+$0x14A80] =	vst v10;
	s19 =	sor.u32 s22, s8  }
0x1f7: {  	v13 =	vld [tilespmem:s13+$0xD280];
	s10 =	sadd.s32 $0x3200, s5;
	s8 =	sor.u32 s23, s25;
	[dreg:$0x1f] =	wrdreg s19  }
0x1f8: {  	v9 =	vmul.f32 v14, v0;
	s25 =	sor.u32 s22, s3;
	[dreg:$0x1d] =	wrdreg s8;
	s2 =	sor.u32 s23, s16  }
0x1f9: {  	s3 =	smov.u32 s31;
	s31 =	sor.u32 s24, s18;
	v12 =	vld [tilespmem:s2+$0xD280];
	[dreg:$0x19] =	wrdreg s5  }
0x1fa: {  	v14 =	vmul.f32 v16, v3;
	s18 =	sor.u32 s7, s10;
	s19 =	sor.u32 s14, s10;
	s8 =	sadd.s32 $0x1E80, s28;
	[tilespmem:s21+$0x14A80] =	vst v9  }
0x1fb: {  	v11 =	vmul.f32 v11, v5;
	s10 =	simm.s32 $0xCE50;
	s16 =	smov.u32 s22;
	v10 =	vld [tilespmem:s17+$0xD280];
	[dreg:$0x1a] =	wrdreg s14  }
0x1fc: {  	v8 =	vmul.f32 v15, v8;
	s22 =	smov.u32 s28;
	s23 =	smov.u32 s2;
	s2 =	simm.s32 $0xD0;
	[tilespmem:s1+$0x14A80] =	vst v14;
	v9 =	vld [tilespmem:s30+$0xD280]  }
0x1fd: {  	v15 =	vmul.f32 v17, v6;
	s21 =	smov.u32 s7;
	s7 =	smov.u32 s29;
	[tilespmem:s0+$0x14A80] =	vst v11;
	v14 =	vmul.f32 v63, v7;
	s1 =	sor.u32 s29, s8;
	v11 =	vld [tilespmem:s19+$0xD280]  }
.LBB2_6:
0x1fe: {  	[smem:$0x7C1] =	sst s2  }
0x1ff: {  	[smem:$0x7BD] =	sst s26  }
0x200: {  	[smem:$0x7BE] =	sst s18  }
0x201: {  	[smem:$0x7BF] =	sst s9  }
0x202: {  	s0 =	sadd.s32 $0xFFFFFFF0, s2;
	s9 =	rddreg [dreg:$0x15]  }
0x203: {  	s17 =	sadd.s32 $0xF80, s6;
	s28 =	smov.u32 s25;
	s14 =	rddreg [dreg:$0x1d]  }
0x204: {  	s29 =	sadd.s32 $0x2300, s22;
	[tilespmem:s12+$0x14A80] =	vst v15;
	s2 =	sadd.s32 $0x40, s9;
	s12 =	sld [smem:$0x7C1]  }
0x205: {  	v16 =	vmul.f32 v13, v4;
	v15 =	vld [tilespmem:s1+$0xD280];
	s5 =	smov.u32 s14;
	s14 =	smov.u32 s22;
	s22 =	rddreg [dreg:$0x10]  }
0x206: {  	v13 =	vld [tilespmem:s10+$0xFFFFFFF0];
	v12 =	vmul.f32 v12, v2;
	s26 =	sand.u32 $0x60, s0;
	[tilespmem:s20+$0x14A80] =	vst v14;
	[dreg:$0x15] =	wrdreg s2;
	s9 =	sand.u32 $0x700, s2  }
0x207: {  	s18 =	sor.u32 s11, s17;
	v10 =	vmul.f32 v10, v1;
	[tilespmem:s13+$0x14A80] =	vst v16;
	[smem:$0x7C3] =	sst s5;
	s20 =	sor.u32 s26, s9  }
0x208: {  	v14 =	vld [tilespmem:s18+$0xD280];
	[tilespmem:s23+$0x14A80] =	vst v12;
	s0 =	sand.u32 $0x70, s12;
	s12 =	sor.u32 s24, s17;
	v9 =	vmul.f32 v9, v0;
	s17 =	rddreg [dreg:$0xe]  }
0x209: {  	s5 =	rddreg [dreg:$0x19];
	v16 =	vld [tilespmem:s20+$0xD280];
	v11 =	vmul.f32 v11, v3;
	[tilespmem:s15+$0x14A80] =	vst v10;
	s25 =	sor.u32 s9, s0;
	s23 =	smov.u32 s17  }
0x20a: {  	s2 =	smov.u32 s11;
	v10 =	vld [tilespmem:s25+$0xD280];
	v15 =	vmul.f32 v15, v5;
	[tilespmem:s30+$0x14A80] =	vst v9;
	[smem:$0x7C0] =	sst s23  }
0x20b: {  	s13 =	sor.u32 s16, s8;
	v12 =	vld [tilespmem:s20+$0xD300];
	s15 =	sadd.s32 $0x3280, s5;
	[tilespmem:s19+$0x14A80] =	vst v11;
	s23 =	rddreg [dreg:$0x1a]  }
0x20c: {  	s4 =	sadd.s32 $0x2, s4;
	[smem:$0x7BB] =	sst s13;
	v17 =	vld [tilespmem:s25+$0xD300];
	s13 =	sor.u32 s23, s15;
	[tilespmem:s1+$0x14A80] =	vst v15  }
0x20d: {  	[smem:$0x7C5] =	sst s4;
	s8 =	sor.u32 s21, s15;
	v11 =	vmul.f32 v14, v7;
	s1 =	sor.u32 s7, s29;
	v14 =	vld [tilespmem:s13+$0xD280]  }
0x20e: {  	p3 =	slt.u32 s4, $0x26;
	s4 =	sadd.s32 $0x500, s9;
	[smem:$0x7C4] =	sst s8;
	[tilespmem:s3+$0x14A80] =	vst v8;
	v15 =	vmul.f32 v16, v13;
	v16 =	vld [tilespmem:s1+$0xD280]  }
0x20f: {  	s17 =	sadd.s32 $0x1400, s6;
	s19 =	rddreg [dreg:$0x9];
	s15 =	sor.u32 s16, s29;
	[tilespmem:s18+$0x14A80] =	vst v11  }
0x210: {  	s8 =	smov.u32 s19;
	s3 =	smov.u32 s24;
	v9 =	vld [tilespmem:s10+$0x0];
	v8 =	vmul.f32 v12, v13;
	s18 =	sor.u32 s2, s17;
	[tilespmem:s20+$0x14A80] =	vst v15  }
0x211: {  	s19 =	sor.u32 s0, s4;
	[smem:$0x7BC] =	sst s15;
	s29 =	smov.u32 s22;
	v11 =	vld [tilespmem:s18+$0xD280]  }
0x212: {  	s22 =	sor.u32 s26, s4;
	[dreg:$0x9] =	wrdreg s29;
	s17 =	sor.u32 s24, s17;
	[tilespmem:s20+$0x14B00] =	vst v8;
	v8 =	vld [tilespmem:s31+$0xD280];
	v14 =	vmul.f32 v14, v3  }
0x213: {  	s24 =	smov.u32 s5;
	s29 =	rddreg [dreg:$0x1f];
	s5 =	sadd.s32 $0x3700, s5;
	v12 =	vld [tilespmem:s22+$0xD280];
	v15 =	vmul.f32 v16, v5  }
0x214: {  	s4 =	sadd.s32 $0x2380, s14;
	s15 =	rddreg [dreg:$0x17];
	s11 =	sor.u32 s21, s5;
	v16 =	vld [tilespmem:s29+$0xD280];
	[tilespmem:s13+$0x14A80] =	vst v14  }
0x215: {  	[dreg:$0xe] =	wrdreg s11;
	v10 =	vmul.f32 v10, v9;
	s13 =	sor.u32 s23, s5;
	v14 =	vld [tilespmem:s15+$0xFA80];
	[tilespmem:s1+$0x14A80] =	vst v15;
	s5 =	smov.u32 s7  }
0x216: {  	s11 =	smov.u32 s15;
	s7 =	smov.u32 s23;
	v11 =	vmul.f32 v11, v7;
	s23 =	sor.u32 s5, s4;
	v15 =	vld [tilespmem:s13+$0xD280]  }
0x217: {  	v17 =	vmul.f32 v17, v9;
	s15 =	smov.u32 s21;
	[tilespmem:s25+$0x14A80] =	vst v10;
	s21 =	sadd.s32 $0x1480, s6;
	s4 =	sor.u32 s16, s4;
	v10 =	vld [tilespmem:s23+$0xD280]  }
0x218: {  	[smem:$0x7C2] =	sst s4;
	v12 =	vmul.f32 v12, v13;
	s4 =	sor.u32 s2, s21;
	[tilespmem:s18+$0x14A80] =	vst v11;
	v11 =	vld [tilespmem:s11+$0xFB00]  }
0x219: {  	s1 =	sadd.s32 $0x580, s9;
	v8 =	vmul.f32 v8, v6;
	[tilespmem:s25+$0x14B00] =	vst v17;
	v17 =	vld [tilespmem:s4+$0xD280]  }
0x21a: {  	v16 =	vmul.f32 v16, v4;
	[tilespmem:s22+$0x14A80] =	vst v12;
	s22 =	sor.u32 s26, s1;
	v12 =	vld [tilespmem:s19+$0xD280]  }
0x21b: {  	[tilespmem:s31+$0x14A80] =	vst v8;
	v18 =	vld [tilespmem:s22+$0xD280];
	v8 =	vmul.f32 v15, v3  }
0x21c: {  	v15 =	vld [tilespmem:s12+$0xD280];
	[tilespmem:s29+$0x14A80] =	vst v16;
	v10 =	vmul.f32 v10, v5  }
0x21d: {  	s30 =	sadd.s32 $0x3780, s24;
	[tilespmem:s13+$0x14A80] =	vst v8  }
0x21e: {  	s18 =	sor.u32 s0, s1;
	s1 =	smov.u32 s14;
	s31 =	sor.u32 s7, s30;
	v16 =	vld [tilespmem:s28+$0xD280];
	v8 =	vmul.f32 v17, v7;
	[tilespmem:s23+$0x14A80] =	vst v10  }
0x21f: {  	s14 =	smov.u32 s6;
	s7 =	smov.u32 s5;
	s6 =	rddreg [dreg:$0x3];
	v14 =	vmul.f32 v14, v2;
	v10 =	vld [tilespmem:s31+$0xD280]  }
0x220: {  	s5 =	smov.u32 s2;
	s2 =	smov.u32 s26;
	s26 =	sadd.s32 $0x1900, s14;
	v12 =	vmul.f32 v12, v9;
	v17 =	vld [tilespmem:s6+$0xFA80];
	[tilespmem:s4+$0x14A80] =	vst v8  }
0x221: {  	[tilespmem:s11+$0x17280] =	vst v14;
	v14 =	vmul.f32 v18, v13;
	s4 =	sor.u32 s5, s26;
	v8 =	vld [tilespmem:s6+$0xFB00]  }
0x222: {  	s24 =	sor.u32 s15, s30;
	s30 =	smov.u32 s9;
	[tilespmem:s19+$0x14A80] =	vst v12;
	v12 =	vld [tilespmem:s4+$0xD280]  }
0x223: {  	[dreg:$0x10] =	wrdreg s24;
	s29 =	smov.u32 s16;
	s16 =	sadd.s32 $0xA00, s30;
	v15 =	vmul.f32 v15, v6;
	[tilespmem:s22+$0x14A80] =	vst v14;
	v14 =	vld [tilespmem:s18+$0xD280]  }
0x224: {  	s24 =	smov.u32 s0;
	[dreg:$0x19] =	wrdreg s1;
	s19 =	sor.u32 s2, s16;
	v16 =	vmul.f32 v16, v4  }
0x225: {  	s15 =	smov.u32 s3;
	s0 =	sor.u32 s24, s16;
	s16 =	sld [smem:$0x7BB];
	v63 =	vld [tilespmem:s19+$0xD280];
	[tilespmem:s12+$0x14A80] =	vst v15;
	v10 =	vmul.f32 v10, v3;
	v3 =	vmov v5  }
0x226: {  	[dreg:$0x1a] =	wrdreg s7;
	s13 =	sor.u32 s15, s26;
	s23 =	sadd.s32 $0x2D00, s1;
	v5 =	vmov v7;
	v7 =	vmov v13;
	v13 =	vld [tilespmem:s17+$0xD280];
	[tilespmem:s28+$0x14A80] =	vst v16;
	v15 =	vmul.f32 v17, v3  }
0x227: {  	s9 =	sor.u32 s29, s23;
	s26 =	rddreg [dreg:$0x7];
	s28 =	sadd.s32 $0x1980, s14;
	v8 =	vmul.f32 v8, v3;
	[tilespmem:s31+$0x14A80] =	vst v10  }
0x228: {  	s22 =	sor.u32 s7, s23;
	v16 =	vld [tilespmem:s16+$0xD280];
	s23 =	sor.u32 s15, s28;
	s31 =	rddreg [dreg:$0x12];
	v14 =	vmul.f32 v14, v9;
	[tilespmem:s6+$0x17280] =	vst v15  }
0x229: {  	v10 =	vmul.f32 v12, v5;
	[dreg:$0x1f] =	wrdreg s23;
	v12 =	vld [tilespmem:s31+$0xD280];
	[tilespmem:s6+$0x17300] =	vst v8  }
0x22a: {  	s23 =	sld [smem:$0x7BC];
	v8 =	vld [tilespmem:s8+$0xD280];
	[tilespmem:s18+$0x14A80] =	vst v14  }
0x22b: {  	v15 =	vmul.f32 v63, v7;
	s18 =	smov.u32 s20;
	s6 =	rddreg [dreg:$0xb];
	[tilespmem:s4+$0x14A80] =	vst v10  }
0x22c: {  	s4 =	sor.u32 s5, s28;
	s28 =	smov.u32 s26;
	v13 =	vmul.f32 v13, v6;
	[dreg:$0x7] =	wrdreg s18;
	v10 =	vld [tilespmem:s22+$0xD280]  }
0x22d: {  	[dreg:$0x3] =	wrdreg s28;
	v14 =	vld [tilespmem:s4+$0xD280];
	[tilespmem:s19+$0x14A80] =	vst v15  }
0x22e: {  	s21 =	sor.u32 s3, s21;
	v15 =	vld [tilespmem:s0+$0xD280];
	s19 =	sld [smem:$0x7BE];
	[tilespmem:s17+$0x14A80] =	vst v13  }
0x22f: {  	s12 =	sadd.s32 $0xA80, s30;
	s26 =	smov.u32 s21;
	v16 =	vmul.f32 v16, v4;
	v13 =	vld [tilespmem:s21+$0xD280];
	s21 =	rddreg [dreg:$0x5]  }
0x230: {  	v11 =	vmul.f32 v11, v2;
	s18 =	sor.u32 s2, s12;
	s28 =	smov.u32 s21;
	s21 =	sld [smem:$0x7BD]  }
0x231: {  	s10 =	sadd.s32 $0x20, s10;
	v17 =	vld [tilespmem:s18+$0xD280];
	v12 =	vmul.f32 v12, v1;
	[tilespmem:s16+$0x14A80] =	vst v16;
	[dreg:$0x17] =	wrdreg s28  }
0x232: {  	s17 =	sadd.s32 $0x2D80, s1;
	s16 =	smov.u32 s25;
	v8 =	vmul.f32 v8, v0;
	v0 =	vmov v1;
	v16 =	vld [tilespmem:s23+$0xD280];
	[tilespmem:s11+$0x17300] =	vst v11;
	s28 =	sld [smem:$0x7BF];
	v10 =	vmul.f32 v10, v3  }
0x233: {  	v1 =	vmovc v2;
	v2 =	vmovc v4;
	v4 =	vmov v6;
	v6 =	vmov v9;
	s11 =	smov.u32 s6;
	[dreg:$0xb] =	wrdreg s16;
	s20 =	smov.u32 s19;
	v9 =	vmul.f32 v14, v5;
	v11 =	vld [tilespmem:s21+$0xD280];
	[tilespmem:s31+$0x14A80] =	vst v12  }
0x234: {  	s19 =	sor.u32 s7, s17;
	s6 =	sor.u32 s29, s17;
	s17 =	sld [smem:$0x7C2];
	[tilespmem:s22+$0x14A80] =	vst v10  }
0x235: {  	s12 =	sor.u32 s24, s12;
	s25 =	sadd.s32 $0x1E00, s14;
	[dreg:$0x5] =	wrdreg s11;
	v12 =	vmul.f32 v15, v6;
	v10 =	vld [tilespmem:s28+$0xD280];
	[tilespmem:s4+$0x14A80] =	vst v9  }
0x236: {  	s16 =	smov.u32 s15;
	[dreg:$0x12] =	wrdreg s20;
	v14 =	vmul.f32 v17, v7;
	s4 =	sor.u32 s5, s25;
	v9 =	vld [tilespmem:s19+$0xD280]  }
0x237: {  	[dreg:$0x1d] =	wrdreg s6;
	s25 =	sor.u32 s15, s25;
	s15 =	sadd.s32 $0xF00, s30;
	[tilespmem:s0+$0x14A80] =	vst v12;
	v12 =	vmul.f32 v13, v4;
	v15 =	vld [tilespmem:s4+$0xD280]  }
0x238: {  	s3 =	smov.u32 s8;
	s22 =	sld [smem:$0x7C3];
	v16 =	vmul.f32 v16, v2;
	[tilespmem:s18+$0x14A80] =	vst v14;
	s20 =	sor.u32 s2, s15;
	v14 =	vld [tilespmem:s12+$0xD280]  }
0x239: {  	s8 =	sadd.s32 $0x1E80, s14;
	s6 =	smov.u32 s30;
	s30 =	sld [smem:$0x7C0];
	v17 =	vld [tilespmem:s20+$0xD280];
	[tilespmem:s26+$0x14A80] =	vst v12;
	v11 =	vmul.f32 v11, v1  }
0x23a: {  	s11 =	smov.u32 s2;
	s2 =	sld [smem:$0x7C1];
	s31 =	sor.u32 s24, s15;
	v13 =	vld [tilespmem:s13+$0xD280];
	[tilespmem:s23+$0x14A80] =	vst v16;
	v16 =	vmul.f32 v10, v0  }
.Ltmp6:
0x23b: {  	s18 =	sadd.s32 $0x3200, s1;
	s1 =	sor.u32 s5, s8;
	v12 =	vld [tilespmem:s17+$0xD280];
	[tilespmem:s21+$0x14A80] =	vst v11;
	v9 =	vmul.f32 v9, v3;
	(pc) =	sbr.rel @p3 .LBB2_6-.Ltmp6, $4  }
0x23c: {  	s26 =	smov.u32 s9;
	s15 =	smov.u32 s22;
	v11 =	vmul.f32 v15, v5;
	v10 =	vld [tilespmem:s22+$0xD280];
	[tilespmem:s28+$0x14A80] =	vst v16;
	s28 =	sld [smem:$0x7C4]  }
0x23d: {  	s23 =	smov.u32 s17;
	s2 =	sadd.s32 $0x20, s2;
	s21 =	smov.u32 s29;
	[tilespmem:s19+$0x14A80] =	vst v9  }
0x23e: {  	s22 =	smov.u32 s14;
	s19 =	sor.u32 s7, s18;
	s18 =	sor.u32 s29, s18;
	v9 =	vld [tilespmem:s30+$0xD280];
	[tilespmem:s4+$0x14A80] =	vst v11  }
0x23f: {  	v15 =	vmul.f32 v14, v6;
	v14 =	vmul.f32 v17, v7;
	s7 =	smov.u32 s5;
	s9 =	smov.u32 s28;
	s4 =	sld [smem:$0x7C5];
	v11 =	vld [tilespmem:s19+$0xD280]  }
0x240: {  	_ = 	snop  }
0x241: {  	[tilespmem:s12+$0x14A80] =	vst v15  }
0x242: {  	v15 =	vld [tilespmem:s31+$0xD280];
	_ =	sdelay $0x4  }
0x243: {  	s0 =	sadd.s32 $0xF80, s6;
	v15 =	vmul.f32 v15, v6  }
0x244: {  	[tilespmem:s20+$0x14A80] =	vst v14;
	s2 =	sor.u32 s11, s0  }
0x245: {  	s0 =	sor.u32 s24, s0;
	v14 =	vld [tilespmem:s2+$0xD280];
	[tilespmem:s31+$0x14A80] =	vst v15  }
0x246: {  	v15 =	vld [tilespmem:s0+$0xD280];
	_ =	sdelay $0x3  }
0x247: {  	v14 =	vmul.f32 v14, v7  }
0x248: {  	s14 =	sadd.s32 $0x1400, s6;
	v15 =	vmul.f32 v15, v6  }
0x249: {  	s20 =	sor.u32 s11, s14;
	[tilespmem:s2+$0x14A80] =	vst v14  }
0x24a: {  	s28 =	sor.u32 s24, s14;
	v14 =	vld [tilespmem:s20+$0xD280];
	[tilespmem:s0+$0x14A80] =	vst v15  }
0x24b: {  	v15 =	vld [tilespmem:s28+$0xD280];
	_ =	sdelay $0x3  }
0x24c: {  	v14 =	vmul.f32 v14, v7  }
0x24d: {  	s29 =	sadd.s32 $0x1480, s6;
	v15 =	vmul.f32 v15, v6  }
0x24e: {  	s31 =	sor.u32 s11, s29;
	[tilespmem:s20+$0x14A80] =	vst v14  }
0x24f: {  	s17 =	smov.u32 s3;
	s3 =	sor.u32 s24, s29;
	v14 =	vld [tilespmem:s31+$0xD280];
	[tilespmem:s28+$0x14A80] =	vst v15  }
0x250: {  	v15 =	vld [tilespmem:s3+$0xD280];
	_ =	sdelay $0x3  }
0x251: {  	v14 =	vmul.f32 v14, v7  }
0x252: {  	s4 =	sadd.s32 $0x1900, s6;
	v15 =	vmul.f32 v15, v6  }
0x253: {  	s5 =	sor.u32 s11, s4;
	[tilespmem:s31+$0x14A80] =	vst v14  }
0x254: {  	s10 =	sor.u32 s24, s4;
	v14 =	vld [tilespmem:s5+$0xD280];
	[tilespmem:s3+$0x14A80] =	vst v15  }
0x255: {  	v15 =	vld [tilespmem:s10+$0xD280];
	_ =	sdelay $0x2  }
0x256: {  	v13 =	vmul.f32 v13, v4  }
0x257: {  	v14 =	vmul.f32 v14, v7  }
0x258: {  	s14 =	sadd.s32 $0x1980, s6;
	[tilespmem:s13+$0x14A80] =	vst v13;
	v15 =	vmul.f32 v15, v6  }
0x259: {  	s20 =	sor.u32 s11, s14;
	[tilespmem:s5+$0x14A80] =	vst v14  }
0x25a: {  	v14 =	vld [tilespmem:s20+$0xD280];
	[tilespmem:s10+$0x14A80] =	vst v15  }
0x25b: {  	s4 =	rddreg [dreg:$0x1f]  }
0x25c: {  	s28 =	sor.u32 s24, s14;
	v13 =	vld [tilespmem:s4+$0xD280]  }
0x25d: {  	v15 =	vld [tilespmem:s28+$0xD280];
	_ =	sdelay $0x1  }
0x25e: {  	v14 =	vmul.f32 v14, v7  }
0x25f: {  	s29 =	sadd.s32 $0x1E00, s6  }
0x260: {  	s31 =	sor.u32 s11, s29;
	[tilespmem:s20+$0x14A80] =	vst v14;
	v13 =	vmul.f32 v13, v4  }
0x261: {  	v14 =	vld [tilespmem:s31+$0xD280];
	v15 =	vmul.f32 v15, v6  }
0x262: {  	v16 =	vld [tilespmem:s1+$0xD280];
	[tilespmem:s4+$0x14A80] =	vst v13  }
0x263: {  	s5 =	sor.u32 s24, s29;
	[tilespmem:s28+$0x14A80] =	vst v15;
	v13 =	vld [tilespmem:s25+$0xD280]  }
0x264: {  	v15 =	vld [tilespmem:s5+$0xD280];
	_ =	sdelay $0x1  }
0x265: {  	v14 =	vmul.f32 v14, v7  }
0x266: {  	v29 =	vmul.f32 v16, v5;
	s10 =	sadd.s32 $0x1E80, s6  }
0x267: {  	s13 =	sor.u32 s11, s10;
	s28 =	sadd.s32 $0x2300, s22;
	[tilespmem:s31+$0x14A80] =	vst v14;
	v13 =	vmul.f32 v13, v4  }
0x268: {  	[tilespmem:s1+$0x14A80] =	vst v29;
	s29 =	sor.u32 s7, s28;
	v14 =	vld [tilespmem:s13+$0xD280];
	v15 =	vmul.f32 v15, v6  }
0x269: {  	s14 =	sor.u32 s16, s8;
	v32 =	vld [tilespmem:s29+$0xD280];
	[tilespmem:s25+$0x14A80] =	vst v13  }
0x26a: {  	[tilespmem:s5+$0x14A80] =	vst v15;
	s25 =	sor.u32 s24, s10;
	v30 =	vld [tilespmem:s14+$0xD280]  }
0x26b: {  	v31 =	vld [tilespmem:s25+$0xD280];
	_ =	sdelay $0x1  }
0x26c: {  	v14 =	vmul.f32 v14, v7  }
0x26d: {  	s31 =	sadd.s32 $0x2300, s6;
	v35 =	vmul.f32 v32, v5  }
0x26e: {  	s5 =	sor.u32 s11, s31;
	[tilespmem:s13+$0x14A80] =	vst v14;
	s10 =	sadd.s32 $0x2380, s22;
	v33 =	vmul.f32 v30, v4  }
0x26f: {  	[tilespmem:s29+$0x14A80] =	vst v35;
	v34 =	vld [tilespmem:s5+$0xD280];
	s13 =	sor.u32 s7, s10;
	v13 =	vmul.f32 v31, v6  }
0x270: {  	s3 =	sor.u32 s16, s28;
	v38 =	vld [tilespmem:s13+$0xD280];
	[tilespmem:s14+$0x14A80] =	vst v33  }
0x271: {  	s8 =	sor.u32 s24, s31;
	[tilespmem:s25+$0x14A80] =	vst v13;
	v36 =	vld [tilespmem:s3+$0xD280]  }
0x272: {  	v37 =	vld [tilespmem:s8+$0xD280];
	_ =	sdelay $0x1  }
0x273: {  	v15 =	vmul.f32 v34, v7  }
0x274: {  	s12 =	smov.u32 s6;
	v39 =	vmul.f32 v38, v5  }
0x275: {  	s14 =	sadd.s32 $0x2380, s12;
	[tilespmem:s5+$0x14A80] =	vst v15;
	v13 =	vmul.f32 v36, v4  }
0x276: {  	s25 =	sor.u32 s11, s14;
	[tilespmem:s13+$0x14A80] =	vst v39;
	v14 =	vmul.f32 v37, v6  }
0x277: {  	s28 =	sor.u32 s16, s10;
	v15 =	vld [tilespmem:s25+$0xD280];
	[tilespmem:s3+$0x14A80] =	vst v13  }
0x278: {  	s29 =	sor.u32 s24, s14;
	[tilespmem:s8+$0x14A80] =	vst v14;
	v40 =	vld [tilespmem:s28+$0xD280]  }
0x279: {  	v41 =	vld [tilespmem:s29+$0xD280];
	s1 =	rddreg [dreg:$0x3]  }
0x27a: {  	v12 =	vmul.f32 v12, v2;
	v42 =	vld [tilespmem:s1+$0xFA80]  }
0x27b: {  	v43 =	vld [tilespmem:s1+$0xFB00]  }
0x27c: {  	v15 =	vmul.f32 v15, v7;
	[tilespmem:s23+$0x14A80] =	vst v12  }
0x27d: {  	s31 =	rddreg [dreg:$0x17];
	v14 =	vmul.f32 v40, v4  }
0x27e: {  	[tilespmem:s25+$0x14A80] =	vst v15;
	v17 =	vld [tilespmem:s31+$0xFA80];
	v13 =	vmul.f32 v41, v6  }
0x27f: {  	v44 =	vld [tilespmem:s31+$0xFB00];
	s2 =	rddreg [dreg:$0x7];
	v45 =	vmul.f32 v42, v5;
	[tilespmem:s28+$0x14A80] =	vst v14  }
0x280: {  	v18 =	vld [tilespmem:s2+$0xFA80];
	v12 =	vmul.f32 v43, v5;
	[tilespmem:s29+$0x14A80] =	vst v13  }
0x281: {  	v46 =	vld [tilespmem:s2+$0xFB00];
	s3 =	rddreg [dreg:$0x5];
	[tilespmem:s1+$0x17280] =	vst v45  }
0x282: {  	[tilespmem:s1+$0x17300] =	vst v12;
	v47 =	vld [tilespmem:s3+$0xFA80]  }
0x283: {  	v17 =	vmul.f32 v17, v2;
	v48 =	vld [tilespmem:s3+$0xFB00];
	s5 =	rddreg [dreg:$0xb]  }
0x284: {  	v49 =	vmul.f32 v44, v2;
	v50 =	vld [tilespmem:s5+$0xFA80]  }
0x285: {  	s8 =	sadd.s32 $0x2D00, s22;
	v51 =	vmul.f32 v18, v7;
	[tilespmem:s31+$0x17280] =	vst v17;
	v52 =	vld [tilespmem:s5+$0xFB00]  }
0x286: {  	s10 =	sor.u32 s7, s8;
	v53 =	vmul.f32 v46, v7;
	[tilespmem:s31+$0x17300] =	vst v49  }
0x287: {  	v54 =	vld [tilespmem:s10+$0xD280];
	[tilespmem:s2+$0x17280] =	vst v51;
	v13 =	vmul.f32 v47, v4  }
0x288: {  	s13 =	sadd.s32 $0x2D00, s12;
	[tilespmem:s2+$0x17300] =	vst v53;
	v14 =	vmul.f32 v48, v4  }
0x289: {  	s14 =	sor.u32 s11, s13;
	v58 =	vld [tilespmem:s26+$0xD280];
	v55 =	vmul.f32 v50, v6;
	[tilespmem:s3+$0x17280] =	vst v13  }
0x28a: {  	s0 =	sor.u32 s16, s8;
	v56 =	vld [tilespmem:s14+$0xD280];
	v57 =	vmul.f32 v52, v6;
	[tilespmem:s3+$0x17300] =	vst v14  }
0x28b: {  	[tilespmem:s5+$0x17280] =	vst v55;
	v59 =	vld [tilespmem:s0+$0xD280]  }
0x28c: {  	s2 =	sor.u32 s24, s13;
	v12 =	vmul.f32 v54, v5;
	[tilespmem:s5+$0x17300] =	vst v57  }
0x28d: {  	s23 =	sadd.s32 $0x2D80, s22;
	v15 =	vld [tilespmem:s2+$0xD280]  }
0x28e: {  	s25 =	sor.u32 s7, s23;
	v16 =	vmul.f32 v58, v2;
	[tilespmem:s10+$0x14A80] =	vst v12  }
0x28f: {  	v60 =	vmul.f32 v56, v7;
	v61 =	vld [tilespmem:s25+$0xD280]  }
0x290: {  	s28 =	sadd.s32 $0x2D80, s12;
	[tilespmem:s26+$0x14A80] =	vst v16;
	v62 =	vmul.f32 v59, v4  }
0x291: {  	s29 =	sor.u32 s11, s28;
	[tilespmem:s14+$0x14A80] =	vst v60  }
0x292: {  	s31 =	sor.u32 s16, s23;
	v63 =	vld [tilespmem:s29+$0xD280];
	v15 =	vmul.f32 v15, v6;
	[tilespmem:s0+$0x14A80] =	vst v62  }
0x293: {  	s4 =	rddreg [dreg:$0x1d];
	v21 =	vld [tilespmem:s31+$0xD280]  }
0x294: {  	s5 =	sor.u32 s24, s28;
	v14 =	vmul.f32 v61, v5;
	[tilespmem:s2+$0x14A80] =	vst v15;
	v20 =	vld [tilespmem:s4+$0xD280]  }
0x295: {  	v10 =	vmul.f32 v10, v1;
	s20 =	smov.u32 s7;
	s6 =	sadd.s32 $0x3200, s22;
	v15 =	vld [tilespmem:s5+$0xD280]  }
0x296: {  	s10 =	sor.u32 s20, s6;
	[tilespmem:s25+$0x14A80] =	vst v14  }
0x297: {  	v13 =	vmul.f32 v63, v7;
	[tilespmem:s15+$0x14A80] =	vst v10;
	v22 =	vld [tilespmem:s10+$0xD280]  }
0x298: {  	s23 =	sadd.s32 $0x3200, s12;
	s8 =	rddreg [dreg:$0x12];
	v24 =	vmul.f32 v21, v4  }
0x299: {  	s25 =	sor.u32 s11, s23;
	[tilespmem:s29+$0x14A80] =	vst v13;
	v23 =	vld [tilespmem:s8+$0xD280];
	v12 =	vmul.f32 v20, v2  }
0x29a: {  	v25 =	vld [tilespmem:s25+$0xD280];
	v15 =	vmul.f32 v15, v6;
	[tilespmem:s31+$0x14A80] =	vst v24  }
0x29b: {  	v11 =	vmul.f32 v11, v3;
	s2 =	sor.u32 s16, s6;
	[tilespmem:s4+$0x14A80] =	vst v12  }
0x29c: {  	v10 =	vmul.f32 v22, v5;
	v13 =	vld [tilespmem:s2+$0xD280];
	s13 =	rddreg [dreg:$0x19];
	[tilespmem:s5+$0x14A80] =	vst v15  }
0x29d: {  	s6 =	sor.u32 s24, s23;
	s29 =	sadd.s32 $0x3280, s22;
	v26 =	vld [tilespmem:s18+$0xD280];
	[tilespmem:s19+$0x14A80] =	vst v11  }
0x29e: {  	v14 =	vmul.f32 v23, v1;
	s31 =	sor.u32 s20, s29;
	s26 =	sadd.s32 $0x3280, s13;
	s14 =	rddreg [dreg:$0x1a];
	v27 =	vld [tilespmem:s6+$0xD280];
	[tilespmem:s10+$0x14A80] =	vst v10  }
0x29f: {  	v29 =	vmul.f32 v25, v7;
	s28 =	sor.u32 s14, s26;
	v30 =	vld [tilespmem:s31+$0xD280]  }
0x2a0: {  	v9 =	vmul.f32 v9, v0;
	[tilespmem:s8+$0x14A80] =	vst v14;
	v28 =	vld [tilespmem:s28+$0xD280]  }
0x2a1: {  	s5 =	sadd.s32 $0x3280, s12;
	[tilespmem:s25+$0x14A80] =	vst v29;
	v32 =	vld [tilespmem:s9+$0xD280];
	v13 =	vmul.f32 v13, v4  }
0x2a2: {  	s10 =	sor.u32 s11, s5;
	[tilespmem:s30+$0x14A80] =	vst v9;
	v31 =	vmul.f32 v26, v2  }
0x2a3: {  	v33 =	vld [tilespmem:s10+$0xD280];
	v11 =	vmul.f32 v27, v6;
	[tilespmem:s2+$0x14A80] =	vst v13  }
0x2a4: {  	s0 =	sor.u32 s21, s26;
	[tilespmem:s18+$0x14A80] =	vst v31;
	v12 =	vmul.f32 v30, v5  }
0x2a5: {  	s18 =	sor.u32 s16, s29;
	v34 =	vmul.f32 v28, v3;
	v35 =	vld [tilespmem:s0+$0xD280];
	[tilespmem:s6+$0x14A80] =	vst v11  }
0x2a6: {  	s19 =	sadd.s32 $0x3700, s13;
	s23 =	sor.u32 s24, s5;
	v10 =	vmul.f32 v32, v1;
	v36 =	vld [tilespmem:s18+$0xD280];
	[tilespmem:s31+$0x14A80] =	vst v12  }
0x2a7: {  	s25 =	sor.u32 s14, s19;
	s26 =	sadd.s32 $0x3700, s22;
	v37 =	vld [tilespmem:s23+$0xD280];
	[tilespmem:s28+$0x14A80] =	vst v34  }
0x2a8: {  	v39 =	vmul.f32 v33, v7;
	[tilespmem:s9+$0x14A80] =	vst v10;
	s28 =	sor.u32 s20, s26;
	v38 =	vld [tilespmem:s25+$0xD280]  }
0x2a9: {  	s29 =	sadd.s32 $0x3700, s12;
	v40 =	vld [tilespmem:s28+$0xD280];
	s15 =	rddreg [dreg:$0xe]  }
0x2aa: {  	s30 =	sor.u32 s11, s29;
	[tilespmem:s10+$0x14A80] =	vst v39;
	v42 =	vld [tilespmem:s15+$0xD280];
	v41 =	vmul.f32 v35, v2  }
0x2ab: {  	[tilespmem:s17+$0x14A80] =	vst v8;
	v12 =	vld [tilespmem:s30+$0xD280];
	v11 =	vmul.f32 v36, v4  }
0x2ac: {  	s31 =	sor.u32 s21, s19;
	v13 =	vmul.f32 v37, v6;
	[tilespmem:s0+$0x14A80] =	vst v41  }
0x2ad: {  	s10 =	sor.u32 s16, s26;
	[tilespmem:s18+$0x14A80] =	vst v11;
	v9 =	vmul.f32 v38, v3;
	v43 =	vld [tilespmem:s31+$0xD280]  }
0x2ae: {  	s13 =	sadd.s32 $0x3780, s13;
	s18 =	sor.u32 s24, s29;
	[tilespmem:s23+$0x14A80] =	vst v13;
	v44 =	vld [tilespmem:s10+$0xD280];
	v45 =	vmul.f32 v40, v5  }
0x2af: {  	s19 =	sor.u32 s14, s13;
	s23 =	sadd.s32 $0x3780, s22;
	v46 =	vld [tilespmem:s18+$0xD280];
	v48 =	vmul.f32 v42, v1;
	[tilespmem:s25+$0x14A80] =	vst v9  }
0x2b0: {  	s26 =	sor.u32 s20, s23;
	v12 =	vmul.f32 v12, v7;
	[tilespmem:s28+$0x14A80] =	vst v45;
	v47 =	vld [tilespmem:s19+$0xD280]  }
0x2b1: {  	s28 =	sadd.s32 $0x3780, s12;
	s25 =	rddreg [dreg:$0x9];
	[tilespmem:s15+$0x14A80] =	vst v48;
	v50 =	vld [tilespmem:s26+$0xD280]  }
0x2b2: {  	[tilespmem:s30+$0x14A80] =	vst v12;
	s29 =	sor.u32 s11, s28;
	v49 =	vld [tilespmem:s25+$0xD280];
	v11 =	vmul.f32 v43, v2  }
0x2b3: {  	s5 =	rddreg [dreg:$0x10];
	v52 =	vld [tilespmem:s29+$0xD280];
	v13 =	vmul.f32 v44, v4  }
0x2b4: {  	v51 =	vld [tilespmem:s5+$0xD280];
	v10 =	vmul.f32 v46, v6;
	[tilespmem:s31+$0x14A80] =	vst v11  }
0x2b5: {  	[tilespmem:s10+$0x14A80] =	vst v13;
	v53 =	vmul.f32 v47, v3  }
0x2b6: {  	[tilespmem:s18+$0x14A80] =	vst v10;
	v57 =	vmul.f32 v50, v5  }
0x2b7: {  	v55 =	vmul.f32 v49, v0;
	[tilespmem:s19+$0x14A80] =	vst v53  }
0x2b8: {  	s6 =	sor.u32 s21, s13;
	v60 =	vmul.f32 v52, v7;
	[tilespmem:s26+$0x14A80] =	vst v57  }
0x2b9: {  	s30 =	sor.u32 s16, s23;
	v54 =	vld [tilespmem:s6+$0xD280];
	v59 =	vmul.f32 v51, v1;
	[tilespmem:s25+$0x14A80] =	vst v55  }
0x2ba: {  	s31 =	sor.u32 s24, s28;
	v56 =	vld [tilespmem:s30+$0xD280];
	[tilespmem:s29+$0x14A80] =	vst v60  }
0x2bb: {  	v58 =	vld [tilespmem:s31+$0xD280];
	[tilespmem:s5+$0x14A80] =	vst v59  }
0x2bc: {  	s1 =	sld [smem:$0x7E8];
	_ =	sdelay $0x1  }
0x2bd: {  	v61 =	vmul.f32 v54, v2  }
0x2be: {  	v62 =	vmul.f32 v56, v4;
	s1 =	smul.u32 $0x500, s1  }
0x2bf: {  	v63 =	vmul.f32 v58, v6;
	[tilespmem:s6+$0x14A80] =	vst v61  }
0x2c0: {  	s7 =	rddreg [dreg:$0x1];
	[tilespmem:s30+$0x14A80] =	vst v62;
	s6 =	sshrl.u32 s1, $0x3  }
0x2c1: {  	s8 =	simm.s32 $0x0;
	s9 =	simm.s32 $0x14A80;
	[tilespmem:s31+$0x14A80] =	vst v63;
	s0 =	sadd.s32 s7, s6  }
0x2c2: {  	[hbm4b:s0+s8] =	stream.linear.scatter [tilespmem:s9], [sflag:$0x3], $0x500, $0x38;
	[tilespmem:$0x1C280] =	vst v63  }
0x2c3: {  	s11 =	simm.s32 $0x14F80;
	s10 =	sadd.s32 $0x61A80, s0  }
0x2c4: {  	[hbm4b:s10+s8] =	stream.linear.scatter [tilespmem:s11], [sflag:$0x3], $0x500, $0x38;
	[tilespmem:$0x1C280] =	vst v63  }
0x2c5: {  	s13 =	simm.s32 $0x15480;
	s12 =	sadd.s32 $0xC3500, s0  }
0x2c6: {  	[hbm4b:s12+s8] =	stream.linear.scatter [tilespmem:s13], [sflag:$0x3], $0x500, $0x38;
	[tilespmem:$0x1C280] =	vst v63  }
0x2c7: {  	s15 =	simm.s32 $0x15980;
	s14 =	sadd.s32 $0x124F80, s0  }
0x2c8: {  	[hbm4b:s14+s8] =	stream.linear.scatter [tilespmem:s15], [sflag:$0x3], $0x500, $0x38;
	[tilespmem:$0x1C280] =	vst v63  }
0x2c9: {  	s17 =	simm.s32 $0x15E80;
	s16 =	sadd.s32 $0x186A00, s0  }
0x2ca: {  	[hbm4b:s16+s8] =	stream.linear.scatter [tilespmem:s17], [sflag:$0x3], $0x500, $0x38;
	[tilespmem:$0x1C280] =	vst v63  }
0x2cb: {  	s19 =	simm.s32 $0x16380;
	s18 =	sadd.s32 $0x1E8480, s0  }
0x2cc: {  	[hbm4b:s18+s8] =	stream.linear.scatter [tilespmem:s19], [sflag:$0x3], $0x500, $0x38;
	[tilespmem:$0x1C280] =	vst v63  }
0x2cd: {  	s21 =	simm.s32 $0x16880;
	s20 =	sadd.s32 $0x249F00, s0  }
0x2ce: {  	[hbm4b:s20+s8] =	stream.linear.scatter [tilespmem:s21], [sflag:$0x3], $0x500, $0x38;
	[tilespmem:$0x1C280] =	vst v63  }
0x2cf: {  	s23 =	simm.s32 $0x16D80;
	s22 =	sadd.s32 $0x2AB980, s0  }
0x2d0: {  	[hbm4b:s22+s8] =	stream.linear.scatter [tilespmem:s23], [sflag:$0x3], $0x500, $0x38;
	[tilespmem:$0x1C280] =	vst v63  }
0x2d1: {  	s25 =	simm.s32 $0x17280;
	s1 =	sld [smem:$0x7E9];
	s24 =	sadd.s32 $0x30D400, s0  }
0x2d2: {  	[hbm4b:s24+s8] =	stream.linear.scatter [tilespmem:s25], [sflag:$0x3], $0x500, $0x38;
	[tilespmem:$0x1C280] =	vst v63  }
0x2d3: {  	s28 =	simm.s32 $0x17780;
	s30 =	simm.s32 $0x17C80;
	s26 =	sadd.s32 $0x36EE80, s0  }
0x2d4: {  	[hbm4b:s26+s8] =	stream.linear.scatter [tilespmem:s28], [sflag:$0x3], $0x500, $0x38;
	[tilespmem:$0x1C280] =	vst v63  }
0x2d5: {  	s31 =	simm.s32 $0x18180;
	s29 =	sadd.s32 $0x3D0900, s0;
	p3 =	sgt.u32 s1, $0x9A3  }
0x2d6: {  	[hbm4b:s29+s8] =	stream.linear.scatter [tilespmem:s30], [sflag:$0x3], $0x500, $0x38;
	[tilespmem:$0x1C280] =	vst v63  }
0x2d7: {  	s2 =	sld [smem:$0x7F6];
	s0 =	sadd.s32 $0x432380, s0;
	s1 =	smul.u32 @!p3 $0x500, s1  }
0x2d8: {  	[hbm4b:s0+s8] =	stream.linear.scatter [tilespmem:s31], [sflag:$0x3], $0x500, $0x38;
	[tilespmem:$0x1C280] =	vst v63  }
0x2d9: {  	s0 =	sshrl.u32 @!p3 s1, $0x3  }
0x2da: {  	s1 =	sadd.s32 @!p3 $0x1400, s0  }
0x2db: {  	s3 =	simm.s32 @!p3 $0x0;
	s4 =	simm.s32 @!p3 $0xC380;
	s2 =	sadd.s32 @!p3 s2, s1  }
0x2dc: {  	[tilespmem:s4], [sflag:$0x1] =	stream.linear.gather @!p3 [hbm4b:s2+s3], $0x500, $0x38;
	[tilespmem:$0x1C280] =	vst v63  }
0x2dd: {  	s4 =	sld [smem:$0x7EE];
	_ =	sdelay $0x2  }
0x2de: {  	s2 =	simm.s32 @!p3 $0xD280;
	s1 =	sadd.s32 @!p3 s4, s1;
	s0 =	sadd.s32 @!p3 s4, s0  }
0x2df: {  	[tilespmem:s2], [sflag:$0x1] =	stream.linear.gather @!p3 [hbm4b:s1+s3], $0x500, $0x38;
	[tilespmem:$0x1C280] =	vst v63  }
0x2e0: {  	s1 =	sadd.s32 @!p3 $0x62E80, s0;
	s2 =	simm.s32 @!p3 $0xD780  }
0x2e1: {  	[tilespmem:s2], [sflag:$0x1] =	stream.linear.gather @!p3 [hbm4b:s1+s3], $0x500, $0x38;
	[tilespmem:$0x1C280] =	vst v63  }
0x2e2: {  	s1 =	sadd.s32 @!p3 $0xC4900, s0;
	s2 =	simm.s32 @!p3 $0xDC80  }
0x2e3: {  	[tilespmem:s2], [sflag:$0x1] =	stream.linear.gather @!p3 [hbm4b:s1+s3], $0x500, $0x38;
	[tilespmem:$0x1C280] =	vst v63  }
0x2e4: {  	s1 =	sadd.s32 @!p3 $0x126380, s0;
	s2 =	simm.s32 @!p3 $0xE180  }
0x2e5: {  	[tilespmem:s2], [sflag:$0x1] =	stream.linear.gather @!p3 [hbm4b:s1+s3], $0x500, $0x38;
	[tilespmem:$0x1C280] =	vst v63  }
0x2e6: {  	s1 =	sadd.s32 @!p3 $0x187E00, s0;
	s2 =	simm.s32 @!p3 $0xE680  }
0x2e7: {  	[tilespmem:s2], [sflag:$0x1] =	stream.linear.gather @!p3 [hbm4b:s1+s3], $0x500, $0x38;
	[tilespmem:$0x1C280] =	vst v63  }
0x2e8: {  	s1 =	sadd.s32 @!p3 $0x1E9880, s0;
	s2 =	simm.s32 @!p3 $0xEB80  }
0x2e9: {  	[tilespmem:s2], [sflag:$0x1] =	stream.linear.gather @!p3 [hbm4b:s1+s3], $0x500, $0x38;
	[tilespmem:$0x1C280] =	vst v63  }
0x2ea: {  	s1 =	sadd.s32 @!p3 $0x24B300, s0;
	s2 =	simm.s32 @!p3 $0xF080  }
0x2eb: {  	[tilespmem:s2], [sflag:$0x1] =	stream.linear.gather @!p3 [hbm4b:s1+s3], $0x500, $0x38;
	[tilespmem:$0x1C280] =	vst v63  }
0x2ec: {  	s1 =	sadd.s32 @!p3 $0x2ACD80, s0;
	s2 =	simm.s32 @!p3 $0xF580  }
0x2ed: {  	[tilespmem:s2], [sflag:$0x1] =	stream.linear.gather @!p3 [hbm4b:s1+s3], $0x500, $0x38;
	[tilespmem:$0x1C280] =	vst v63  }
0x2ee: {  	s1 =	sadd.s32 @!p3 $0x30E800, s0;
	s2 =	simm.s32 @!p3 $0xFA80  }
0x2ef: {  	[tilespmem:s2], [sflag:$0x1] =	stream.linear.gather @!p3 [hbm4b:s1+s3], $0x500, $0x38;
	[tilespmem:$0x1C280] =	vst v63  }
0x2f0: {  	s1 =	sadd.s32 @!p3 $0x370280, s0;
	s2 =	simm.s32 @!p3 $0xFF80  }
0x2f1: {  	[tilespmem:s2], [sflag:$0x1] =	stream.linear.gather @!p3 [hbm4b:s1+s3], $0x500, $0x38;
	[tilespmem:$0x1C280] =	vst v63  }
0x2f2: {  	s4 =	sld [smem:$0x7EA];
	s1 =	sadd.s32 @!p3 $0x3D1D00, s0;
	s2 =	simm.s32 @!p3 $0x10480  }
0x2f3: {  	[tilespmem:s2], [sflag:$0x1] =	stream.linear.gather @!p3 [hbm4b:s1+s3], $0x500, $0x38;
	[tilespmem:$0x1C280] =	vst v63  }
0x2f4: {  	s0 =	sadd.s32 @!p3 $0x433780, s0;
	s1 =	simm.s32 @!p3 $0x10980  }
0x2f5: {  	[tilespmem:s1], [sflag:$0x1] =	stream.linear.gather @!p3 [hbm4b:s0+s3], $0x500, $0x38;
	[tilespmem:$0x1C280] =	vst v63  }
.LBB2_8:
.Ltmp7:
0x2f6: {  	(pc) =	sbr.rel @p1 .LBB2_14-.Ltmp7, $4  }
0x2f7: {  	s0 =	simm.s32 @!p2 $0x4  }
0x2f8: {  	_ =	swait.ge @!p2 [sflag:s0], $0x3C00  }
0x2f9: {  	[sflag:s0] =	ssyncset.done @!p2 $0x0  }
0x2fa: {  	[sflag:s0] =	ssyncadd.s32 @!p2 $0xFFFFC400  }
0x2fb: {  	s3 =	simm.s32 $0x2  }
0x2fc: {  	_ =	swait.ge [sflag:s3], $0x500  }
0x2fd: {  	s0 =	simm.s32 $0x0;
	[sflag:s3] =	ssyncset.done $0x0  }
0x2fe: {  	s1 =	sand.u32 $0x1C00, s0;
	[sflag:s3] =	ssyncadd.s32 $0xFFFFFB00  }
0x2ff: {  	s2 =	simm.s32 $0x30;
	s1 =	sshrl.u32 s1, $0x2;
	_ =	swait.ge [sflag:s3], $0x3C00  }
0x300: {  	s2 =	sand.u32 $0x70, s2;
	s1 =	sor.u32 $0xC880, s1;
	[sflag:s3] =	ssyncset.done $0x0  }
0x301: {  	s22 =	simm.s32 $0x0;
	s2 =	sor.u32 s2, s1;
	[sflag:s3] =	ssyncadd.s32 $0xFFFFC400  }
0x302: {  	s3 =	sand.u32 $0x40, s22;
	v0 =	vld [tilespmem:s2+$0x0]  }
0x303: {  	s23 =	sor.u32 s3, s1  }
0x304: {  	v2 =	vld [tilespmem:s23+$0x0]  }
0x305: {  	s24 =	simm.s32 $0x10  }
0x306: {  	s25 =	simm.s32 $0x20;
	s4 =	simm.s32 $0x200;
	s2 =	sand.u32 $0x50, s24  }
0x307: {  	s4 =	sand.u32 $0x1C00, s4;
	s3 =	sand.u32 $0x60, s25;
	s2 =	sor.u32 s2, s1  }
0x308: {  	s26 =	sshrl.u32 s4, $0x2;
	s3 =	sor.u32 s3, s1;
	s1 =	simm.s32 $0x70;
	v1 =	vld [tilespmem:s2+$0x0]  }
0x309: {  	v5 =	vld [tilespmem:s3+$0x0];
	s2 =	sor.u32 $0xC880, s26;
	s28 =	sand.u32 $0x70, s1  }
0x30a: {  	s29 =	simm.s32 $0x40;
	s3 =	sor.u32 s28, s2;
	v3 =	vld.idx.msk [tilespmem:v0+s0+$0x0], $0xffff  }
0x30b: {  	s5 =	simm.s32 $0x50;
	s4 =	sand.u32 $0x40, s29;
	v0 =	vld [tilespmem:s3+$0x0]  }
0x30c: {  	s30 =	simm.s32 $0x60;
	s5 =	sand.u32 $0x50, s5;
	s4 =	sor.u32 s4, s2;
	v6 =	vld.idx.msk [tilespmem:v2+s0+$0x0], $0xffff  }
0x30d: {  	s5 =	sor.u32 s5, s2;
	s3 =	sand.u32 $0x60, s30;
	v2 =	vld [tilespmem:s4+$0x0]  }
0x30e: {  	v7 =	vld [tilespmem:s5+$0x0];
	s31 =	sor.u32 s3, s2  }
0x30f: {  	s2 =	simm.s32 $0xD020;
	s3 =	simm.s32 $0x4;
	s4 =	simm.s32 $0x400;
	v4 =	vld [tilespmem:s31+$0x0]  }
.LBB2_10:
0x310: {  	s5 =	sand.u32 $0x1C00, s4;
	s3 =	sadd.s32 $0x4, s3;
	v8 =	vld.idx.msk [tilespmem:v1+s0+$0x0], $0xffff;
	[tilespmem:s2+$0x10] =	vst v3;
	s1 =	sadd.s32 $0x40, s1  }
0x311: {  	s5 =	sshrl.u32 s5, $0x2;
	p1 =	slt.u32 s3, $0x24;
	v9 =	vld.idx.msk [tilespmem:v5+s0+$0x0], $0xffff;
	s6 =	sadd.s32 $0xFFFFFFE0, s1  }
0x312: {  	s7 =	sand.u32 $0x70, s1;
	s8 =	sadd.s32 $0xFFFFFFD0, s1;
	s5 =	sor.u32 $0xC880, s5;
	[tilespmem:s2+$0xFFFFFFE0] =	vst v6  }
0x313: {  	s9 =	sadd.s32 $0xFFFFFFF0, s1;
	s8 =	sand.u32 $0x40, s8;
	s7 =	sor.u32 s7, s5;
	v3 =	vld.idx.msk [tilespmem:v0+s0+$0x0], $0xffff;
	v1 =	vmov v7  }
.Ltmp8:
0x314: {  	s6 =	sand.u32 $0x50, s6;
	s9 =	sand.u32 $0x60, s9;
	v0 =	vld [tilespmem:s7+$0x0];
	(pc) =	sbr.rel @p1 .LBB2_10-.Ltmp8, $4  }
0x315: {  	s6 =	sor.u32 s6, s5;
	s7 =	sor.u32 s8, s5;
	s5 =	sor.u32 s9, s5;
	v5 =	vmov v4;
	v6 =	vld.idx.msk [tilespmem:v2+s0+$0x0], $0xffff  }
0x316: {  	v2 =	vld [tilespmem:s7+$0x0];
	[tilespmem:s2+$0xFFFFFFF0] =	vst v8  }
0x317: {  	v7 =	vld [tilespmem:s6+$0x0];
	[tilespmem:s2+$0x0] =	vst v9  }
0x318: {  	s4 =	sadd.s32 $0x200, s4;
	s2 =	sadd.s32 $0x40, s2;
	v4 =	vld [tilespmem:s5+$0x0]  }
0x319: {  	_ =	sdelay $0x3  }
0x31a: {  	v1 =	vld.idx.msk [tilespmem:v1+s0+$0x0], $0xffff  }
0x31b: {  	v5 =	vld.idx.msk [tilespmem:v5+s0+$0x0], $0xffff  }
0x31c: {  	v0 =	vld.idx.msk [tilespmem:v0+s0+$0x0], $0xffff  }
0x31d: {  	[tilespmem:s2+$0x10] =	vst v3;
	v2 =	vld.idx.msk [tilespmem:v2+s0+$0x0], $0xffff  }
0x31e: {  	[tilespmem:s2+$0xFFFFFFE0] =	vst v6;
	v3 =	vld.idx.msk [tilespmem:v7+s0+$0x0], $0xffff  }
0x31f: {  	[tilespmem:s2+$0xFFFFFFF0] =	vst v1;
	v1 =	vld.idx.msk [tilespmem:v4+s0+$0x0], $0xffff  }
0x320: {  	s1 =	sadd.s32 $0x40, s2;
	[tilespmem:s2+$0x0] =	vst v5  }
0x321: {  	[tilespmem:s1+$0x10] =	vst v0  }
0x322: {  	[tilespmem:s1+$0xFFFFFFE0] =	vst v2  }
0x323: {  	s18 =	simm.s32 $0x0;
	[tilespmem:s1+$0xFFFFFFF0] =	vst v3  }
0x324: {  	s6 =	simm.s32 $0xD010;
	s9 =	sand.u32 $0x700, s0;
	s12 =	sand.u32 $0x60, s18;
	[tilespmem:s1+$0x0] =	vst v1  }
0x325: {  	s4 =	sor.u32 s12, s9;
	v11 =	vld [tilespmem:s6+$0xFFFFFFF0]  }
0x326: {  	v0 =	vld [tilespmem:s4+$0x10E80]  }
0x327: {  	v1 =	vld [tilespmem:s4+$0x10F00];
	_ =	sdelay $0x3  }
0x328: {  	v0 =	vmul.f32 v0, v11  }
0x329: {  	v1 =	vmul.f32 v1, v11  }
0x32a: {  	s19 =	sadd.s32 $0x500, s9;
	[tilespmem:s4+$0x18680] =	vst v0  }
0x32b: {  	s2 =	sor.u32 s12, s19;
	[tilespmem:s4+$0x18700] =	vst v1  }
0x32c: {  	v0 =	vld [tilespmem:s2+$0x10E80];
	_ =	sdelay $0x4  }
0x32d: {  	v0 =	vmul.f32 v0, v11  }
0x32e: {  	s10 =	sadd.s32 $0x580, s9  }
0x32f: {  	s20 =	sor.u32 s12, s10;
	[tilespmem:s2+$0x18680] =	vst v0  }
0x330: {  	v0 =	vld [tilespmem:s20+$0x10E80];
	_ =	sdelay $0x4  }
0x331: {  	v0 =	vmul.f32 v0, v11  }
0x332: {  	s13 =	sadd.s32 $0xA00, s9  }
0x333: {  	s21 =	sor.u32 s12, s13;
	[tilespmem:s20+$0x18680] =	vst v0  }
0x334: {  	v0 =	vld [tilespmem:s21+$0x10E80];
	_ =	sdelay $0x4  }
0x335: {  	v0 =	vmul.f32 v0, v11  }
0x336: {  	s3 =	sadd.s32 $0xA80, s9  }
0x337: {  	s8 =	sor.u32 s12, s3;
	[tilespmem:s21+$0x18680] =	vst v0  }
0x338: {  	v0 =	vld [tilespmem:s8+$0x10E80]  }
0x339: {  	s22 =	simm.s32 $0x10  }
0x33a: {  	s5 =	sand.u32 $0x70, s22  }
0x33b: {  	s7 =	sor.u32 s9, s5;
	v8 =	vld [tilespmem:s6+$0x0]  }
0x33c: {  	v1 =	vld [tilespmem:s7+$0x10E80]  }
0x33d: {  	s24 =	simm.s32 $0x20;
	s25 =	simm.s32 $0x40;
	s15 =	simm.s32 $0xD030;
	v2 =	vld [tilespmem:s7+$0x10F00];
	v0 =	vmul.f32 v0, v11  }
0x33e: {  	s14 =	sand.u32 $0x700, s25;
	s2 =	sadd.s32 $0xF00, s9;
	s20 =	sand.u32 $0x60, s24  }
0x33f: {  	v10 =	vld [tilespmem:s15+$0xFFFFFFF0];
	s23 =	sor.u32 s12, s2;
	s0 =	sor.u32 s20, s14;
	[tilespmem:s8+$0x18680] =	vst v0  }
0x340: {  	v0 =	vld [tilespmem:s23+$0x10E80];
	[smem:$0x798] =	sst s0  }
0x341: {  	v1 =	vmul.f32 v1, v8;
	v3 =	vld [tilespmem:s0+$0x10E80]  }
0x342: {  	v2 =	vmul.f32 v2, v8;
	v4 =	vld [tilespmem:s0+$0x10F00];
	[smem:$0x799] =	sst s7  }
0x343: {  	[tilespmem:s7+$0x18680] =	vst v1  }
0x344: {  	s1 =	sor.u32 s5, s19;
	[tilespmem:s7+$0x18700] =	vst v2  }
0x345: {  	v1 =	vld [tilespmem:s1+$0x10E80]  }
0x346: {  	v0 =	vmul.f32 v0, v11  }
0x347: {  	v2 =	vmul.f32 v3, v10  }
0x348: {  	s11 =	sadd.s32 $0xF80, s9;
	[tilespmem:s23+$0x18680] =	vst v0;
	v0 =	vmul.f32 v4, v10  }
0x349: {  	s16 =	sor.u32 s12, s11;
	s18 =	sadd.s32 $0x500, s14;
	[tilespmem:s0+$0x18680] =	vst v2  }
0x34a: {  	s17 =	sor.u32 s20, s18;
	v2 =	vld [tilespmem:s16+$0x10E80];
	[tilespmem:s0+$0x18700] =	vst v0;
	v0 =	vmul.f32 v1, v8  }
0x34b: {  	v1 =	vld [tilespmem:s17+$0x10E80]  }
0x34c: {  	s10 =	sor.u32 s5, s10;
	[tilespmem:s1+$0x18680] =	vst v0  }
0x34d: {  	v0 =	vld [tilespmem:s10+$0x10E80];
	_ =	sdelay $0x1  }
0x34e: {  	v2 =	vmul.f32 v2, v11  }
0x34f: {  	s6 =	sadd.s32 $0x1400, s9;
	v1 =	vmul.f32 v1, v10  }
0x350: {  	s22 =	sadd.s32 $0x580, s14;
	s26 =	sor.u32 s12, s6;
	[tilespmem:s16+$0x18680] =	vst v2  }
0x351: {  	s0 =	sor.u32 s20, s22;
	v2 =	vld [tilespmem:s26+$0x10E80];
	[tilespmem:s17+$0x18680] =	vst v1;
	v0 =	vmul.f32 v0, v8  }
0x352: {  	v1 =	vld [tilespmem:s0+$0x10E80]  }
0x353: {  	s13 =	sor.u32 s5, s13;
	[tilespmem:s10+$0x18680] =	vst v0  }
0x354: {  	v0 =	vld [tilespmem:s13+$0x10E80];
	_ =	sdelay $0x1  }
0x355: {  	v2 =	vmul.f32 v2, v11  }
0x356: {  	s1 =	sadd.s32 $0x1480, s9;
	v1 =	vmul.f32 v1, v10  }
0x357: {  	s7 =	sor.u32 s12, s1;
	s16 =	sadd.s32 $0xA00, s14;
	[tilespmem:s26+$0x18680] =	vst v2  }
0x358: {  	s19 =	sor.u32 s20, s16;
	v2 =	vld [tilespmem:s7+$0x10E80];
	[tilespmem:s0+$0x18680] =	vst v1;
	v0 =	vmul.f32 v0, v8  }
0x359: {  	s8 =	simm.s32 $0x30;
	v1 =	vld [tilespmem:s19+$0x10E80]  }
0x35a: {  	s21 =	sor.u32 s5, s3;
	s0 =	sand.u32 $0x70, s8;
	[tilespmem:s13+$0x18680] =	vst v0;
	v0 =	vld [tilespmem:s15+$0x0]  }
0x35b: {  	s13 =	sor.u32 s14, s0;
	v3 =	vld [tilespmem:s21+$0x10E80]  }
0x35c: {  	v4 =	vld [tilespmem:s13+$0x10E80]  }
0x35d: {  	v5 =	vld [tilespmem:s13+$0x10F00];
	v2 =	vmul.f32 v2, v11  }
0x35e: {  	s3 =	sadd.s32 $0x1900, s9;
	[smem:$0x79F] =	sst s13;
	v1 =	vmul.f32 v1, v10  }
0x35f: {  	s25 =	sor.u32 s12, s3;
	s17 =	sadd.s32 $0xA80, s14;
	[tilespmem:s7+$0x18680] =	vst v2  }
0x360: {  	s26 =	sor.u32 s20, s17;
	v2 =	vld [tilespmem:s25+$0x10E80];
	[tilespmem:s19+$0x18680] =	vst v1;
	v3 =	vmul.f32 v3, v8  }
0x361: {  	v4 =	vmul.f32 v4, v0;
	v1 =	vld [tilespmem:s26+$0x10E80]  }
0x362: {  	s23 =	sor.u32 s5, s2;
	[tilespmem:s21+$0x18680] =	vst v3;
	v3 =	vmul.f32 v5, v0  }
0x363: {  	[tilespmem:s13+$0x18680] =	vst v4;
	v5 =	vld [tilespmem:s23+$0x10E80]  }
0x364: {  	s24 =	sor.u32 s0, s18;
	[tilespmem:s13+$0x18700] =	vst v3  }
0x365: {  	v2 =	vmul.f32 v2, v11;
	v3 =	vld [tilespmem:s24+$0x10E80]  }
0x366: {  	s2 =	simm.s32 $0xD050;
	s10 =	sadd.s32 $0x1980, s9;
	s8 =	simm.s32 $0x40;
	v1 =	vmul.f32 v1, v10  }
0x367: {  	v9 =	vld [tilespmem:s2+$0xFFFFFFF0];
	s21 =	sadd.s32 $0xF00, s14;
	s13 =	simm.s32 $0x80;
	[tilespmem:s25+$0x18680] =	vst v2;
	s25 =	sor.u32 s12, s10  }
0x368: {  	s18 =	sand.u32 $0x60, s8;
	s19 =	sand.u32 $0x700, s13;
	v2 =	vld [tilespmem:s25+$0x10E80];
	[tilespmem:s26+$0x18680] =	vst v1;
	s26 =	sor.u32 s20, s21;
	v4 =	vmul.f32 v5, v8  }
0x369: {  	s15 =	sor.u32 s18, s19;
	v1 =	vld [tilespmem:s26+$0x10E80]  }
0x36a: {  	v5 =	vld [tilespmem:s15+$0x10E80];
	[tilespmem:s23+$0x18680] =	vst v4;
	v3 =	vmul.f32 v3, v0  }
0x36b: {  	s8 =	sor.u32 s5, s11;
	v4 =	vld [tilespmem:s15+$0x10F00];
	[smem:$0x79E] =	sst s15  }
0x36c: {  	s28 =	sor.u32 s0, s22;
	v6 =	vld [tilespmem:s8+$0x10E80];
	[tilespmem:s24+$0x18680] =	vst v3  }
0x36d: {  	v2 =	vmul.f32 v2, v11;
	v3 =	vld [tilespmem:s28+$0x10E80]  }
0x36e: {  	s11 =	sadd.s32 $0x1E00, s9;
	v1 =	vmul.f32 v1, v10  }
0x36f: {  	s24 =	sor.u32 s12, s11;
	[tilespmem:s25+$0x18680] =	vst v2;
	v2 =	vmul.f32 v5, v9  }
0x370: {  	s22 =	sadd.s32 $0xF80, s14;
	v5 =	vld [tilespmem:s24+$0x10E80];
	[tilespmem:s26+$0x18680] =	vst v1;
	v1 =	vmul.f32 v4, v9  }
0x371: {  	s13 =	sor.u32 s20, s22;
	s25 =	sadd.s32 $0x500, s19;
	[tilespmem:s15+$0x18680] =	vst v2;
	v4 =	vmul.f32 v6, v8  }
0x372: {  	s30 =	sor.u32 s18, s25;
	v2 =	vld [tilespmem:s13+$0x10E80];
	[tilespmem:s15+$0x18700] =	vst v1;
	v3 =	vmul.f32 v3, v0  }
0x373: {  	s15 =	sor.u32 s5, s6;
	[tilespmem:s8+$0x18680] =	vst v4;
	v1 =	vld [tilespmem:s30+$0x10E80]  }
0x374: {  	v4 =	vld [tilespmem:s15+$0x10E80];
	[tilespmem:s28+$0x18680] =	vst v3;
	s28 =	sor.u32 s0, s16  }
0x375: {  	v5 =	vmul.f32 v5, v11;
	v3 =	vld [tilespmem:s28+$0x10E80]  }
0x376: {  	s6 =	sadd.s32 $0x1E80, s9  }
0x377: {  	s7 =	sor.u32 s12, s6;
	[tilespmem:s24+$0x18680] =	vst v5;
	v2 =	vmul.f32 v2, v10  }
0x378: {  	s16 =	sadd.s32 $0x1400, s14;
	v5 =	vld [tilespmem:s7+$0x10E80];
	v1 =	vmul.f32 v1, v9  }
0x379: {  	s29 =	sadd.s32 $0x580, s19;
	[tilespmem:s13+$0x18680] =	vst v2;
	s13 =	sor.u32 s20, s16;
	v2 =	vmul.f32 v4, v8  }
0x37a: {  	s8 =	smov.u32 s5;
	[tilespmem:s30+$0x18680] =	vst v1;
	v1 =	vld [tilespmem:s13+$0x10E80];
	s30 =	sor.u32 s18, s29;
	v3 =	vmul.f32 v3, v0  }
0x37b: {  	[tilespmem:s15+$0x18680] =	vst v2;
	s15 =	sor.u32 s8, s1;
	v2 =	vld [tilespmem:s30+$0x10E80]  }
0x37c: {  	v4 =	vld [tilespmem:s15+$0x10E80];
	[tilespmem:s28+$0x18680] =	vst v3;
	s28 =	sor.u32 s0, s17;
	s17 =	sadd.s32 $0x2300, s9  }
0x37d: {  	v5 =	vmul.f32 v5, v11;
	[smem:$0x796] =	sst s17  }
0x37e: {  	v3 =	vld [tilespmem:s28+$0x10E80]  }
0x37f: {  	s31 =	sor.u32 s12, s17;
	[tilespmem:s7+$0x18680] =	vst v5;
	v5 =	vmul.f32 v1, v10  }
0x380: {  	s24 =	sadd.s32 $0x1480, s14;
	v6 =	vld [tilespmem:s31+$0x10E80];
	v2 =	vmul.f32 v2, v9  }
0x381: {  	s26 =	sadd.s32 $0xA00, s19;
	s5 =	smov.u32 s0;
	s0 =	sor.u32 s20, s24;
	v1 =	vld [tilespmem:s2+$0x0];
	[tilespmem:s13+$0x18680] =	vst v5;
	v4 =	vmul.f32 v4, v8  }
0x382: {  	s13 =	simm.s32 $0x50;
	[tilespmem:s30+$0x18680] =	vst v2;
	v2 =	vld [tilespmem:s0+$0x10E80];
	s30 =	sor.u32 s18, s26  }
0x383: {  	s17 =	sand.u32 $0x70, s13;
	[tilespmem:s15+$0x18680] =	vst v4;
	s15 =	sor.u32 s8, s3;
	v4 =	vld [tilespmem:s30+$0x10E80];
	v3 =	vmul.f32 v3, v0  }
0x384: {  	s23 =	sor.u32 s19, s17;
	v5 =	vld [tilespmem:s15+$0x10E80]  }
0x385: {  	v7 =	vld [tilespmem:s23+$0x10E80];
	[tilespmem:s28+$0x18680] =	vst v3  }
0x386: {  	s7 =	sadd.s32 $0x2380, s9;
	v6 =	vmul.f32 v6, v11;
	v3 =	vld [tilespmem:s23+$0x10F00];
	[smem:$0x7A9] =	sst s23  }
0x387: {  	s21 =	sor.u32 s5, s21;
	[smem:$0x797] =	sst s7  }
0x388: {  	[tilespmem:s31+$0x18680] =	vst v6;
	v6 =	vld [tilespmem:s21+$0x10E80];
	v2 =	vmul.f32 v2, v10;
	s31 =	sor.u32 s12, s7  }
0x389: {  	s3 =	smov.u32 s23;
	s23 =	sadd.s32 $0x1900, s14;
	v12 =	vld [tilespmem:s31+$0x10E80];
	v4 =	vmul.f32 v4, v9  }
0x38a: {  	s28 =	sadd.s32 $0xA80, s19;
	s13 =	sor.u32 s20, s23;
	[tilespmem:s0+$0x18680] =	vst v2;
	v2 =	vmul.f32 v5, v8  }
0x38b: {  	[tilespmem:s30+$0x18680] =	vst v4;
	v4 =	vmul.f32 v7, v1;
	v5 =	vld [tilespmem:s13+$0x10E80];
	s30 =	sor.u32 s18, s28  }
0x38c: {  	[tilespmem:s15+$0x18680] =	vst v2;
	v2 =	vmul.f32 v3, v1;
	v3 =	vld [tilespmem:s30+$0x10E80]  }
0x38d: {  	s15 =	sor.u32 s8, s10;
	[tilespmem:s3+$0x18680] =	vst v4;
	v4 =	vmul.f32 v6, v0  }
0x38e: {  	s25 =	sor.u32 s17, s25;
	v6 =	vld [tilespmem:s15+$0x10E80];
	[tilespmem:s3+$0x18700] =	vst v2;
	v2 =	vmul.f32 v12, v11  }
0x38f: {  	s3 =	sor.u32 s5, s22;
	[tilespmem:s21+$0x18680] =	vst v4;
	v4 =	vld [tilespmem:s25+$0x10E80]  }
0x390: {  	[tilespmem:s31+$0x18680] =	vst v2;
	v2 =	vld [tilespmem:s3+$0x10E80];
	v5 =	vmul.f32 v5, v10  }
0x391: {  	v7 =	vld [tilespmem:s4+$0x13680];
	v3 =	vmul.f32 v3, v9  }
0x392: {  	s31 =	sadd.s32 $0x1980, s14;
	[tilespmem:s13+$0x18680] =	vst v5  }
0x393: {  	s7 =	sadd.s32 $0xF00, s19;
	s10 =	sor.u32 s20, s31;
	v5 =	vld [tilespmem:s4+$0x13700];
	[tilespmem:s30+$0x18680] =	vst v3;
	v3 =	vmul.f32 v6, v8  }
0x394: {  	s13 =	sor.u32 s18, s7;
	v6 =	vld [tilespmem:s10+$0x10E80];
	v4 =	vmul.f32 v4, v1  }
0x395: {  	s30 =	simm.s32 $0xD070;
	v12 =	vld [tilespmem:s13+$0x10E80];
	[tilespmem:s15+$0x18680] =	vst v3;
	v13 =	vmul.f32 v2, v0  }
0x396: {  	v3 =	vld [tilespmem:s30+$0xFFFFFFF0];
	[tilespmem:s25+$0x18680] =	vst v4;
	v4 =	vmul.f32 v7, v11  }
0x397: {  	s1 =	sor.u32 s8, s11;
	v2 =	vld [tilespmem:s30+$0x0];
	[tilespmem:s3+$0x18680] =	vst v13  }
0x398: {  	s11 =	sor.u32 s17, s29;
	v7 =	vld [tilespmem:s1+$0x10E80];
	s25 =	sadd.s32 $0x2D00, s9;
	v5 =	vmul.f32 v5, v11;
	[tilespmem:s4+$0x1AE80] =	vst v4  }
0x399: {  	s16 =	sor.u32 s5, s16;
	s21 =	sadd.s32 $0x1E00, s14;
	v13 =	vld [tilespmem:s11+$0x10E80];
	v4 =	vmul.f32 v6, v10;
	[smem:$0x79B] =	sst s25  }
0x39a: {  	s29 =	sor.u32 s20, s21;
	s3 =	sor.u32 s12, s25;
	v6 =	vmul.f32 v12, v9;
	[tilespmem:s4+$0x1AF00] =	vst v5;
	v5 =	vld [tilespmem:s16+$0x10E80]  }
0x39b: {  	s15 =	sadd.s32 $0xF80, s19;
	s30 =	simm.s32 $0xC0;
	[tilespmem:s10+$0x18680] =	vst v4;
	s10 =	simm.s32 $0x60;
	v12 =	vld [tilespmem:s3+$0x10E80]  }
0x39c: {  	s22 =	sor.u32 s18, s15;
	[tilespmem:s13+$0x18680] =	vst v6;
	v6 =	vld [tilespmem:s29+$0x10E80];
	s13 =	sand.u32 $0x700, s30;
	s25 =	sand.u32 $0x60, s10  }
0x39d: {  	v4 =	vmul.f32 v7, v8;
	v14 =	vld [tilespmem:s22+$0x10E80];
	s0 =	sor.u32 s25, s13  }
0x39e: {  	v13 =	vmul.f32 v13, v1;
	v7 =	vld [tilespmem:s0+$0x10E80]  }
0x39f: {  	s30 =	simm.s32 $0xD090;
	v15 =	vld [tilespmem:s0+$0x10F00];
	[tilespmem:s1+$0x18680] =	vst v4;
	v16 =	vmul.f32 v5, v0  }
0x3a0: {  	v4 =	vld [tilespmem:s30+$0x0];
	s1 =	sor.u32 s8, s6;
	[tilespmem:s11+$0x18680] =	vst v13;
	v12 =	vmul.f32 v12, v11  }
0x3a1: {  	s4 =	sor.u32 s5, s24;
	s10 =	smov.u32 s8;
	v13 =	vld [tilespmem:s1+$0x10E80];
	[tilespmem:s16+$0x18680] =	vst v16  }
0x3a2: {  	s6 =	sor.u32 s17, s26;
	s8 =	smov.u32 s5;
	s5 =	sadd.s32 $0x2D80, s9;
	v5 =	vld [tilespmem:s30+$0xFFFFFFF0];
	v6 =	vmul.f32 v6, v10;
	[tilespmem:s3+$0x18680] =	vst v12  }
0x3a3: {  	v14 =	vmul.f32 v14, v9;
	v12 =	vld [tilespmem:s6+$0x10E80];
	[smem:$0x79D] =	sst s5  }
0x3a4: {  	s24 =	sadd.s32 $0x1E80, s14;
	s16 =	sor.u32 s12, s5;
	[tilespmem:s29+$0x18680] =	vst v6;
	v16 =	vld [tilespmem:s4+$0x10E80]  }
0x3a5: {  	s11 =	sor.u32 s20, s24;
	v6 =	vmul.f32 v7, v3;
	[tilespmem:s22+$0x18680] =	vst v14;
	v14 =	vld [tilespmem:s16+$0x10E80]  }
0x3a6: {  	v7 =	vmul.f32 v15, v3;
	v15 =	vld [tilespmem:s11+$0x10E80];
	[smem:$0x7AB] =	sst s0  }
0x3a7: {  	s22 =	sadd.s32 $0x1400, s19;
	[tilespmem:s0+$0x18680] =	vst v6;
	v6 =	vmul.f32 v13, v8  }
0x3a8: {  	s29 =	sor.u32 s18, s22;
	[tilespmem:s0+$0x18700] =	vst v7  }
0x3a9: {  	s26 =	simm.s32 $0xD0B0;
	s30 =	sadd.s32 $0x500, s13;
	v17 =	vld [tilespmem:s29+$0x10E80];
	[tilespmem:s1+$0x18680] =	vst v6  }
0x3aa: {  	s3 =	sor.u32 s25, s30;
	v7 =	vld [tilespmem:s26+$0xFFFFFFF0];
	s5 =	sld [smem:$0x796]  }
0x3ab: {  	v13 =	vld [tilespmem:s3+$0x10E80];
	v12 =	vmul.f32 v12, v1  }
0x3ac: {  	v6 =	vld [tilespmem:s26+$0x0];
	[smem:$0x79A] =	sst s10;
	v16 =	vmul.f32 v16, v0  }
0x3ad: {  	[tilespmem:s6+$0x18680] =	vst v12;
	v15 =	vmul.f32 v15, v10;
	s5 =	sor.u32 s10, s5  }
0x3ae: {  	s1 =	sor.u32 s17, s28;
	[tilespmem:s4+$0x18680] =	vst v16;
	v12 =	vld [tilespmem:s5+$0x10E80]  }
0x3af: {  	v14 =	vmul.f32 v14, v11;
	s4 =	sor.u32 s8, s23;
	v16 =	vld [tilespmem:s1+$0x10E80];
	s23 =	sadd.s32 $0x2300, s14;
	[tilespmem:s11+$0x18680] =	vst v15;
	s11 =	sadd.s32 $0x3200, s9  }
0x3b0: {  	s28 =	smov.u32 s8;
	v17 =	vmul.f32 v17, v9;
	v15 =	vld [tilespmem:s4+$0x10E80];
	s2 =	sor.u32 s20, s23;
	[smem:$0x7A1] =	sst s11  }
0x3b1: {  	s26 =	simm.s32 $0x70;
	s8 =	sadd.s32 $0x1480, s19;
	v13 =	vmul.f32 v13, v3;
	[tilespmem:s16+$0x18680] =	vst v14;
	v14 =	vld [tilespmem:s2+$0x10E80];
	s16 =	sor.u32 s12, s11  }
0x3b2: {  	s26 =	sand.u32 $0x70, s26;
	s0 =	sor.u32 s18, s8;
	[tilespmem:s29+$0x18680] =	vst v17;
	s29 =	sadd.s32 $0x580, s13;
	v17 =	vld [tilespmem:s16+$0x10E80]  }
0x3b3: {  	[tilespmem:s3+$0x18680] =	vst v13;
	s11 =	sor.u32 s13, s26;
	v13 =	vld [tilespmem:s0+$0x10E80];
	s3 =	sor.u32 s25, s29;
	v12 =	vmul.f32 v12, v8  }
0x3b4: {  	v16 =	vmul.f32 v16, v1;
	v18 =	vld [tilespmem:s3+$0x10E80];
	[dreg:$0xd] =	wrdreg s11  }
0x3b5: {  	[tilespmem:s5+$0x18680] =	vst v12;
	v12 =	vmul.f32 v15, v0  }
0x3b6: {  	[tilespmem:s1+$0x18680] =	vst v16;
	v16 =	vld [tilespmem:s11+$0x10F00]  }
0x3b7: {  	s7 =	sor.u32 s17, s7;
	v14 =	vmul.f32 v14, v10;
	v15 =	vld [tilespmem:s11+$0x10E80];
	[tilespmem:s4+$0x18680] =	vst v12;
	s4 =	sadd.s32 $0x2380, s14  }
0x3b8: {  	v12 =	vmul.f32 v17, v11;
	v17 =	vld [tilespmem:s7+$0x10E80];
	[smem:$0x79C] =	sst s4  }
0x3b9: {  	[tilespmem:s2+$0x18680] =	vst v14  }
0x3ba: {  	[tilespmem:s16+$0x18680] =	vst v12  }
0x3bb: {  	s5 =	sor.u32 s28, s31;
	s6 =	sld [smem:$0x797]  }
0x3bc: {  	v13 =	vmul.f32 v13, v9;
	v14 =	vld [tilespmem:s5+$0x10E80]  }
0x3bd: {  	v18 =	vmul.f32 v18, v3;
	s2 =	sor.u32 s20, s4  }
0x3be: {  	s4 =	sadd.s32 $0x1900, s19;
	v12 =	vld [tilespmem:s2+$0x10E80];
	[tilespmem:s0+$0x18680] =	vst v13;
	s6 =	sor.u32 s10, s6  }
0x3bf: {  	v15 =	vmul.f32 v15, v2;
	s1 =	sor.u32 s18, s4;
	[tilespmem:s3+$0x18680] =	vst v18;
	s10 =	sadd.s32 $0x3280, s9;
	v13 =	vld [tilespmem:s6+$0x10E80]  }
0x3c0: {  	v16 =	vmul.f32 v16, v2;
	v47 =	vld [tilespmem:s1+$0x10E80];
	[smem:$0x7A4] =	sst s10  }
0x3c1: {  	v14 =	vmul.f32 v14, v0;
	[tilespmem:s11+$0x18680] =	vst v15  }
0x3c2: {  	s16 =	sadd.s32 $0xA00, s13;
	v15 =	vmul.f32 v17, v1;
	[tilespmem:s11+$0x18700] =	vst v16  }
0x3c3: {  	s3 =	sor.u32 s25, s16;
	v12 =	vmul.f32 v12, v10;
	[tilespmem:s5+$0x18680] =	vst v14  }
0x3c4: {  	s0 =	sor.u32 s12, s10;
	v17 =	vld [tilespmem:s3+$0x10E80];
	[tilespmem:s7+$0x18680] =	vst v15;
	v13 =	vmul.f32 v13, v8  }
0x3c5: {  	v19 =	vld [tilespmem:s0+$0x10E80];
	[tilespmem:s2+$0x18680] =	vst v12  }
0x3c6: {  	s30 =	sor.u32 s26, s30;
	[tilespmem:s6+$0x18680] =	vst v13  }
0x3c7: {  	s7 =	sor.u32 s17, s15;
	v15 =	vld [tilespmem:s30+$0x10E80];
	s10 =	sld [smem:$0x798]  }
0x3c8: {  	s5 =	sor.u32 s28, s21;
	v16 =	vmul.f32 v47, v9;
	v14 =	vld [tilespmem:s7+$0x10E80]  }
0x3c9: {  	v12 =	vld [tilespmem:s5+$0x10E80];
	s15 =	sadd.s32 $0x1980, s19;
	v17 =	vmul.f32 v17, v3  }
0x3ca: {  	s11 =	sor.u32 s18, s15;
	[tilespmem:s1+$0x18680] =	vst v16;
	v16 =	vmul.f32 v19, v11;
	v13 =	vld [tilespmem:s10+$0x13680]  }
0x3cb: {  	s31 =	sadd.s32 $0xA80, s13;
	[tilespmem:s3+$0x18680] =	vst v17;
	v17 =	vld [tilespmem:s11+$0x10E80]  }
0x3cc: {  	s21 =	sadd.s32 $0x3700, s9;
	s6 =	sor.u32 s25, s31;
	v15 =	vmul.f32 v15, v2;
	[tilespmem:s0+$0x18680] =	vst v16;
	v48 =	vld [tilespmem:s10+$0x13700]  }
0x3cd: {  	v14 =	vmul.f32 v14, v1;
	v16 =	vld [tilespmem:s6+$0x10E80];
	[smem:$0x7A7] =	sst s21  }
0x3ce: {  	v12 =	vmul.f32 v12, v0;
	s0 =	sor.u32 s12, s21;
	[tilespmem:s30+$0x18680] =	vst v15  }
0x3cf: {  	s2 =	sld [smem:$0x799];
	[tilespmem:s7+$0x18680] =	vst v14;
	v14 =	vld [tilespmem:s0+$0x10E80];
	s7 =	sor.u32 s26, s29;
	v13 =	vmul.f32 v13, v10  }
0x3d0: {  	[tilespmem:s5+$0x18680] =	vst v12;
	s5 =	sor.u32 s17, s22;
	v12 =	vld [tilespmem:s7+$0x10E80]  }
0x3d1: {  	s22 =	sor.u32 s28, s24;
	s24 =	sadd.s32 $0x2D00, s14;
	v49 =	vld [tilespmem:s5+$0x10E80];
	v18 =	vmul.f32 v48, v10;
	[tilespmem:s10+$0x1AE80] =	vst v13  }
0x3d2: {  	v15 =	vld [tilespmem:s2+$0x13680];
	v13 =	vmul.f32 v17, v9;
	[smem:$0x7A3] =	sst s24  }
0x3d3: {  	v16 =	vmul.f32 v16, v3;
	[tilespmem:s10+$0x1AF00] =	vst v18;
	v17 =	vld [tilespmem:s22+$0x10E80]  }
0x3d4: {  	s29 =	sadd.s32 $0x1E00, s19;
	s24 =	sor.u32 s20, s24;
	[tilespmem:s11+$0x18680] =	vst v13  }
0x3d5: {  	s21 =	sadd.s32 $0x3780, s9;
	v14 =	vmul.f32 v14, v11;
	s11 =	sor.u32 s18, s29;
	[tilespmem:s6+$0x18680] =	vst v16;
	v13 =	vld [tilespmem:s24+$0x10E80]  }
0x3d6: {  	s30 =	sadd.s32 $0xF00, s13;
	v12 =	vmul.f32 v12, v2;
	v16 =	vld [tilespmem:s11+$0x10E80];
	[smem:$0x7AD] =	sst s21  }
0x3d7: {  	v19 =	vmul.f32 v49, v1;
	s6 =	sor.u32 s25, s30;
	[tilespmem:s0+$0x18680] =	vst v14  }
0x3d8: {  	v50 =	vld [tilespmem:s6+$0x10E80];
	[tilespmem:s7+$0x18680] =	vst v12;
	v17 =	vmul.f32 v17, v0  }
0x3d9: {  	s3 =	sor.u32 s12, s21;
	v14 =	vld [tilespmem:s2+$0x13700];
	[tilespmem:s5+$0x18680] =	vst v19  }
0x3da: {  	s7 =	sor.u32 s26, s16;
	v12 =	vld [tilespmem:s3+$0x10E80];
	[tilespmem:s22+$0x18680] =	vst v17  }
0x3db: {  	s5 =	sor.u32 s17, s8;
	v51 =	vld [tilespmem:s7+$0x10E80];
	s22 =	sadd.s32 $0x2D80, s14;
	[smem:$0x7A2] =	sst s28  }
0x3dc: {  	s10 =	sor.u32 s28, s23;
	s23 =	sadd.s32 $0x1E80, s19;
	v13 =	vmul.f32 v13, v10;
	v17 =	vld [tilespmem:s5+$0x10E80];
	[smem:$0x7A6] =	sst s22  }
0x3dd: {  	v16 =	vmul.f32 v16, v9;
	[smem:$0x7A0] =	sst s23  }
0x3de: {  	v18 =	vmul.f32 v50, v3;
	[tilespmem:s24+$0x18680] =	vst v13  }
0x3df: {  	v15 =	vmul.f32 v15, v8;
	s12 =	sor.u32 s20, s22;
	v13 =	vld [tilespmem:s10+$0x10E80];
	[tilespmem:s11+$0x18680] =	vst v16  }
0x3e0: {  	s9 =	smov.u32 s28;
	s0 =	smov.u32 s2;
	v14 =	vmul.f32 v14, v8;
	s22 =	sadd.s32 $0xF80, s13;
	[tilespmem:s6+$0x18680] =	vst v18;
	v16 =	vld [tilespmem:s12+$0x10E80]  }
0x3e1: {  	s28 =	smov.u32 s25;
	s21 =	sor.u32 s25, s22;
	s25 =	smov.u32 s0;
	[tilespmem:s0+$0x1AE80] =	vst v15;
	v15 =	vmul.f32 v51, v2  }
0x3e2: {  	[tilespmem:s25+$0x1AF00] =	vst v14  }
0x3e3: {  	s2 =	sor.u32 s18, s23;
	[tilespmem:s7+$0x18680] =	vst v15;
	v14 =	vmul.f32 v17, v1  }
0x3e4: {  	s24 =	simm.s32 $0x80;
	s11 =	simm.s32 $0x100;
	v52 =	vld [tilespmem:s2+$0x10E80];
	s23 =	sld [smem:$0x79A];
	v13 =	vmul.f32 v13, v0  }
0x3e5: {  	s8 =	sand.u32 $0x700, s11;
	s24 =	sand.u32 $0x60, s24;
	s6 =	sld [smem:$0x79B];
	[tilespmem:s5+$0x18680] =	vst v14;
	v16 =	vmul.f32 v16, v10  }
0x3e6: {  	v53 =	vld [tilespmem:s21+$0x10E80];
	s0 =	sor.u32 s24, s8;
	[tilespmem:s10+$0x18680] =	vst v13  }
0x3e7: {  	v17 =	vld [tilespmem:s0+$0x10E80];
	[tilespmem:s12+$0x18680] =	vst v16  }
0x3e8: {  	v15 =	vld [tilespmem:s0+$0x10F00];
	s6 =	sor.u32 s23, s6;
	s5 =	sld [smem:$0x79C]  }
0x3e9: {  	s7 =	sor.u32 s26, s31;
	v18 =	vmul.f32 v52, v9;
	v14 =	vld [tilespmem:s6+$0x10E80]  }
0x3ea: {  	s10 =	sor.u32 s17, s4;
	v13 =	vld [tilespmem:s7+$0x10E80]  }
0x3eb: {  	v19 =	vmul.f32 v53, v3;
	v16 =	vld [tilespmem:s10+$0x10E80];
	[tilespmem:s2+$0x18680] =	vst v18;
	s31 =	sor.u32 s9, s5;
	s9 =	sadd.s32 $0x3200, s14  }
0x3ec: {  	s25 =	sadd.s32 $0x2300, s19;
	v17 =	vmul.f32 v17, v5;
	v54 =	vld [tilespmem:s31+$0x10E80];
	[smem:$0x7AC] =	sst s9  }
0x3ed: {  	s11 =	sor.u32 s18, s25;
	[tilespmem:s21+$0x18680] =	vst v19  }
0x3ee: {  	v15 =	vmul.f32 v15, v5;
	s12 =	sor.u32 s20, s9;
	v55 =	vld [tilespmem:s11+$0x10E80];
	[tilespmem:s0+$0x18680] =	vst v17  }
0x3ef: {  	s16 =	smov.u32 s17;
	v11 =	vmul.f32 v12, v11;
	s17 =	sadd.s32 $0x1400, s13;
	v12 =	vld [tilespmem:s12+$0x10E80];
	[dreg:$0x4] =	wrdreg s0  }
0x3f0: {  	s4 =	sadd.s32 $0x500, s8;
	s1 =	sor.u32 s28, s17;
	v14 =	vmul.f32 v14, v8;
	s21 =	simm.s32 $0x90;
	[tilespmem:s0+$0x18700] =	vst v15  }
0x3f1: {  	s9 =	sor.u32 s24, s4;
	s21 =	sand.u32 $0x70, s21;
	v15 =	vld [tilespmem:s1+$0x10E80];
	[tilespmem:s3+$0x18680] =	vst v11;
	v11 =	vmul.f32 v13, v2  }
0x3f2: {  	s5 =	smov.u32 s24;
	s24 =	sor.u32 s8, s21;
	[tilespmem:s6+$0x18680] =	vst v14;
	v14 =	vmul.f32 v16, v1;
	v13 =	vld [tilespmem:s9+$0x10E80]  }
0x3f3: {  	v16 =	vld [tilespmem:s24+$0x10E80];
	[tilespmem:s7+$0x18680] =	vst v11  }
0x3f4: {  	s6 =	sadd.s32 $0x2380, s19;
	s7 =	sor.u32 s26, s30;
	v11 =	vld [tilespmem:s24+$0x10F00];
	[tilespmem:s10+$0x18680] =	vst v14;
	v17 =	vmul.f32 v55, v9  }
0x3f5: {  	v12 =	vmul.f32 v12, v10;
	v14 =	vld [tilespmem:s7+$0x10E80];
	[smem:$0x7A5] =	sst s6  }
0x3f6: {  	[tilespmem:s11+$0x18680] =	vst v17  }
0x3f7: {  	[tilespmem:s12+$0x18680] =	vst v12  }
0x3f8: {  	s2 =	sld [smem:$0x79D]  }
0x3f9: {  	s10 =	sor.u32 s16, s15;
	v15 =	vmul.f32 v15, v3  }
0x3fa: {  	s3 =	sor.u32 s18, s6;
	v17 =	vld [tilespmem:s10+$0x10E80];
	v13 =	vmul.f32 v13, v5  }
0x3fb: {  	s30 =	sadd.s32 $0x1480, s13;
	v12 =	vld [tilespmem:s3+$0x10E80];
	[tilespmem:s1+$0x18680] =	vst v15;
	s6 =	sor.u32 s23, s2  }
0x3fc: {  	v16 =	vmul.f32 v16, v4;
	[tilespmem:s9+$0x18680] =	vst v13;
	s9 =	sadd.s32 $0x3280, s14;
	s2 =	sor.u32 s28, s30;
	v15 =	vld [tilespmem:s6+$0x10E80]  }
0x3fd: {  	s15 =	sadd.s32 $0x580, s8;
	v13 =	vld [tilespmem:s2+$0x10E80];
	[smem:$0x7B0] =	sst s9  }
0x3fe: {  	s11 =	sor.u32 s5, s15;
	v11 =	vmul.f32 v11, v4;
	[tilespmem:s24+$0x18680] =	vst v16  }
0x3ff: {  	v14 =	vmul.f32 v14, v2;
	v16 =	vld [tilespmem:s11+$0x10E80];
	[dreg:$0x6] =	wrdreg s24  }
0x400: {  	v17 =	vmul.f32 v17, v1;
	[tilespmem:s24+$0x18700] =	vst v11  }
0x401: {  	s1 =	sor.u32 s20, s9;
	v12 =	vmul.f32 v12, v9;
	[tilespmem:s7+$0x18680] =	vst v14  }
0x402: {  	v11 =	vld [tilespmem:s1+$0x10E80];
	[tilespmem:s10+$0x18680] =	vst v17;
	v17 =	vmul.f32 v54, v0  }
0x403: {  	s4 =	sor.u32 s21, s4;
	[tilespmem:s3+$0x18680] =	vst v12  }
0x404: {  	s12 =	smov.u32 s23;
	s23 =	smov.u32 s5;
	s5 =	sor.u32 s26, s22;
	v14 =	vld [tilespmem:s4+$0x10E80];
	v13 =	vmul.f32 v13, v3;
	[tilespmem:s31+$0x18680] =	vst v17  }
0x405: {  	s22 =	sor.u32 s16, s29;
	s29 =	sadd.s32 $0x1900, s13;
	v56 =	vld [tilespmem:s5+$0x10E80];
	s24 =	sld [smem:$0x79E];
	v16 =	vmul.f32 v16, v5  }
0x406: {  	v12 =	vld [tilespmem:s22+$0x10E80];
	[tilespmem:s2+$0x18680] =	vst v13;
	s2 =	sor.u32 s28, s29  }
0x407: {  	v11 =	vmul.f32 v11, v10;
	[tilespmem:s11+$0x18680] =	vst v16;
	v16 =	vld [tilespmem:s2+$0x10E80]  }
0x408: {  	s3 =	sadd.s32 $0xA00, s8;
	v17 =	vld [tilespmem:s24+$0x13680]  }
0x409: {  	s31 =	sor.u32 s23, s3;
	v13 =	vld [tilespmem:s24+$0x13700];
	v14 =	vmul.f32 v14, v4;
	[tilespmem:s1+$0x18680] =	vst v11;
	s1 =	sadd.s32 $0x3700, s14  }
0x40a: {  	v57 =	vld [tilespmem:s31+$0x10E80];
	v11 =	vmul.f32 v56, v2;
	[smem:$0x7B1] =	sst s1  }
0x40b: {  	v12 =	vmul.f32 v12, v1;
	[tilespmem:s4+$0x18680] =	vst v14  }
0x40c: {  	s1 =	sor.u32 s20, s1;
	s11 =	sld [smem:$0x79F];
	[tilespmem:s5+$0x18680] =	vst v11  }
0x40d: {  	s4 =	sor.u32 s21, s15;
	v11 =	vld [tilespmem:s1+$0x10E80];
	[tilespmem:s22+$0x18680] =	vst v12;
	v17 =	vmul.f32 v17, v9  }
0x40e: {  	v12 =	vld [tilespmem:s4+$0x10E80];
	s10 =	sld [smem:$0x7A0]  }
0x40f: {  	s7 =	sor.u32 s26, s17;
	s17 =	sadd.s32 $0x2D00, s19;
	v13 =	vmul.f32 v13, v9;
	v14 =	vld [tilespmem:s11+$0x13680];
	[tilespmem:s24+$0x1AE80] =	vst v17  }
0x410: {  	v17 =	vld [tilespmem:s7+$0x10E80];
	[smem:$0x7AF] =	sst s17  }
0x411: {  	v16 =	vmul.f32 v16, v3;
	s22 =	sadd.s32 $0x1980, s13;
	s15 =	sor.u32 s16, s10;
	[tilespmem:s24+$0x1AF00] =	vst v13  }
0x412: {  	v18 =	vmul.f32 v57, v5;
	v13 =	vld [tilespmem:s15+$0x10E80];
	[smem:$0x7A8] =	sst s22  }
0x413: {  	v15 =	vmul.f32 v15, v8;
	[tilespmem:s2+$0x18680] =	vst v16  }
0x414: {  	s24 =	sor.u32 s18, s17;
	[tilespmem:s31+$0x18680] =	vst v18  }
0x415: {  	v11 =	vmul.f32 v11, v10;
	s17 =	sadd.s32 $0x3780, s14;
	v16 =	vld [tilespmem:s24+$0x10E80];
	s2 =	sor.u32 s28, s22;
	[tilespmem:s6+$0x18680] =	vst v15  }
0x416: {  	v12 =	vmul.f32 v12, v4;
	v58 =	vld [tilespmem:s2+$0x10E80];
	[smem:$0x7B2] =	sst s17  }
0x417: {  	s0 =	sadd.s32 $0xA80, s8;
	[tilespmem:s1+$0x18680] =	vst v11  }
0x418: {  	s31 =	sor.u32 s23, s0;
	[tilespmem:s4+$0x18680] =	vst v12  }
0x419: {  	v17 =	vmul.f32 v17, v2;
	v15 =	vld [tilespmem:s31+$0x10E80];
	s1 =	sld [smem:$0x7A1]  }
0x41a: {  	s20 =	sor.u32 s20, s17;
	v11 =	vld [tilespmem:s11+$0x13700];
	v13 =	vmul.f32 v13, v1  }
0x41b: {  	s6 =	sor.u32 s21, s3;
	v12 =	vld [tilespmem:s20+$0x10E80];
	[tilespmem:s7+$0x18680] =	vst v17  }
0x41c: {  	s22 =	sadd.s32 $0x2D80, s19;
	v16 =	vmul.f32 v16, v9;
	[tilespmem:s15+$0x18680] =	vst v13;
	v13 =	vld [tilespmem:s6+$0x10E80];
	s1 =	sor.u32 s12, s1  }
0x41d: {  	v17 =	vld [tilespmem:s1+$0x10E80];
	[smem:$0x7B3] =	sst s22  }
0x41e: {  	s7 =	sor.u32 s26, s30;
	v18 =	vmul.f32 v58, v3;
	[tilespmem:s24+$0x18680] =	vst v16;
	s24 =	sadd.s32 $0x1E00, s13  }
0x41f: {  	v15 =	vmul.f32 v15, v5;
	v16 =	vld [tilespmem:s7+$0x10E80];
	[smem:$0x7AA] =	sst s24  }
0x420: {  	v14 =	vmul.f32 v14, v0;
	[tilespmem:s2+$0x18680] =	vst v18  }
0x421: {  	v11 =	vmul.f32 v11, v0;
	[tilespmem:s31+$0x18680] =	vst v15  }
0x422: {  	[tilespmem:s11+$0x1AE80] =	vst v14  }
0x423: {  	[tilespmem:s11+$0x1AF00] =	vst v11  }
0x424: {  	s10 =	sor.u32 s18, s22;
	s2 =	sor.u32 s28, s24;
	s24 =	sld [smem:$0x7A2];
	v14 =	vmul.f32 v17, v8  }
0x425: {  	s22 =	sadd.s32 $0xF00, s8;
	v59 =	vld [tilespmem:s10+$0x10E80];
	s4 =	sld [smem:$0x7A3]  }
0x426: {  	s14 =	sor.u32 s23, s22;
	v15 =	vld [tilespmem:s2+$0x10E80];
	[tilespmem:s1+$0x18680] =	vst v14  }
0x427: {  	s15 =	sor.u32 s16, s25;
	v13 =	vmul.f32 v13, v4;
	v17 =	vld [tilespmem:s14+$0x10E80];
	s1 =	sld [smem:$0x7A4]  }
0x428: {  	v11 =	vld [tilespmem:s15+$0x10E80];
	v16 =	vmul.f32 v16, v2;
	s25 =	sor.u32 s24, s4  }
0x429: {  	v14 =	vld [tilespmem:s25+$0x10E80];
	[tilespmem:s6+$0x18680] =	vst v13;
	s6 =	sor.u32 s21, s0  }
0x42a: {  	s5 =	sadd.s32 $0x3200, s19;
	v18 =	vmul.f32 v59, v9;
	[tilespmem:s7+$0x18680] =	vst v16;
	v16 =	vld [tilespmem:s6+$0x10E80];
	s3 =	sor.u32 s12, s1  }
0x42b: {  	v15 =	vmul.f32 v15, v3;
	v13 =	vld [tilespmem:s3+$0x10E80];
	[smem:$0x7B4] =	sst s5  }
0x42c: {  	s31 =	sor.u32 s26, s29;
	v17 =	vmul.f32 v17, v5;
	[tilespmem:s10+$0x18680] =	vst v18  }
0x42d: {  	s30 =	sadd.s32 $0x1E80, s13;
	s29 =	sor.u32 s18, s5;
	v11 =	vmul.f32 v11, v1;
	v60 =	vld [tilespmem:s31+$0x10E80];
	[tilespmem:s2+$0x18680] =	vst v15  }
0x42e: {  	s0 =	sor.u32 s28, s30;
	s10 =	sadd.s32 $0xF80, s8;
	[tilespmem:s14+$0x18680] =	vst v17;
	v15 =	vld [tilespmem:s29+$0x10E80]  }
0x42f: {  	v10 =	vmul.f32 v12, v10;
	[tilespmem:s15+$0x18680] =	vst v11;
	s15 =	simm.s32 $0x140;
	v12 =	vld [tilespmem:s0+$0x10E80];
	s1 =	sor.u32 s23, s10  }
0x430: {  	v11 =	vmul.f32 v14, v0;
	v14 =	vld [tilespmem:s1+$0x10E80];
	[dreg:$0x16] =	wrdreg s15  }
0x431: {  	s2 =	sld [smem:$0x7A5];
	[tilespmem:s20+$0x18680] =	vst v10;
	v10 =	vmul.f32 v13, v8  }
0x432: {  	s17 =	smov.u32 s16;
	s11 =	simm.s32 $0x140;
	[tilespmem:s25+$0x18680] =	vst v11;
	v11 =	vmul.f32 v16, v4  }
0x433: {  	s16 =	smov.u32 s12;
	s11 =	sand.u32 $0x700, s11;
	s7 =	simm.s32 $0xA0;
	[tilespmem:s3+$0x18680] =	vst v10  }
0x434: {  	s12 =	sor.u32 s17, s2;
	s2 =	sand.u32 $0x60, s7;
	s3 =	sld [smem:$0x7A6];
	[tilespmem:s6+$0x18680] =	vst v11  }
0x435: {  	v13 =	vld [tilespmem:s12+$0x10E80];
	s7 =	sor.u32 s2, s11;
	s6 =	sld [smem:$0x7A7]  }
0x436: {  	s9 =	smov.u32 s28;
	v16 =	vld [tilespmem:s7+$0x10E80]  }
0x437: {  	s5 =	smov.u32 s24;
	v10 =	vld [tilespmem:s7+$0x10F00];
	v15 =	vmul.f32 v15, v9;
	s3 =	sor.u32 s24, s3;
	s24 =	sadd.s32 $0x3280, s19  }
0x438: {  	s28 =	smov.u32 s8;
	v12 =	vmul.f32 v12, v3;
	s8 =	sor.u32 s16, s6;
	v11 =	vld [tilespmem:s3+$0x10E80];
	[smem:$0x7B5] =	sst s24  }
0x439: {  	s25 =	sadd.s32 $0x2300, s13;
	v14 =	vmul.f32 v14, v5;
	[tilespmem:s29+$0x18680] =	vst v15;
	v15 =	vld [tilespmem:s8+$0x10E80];
	s29 =	sor.u32 s18, s24  }
0x43a: {  	s20 =	sadd.s32 $0x1400, s28;
	s6 =	simm.s32 $0xB0;
	[tilespmem:s0+$0x18680] =	vst v12;
	v12 =	vmul.f32 v60, v2;
	s0 =	sor.u32 s9, s25;
	v17 =	vld [tilespmem:s29+$0x10E80]  }
0x43b: {  	[tilespmem:s1+$0x18680] =	vst v14;
	s24 =	sand.u32 $0x70, s6;
	v14 =	vmul.f32 v16, v7;
	s1 =	sor.u32 s23, s20;
	v16 =	vld [tilespmem:s0+$0x10E80]  }
0x43c: {  	s15 =	smov.u32 s9;
	s9 =	sor.u32 s11, s24;
	[tilespmem:s31+$0x18680] =	vst v12;
	v12 =	vld [tilespmem:s1+$0x10E80]  }
0x43d: {  	v10 =	vmul.f32 v10, v7;
	v61 =	vld [tilespmem:s9+$0x10E80];
	[tilespmem:s7+$0x18680] =	vst v14  }
0x43e: {  	v13 =	vmul.f32 v13, v1;
	v14 =	vld [tilespmem:s9+$0x10F00];
	[dreg:$0x8] =	wrdreg s7  }
0x43f: {  	v11 =	vmul.f32 v11, v0;
	[tilespmem:s7+$0x18700] =	vst v10  }
0x440: {  	[tilespmem:s12+$0x18680] =	vst v13  }
0x441: {  	s31 =	sadd.s32 $0x500, s11;
	[tilespmem:s3+$0x18680] =	vst v11  }
0x442: {  	s4 =	sor.u32 s2, s31;
	s3 =	sld [smem:$0x7A8]  }
0x443: {  	s12 =	sor.u32 s21, s22;
	s7 =	sadd.s32 $0x3700, s19;
	v10 =	vld [tilespmem:s4+$0x10E80];
	v13 =	vmul.f32 v17, v9  }
0x444: {  	v11 =	vld [tilespmem:s12+$0x10E80];
	[smem:$0x7B6] =	sst s7  }
0x445: {  	s22 =	sadd.s32 $0x2380, s13;
	v16 =	vmul.f32 v16, v3;
	[tilespmem:s29+$0x18680] =	vst v13;
	s6 =	sor.u32 s26, s3  }
0x446: {  	v12 =	vmul.f32 v12, v5;
	v13 =	vld [tilespmem:s6+$0x10E80];
	[smem:$0x7B9] =	sst s22  }
0x447: {  	[tilespmem:s0+$0x18680] =	vst v16  }
0x448: {  	[tilespmem:s1+$0x18680] =	vst v12  }
0x449: {  	s29 =	sor.u32 s18, s7;
	s3 =	sor.u32 s15, s22;
	v16 =	vmul.f32 v61, v6;
	s22 =	sld [smem:$0x7A9]  }
0x44a: {  	v17 =	vld [tilespmem:s29+$0x10E80]  }
0x44b: {  	v12 =	vmul.f32 v14, v6;
	v14 =	vld [tilespmem:s3+$0x10E80];
	[tilespmem:s9+$0x18680] =	vst v16  }
0x44c: {  	s7 =	sadd.s32 $0x1480, s28;
	v10 =	vmul.f32 v10, v7;
	v62 =	vld [tilespmem:s22+$0x13680];
	[dreg:$0xc] =	wrdreg s9  }
0x44d: {  	v11 =	vmul.f32 v11, v4;
	s1 =	sor.u32 s23, s7;
	[tilespmem:s9+$0x18700] =	vst v12  }
0x44e: {  	s31 =	sor.u32 s24, s31;
	s0 =	sadd.s32 $0x580, s11;
	v12 =	vld [tilespmem:s1+$0x10E80];
	[tilespmem:s4+$0x18680] =	vst v10;
	v10 =	vmul.f32 v13, v2  }
0x44f: {  	s9 =	sor.u32 s2, s0;
	[tilespmem:s12+$0x18680] =	vst v11;
	v13 =	vld [tilespmem:s31+$0x10E80]  }
0x450: {  	s10 =	sor.u32 s21, s10;
	s19 =	sadd.s32 $0x3780, s19;
	v16 =	vmul.f32 v17, v9;
	v11 =	vld [tilespmem:s9+$0x10E80];
	[tilespmem:s6+$0x18680] =	vst v10  }
0x451: {  	v14 =	vmul.f32 v14, v3;
	v10 =	vld [tilespmem:s10+$0x10E80];
	[smem:$0x7B8] =	sst s19  }
0x452: {  	v15 =	vmul.f32 v15, v8;
	s6 =	sld [smem:$0x7AA];
	[tilespmem:s29+$0x18680] =	vst v16  }
0x453: {  	[tilespmem:s3+$0x18680] =	vst v14  }
0x454: {  	[tilespmem:s8+$0x18680] =	vst v15  }
0x455: {  	s18 =	sor.u32 s18, s19;
	s8 =	sld [smem:$0x7AB]  }
0x456: {  	v14 =	vld [tilespmem:s18+$0x10E80];
	s12 =	sor.u32 s26, s6  }
0x457: {  	s3 =	sadd.s32 $0x1900, s28;
	v12 =	vmul.f32 v12, v5;
	v16 =	vld [tilespmem:s12+$0x10E80]  }
0x458: {  	v13 =	vmul.f32 v13, v6;
	v15 =	vld [tilespmem:s8+$0x13680];
	[smem:$0x7B7] =	sst s3  }
0x459: {  	v11 =	vmul.f32 v11, v7;
	[tilespmem:s1+$0x18680] =	vst v12  }
0x45a: {  	v10 =	vmul.f32 v10, v4;
	[tilespmem:s31+$0x18680] =	vst v13  }
0x45b: {  	[tilespmem:s9+$0x18680] =	vst v11;
	v9 =	vmul.f32 v14, v9  }
0x45c: {  	[tilespmem:s10+$0x18680] =	vst v10;
	v16 =	vmul.f32 v16, v2  }
0x45d: {  	[tilespmem:s18+$0x18680] =	vst v9  }
0x45e: {  	[tilespmem:s12+$0x18680] =	vst v16  }
0x45f: {  	v15 =	vmul.f32 v15, v3;
	s1 =	sld [smem:$0x7AC]  }
0x460: {  	s3 =	sor.u32 s23, s3;
	v12 =	vld [tilespmem:s8+$0x13700]  }
0x461: {  	s0 =	sor.u32 s24, s0;
	s19 =	sadd.s32 $0xA00, s11;
	v13 =	vld [tilespmem:s3+$0x10E80];
	[tilespmem:s8+$0x1AE80] =	vst v15  }
0x462: {  	s9 =	sor.u32 s2, s19;
	v11 =	vld [tilespmem:s0+$0x10E80];
	s12 =	sor.u32 s5, s1;
	s1 =	sld [smem:$0x7AD]  }
0x463: {  	s20 =	sor.u32 s21, s20;
	v10 =	vld [tilespmem:s9+$0x10E80]  }
0x464: {  	s14 =	smov.u32 s16;
	v14 =	vld [tilespmem:s20+$0x10E80]  }
0x465: {  	s10 =	sor.u32 s26, s30;
	v9 =	vmul.f32 v12, v3;
	v16 =	vld [tilespmem:s22+$0x13700];
	s14 =	sor.u32 s14, s1  }
0x466: {  	v12 =	vld [tilespmem:s10+$0x10E80];
	v13 =	vmul.f32 v13, v5;
	[smem:$0x7AE] =	sst s14  }
0x467: {  	v11 =	vmul.f32 v11, v6;
	[tilespmem:s8+$0x1AF00] =	vst v9  }
0x468: {  	s30 =	sadd.s32 $0x2D00, s13;
	v9 =	vld [tilespmem:s12+$0x10E80];
	[tilespmem:s3+$0x18680] =	vst v13  }
0x469: {  	v10 =	vmul.f32 v10, v7;
	v15 =	vld [tilespmem:s14+$0x10E80];
	s8 =	sadd.s32 $0x1980, s28;
	s3 =	sor.u32 s15, s30;
	[tilespmem:s0+$0x18680] =	vst v11  }
0x46a: {  	v13 =	vmul.f32 v14, v4;
	v11 =	vld [tilespmem:s3+$0x10E80];
	[smem:$0x7BA] =	sst s23;
	s14 =	sor.u32 s23, s8  }
0x46b: {  	v12 =	vmul.f32 v12, v2;
	[tilespmem:s9+$0x18680] =	vst v10;
	v10 =	vld [tilespmem:s14+$0x10E80]  }
0x46c: {  	[tilespmem:s20+$0x18680] =	vst v13;
	v13 =	vmul.f32 v62, v1  }
0x46d: {  	[tilespmem:s10+$0x18680] =	vst v12;
	v12 =	vmul.f32 v16, v1  }
0x46e: {  	[tilespmem:s22+$0x1AE80] =	vst v13;
	v9 =	vmul.f32 v9, v0  }
0x46f: {  	[tilespmem:s22+$0x1AF00] =	vst v12;
	v11 =	vmul.f32 v11, v3  }
0x470: {  	s4 =	sor.u32 s24, s19;
	s22 =	sld [smem:$0x7AF];
	[tilespmem:s12+$0x18680] =	vst v9;
	v9 =	vmul.f32 v10, v5  }
0x471: {  	s18 =	sadd.s32 $0xA80, s11;
	s10 =	sor.u32 s26, s25;
	s25 =	sld [smem:$0x7B0];
	[tilespmem:s3+$0x18680] =	vst v11  }
0x472: {  	v14 =	vld [tilespmem:s4+$0x10E80];
	s20 =	sor.u32 s2, s18;
	[tilespmem:s14+$0x18680] =	vst v9  }
0x473: {  	s7 =	sor.u32 s21, s7;
	v16 =	vld [tilespmem:s20+$0x10E80];
	s0 =	sld [smem:$0x7B1]  }
0x474: {  	v13 =	vld [tilespmem:s7+$0x10E80];
	s12 =	sld [smem:$0x7B2]  }
0x475: {  	s6 =	smov.u32 s5;
	s5 =	smov.u32 s13;
	v12 =	vld [tilespmem:s10+$0x10E80];
	s19 =	sor.u32 s17, s22  }
0x476: {  	s16 =	smov.u32 s21;
	v10 =	vld [tilespmem:s19+$0x10E80];
	s21 =	sor.u32 s6, s25;
	s25 =	sadd.s32 $0x2D80, s5  }
0x477: {  	v11 =	vmul.f32 v14, v6;
	v14 =	vld [tilespmem:s21+$0x10E80];
	s1 =	sor.u32 s15, s25;
	s14 =	sor.u32 s6, s0;
	s6 =	sor.u32 s6, s12  }
0x478: {  	v9 =	vmul.f32 v16, v7;
	v16 =	vld [tilespmem:s1+$0x10E80];
	[dreg:$0xa] =	wrdreg s6  }
0x479: {  	[tilespmem:s4+$0x18680] =	vst v11  }
0x47a: {  	[tilespmem:s20+$0x18680] =	vst v9  }
0x47b: {  	s22 =	sld [smem:$0x7B4];
	_ =	sdelay $0x1  }
0x47c: {  	s13 =	smov.u32 s17;
	s3 =	sadd.s32 $0x1E00, s28  }
0x47d: {  	s17 =	sor.u32 s23, s3;
	v13 =	vmul.f32 v13, v4;
	s0 =	sor.u32 s13, s22  }
0x47e: {  	v11 =	vld [tilespmem:s17+$0x10E80];
	[dreg:$0x13] =	wrdreg s0  }
0x47f: {  	s20 =	sld [smem:$0x7B3];
	[tilespmem:s7+$0x18680] =	vst v13  }
0x480: {  	s9 =	sld [smem:$0x7B5];
	_ =	sdelay $0x1  }
0x481: {  	s12 =	sor.u32 s24, s18;
	s18 =	sadd.s32 $0xF00, s11;
	s22 =	sld [smem:$0x7B6]  }
0x482: {  	s0 =	smov.u32 s26;
	s26 =	sor.u32 s13, s9;
	s9 =	sld [smem:$0x7B8]  }
0x483: {  	s6 =	smov.u32 s11;
	s11 =	smov.u32 s2;
	s4 =	smov.u32 s13  }
0x484: {  	s23 =	sor.u32 s13, s20;
	s20 =	sor.u32 s2, s18;
	s2 =	sor.u32 s13, s22  }
0x485: {  	v9 =	vmul.f32 v12, v2;
	v17 =	vld [tilespmem:s12+$0x10E80];
	[dreg:$0xf] =	wrdreg s2;
	s2 =	sor.u32 s4, s9  }
0x486: {  	v63 =	vld [tilespmem:s20+$0x10E80];
	[dreg:$0x11] =	wrdreg s2  }
0x487: {  	s7 =	sld [smem:$0x7B7];
	[tilespmem:s10+$0x18680] =	vst v9  }
0x488: {  	v10 =	vmul.f32 v10, v1;
	s4 =	sor.u32 s0, s30;
	s22 =	sld [smem:$0x7B9]  }
0x489: {  	[dreg:$0x18] =	wrdreg s4  }
0x48a: {  	s13 =	sor.u32 s16, s7;
	s9 =	sor.u32 s0, s25;
	[tilespmem:s19+$0x18680] =	vst v10  }
0x48b: {  	v9 =	vmul.f32 v14, v0;
	v13 =	vld [tilespmem:s13+$0x10E80];
	[dreg:$0x1e] =	wrdreg s9;
	s7 =	sor.u32 s0, s22  }
0x48c: {  	s31 =	sor.u32 s16, s8;
	s10 =	sadd.s32 $0x3200, s5;
	v12 =	vld [tilespmem:s7+$0x10E80];
	[dreg:$0x1c] =	wrdreg s5  }
0x48d: {  	v14 =	vmul.f32 v16, v3;
	s5 =	smov.u32 s23;
	s23 =	smov.u32 s16;
	s16 =	sor.u32 s16, s3;
	[tilespmem:s21+$0x18680] =	vst v9  }
0x48e: {  	[dreg:$0x1b] =	wrdreg s16  }
0x48f: {  	v11 =	vmul.f32 v11, v5;
	[tilespmem:s1+$0x18680] =	vst v14  }
0x490: {  	v10 =	vld [tilespmem:s5+$0x10E80];
	[dreg:$0x14] =	wrdreg s14  }
0x491: {  	s8 =	sadd.s32 $0x1E80, s28;
	[tilespmem:s17+$0x18680] =	vst v11  }
0x492: {  	s29 =	smov.u32 s0;
	s30 =	sor.u32 s24, s18;
	s18 =	sld [smem:$0x7BA]  }
0x493: {  	s25 =	sor.u32 s0, s10;
	s19 =	sor.u32 s15, s10;
	s10 =	simm.s32 $0xD0D0  }
0x494: {  	v8 =	vmul.f32 v15, v8;
	s22 =	smov.u32 s15;
	s15 =	smov.u32 s28;
	s28 =	simm.s32 $0xD0;
	v9 =	vld [tilespmem:s14+$0x10E80]  }
0x495: {  	v15 =	vmul.f32 v17, v6;
	s21 =	simm.s32 $0xA;
	v14 =	vmul.f32 v63, v7;
	v11 =	vld [tilespmem:s19+$0x10E80];
	s16 =	smov.u32 s18;
	s1 =	sor.u32 s18, s8  }
.LBB2_12:
0x496: {  	[smem:$0x791] =	sst s25  }
0x497: {  	[smem:$0x792] =	sst s26  }
0x498: {  	s0 =	sadd.s32 $0xFFFFFFF0, s28;
	s2 =	rddreg [dreg:$0x16]  }
0x499: {  	s17 =	sadd.s32 $0xF80, s6;
	s3 =	sor.u32 s23, s8;
	s4 =	rddreg [dreg:$0x1e]  }
0x49a: {  	v16 =	vmul.f32 v13, v4;
	s8 =	sld [smem:$0x7AE];
	[tilespmem:s12+$0x18680] =	vst v15;
	s2 =	sadd.s32 $0x40, s2;
	v15 =	vld [tilespmem:s1+$0x10E80];
	s26 =	sand.u32 $0x60, s0  }
0x49b: {  	v13 =	vld [tilespmem:s10+$0xFFFFFFF0];
	[tilespmem:s20+$0x18680] =	vst v14;
	s18 =	sor.u32 s11, s17;
	v12 =	vmul.f32 v12, v2;
	s0 =	sand.u32 $0x70, s28;
	[smem:$0x78E] =	sst s3  }
0x49c: {  	s12 =	sor.u32 s24, s17;
	[dreg:$0x16] =	wrdreg s2;
	s9 =	sand.u32 $0x700, s2;
	[tilespmem:s13+$0x18680] =	vst v16;
	v10 =	vmul.f32 v10, v1  }
0x49d: {  	s2 =	smov.u32 s11;
	v14 =	vld [tilespmem:s18+$0x10E80];
	s11 =	rddreg [dreg:$0x14];
	s20 =	sor.u32 s26, s9;
	[tilespmem:s7+$0x18680] =	vst v12;
	v9 =	vmul.f32 v9, v0  }
0x49e: {  	s17 =	sadd.s32 $0x2300, s15;
	s13 =	rddreg [dreg:$0xf];
	s25 =	sor.u32 s9, s0;
	v16 =	vld [tilespmem:s20+$0x10E80];
	v11 =	vmul.f32 v11, v3;
	[tilespmem:s5+$0x18680] =	vst v10  }
0x49f: {  	s7 =	smov.u32 s23;
	s23 =	smov.u32 s4;
	s5 =	rddreg [dreg:$0x1c];
	v10 =	vld [tilespmem:s25+$0x10E80];
	v15 =	vmul.f32 v15, v5;
	[tilespmem:s11+$0x18680] =	vst v9  }
0x4a0: {  	s14 =	smov.u32 s13;
	v12 =	vld [tilespmem:s20+$0x10F00];
	[smem:$0x794] =	sst s23;
	s3 =	sadd.s32 $0x3280, s5;
	[tilespmem:s19+$0x18680] =	vst v11  }
0x4a1: {  	[dreg:$0x14] =	wrdreg s14;
	s23 =	smov.u32 s22;
	v17 =	vld [tilespmem:s25+$0x10F00];
	s13 =	sor.u32 s22, s3;
	[tilespmem:s1+$0x18680] =	vst v15  }
0x4a2: {  	s19 =	rddreg [dreg:$0x11];
	s22 =	sor.u32 s29, s3;
	v11 =	vmul.f32 v14, v7;
	s1 =	sor.u32 s16, s17;
	v14 =	vld [tilespmem:s13+$0x10E80]  }
0x4a3: {  	s3 =	sor.u32 s7, s17;
	[tilespmem:s8+$0x18680] =	vst v8;
	[smem:$0x795] =	sst s22;
	v15 =	vmul.f32 v16, v13;
	v16 =	vld [tilespmem:s1+$0x10E80]  }
0x4a4: {  	s4 =	sadd.s32 $0x500, s9;
	s11 =	sadd.s32 $0x1400, s6;
	[smem:$0x790] =	sst s3;
	[tilespmem:s18+$0x18680] =	vst v11  }
0x4a5: {  	s14 =	smov.u32 s15;
	s17 =	rddreg [dreg:$0xa];
	v9 =	vld [tilespmem:s10+$0x0];
	v8 =	vmul.f32 v12, v13;
	s18 =	sor.u32 s2, s11;
	[tilespmem:s20+$0x18680] =	vst v15  }
0x4a6: {  	s22 =	smov.u32 s19;
	s3 =	smov.u32 s24;
	s19 =	sor.u32 s0, s4;
	v11 =	vld [tilespmem:s18+$0x10E80]  }
0x4a7: {  	s8 =	smov.u32 s17;
	[dreg:$0xa] =	wrdreg s22;
	s22 =	sor.u32 s26, s4;
	[tilespmem:s20+$0x18700] =	vst v8;
	v8 =	vld [tilespmem:s30+$0x10E80];
	v14 =	vmul.f32 v14, v3  }
0x4a8: {  	s17 =	sor.u32 s24, s11;
	s24 =	smov.u32 s5;
	s5 =	sadd.s32 $0x3700, s5;
	v12 =	vld [tilespmem:s22+$0x10E80];
	v15 =	vmul.f32 v16, v5  }
0x4a9: {  	s4 =	sadd.s32 $0x2380, s15;
	s15 =	rddreg [dreg:$0xd];
	s11 =	sor.u32 s29, s5;
	v16 =	vld [tilespmem:s31+$0x10E80];
	[tilespmem:s13+$0x18680] =	vst v14  }
0x4aa: {  	[dreg:$0xf] =	wrdreg s11;
	v10 =	vmul.f32 v10, v9;
	s13 =	sor.u32 s23, s5;
	v14 =	vld [tilespmem:s15+$0x13680];
	[tilespmem:s1+$0x18680] =	vst v15;
	s5 =	smov.u32 s16  }
0x4ab: {  	s16 =	smov.u32 s7;
	s7 =	smov.u32 s23;
	v11 =	vmul.f32 v11, v7;
	s23 =	sor.u32 s5, s4;
	v15 =	vld [tilespmem:s13+$0x10E80]  }
0x4ac: {  	s11 =	smov.u32 s15;
	v17 =	vmul.f32 v17, v9;
	[tilespmem:s25+$0x18680] =	vst v10;
	s1 =	sadd.s32 $0x1480, s6;
	s4 =	sor.u32 s16, s4;
	v10 =	vld [tilespmem:s23+$0x10E80]  }
0x4ad: {  	[smem:$0x793] =	sst s4;
	v12 =	vmul.f32 v12, v13;
	s4 =	sor.u32 s2, s1;
	s1 =	sor.u32 s3, s1;
	[tilespmem:s18+$0x18680] =	vst v11;
	v11 =	vld [tilespmem:s11+$0x13700]  }
0x4ae: {  	v8 =	vmul.f32 v8, v6;
	[smem:$0x78F] =	sst s1;
	s1 =	sadd.s32 $0x580, s9;
	[tilespmem:s25+$0x18700] =	vst v17;
	v17 =	vld [tilespmem:s4+$0x10E80]  }
0x4af: {  	v16 =	vmul.f32 v16, v4;
	[tilespmem:s22+$0x18680] =	vst v12;
	s22 =	sor.u32 s26, s1;
	v12 =	vld [tilespmem:s19+$0x10E80]  }
0x4b0: {  	[tilespmem:s30+$0x18680] =	vst v8;
	v18 =	vld [tilespmem:s22+$0x10E80];
	v8 =	vmul.f32 v15, v3  }
0x4b1: {  	s15 =	smov.u32 s29;
	s29 =	rddreg [dreg:$0x1b];
	v15 =	vld [tilespmem:s12+$0x10E80];
	[tilespmem:s31+$0x18680] =	vst v16;
	v10 =	vmul.f32 v10, v5  }
0x4b2: {  	s18 =	sor.u32 s0, s1;
	s30 =	sadd.s32 $0x3780, s24;
	s1 =	smov.u32 s14;
	[tilespmem:s13+$0x18680] =	vst v8  }
0x4b3: {  	s14 =	smov.u32 s6;
	s31 =	sor.u32 s7, s30;
	s7 =	smov.u32 s5;
	v16 =	vld [tilespmem:s29+$0x10E80];
	v8 =	vmul.f32 v17, v7;
	[tilespmem:s23+$0x18680] =	vst v10  }
0x4b4: {  	v14 =	vmul.f32 v14, v2;
	s5 =	smov.u32 s2;
	s2 =	smov.u32 s26;
	s26 =	rddreg [dreg:$0x4];
	v10 =	vld [tilespmem:s31+$0x10E80]  }
0x4b5: {  	s24 =	sadd.s32 $0x1900, s14;
	v12 =	vmul.f32 v12, v9;
	v17 =	vld [tilespmem:s26+$0x13680];
	[tilespmem:s4+$0x18680] =	vst v8  }
0x4b6: {  	s15 =	sor.u32 s15, s30;
	s30 =	smov.u32 s9;
	[tilespmem:s11+$0x1AE80] =	vst v14;
	v14 =	vmul.f32 v18, v13;
	s4 =	sor.u32 s5, s24;
	v8 =	vld [tilespmem:s26+$0x13700]  }
0x4b7: {  	s6 =	sadd.s32 $0xA00, s30;
	[tilespmem:s19+$0x18680] =	vst v12;
	v15 =	vmul.f32 v15, v6;
	v12 =	vld [tilespmem:s4+$0x10E80]  }
0x4b8: {  	s13 =	smov.u32 s16;
	s16 =	sld [smem:$0x78E];
	s19 =	sor.u32 s2, s6;
	[tilespmem:s22+$0x18680] =	vst v14;
	v14 =	vld [tilespmem:s18+$0x10E80];
	v16 =	vmul.f32 v16, v4  }
0x4b9: {  	[smem:$0x7AE] =	sst s8;
	v63 =	vld [tilespmem:s19+$0x10E80];
	[tilespmem:s12+$0x18680] =	vst v15;
	v10 =	vmul.f32 v10, v3;
	v3 =	vmov v5  }
0x4ba: {  	[dreg:$0x1c] =	wrdreg s1;
	v5 =	vmov v7;
	v7 =	vmov v13;
	v13 =	vld [tilespmem:s17+$0x10E80];
	[tilespmem:s29+$0x18680] =	vst v16;
	v15 =	vmul.f32 v17, v3  }
0x4bb: {  	[dreg:$0x11] =	wrdreg s15;
	v16 =	vld [tilespmem:s16+$0x10E80];
	v8 =	vmul.f32 v8, v3;
	[tilespmem:s31+$0x18680] =	vst v10  }
0x4bc: {  	s15 =	smov.u32 s3;
	s3 =	sadd.s32 $0x1980, s14;
	s23 =	rddreg [dreg:$0x13];
	v10 =	vmul.f32 v12, v5;
	[tilespmem:s26+$0x1AE80] =	vst v15  }
0x4bd: {  	s9 =	sor.u32 s15, s24;
	s24 =	smov.u32 s0;
	s12 =	sadd.s32 $0x2D00, s1;
	v12 =	vld [tilespmem:s23+$0x10E80];
	v14 =	vmul.f32 v14, v9;
	[tilespmem:s26+$0x1AF00] =	vst v8  }
0x4be: {  	s0 =	sor.u32 s24, s6;
	s6 =	rddreg [dreg:$0x8];
	s22 =	sor.u32 s7, s12;
	v15 =	vmul.f32 v63, v7;
	v8 =	vld [tilespmem:s8+$0x10E80];
	[tilespmem:s4+$0x18680] =	vst v10  }
0x4bf: {  	s31 =	sld [smem:$0x78F];
	[tilespmem:s18+$0x18680] =	vst v14;
	s4 =	sor.u32 s5, s3;
	v13 =	vmul.f32 v13, v6;
	v10 =	vld [tilespmem:s22+$0x10E80]  }
0x4c0: {  	s29 =	sld [smem:$0x790];
	s26 =	sor.u32 s13, s12;
	s12 =	smov.u32 s6;
	v14 =	vld [tilespmem:s4+$0x10E80];
	[tilespmem:s19+$0x18680] =	vst v15;
	v16 =	vmul.f32 v16, v4  }
0x4c1: {  	[dreg:$0x4] =	wrdreg s12;
	v15 =	vld [tilespmem:s0+$0x10E80];
	[tilespmem:s17+$0x18680] =	vst v13  }
0x4c2: {  	v13 =	vld [tilespmem:s31+$0x10E80];
	[tilespmem:s16+$0x18680] =	vst v16;
	s16 =	rddreg [dreg:$0x6]  }
0x4c3: {  	s6 =	sadd.s32 $0xA80, s30;
	s19 =	rddreg [dreg:$0xc];
	s17 =	smov.u32 s16  }
0x4c4: {  	s21 =	sadd.s32 $0x2, s21;
	s18 =	sor.u32 s2, s6;
	[dreg:$0xd] =	wrdreg s17  }
0x4c5: {  	v11 =	vmul.f32 v11, v2;
	s12 =	smov.u32 s20;
	v17 =	vld [tilespmem:s18+$0x10E80];
	v12 =	vmul.f32 v12, v1;
	s20 =	smov.u32 s19;
	s17 =	sld [smem:$0x791]  }
0x4c6: {  	p1 =	slt.u32 s21, $0x26;
	s28 =	sadd.s32 $0x20, s28;
	[dreg:$0x6] =	wrdreg s20;
	v8 =	vmul.f32 v8, v0;
	v0 =	vmov v1;
	v10 =	vmul.f32 v10, v3  }
0x4c7: {  	s3 =	sor.u32 s15, s3;
	v1 =	vmovc v2;
	v2 =	vmovc v4;
	v4 =	vmov v6;
	v16 =	vld [tilespmem:s29+$0x10E80];
	[tilespmem:s11+$0x1AF00] =	vst v11;
	v6 =	vmov v9;
	s11 =	smov.u32 s25;
	s25 =	rddreg [dreg:$0x18];
	v9 =	vmul.f32 v14, v5  }
0x4c8: {  	s16 =	sadd.s32 $0x2D80, s1;
	s19 =	smov.u32 s17;
	[tilespmem:s22+$0x18680] =	vst v10;
	s22 =	sld [smem:$0x792]  }
0x4c9: {  	s20 =	sadd.s32 $0x1E00, s14;
	v11 =	vld [tilespmem:s25+$0x10E80];
	[dreg:$0x13] =	wrdreg s19;
	s19 =	sor.u32 s7, s16;
	[tilespmem:s4+$0x18680] =	vst v9  }
0x4ca: {  	[dreg:$0x8] =	wrdreg s12;
	s12 =	sor.u32 s24, s6;
	v14 =	vmul.f32 v17, v7;
	s4 =	sor.u32 s5, s20;
	v9 =	vld [tilespmem:s19+$0x10E80]  }
0x4cb: {  	[dreg:$0xc] =	wrdreg s11;
	[tilespmem:s23+$0x18680] =	vst v12;
	s6 =	sor.u32 s13, s16;
	s23 =	smov.u32 s15;
	v12 =	vmul.f32 v15, v6;
	v15 =	vld [tilespmem:s4+$0x10E80]  }
0x4cc: {  	s11 =	sor.u32 s15, s20;
	s15 =	sadd.s32 $0xF00, s30;
	[dreg:$0x1e] =	wrdreg s6;
	[tilespmem:s18+$0x18680] =	vst v14;
	v10 =	vld [tilespmem:s22+$0x10E80]  }
0x4cd: {  	s10 =	sadd.s32 $0x20, s10;
	[dreg:$0x1b] =	wrdreg s11;
	s20 =	sor.u32 s2, s15;
	[tilespmem:s0+$0x18680] =	vst v12;
	v12 =	vmul.f32 v13, v4  }
0x4ce: {  	s8 =	sadd.s32 $0x1E80, s14;
	s6 =	smov.u32 s30;
	v16 =	vmul.f32 v16, v2;
	s18 =	sld [smem:$0x793];
	v17 =	vld [tilespmem:s20+$0x10E80]  }
0x4cf: {  	s11 =	smov.u32 s2;
	s30 =	sor.u32 s24, s15;
	s16 =	sld [smem:$0x795];
	v11 =	vmul.f32 v11, v1;
	v14 =	vld [tilespmem:s12+$0x10E80];
	[tilespmem:s31+$0x18680] =	vst v12  }
0x4d0: {  	s2 =	sadd.s32 $0x3200, s1;
	s31 =	smov.u32 s3;
	s3 =	sld [smem:$0x794];
	v13 =	vld [tilespmem:s9+$0x10E80];
	[tilespmem:s29+$0x18680] =	vst v16;
	v9 =	vmul.f32 v9, v3  }
.Ltmp9:
0x4d1: {  	s15 =	smov.u32 s14;
	s1 =	sor.u32 s5, s8;
	v12 =	vld [tilespmem:s18+$0x10E80];
	[tilespmem:s25+$0x18680] =	vst v11;
	v16 =	vmul.f32 v10, v0;
	(pc) =	sbr.rel @p1 .LBB2_12-.Ltmp9, $4  }
0x4d2: {  	s29 =	smov.u32 s13;
	s25 =	smov.u32 s26;
	v11 =	vmul.f32 v15, v5;
	[tilespmem:s19+$0x18680] =	vst v9;
	s19 =	sor.u32 s7, s2  }
0x4d3: {  	v10 =	vld [tilespmem:s3+$0x10E80];
	[tilespmem:s22+$0x18680] =	vst v16;
	s22 =	smov.u32 s7;
	s7 =	smov.u32 s18;
	s18 =	rddreg [dreg:$0x14]  }
0x4d4: {  	s26 =	smov.u32 s16;
	s16 =	smov.u32 s5;
	[dreg:$0x18] =	wrdreg s25;
	[tilespmem:s4+$0x18680] =	vst v11;
	v9 =	vld [tilespmem:s18+$0x10E80]  }
0x4d5: {  	s25 =	sor.u32 s13, s2;
	s13 =	smov.u32 s9;
	s5 =	smov.u32 s3;
	v15 =	vmul.f32 v14, v6;
	v14 =	vmul.f32 v17, v7;
	v11 =	vld [tilespmem:s19+$0x10E80]  }
0x4d6: {  	_ = 	snop  }
0x4d7: {  	[tilespmem:s12+$0x18680] =	vst v15  }
0x4d8: {  	v15 =	vld [tilespmem:s30+$0x10E80];
	_ =	sdelay $0x4  }
0x4d9: {  	s0 =	sadd.s32 $0xF80, s6;
	v15 =	vmul.f32 v15, v6  }
0x4da: {  	[tilespmem:s20+$0x18680] =	vst v14;
	s2 =	sor.u32 s11, s0  }
0x4db: {  	s0 =	sor.u32 s24, s0;
	v14 =	vld [tilespmem:s2+$0x10E80];
	[tilespmem:s30+$0x18680] =	vst v15  }
0x4dc: {  	v15 =	vld [tilespmem:s0+$0x10E80];
	_ =	sdelay $0x3  }
0x4dd: {  	v14 =	vmul.f32 v14, v7  }
0x4de: {  	s3 =	sadd.s32 $0x1400, s6;
	v15 =	vmul.f32 v15, v6  }
0x4df: {  	s20 =	sor.u32 s11, s3;
	[tilespmem:s2+$0x18680] =	vst v14  }
0x4e0: {  	s21 =	sor.u32 s24, s3;
	v14 =	vld [tilespmem:s20+$0x10E80];
	[tilespmem:s0+$0x18680] =	vst v15  }
0x4e1: {  	v15 =	vld [tilespmem:s21+$0x10E80];
	_ =	sdelay $0x3  }
0x4e2: {  	v14 =	vmul.f32 v14, v7  }
0x4e3: {  	s28 =	sadd.s32 $0x1480, s6;
	v15 =	vmul.f32 v15, v6  }
0x4e4: {  	s30 =	sor.u32 s11, s28;
	[tilespmem:s20+$0x18680] =	vst v14  }
0x4e5: {  	s3 =	sor.u32 s24, s28;
	v14 =	vld [tilespmem:s30+$0x10E80];
	[tilespmem:s21+$0x18680] =	vst v15  }
0x4e6: {  	v15 =	vld [tilespmem:s3+$0x10E80];
	_ =	sdelay $0x3  }
0x4e7: {  	v14 =	vmul.f32 v14, v7  }
0x4e8: {  	s4 =	sadd.s32 $0x1900, s6;
	v15 =	vmul.f32 v15, v6  }
0x4e9: {  	s9 =	sor.u32 s11, s4;
	[tilespmem:s30+$0x18680] =	vst v14  }
0x4ea: {  	s10 =	sor.u32 s24, s4;
	v14 =	vld [tilespmem:s9+$0x10E80];
	[tilespmem:s3+$0x18680] =	vst v15  }
0x4eb: {  	v15 =	vld [tilespmem:s10+$0x10E80];
	_ =	sdelay $0x2  }
0x4ec: {  	v13 =	vmul.f32 v13, v4  }
0x4ed: {  	v14 =	vmul.f32 v14, v7  }
0x4ee: {  	s14 =	sadd.s32 $0x1980, s6;
	[tilespmem:s13+$0x18680] =	vst v13;
	v15 =	vmul.f32 v15, v6  }
0x4ef: {  	s17 =	sor.u32 s11, s14;
	v13 =	vld [tilespmem:s31+$0x10E80];
	[tilespmem:s9+$0x18680] =	vst v14  }
0x4f0: {  	s18 =	sor.u32 s24, s14;
	v14 =	vld [tilespmem:s17+$0x10E80];
	[tilespmem:s10+$0x18680] =	vst v15  }
0x4f1: {  	v15 =	vld [tilespmem:s18+$0x10E80];
	_ =	sdelay $0x2  }
0x4f2: {  	v13 =	vmul.f32 v13, v4  }
0x4f3: {  	v14 =	vmul.f32 v14, v7  }
0x4f4: {  	[tilespmem:s31+$0x18680] =	vst v13;
	s20 =	sadd.s32 $0x1E00, s6;
	v15 =	vmul.f32 v15, v6  }
0x4f5: {  	s21 =	sor.u32 s11, s20;
	[tilespmem:s17+$0x18680] =	vst v14  }
0x4f6: {  	s28 =	sor.u32 s24, s20;
	v14 =	vld [tilespmem:s21+$0x10E80];
	[tilespmem:s18+$0x18680] =	vst v15  }
0x4f7: {  	s4 =	rddreg [dreg:$0x1b];
	v15 =	vld [tilespmem:s28+$0x10E80]  }
0x4f8: {  	v13 =	vld [tilespmem:s4+$0x10E80];
	_ =	sdelay $0x1  }
0x4f9: {  	v16 =	vld [tilespmem:s1+$0x10E80]  }
0x4fa: {  	v14 =	vmul.f32 v14, v7  }
0x4fb: {  	s30 =	sadd.s32 $0x1E80, s6;
	v15 =	vmul.f32 v15, v6  }
0x4fc: {  	s31 =	sor.u32 s11, s30;
	[tilespmem:s21+$0x18680] =	vst v14;
	v13 =	vmul.f32 v13, v4  }
0x4fd: {  	s9 =	sor.u32 s24, s30;
	v14 =	vld [tilespmem:s31+$0x10E80];
	[tilespmem:s28+$0x18680] =	vst v15  }
0x4fe: {  	s8 =	sor.u32 s23, s8;
	v29 =	vmul.f32 v16, v5;
	[tilespmem:s4+$0x18680] =	vst v13;
	v31 =	vld [tilespmem:s9+$0x10E80]  }
0x4ff: {  	s10 =	sadd.s32 $0x2300, s15;
	v30 =	vld [tilespmem:s8+$0x10E80]  }
0x500: {  	s14 =	sor.u32 s16, s10;
	[tilespmem:s1+$0x18680] =	vst v29  }
0x501: {  	v32 =	vld [tilespmem:s14+$0x10E80]  }
0x502: {  	v14 =	vmul.f32 v14, v7  }
0x503: {  	s17 =	sadd.s32 $0x2300, s6;
	v13 =	vmul.f32 v31, v6  }
0x504: {  	s18 =	sor.u32 s11, s17;
	[tilespmem:s31+$0x18680] =	vst v14;
	v33 =	vmul.f32 v30, v4  }
0x505: {  	s20 =	sor.u32 s24, s17;
	v34 =	vld [tilespmem:s18+$0x10E80];
	[tilespmem:s9+$0x18680] =	vst v13  }
0x506: {  	s3 =	sor.u32 s23, s10;
	v35 =	vmul.f32 v32, v5;
	[tilespmem:s8+$0x18680] =	vst v33;
	v37 =	vld [tilespmem:s20+$0x10E80]  }
0x507: {  	s21 =	sadd.s32 $0x2380, s15;
	v36 =	vld [tilespmem:s3+$0x10E80]  }
0x508: {  	s28 =	sor.u32 s16, s21;
	[tilespmem:s14+$0x18680] =	vst v35  }
0x509: {  	v38 =	vld [tilespmem:s28+$0x10E80]  }
0x50a: {  	s12 =	smov.u32 s6;
	v15 =	vmul.f32 v34, v7  }
0x50b: {  	s30 =	sadd.s32 $0x2380, s12;
	v14 =	vmul.f32 v37, v6  }
0x50c: {  	s31 =	sor.u32 s11, s30;
	[tilespmem:s18+$0x18680] =	vst v15;
	v13 =	vmul.f32 v36, v4  }
0x50d: {  	s9 =	sor.u32 s24, s30;
	v15 =	vld [tilespmem:s31+$0x10E80];
	[tilespmem:s20+$0x18680] =	vst v14  }
0x50e: {  	v39 =	vmul.f32 v38, v5;
	s8 =	sor.u32 s23, s21;
	[tilespmem:s3+$0x18680] =	vst v13;
	v41 =	vld [tilespmem:s9+$0x10E80]  }
0x50f: {  	v40 =	vld [tilespmem:s8+$0x10E80]  }
0x510: {  	v12 =	vmul.f32 v12, v2;
	[tilespmem:s28+$0x18680] =	vst v39  }
0x511: {  	s1 =	rddreg [dreg:$0x4]  }
0x512: {  	v15 =	vmul.f32 v15, v7;
	[tilespmem:s7+$0x18680] =	vst v12;
	v42 =	vld [tilespmem:s1+$0x13680]  }
0x513: {  	v43 =	vld [tilespmem:s1+$0x13700];
	s10 =	rddreg [dreg:$0xd];
	v13 =	vmul.f32 v41, v6  }
0x514: {  	[tilespmem:s31+$0x18680] =	vst v15;
	v17 =	vld [tilespmem:s10+$0x13680];
	v14 =	vmul.f32 v40, v4  }
0x515: {  	v44 =	vld [tilespmem:s10+$0x13700];
	s2 =	rddreg [dreg:$0x8];
	[tilespmem:s9+$0x18680] =	vst v13  }
0x516: {  	v18 =	vld [tilespmem:s2+$0x13680];
	[tilespmem:s8+$0x18680] =	vst v14  }
0x517: {  	v46 =	vld [tilespmem:s2+$0x13700];
	v45 =	vmul.f32 v42, v5;
	s14 =	rddreg [dreg:$0x6]  }
0x518: {  	v12 =	vmul.f32 v43, v5;
	v47 =	vld [tilespmem:s14+$0x13680]  }
0x519: {  	v17 =	vmul.f32 v17, v2;
	[tilespmem:s1+$0x1AE80] =	vst v45;
	v48 =	vld [tilespmem:s14+$0x13700]  }
0x51a: {  	v49 =	vmul.f32 v44, v2;
	[tilespmem:s1+$0x1AF00] =	vst v12  }
0x51b: {  	v51 =	vmul.f32 v18, v7;
	s17 =	rddreg [dreg:$0xc];
	[tilespmem:s10+$0x1AE80] =	vst v17  }
0x51c: {  	s18 =	sadd.s32 $0x2D00, s15;
	v53 =	vmul.f32 v46, v7;
	[tilespmem:s10+$0x1AF00] =	vst v49;
	v50 =	vld [tilespmem:s17+$0x13680]  }
0x51d: {  	s20 =	sor.u32 s16, s18;
	v52 =	vld [tilespmem:s17+$0x13700];
	[tilespmem:s2+$0x1AE80] =	vst v51;
	v13 =	vmul.f32 v47, v4  }
0x51e: {  	s21 =	sadd.s32 $0x2D00, s12;
	v54 =	vld [tilespmem:s20+$0x10E80];
	[tilespmem:s2+$0x1AF00] =	vst v53;
	v14 =	vmul.f32 v48, v4  }
0x51f: {  	s28 =	sor.u32 s11, s21;
	[tilespmem:s14+$0x1AE80] =	vst v13  }
0x520: {  	s0 =	sor.u32 s23, s18;
	v56 =	vld [tilespmem:s28+$0x10E80];
	[tilespmem:s14+$0x1AF00] =	vst v14  }
0x521: {  	v55 =	vmul.f32 v50, v6;
	s7 =	rddreg [dreg:$0x18];
	v59 =	vld [tilespmem:s0+$0x10E80]  }
0x522: {  	v57 =	vmul.f32 v52, v6;
	v58 =	vld [tilespmem:s7+$0x10E80]  }
0x523: {  	v12 =	vmul.f32 v54, v5;
	[tilespmem:s17+$0x1AE80] =	vst v55  }
0x524: {  	s30 =	sadd.s32 $0x2D80, s15;
	s2 =	sor.u32 s24, s21;
	[tilespmem:s17+$0x1AF00] =	vst v57  }
0x525: {  	s31 =	sor.u32 s16, s30;
	v60 =	vmul.f32 v56, v7;
	[tilespmem:s20+$0x18680] =	vst v12;
	v15 =	vld [tilespmem:s2+$0x10E80]  }
0x526: {  	v61 =	vld [tilespmem:s31+$0x10E80];
	v62 =	vmul.f32 v59, v4  }
0x527: {  	s8 =	sadd.s32 $0x2D80, s12;
	[tilespmem:s28+$0x18680] =	vst v60;
	v16 =	vmul.f32 v58, v2  }
0x528: {  	s9 =	sor.u32 s11, s8;
	[tilespmem:s0+$0x18680] =	vst v62  }
0x529: {  	s10 =	sor.u32 s23, s30;
	v63 =	vld [tilespmem:s9+$0x10E80];
	[tilespmem:s7+$0x18680] =	vst v16  }
0x52a: {  	v15 =	vmul.f32 v15, v6;
	v21 =	vld [tilespmem:s10+$0x10E80];
	s7 =	rddreg [dreg:$0x1e]  }
0x52b: {  	v14 =	vmul.f32 v61, v5;
	v20 =	vld [tilespmem:s7+$0x10E80]  }
0x52c: {  	v10 =	vmul.f32 v10, v1;
	s14 =	sor.u32 s24, s8;
	[tilespmem:s2+$0x18680] =	vst v15  }
0x52d: {  	s17 =	sadd.s32 $0x3200, s15;
	[tilespmem:s31+$0x18680] =	vst v14;
	v15 =	vld [tilespmem:s14+$0x10E80]  }
0x52e: {  	s18 =	sor.u32 s16, s17;
	v13 =	vmul.f32 v63, v7;
	[tilespmem:s5+$0x18680] =	vst v10  }
0x52f: {  	v22 =	vld [tilespmem:s18+$0x10E80];
	s8 =	rddreg [dreg:$0x13];
	v24 =	vmul.f32 v21, v4  }
0x530: {  	s20 =	sadd.s32 $0x3200, s12;
	[tilespmem:s9+$0x18680] =	vst v13;
	v23 =	vld [tilespmem:s8+$0x10E80];
	v12 =	vmul.f32 v20, v2  }
0x531: {  	s21 =	sor.u32 s11, s20;
	[tilespmem:s10+$0x18680] =	vst v24  }
0x532: {  	s2 =	sor.u32 s23, s17;
	v25 =	vld [tilespmem:s21+$0x10E80];
	v15 =	vmul.f32 v15, v6;
	[tilespmem:s7+$0x18680] =	vst v12  }
0x533: {  	v11 =	vmul.f32 v11, v3;
	v13 =	vld [tilespmem:s2+$0x10E80];
	s5 =	rddreg [dreg:$0x1c]  }
0x534: {  	s6 =	sor.u32 s24, s20;
	v10 =	vmul.f32 v22, v5;
	v26 =	vld [tilespmem:s25+$0x10E80];
	[tilespmem:s14+$0x18680] =	vst v15;
	s28 =	sadd.s32 $0x3280, s5  }
0x535: {  	s31 =	sadd.s32 $0x3280, s15;
	v14 =	vmul.f32 v23, v1;
	[tilespmem:s19+$0x18680] =	vst v11;
	v27 =	vld [tilespmem:s6+$0x10E80];
	s30 =	sor.u32 s22, s28  }
0x536: {  	s9 =	sor.u32 s16, s31;
	[tilespmem:s18+$0x18680] =	vst v10;
	v28 =	vld [tilespmem:s30+$0x10E80]  }
0x537: {  	v29 =	vmul.f32 v25, v7;
	[tilespmem:s8+$0x18680] =	vst v14;
	v30 =	vld [tilespmem:s9+$0x10E80]  }
0x538: {  	s10 =	sadd.s32 $0x3280, s12;
	v32 =	vld [tilespmem:s26+$0x10E80];
	v13 =	vmul.f32 v13, v4  }
0x539: {  	[tilespmem:s21+$0x18680] =	vst v29;
	s14 =	sor.u32 s11, s10;
	v31 =	vmul.f32 v26, v2  }
0x53a: {  	s17 =	sor.u32 s23, s31;
	v33 =	vld [tilespmem:s14+$0x10E80];
	[tilespmem:s2+$0x18680] =	vst v13;
	v11 =	vmul.f32 v27, v6  }
0x53b: {  	s0 =	sor.u32 s29, s28;
	v36 =	vld [tilespmem:s17+$0x10E80];
	[tilespmem:s25+$0x18680] =	vst v31;
	v34 =	vmul.f32 v28, v3  }
0x53c: {  	s19 =	sor.u32 s24, s10;
	s18 =	sadd.s32 $0x3700, s5;
	v12 =	vmul.f32 v30, v5;
	v35 =	vld [tilespmem:s0+$0x10E80];
	[tilespmem:s6+$0x18680] =	vst v11  }
0x53d: {  	s20 =	sor.u32 s22, s18;
	v10 =	vmul.f32 v32, v1;
	v37 =	vld [tilespmem:s19+$0x10E80];
	[tilespmem:s30+$0x18680] =	vst v34  }
0x53e: {  	v9 =	vmul.f32 v9, v0;
	s21 =	rddreg [dreg:$0x14];
	v38 =	vld [tilespmem:s20+$0x10E80];
	[tilespmem:s9+$0x18680] =	vst v12  }
0x53f: {  	v39 =	vmul.f32 v33, v7;
	s25 =	sadd.s32 $0x3700, s15;
	[tilespmem:s26+$0x18680] =	vst v10  }
0x540: {  	s28 =	sor.u32 s16, s25;
	v11 =	vmul.f32 v36, v4;
	[tilespmem:s21+$0x18680] =	vst v9  }
0x541: {  	v40 =	vld [tilespmem:s28+$0x10E80];
	v41 =	vmul.f32 v35, v2;
	s30 =	rddreg [dreg:$0xf];
	[tilespmem:s14+$0x18680] =	vst v39  }
0x542: {  	s9 =	sadd.s32 $0x3700, s12;
	[tilespmem:s17+$0x18680] =	vst v11;
	v13 =	vmul.f32 v37, v6  }
0x543: {  	s31 =	sor.u32 s11, s9;
	v42 =	vld [tilespmem:s30+$0x10E80];
	[tilespmem:s0+$0x18680] =	vst v41;
	v9 =	vmul.f32 v38, v3  }
0x544: {  	v12 =	vld [tilespmem:s31+$0x10E80];
	[tilespmem:s19+$0x18680] =	vst v13  }
0x545: {  	s10 =	sor.u32 s29, s18;
	[tilespmem:s20+$0x18680] =	vst v9  }
0x546: {  	s14 =	sor.u32 s23, s25;
	v43 =	vld [tilespmem:s10+$0x10E80];
	v45 =	vmul.f32 v40, v5;
	s20 =	sld [smem:$0x7AE]  }
0x547: {  	s13 =	smov.u32 s15;
	s18 =	sor.u32 s24, s9;
	s17 =	sadd.s32 $0x3780, s5;
	v44 =	vld [tilespmem:s14+$0x10E80]  }
0x548: {  	s21 =	sadd.s32 $0x3780, s13;
	s19 =	sor.u32 s22, s17;
	v46 =	vld [tilespmem:s18+$0x10E80];
	v48 =	vmul.f32 v42, v1;
	[tilespmem:s28+$0x18680] =	vst v45  }
0x549: {  	s25 =	sor.u32 s16, s21;
	v47 =	vld [tilespmem:s19+$0x10E80];
	v12 =	vmul.f32 v12, v7;
	[tilespmem:s20+$0x18680] =	vst v8  }
0x54a: {  	s26 =	sadd.s32 $0x3780, s12;
	v50 =	vld [tilespmem:s25+$0x10E80];
	s22 =	rddreg [dreg:$0xa];
	[tilespmem:s30+$0x18680] =	vst v48  }
0x54b: {  	s28 =	sor.u32 s11, s26;
	v11 =	vmul.f32 v43, v2;
	[tilespmem:s31+$0x18680] =	vst v12;
	v49 =	vld [tilespmem:s22+$0x10E80]  }
0x54c: {  	v13 =	vmul.f32 v44, v4;
	s5 =	rddreg [dreg:$0x11];
	v52 =	vld [tilespmem:s28+$0x10E80]  }
0x54d: {  	v10 =	vmul.f32 v46, v6;
	[tilespmem:s10+$0x18680] =	vst v11;
	v51 =	vld [tilespmem:s5+$0x10E80]  }
0x54e: {  	[tilespmem:s14+$0x18680] =	vst v13;
	v53 =	vmul.f32 v47, v3  }
0x54f: {  	[tilespmem:s18+$0x18680] =	vst v10;
	v57 =	vmul.f32 v50, v5  }
0x550: {  	[tilespmem:s19+$0x18680] =	vst v53;
	v55 =	vmul.f32 v49, v0  }
0x551: {  	s6 =	sor.u32 s29, s17;
	[tilespmem:s25+$0x18680] =	vst v57;
	v60 =	vmul.f32 v52, v7  }
0x552: {  	s30 =	sor.u32 s23, s21;
	v54 =	vld [tilespmem:s6+$0x10E80];
	v59 =	vmul.f32 v51, v1;
	[tilespmem:s22+$0x18680] =	vst v55  }
0x553: {  	s31 =	sor.u32 s24, s26;
	v56 =	vld [tilespmem:s30+$0x10E80];
	[tilespmem:s28+$0x18680] =	vst v60  }
0x554: {  	v58 =	vld [tilespmem:s31+$0x10E80];
	[tilespmem:s5+$0x18680] =	vst v59  }
0x555: {  	s1 =	sld [smem:$0x7E9];
	_ =	sdelay $0x1  }
0x556: {  	v61 =	vmul.f32 v54, v2  }
0x557: {  	v62 =	vmul.f32 v56, v4;
	s1 =	smul.u32 $0x500, s1  }
0x558: {  	v63 =	vmul.f32 v58, v6;
	[tilespmem:s6+$0x18680] =	vst v61  }
0x559: {  	s7 =	rddreg [dreg:$0x1];
	[tilespmem:s30+$0x18680] =	vst v62;
	s6 =	sshrl.u32 s1, $0x3  }
0x55a: {  	s8 =	simm.s32 $0x0;
	s9 =	simm.s32 $0x18680;
	[tilespmem:s31+$0x18680] =	vst v63;
	s0 =	sadd.s32 s7, s6  }
0x55b: {  	[hbm4b:s0+s8] =	stream.linear.scatter [tilespmem:s9], [sflag:$0x4], $0x500, $0x38;
	[tilespmem:$0x1C280] =	vst v63  }
0x55c: {  	s11 =	simm.s32 $0x18B80;
	s10 =	sadd.s32 $0x61A80, s0  }
0x55d: {  	[hbm4b:s10+s8] =	stream.linear.scatter [tilespmem:s11], [sflag:$0x4], $0x500, $0x38;
	[tilespmem:$0x1C280] =	vst v63  }
0x55e: {  	s13 =	simm.s32 $0x19080;
	s12 =	sadd.s32 $0xC3500, s0  }
0x55f: {  	[hbm4b:s12+s8] =	stream.linear.scatter [tilespmem:s13], [sflag:$0x4], $0x500, $0x38;
	[tilespmem:$0x1C280] =	vst v63  }
0x560: {  	s15 =	simm.s32 $0x19580;
	s14 =	sadd.s32 $0x124F80, s0  }
0x561: {  	[hbm4b:s14+s8] =	stream.linear.scatter [tilespmem:s15], [sflag:$0x4], $0x500, $0x38;
	[tilespmem:$0x1C280] =	vst v63  }
0x562: {  	s17 =	simm.s32 $0x19A80;
	s16 =	sadd.s32 $0x186A00, s0  }
0x563: {  	[hbm4b:s16+s8] =	stream.linear.scatter [tilespmem:s17], [sflag:$0x4], $0x500, $0x38;
	[tilespmem:$0x1C280] =	vst v63  }
0x564: {  	s19 =	simm.s32 $0x19F80;
	s18 =	sadd.s32 $0x1E8480, s0  }
0x565: {  	[hbm4b:s18+s8] =	stream.linear.scatter [tilespmem:s19], [sflag:$0x4], $0x500, $0x38;
	[tilespmem:$0x1C280] =	vst v63  }
0x566: {  	s21 =	simm.s32 $0x1A480;
	s20 =	sadd.s32 $0x249F00, s0  }
0x567: {  	[hbm4b:s20+s8] =	stream.linear.scatter [tilespmem:s21], [sflag:$0x4], $0x500, $0x38;
	[tilespmem:$0x1C280] =	vst v63  }
0x568: {  	s23 =	simm.s32 $0x1A980;
	s22 =	sadd.s32 $0x2AB980, s0  }
0x569: {  	[hbm4b:s22+s8] =	stream.linear.scatter [tilespmem:s23], [sflag:$0x4], $0x500, $0x38;
	[tilespmem:$0x1C280] =	vst v63  }
0x56a: {  	s25 =	simm.s32 $0x1AE80;
	s24 =	sadd.s32 $0x30D400, s0  }
0x56b: {  	[hbm4b:s24+s8] =	stream.linear.scatter [tilespmem:s25], [sflag:$0x4], $0x500, $0x38;
	[tilespmem:$0x1C280] =	vst v63  }
0x56c: {  	s28 =	simm.s32 $0x1B380;
	s26 =	sadd.s32 $0x36EE80, s0  }
0x56d: {  	[hbm4b:s26+s8] =	stream.linear.scatter [tilespmem:s28], [sflag:$0x4], $0x500, $0x38;
	[tilespmem:$0x1C280] =	vst v63  }
.Ltmp10:
0x56e: {  	_ = 	snop;
	(pc) =	sbr.rel .LBB2_14-.Ltmp10, $4  }
0x56f: {  	s30 =	simm.s32 $0x1B880;
	s4 =	sld [smem:$0x7EA];
	s29 =	sadd.s32 $0x3D0900, s0  }
0x570: {  	[hbm4b:s29+s8] =	stream.linear.scatter [tilespmem:s30], [sflag:$0x4], $0x500, $0x38;
	[tilespmem:$0x1C280] =	vst v63  }
0x571: {  	s31 =	simm.s32 $0x1BD80;
	s0 =	sadd.s32 $0x432380, s0  }
0x572: {  	[hbm4b:s0+s8] =	stream.linear.scatter [tilespmem:s31], [sflag:$0x4], $0x500, $0x38;
	[tilespmem:$0x1C280] =	vst v63  }
.LBB2_16:
0x573: {  	_ =	sfence.sel $0x180000  }
0x574: {  	[bflag:$0x0] =	sbarrier.arrive $0xFFFF  }
0x575: {  	_ =	strace $0x9000004A  }
0x576: {  	s0 =	stileid.u32;
	[bflag:$0x2] =	sbarrier.arrive $0xFFFF  }
0x577: {  	p0 =	sne.s32 s0, $0x0;
	s0 =	rddreg [dreg:$0x2]  }
0x578: {  	s0 =	sadd.s32 @!p0 $0x100000, s0  }
0x579: {  	[sflag:s0] =	ssyncadd.tile.s32 @!p0 $0x1;
	_ =	shalt  }
.Lfunc_end2:
_tile_overlayer_lowered:
.L_overlay_start_2:
0x57a: {  	(tag) =	ssettag $0x2  }
0x57b: {  	s0 =	rddreg [dreg:$0x0];
	s2 =	stileid.u32  }
0x57c: {  	s1 =	rddreg [dreg:$0x1];
	p0 =	sne.s32 s2, $0x0  }
0x57d: {  	s3 =	rddreg [dreg:$0x2];
	[bflag:$0x3] =	sbarrier.arrive $0xFFFF;
	s2 =	simm.s32 @!p0 $0x1C05  }
0x57e: {  	[timem:s3], [sflag:s2] =	dma.local @!p0 [hbm:s0], s1  }
0x57f: {  	s0 =	simm.s32 @!p0 $0x5  }
0x580: {  	_ =	swait.ge @!p0 [sflag:s0], s1  }
0x581: {  	s1 =	ssub.s32 @!p0 $0x0, s1;
	[sflag:s0] =	ssyncset.done @!p0 $0x0  }
0x582: {  	[sflag:s0] =	ssyncadd.s32 @!p0 s1  }
0x583: {  	[bflag:$0x3] =	sbarrier.arrive $0xFFFF  }
0x584: {  	_ =	shalt  }

// kernel: sparse-core-data-format-call.cloned.1.call-start
scs
called_computation_lowered:
.L_overlay_start_0:
0x0: {  	s1 =	sld [smem:$0x3FD9]  }
0x1: {  	s2 =	sld [smem:$0x3FFE];
	_ =	sdelay $0x1  }
0x2: {  	s3 =	srdreg.scid  }
0x3: {  	s0 =	sand.u32 $0x1, s3  }
0x4: {  	s17 =	sshll.u32 s0, $0xA;
	s1 =	sadd.s32 s2, s1  }
0x5: {  	s1 =	sadd.s32 s1, s17  }
0x6: {  	[smem:$0x3FC1] =	sst s1  }
0x7: {  	_ = 	snop  }
0x8: {  	(tm) =	ssettm $0x1  }
0x9: {  	s18 =	sld [smem:$0x3FFB];
	_ =	sdelay $0x3  }
0xa: {  	_ =	strace s18  }
0xb: {  	s1 =	sld [smem:$0x3FFC];
	_ =	sdelay $0x3  }
0xc: {  	_ =	strace s1  }
0xd: {  	s1 =	sld [smem:$0x3FFD];
	_ =	sdelay $0x3  }
0xe: {  	_ =	strace s1  }
0xf: {  	_ =	strace $0x8FFFFFFF  }
0x10: {  	s19 =	sld [smem:$0x3FDB];
	_ =	sdelay $0x1  }
0x11: {  	s20 =	simm.s32 $_scs_section_size  }
0x12: {  	s4 =	simm.s32 $_size__tile_overlayer_lowered;
	s5 =	simm.s32 $_tile_overlayer_lowered  }
0x13: {  	s23 =	simm.s32 $0x1BFF;
	s22 =	sshll.u32 s5, $0x1;
	s1 =	sadd.s32 s20, s19  }
0x14: {  	s6 =	simm.s32 $0x0;
	s21 =	sshll.u32 s4, $0x1;
	s4 =	sadd.s32 s22, s1  }
0x15: {  	[timem:s6], [sflag:s23] =	dma.local [hbm:s4], s21  }
0x16: {  	_ =	swait.ge [sflag:s23], s21  }
0x17: {  	s2 =	ssub.s32 $0x0, s21;
	[sflag:s23] =	ssyncset.done $0x0  }
0x18: {  	[sflag:s23] =	ssyncadd.s32 s2;
	_ =	sdelay $0x1  }
0x19: {  	s24 =	simm.s32 $0x1B8B  }
0x1a: {  	_ =	swait.ge [sflag:s24], $0x1  }
0x1b: {  	[sflag:s24] =	ssyncset.done $0x0  }
0x1c: {  	s26 =	simm.s32 $0x1B8E;
	s25 =	sld [smem:$0x3FFE];
	[sflag:s24] =	ssyncadd.s32 $0xFFFFFFFF  }
0x1d: {  	s27 =	simm.s32 $execute0_lowered;
	[smem:$0x3FD2] =	sst s26  }
0x1e: {  	s4 =	sshll.u32 s27, $0x1;
	_ =	strace $0x80000046;
	[dreg:$0x1] =	wrdreg $0xFFFFFFFF  }
0x1f: {  	s28 =	simm.s32 $_size_execute0_lowered;
	s1 =	sadd.s32 s1, s4;
	[dreg:$0x0] =	wrdreg $0x0  }
0x20: {  	s4 =	sshll.u32 s28, $0x1;
	[dreg:$0x2] =	wrdreg s1  }
0x21: {  	[dreg:$0x3] =	wrdreg s4  }
0x22: {  	[dreg:$0x4] =	wrdreg $0xC0  }
0x23: {  	_ =	task [dreg:s6], $0x5FFFF  }
0x24: {  	[dreg:$0x1] =	wrdreg $0xFFFFFFFF  }
0x25: {  	[dreg:$0x0] =	wrdreg $0x60  }
0x26: {  	[dreg:$0x2] =	wrdreg s25  }
0x27: {  	[dreg:$0x3] =	wrdreg $0x9  }
0x28: {  	_ =	task.clear_ibuf [dreg:s6], $0x4FFFF;
	_ =	strace $0x90000046  }
0x29: {  	s29 =	simm.s32 $0x9;
	_ =	strace $0x80000048  }
0x2a: {  	_ =	swait.ge [sflag:s29], $0x1  }
0x2b: {  	[sflag:s29] =	ssyncadd.s32 $0xFFFFFFFF  }
0x2c: {  	_ =	strace $0x90000048  }
0x2d: {  	_ =	sfence  }
0x2e: {  	s30 =	sld [smem:$0x0];
	_ =	sdelay $0x2  }
0x2f: {  	s31 =	sshll.u32 s3, $0xD;
	s3 =	sshrl.u32 s3, $0x2  }
0x30: {  	s2 =	sand.u32 $0x4000, s31;
	s1 =	sadd.s32 s3, s30  }
0x31: {  	s0 =	sor.u32 s2, s0;
	s1 =	sshll.u32 s1, $0x11  }
0x32: {  	s0 =	sor.u32 s1, s0  }
0x33: {  	s0 =	sadd.s32 $0x8F2B, s0  }
0x34: {  	[sflag:s0] =	ssyncadd.remote.s32 $0x1  }
0x35: {  	_ =	sfence.sel $0xFFFF  }
0x36: {  	[dreg:$0x0] =	wrdreg $0xFFFFFFFF;
	(pc) =	sbr.abs _section_cstart, $3  }
0x37: {  	[dreg:$0x1] =	wrdreg $0xFFFFFFFF  }
0x38: {  	_ =	task.clear_ibuf [dreg:s6], $0x2FFFF;
	_ =	strace $0x9FFFFFFF  }
0x39: {  	(tm) =	ssettm $0x7FFFFFFF  }
tec
execute0_lowered:
.L_overlay_start_1:
0x0: {  	(tag) =	ssettag $0x1  }
0x1: {  	s4 =	stileid.u32  }
0x2: {  	s0 =	srdreg.scid;
	s3 =	rddreg [dreg:$0x0];
	_ =	strace $0x80000047  }
0x3: {  	s30 =	simm.s32 $0x1;
	s31 =	simm.s32 $0x2;
	s23 =	simm.s32 $0x0  }
0x4: {  	s22 =	simm.s32 $0x0;
	s25 =	simm.s32 $0x0;
	s24 =	simm.s32 $0x0  }
0x5: {  	s13 =	simm.s32 $0x0;
	s14 =	simm.s32 $0x0;
	s15 =	simm.s32 $0x0  }
0x6: {  	s16 =	simm.s32 $0x0;
	s1 =	sshll.u32 s4, $0x4;
	s0 =	sshll.u32 s0, $0x8  }
0x7: {  	s19 =	simm.s32 $0x0;
	s2 =	sshrl.u32 s4, $0x2;
	s0 =	sor.u32 s1, s0  }
0x8: {  	s9 =	sadd.s32 $0x1C00, s3;
	s7 =	sand.u32 $0x1, s2;
	s8 =	sand.u32 $0x180, s0  }
0x9: {  	s29 =	sadd.s32 $0x496000, s3;
	s26 =	ssub.s32 $0x2, s7;
	s27 =	ssub.s32 $0x3080, s8  }
0xa: {  	s28 =	sshrl.u32 s26, $0x1;
	s0 =	sand.u32 $0x1, s26;
	s1 =	sshrl.u32 s27, $0x9  }
0xb: {  	[dreg:$0x5] =	wrdreg s29;
	s0 =	sadd.s32 s0, s28;
	s1 =	sadd.s32 $0x1, s1  }
0xc: {  	s11 =	sand.u32 $0x3, s4;
	[dreg:$0x4] =	wrdreg s9;
	s0 =	smul.u32 s1, s0  }
.Ltmp0:
0xd: {  	s21 =	simm.s32 $0x0;
	[dreg:$0x7] =	wrdreg s11;
	(pc) =	sbr.rel .LBB1_1-.Ltmp0, $4  }
0xe: {  	[sflag:s30] =	ssyncpa.u1 $0x0;
	[dreg:$0x2] =	wrdreg s7;
	s10 =	smul.u32 $0x3, s0  }
0xf: {  	[sflag:s31] =	ssyncpa.u1 $0x0;
	s20 =	smov.u32 s11;
	[dreg:$0x3] =	wrdreg s8  }
0x10: {  	s18 =	smov.u32 s7;
	s12 =	sadd.s32 $0x1, s10;
	[dreg:$0x6] =	wrdreg s10  }
0x11: {  	s26 =	simm.s32 $0x0;
	s17 =	smov.u32 s8;
	[dreg:$0x8] =	wrdreg s12  }
.LBB1_15:
0x12: {  	p0 =	sgt.s32 s13, $0x3054;
	s1 =	rddreg [dreg:$0xa]  }
0x13: {  	s0 =	smov.u32 s13;
	s12 =	smul.u32 $0x124F80, s16;
	s3 =	rddreg [dreg:$0xb]  }
0x14: {  	s2 =	smul.u32 $0x61A80, s15;
	s26 =	rddreg [dreg:$0x5];
	s27 =	sshll.u32 s13, $0x5  }
0x15: {  	s4 =	sshll.u32 s14, $0x4;
	s29 =	sor.u32 $0x8000, s30;
	s0 =	simm.s32 @!p0 $0x3054  }
0x16: {  	s30 =	simm.s32 $0x80;
	s7 =	rddreg [dreg:$0x2];
	s0 =	sadd.s32 s1, s0  }
0x17: {  	s31 =	simm.s32 $0x100;
	s8 =	rddreg [dreg:$0x3];
	s1 =	sadd.s32 $0xFFFFCFAC, s0  }
0x18: {  	s9 =	rddreg [dreg:$0x4];
	s0 =	ssub.s32 $0x30D4, s0;
	p0 =	sgt.s32 s1, $0x7F  }
0x19: {  	s10 =	rddreg [dreg:$0x6];
	s1 =	sadd.s32 s26, s12;
	s0 =	simm.s32 @p0 $0x0  }
0x1a: {  	s11 =	rddreg [dreg:$0x7];
	s1 =	sadd.s32 s2, s1;
	s0 =	smul.u32 s0, s3  }
0x1b: {  	s28 =	sand.u32 $0x10, s4;
	s12 =	rddreg [dreg:$0x8];
	s1 =	sadd.s32 s27, s1  }
0x1c: {  	s26 =	rddreg [dreg:$0x9];
	s1 =	sadd.s32 s28, s1;
	s0 =	sand.u32 $0x3FFFFF80, s0  }
0x1d: {  	[hbm4b:s1+s30] =	stream.strided.scatter [tilespmem:s29], [sflag:$0x2], s0, s31, s30, $0x38;
	[tilespmem:$0x10000] =	vst v63  }
.LBB1_16:
0x1e: {  	p0 =	slt.u32 s21, $0x2;
	s0 =	smov.u32 s25  }
0x1f: {  	s2 =	smov.u32 s24;
	p1 =	sgt.s32 @!p0 s24, $0x3;
	p2 =	sgt.s32 @!p0 s25, $0x2  }
0x20: {  	s1 =	sshra.s32 @!p0 s25, $0x1F;
	s3 =	sshra.s32 @!p0 s24, $0x1F;
	p3 =	sgt.s32 @!p0 s22, $0x1  }
0x21: {  	s4 =	sshra.s32 @!p0 s22, $0x1F;
	p1 =	por !p1, p0;
	p2 =	por !p2, p0  }
0x22: {  	s1 =	sand.u32 @!p0 s1, s25;
	s3 =	sand.u32 @!p0 s3, s24;
	p3 =	por !p3, p0  }
0x23: {  	s4 =	sand.u32 @!p0 s4, s22;
	s0 =	simm.s32 @p2 $0x2;
	s2 =	simm.s32 @p1 $0x3  }
0x24: {  	p2 =	sgt.s32 @!p0 s23, $0x3054;
	s4 =	sxor.u32 @!p0 $0xFFFFFFFF, s4;
	s0 =	ssub.s32 @!p0 s0, s1  }
0x25: {  	s1 =	ssub.s32 @!p0 s2, s3;
	p2 =	por !p2, p0;
	s2 =	sadd.s32 @!p0 $0xFFFFFFFE, s0  }
0x26: {  	s3 =	sshra.s32 @!p0 s23, $0x1F;
	p1 =	sgt.s32 @!p0 s2, $0x0;
	s2 =	smov.u32 s23  }
0x27: {  	s1 =	sadd.s32 @!p0 $0xFFFFFFFD, s1;
	s3 =	sand.u32 @!p0 s3, s23;
	s2 =	simm.s32 @p2 $0x3054  }
0x28: {  	s0 =	ssub.s32 @!p0 $0x3, s0;
	p1 =	por !p1, p0;
	s2 =	ssub.s32 @!p0 s2, s3  }
0x29: {  	p2 =	sgt.s32 @!p0 s1, $0x0;
	s1 =	sshll.u32 @!p0 s1, $0x7;
	s3 =	sadd.s32 @!p0 $0xFFFFCFAC, s2  }
0x2a: {  	s0 =	simm.s32 @!p1 $0x0;
	p1 =	sgt.s32 @!p0 s3, $0x7F;
	s3 =	smov.u32 s22  }
0x2b: {  	s1 =	ssub.s32 @!p0 $0x80, s1;
	p2 =	por !p2, p0;
	s3 =	simm.s32 @p3 $0x1  }
0x2c: {  	s1 =	simm.s32 @!p2 $0x0;
	s3 =	sadd.s32 @!p0 s4, s3  }
0x2d: {  	s2 =	ssub.s32 @!p0 $0x30D4, s2;
	s0 =	smul.u32 @!p0 s0, s1;
	p3 =	sgt.s32 @!p0 s3, $0x0  }
0x2e: {  	s1 =	sadd.s32 $0x200, s17;
	s3 =	ssub.s32 @!p0 $0x1, s3;
	p2 =	por !p3, p0  }
0x2f: {  	s4 =	smov.u32 s18;
	p3 =	por !p1, p0;
	s3 =	simm.s32 @!p2 $0x0  }
0x30: {  	p1 =	sgt.s32 s1, $0x30D3;
	s0 =	smul.u32 @!p0 s3, s0;
	s3 =	sadd.s32 $0x2, s18  }
0x31: {  	s2 =	simm.s32 @!p3 $0x0;
	s4 =	smov.u32 @p1 s3  }
0x32: {  	s0 =	smul.u32 @!p0 s2, s0;
	p2 =	sgt.s32 s4, $0x1;
	s2 =	simm.s32 $0x1  }
0x33: {  	s5 =	sadd.s32 $0x4, s20;
	s6 =	smov.u32 s20;
	s2 =	simm.s32 @!p2 $0x0  }
0x34: {  	s26 =	sadd.s32 $0x4000, s26;
	s25 =	smov.u32 s15;
	s2 =	sadd.s32 s2, s19  }
0x35: {  	s24 =	smov.u32 s16;
	s15 =	smov.u32 s19;
	p3 =	sgt.s32 s2, $0x2  }
0x36: {  	s16 =	smov.u32 s20;
	s23 =	smov.u32 s13;
	s6 =	smov.u32 @p3 s5  }
0x37: {  	s13 =	smov.u32 s17;
	s1 =	smov.u32 @p1 s8;
	p1 =	sgt.s32 s6, $0x3  }
0x38: {  	s22 =	smov.u32 s14;
	s6 =	smov.u32 @p1 s11;
	p1 =	sne.s32 s21, s12  }
.Ltmp1:
0x39: {  	s3 =	simm.s32 @!p0 $0x2;
	s0 =	sand.u32 @!p0 $0x3FFFFF80, s0;
	(pc) =	sbr.rel @!p1 .LBB1_17-.Ltmp1, $4  }
0x3a: {  	s14 =	smov.u32 s18;
	s17 =	smov.u32 s1;
	_ =	swait.ge @!p0 [sflag:s3], s0  }
0x3b: {  	s4 =	smov.u32 @p2 s7;
	s0 =	ssub.s32 @!p0 $0x0, s0;
	[sflag:s3] =	ssyncset.done @!p0 $0x0  }
0x3c: {  	s18 =	smov.u32 s4;
	s2 =	simm.s32 @p3 $0x0;
	[sflag:s3] =	ssyncadd.s32 @!p0 s0  }
0x3d: {  	s19 =	smov.u32 s2;
	s21 =	sadd.s32 $0x1, s21;
	s20 =	smov.u32 s6  }
.LBB1_1:
0x3e: {  	p0 =	sge.u32 s21, s10;
	s2 =	smov.u32 s20;
	s5 =	smov.u32 s18  }
0x3f: {  	s0 =	sand.u32 @!p0 $0x1FFFFFF, s17;
	p1 =	sgt.s32 @!p0 s20, $0x3;
	s3 =	sshra.s32 @!p0 s20, $0x1F  }
0x40: {  	s4 =	sshra.s32 @!p0 s19, $0x1F;
	p2 =	sgt.s32 @!p0 s18, $0x1;
	s6 =	sshra.s32 @!p0 s18, $0x1F  }
0x41: {  	s1 =	smulhi.u32 @!p0 $0xA7B7EF, s0;
	p1 =	por !p1, p0;
	s3 =	sand.u32 @!p0 s3, s20  }
0x42: {  	s4 =	sand.u32 @!p0 s4, s19;
	p2 =	por !p2, p0;
	s2 =	simm.s32 @p1 $0x3  }
0x43: {  	p1 =	sgt.s32 @!p0 s19, $0x2;
	s5 =	simm.s32 @p2 $0x1;
	s1 =	sshrl.u32 @!p0 s1, $0x5  }
0x44: {  	s2 =	ssub.s32 @!p0 s2, s3;
	p1 =	por !p1, p0;
	s3 =	smov.u32 s19  }
0x45: {  	s2 =	sadd.s32 @!p0 $0xFFFFFFFD, s2;
	s3 =	simm.s32 @p1 $0x2;
	s1 =	smul.u32 @!p0 $0x30D8, s1  }
0x46: {  	p1 =	sgt.s32 @!p0 s2, $0x0;
	s3 =	ssub.s32 @!p0 s3, s4;
	s2 =	sshll.u32 @!p0 s2, $0x7  }
0x47: {  	s4 =	sadd.s32 @!p0 $0xFFFFFFFE, s3;
	s3 =	ssub.s32 @!p0 $0x3, s3;
	s2 =	ssub.s32 @!p0 $0x80, s2  }
0x48: {  	p1 =	por !p1, p0;
	s0 =	ssub.s32 @!p0 s0, s1;
	s1 =	smul.u32 @!p0 $0x125100, s20  }
0x49: {  	p2 =	sgt.s32 @!p0 s4, $0x0;
	s4 =	sand.u32 @!p0 s6, s18;
	s2 =	simm.s32 @!p1 $0x0  }
0x4a: {  	p1 =	sgt.s32 @!p0 s17, $0x3058;
	s6 =	sshra.s32 @!p0 s17, $0x1F;
	p2 =	por !p2, p0  }
0x4b: {  	s4 =	sxor.u32 @!p0 $0xFFFFFFFF, s4;
	p1 =	por !p1, p0;
	s6 =	sand.u32 @!p0 s6, s17  }
0x4c: {  	s3 =	simm.s32 @!p2 $0x0;
	s4 =	sadd.s32 @!p0 s4, s5;
	s5 =	smov.u32 s17  }
0x4d: {  	p2 =	sgt.s32 @!p0 s4, $0x0;
	s4 =	ssub.s32 @!p0 $0x1, s4;
	s5 =	simm.s32 @p1 $0x3058  }
0x4e: {  	s2 =	smul.u32 @!p0 s3, s2;
	p2 =	por !p2, p0;
	s3 =	ssub.s32 @!p0 s5, s6  }
0x4f: {  	s31 =	sadd.s32 $0xFFFFFFFF, s21;
	s4 =	simm.s32 @!p2 $0x0;
	s6 =	sadd.s32 @!p0 $0xFFFFCFA8, s3  }
0x50: {  	s1 =	sadd.s32 @!p0 s9, s1;
	s2 =	smul.u32 @!p0 s4, s2;
	p1 =	sgt.s32 @!p0 s6, $0x7F  }
0x51: {  	s3 =	ssub.s32 @!p0 $0x30D8, s3;
	s4 =	smul.u32 @!p0 $0x61B00, s19;
	p1 =	por !p1, p0  }
0x52: {  	s5 =	sxor.u32 @!p0 $0xFFFFFFFF, s21;
	s6 =	smul.u32 @!p0 $0x30D80, s18;
	s3 =	simm.s32 @!p1 $0x0  }
0x53: {  	s5 =	sshll.u32 @!p0 s5, $0xE;
	s1 =	sadd.s32 @!p0 s4, s1;
	s2 =	smul.u32 @!p0 s3, s2  }
0x54: {  	s0 =	sshll.u32 @!p0 s0, $0x4;
	s3 =	sand.u32 @!p0 $0x4000, s5;
	s1 =	sadd.s32 @!p0 s6, s1  }
0x55: {  	s0 =	sadd.s32 @!p0 s0, s1;
	s1 =	simm.s32 @!p0 $0x0;
	s2 =	sand.u32 @!p0 $0x3FFFFF80, s2  }
0x56: {  	[tilespmem:s3], [sflag:$0x1] =	stream.linear.gather @!p0 [hbm4b:s0+s1], s2, $0x38;
	[tilespmem:$0x10000] =	vst v63  }
0x57: {  	p0 =	sge.u32 s31, s10  }
.Ltmp2:
0x58: {  	_ = 	snop;
	(pc) =	sbr.rel @p0 .LBB1_16-.Ltmp2, $1  }
0x59: {  	_ =	sdelay $0x3  }
0x5a: {  	p0 =	sgt.s32 s16, $0x3;
	s0 =	smov.u32 s16  }
0x5b: {  	s1 =	sshra.s32 s16, $0x1F;
	s2 =	sshra.s32 s15, $0x1F;
	s6 =	sshra.s32 s14, $0x1F  }
0x5c: {  	s8 =	ssub.s32 $0x0, s13;
	s0 =	simm.s32 @!p0 $0x3;
	s1 =	sand.u32 s1, s16  }
0x5d: {  	p0 =	sgt.s32 s15, $0x2;
	s0 =	ssub.s32 s0, s1;
	s1 =	smov.u32 s15  }
0x5e: {  	s4 =	sshra.s32 s13, $0x1F;
	s2 =	sand.u32 s2, s15;
	s1 =	simm.s32 @!p0 $0x2  }
0x5f: {  	s5 =	smov.u32 s13;
	s3 =	sadd.s32 $0xFFFFFFFD, s0;
	s1 =	ssub.s32 s1, s2  }
0x60: {  	s0 =	ssub.s32 $0x4, s0;
	p0 =	sgt.s32 s3, $0x0;
	s2 =	sadd.s32 $0xFFFFFFFE, s1  }
0x61: {  	s0 =	simm.s32 @p0 $0x0;
	s1 =	ssub.s32 $0x3, s1;
	p0 =	sgt.s32 s2, $0x0  }
0x62: {  	s3 =	smov.u32 s14;
	s2 =	sand.u32 s6, s14;
	s1 =	simm.s32 @p0 $0x0  }
0x63: {  	p0 =	sgt.s32 s14, $0x1;
	s7 =	sxor.u32 $0xFFFFFFFF, s2;
	s2 =	sand.u32 s8, s4  }
0x64: {  	s0 =	smul.u32 s0, s1;
	s3 =	simm.s32 @!p0 $0x1;
	p0 =	sgt.s32 s13, $0x3058  }
0x65: {  	[dreg:$0xa] =	wrdreg s2;
	s1 =	sadd.s32 s7, s3;
	s5 =	simm.s32 @!p0 $0x3058  }
0x66: {  	p0 =	sgt.s32 s1, $0x0;
	s1 =	ssub.s32 $0x1, s1;
	s2 =	sadd.s32 s2, s5  }
0x67: {  	s1 =	simm.s32 @p0 $0x0;
	s9 =	sadd.s32 $0xFFFFCFA8, s2  }
0x68: {  	s0 =	smul.u32 s1, s0;
	p0 =	sgt.s32 s9, $0x7F;
	s1 =	ssub.s32 $0x30D8, s2  }
0x69: {  	s2 =	sadd.s32 $0x1, s16;
	s1 =	simm.s32 @p0 $0x0  }
0x6a: {  	p0 =	slt.s32 s2, $0x4;
	s10 =	sshll.u32 s0, $0x7;
	s0 =	sadd.s32 $0x1, s15  }
0x6b: {  	s2 =	simm.s32 @!p0 $0x4;
	s1 =	smul.u32 s1, s10;
	p0 =	slt.s32 s0, $0x3  }
0x6c: {  	s28 =	ssub.s32 s2, s16;
	s2 =	sadd.s32 $0x1, s14;
	s0 =	simm.s32 @!p0 $0x3  }
0x6d: {  	p0 =	slt.s32 s2, $0x2;
	p1 =	slt.s32 s28, $0x1;
	s29 =	ssub.s32 s0, s15  }
0x6e: {  	s2 =	simm.s32 @!p0 $0x2;
	s0 =	sadd.s32 $0x80, s13;
	p0 =	slt.s32 @!p1 s29, $0x1  }
0x6f: {  	s31 =	ssub.s32 s2, s14;
	p0 =	por p1, p0;
	p1 =	slt.s32 s0, $0x30D4  }
0x70: {  	s0 =	simm.s32 @!p1 $0x30D4;
	p1 =	slt.s32 @!p0 s31, $0x1  }
0x71: {  	s11 =	sand.u32 $0x3FFFFF80, s1;
	s1 =	ssub.s32 s0, s13;
	p0 =	por p0, p1  }
0x72: {  	p1 =	slt.s32 @!p0 s1, $0x1  }
0x73: {  	p0 =	por p0, p1  }
.Ltmp3:
0x74: {  	[dreg:$0x9] =	wrdreg s26;
	(pc) =	sbr.rel @p0 .LBB1_15-.Ltmp3, $4  }
0x75: {  	s26 =	simm.s32 $0x1;
	[dreg:$0xb] =	wrdreg s10  }
0x76: {  	_ =	swait.ge [sflag:s26], s11  }
0x77: {  	s27 =	sshll.u32 s21, $0xE;
	s12 =	ssub.s32 $0x0, s11;
	[sflag:s26] =	ssyncset.done $0x0  }
0x78: {  	s30 =	sand.u32 $0x4000, s27;
	[sflag:s26] =	ssyncadd.s32 s12  }
.Ltmp4:
0x79: {  	(pc) =	sbr.rel .LBB1_4-.Ltmp4, $4  }
0x7a: {  	_ = 	snop  }
0x7b: {  	s0 =	rddreg [dreg:$0x9]  }
0x7c: {  	s0 =	sand.u32 $0x4000, s0  }
0x7d: {  	s10 =	simm.s32 $0x0;
	s11 =	sor.u32 $0x8040, s0  }
.LBB1_14:
0x7e: {  	s10 =	sadd.s32 $0x1, s10  }
0x7f: {  	p0 =	sne.s32 s10, s28  }
.Ltmp5:
0x80: {  	_ = 	snop;
	(pc) =	sbr.rel @!p0 .LBB1_15-.Ltmp5, $2  }
0x81: {  	_ =	sdelay $0x2  }
0x82: {  	s11 =	sadd.s32 $0x4000, s11  }
.LBB1_4:
.Ltmp6:
0x83: {  	(pc) =	sbr.rel .LBB1_5-.Ltmp6, $2  }
0x84: {  	_ =	sdelay $0x2  }
0x85: {  	s0 =	smov.u32 s11;
	s5 =	simm.s32 $0x0  }
.LBB1_13:
0x86: {  	s5 =	sadd.s32 $0x1, s5  }
0x87: {  	p0 =	sne.s32 s5, s29  }
.Ltmp7:
0x88: {  	_ = 	snop;
	(pc) =	sbr.rel @!p0 .LBB1_14-.Ltmp7, $2  }
0x89: {  	_ =	sdelay $0x2  }
0x8a: {  	s0 =	sadd.s32 $0x4000, s0  }
.LBB1_5:
0x8b: {  	s6 =	sadd.s32 s10, s5  }
0x8c: {  	s4 =	simm.s32 $0x0;
	s9 =	simm.s32 $0x0;
	s2 =	simm.s32 $0x0  }
.LBB1_6:
0x8d: {  	s3 =	sadd.s32 s6, s2  }
0x8e: {  	s3 =	sshll.u32 s3, $0x10  }
0x8f: {  	s3 =	sshra.s32 s3, $0x2  }
0x90: {  	p1 =	sne.s32 s1, $0x1;
	s3 =	sadd.s32 s3, s30  }
.Ltmp8:
0x91: {  	v0 =	vmov s3;
	(pc) =	sbr.rel @!p1 .LBB1_7-.Ltmp8, $3  }
0x92: {  	_ =	sdelay $0x1  }
0x93: {  	s7 =	sand.u32 $0x80, s9;
	s26 =	sand.u32 $0x3F80, s4  }
0x94: {  	p0 =	por $0x0, $0x0;
	s8 =	sadd.s32 s7, s0;
	s3 =	sadd.s32 $0xFFFFFFFF, s1  }
0x95: {  	_ =	sdelay $0x3  }
0x96: {  	v6 =	vld.idx.msk [tilespmem:v0+s26+$0x70 ss:$0x1], $0xffff  }
0x97: {  	v7 =	vld.idx.msk [tilespmem:v0+s26+$0x0 ss:$0x1], $0xffff  }
0x98: {  	v1 =	vld.idx.msk [tilespmem:v0+s26+$0x10 ss:$0x1], $0xffff;
	p1 =	sne.s32 s3, $0x1  }
.Ltmp9:
0x99: {  	v2 =	vld.idx.msk [tilespmem:v0+s26+$0x20 ss:$0x1], $0xffff;
	(pc) =	sbr.rel @!p1 .LBB1_9-.Ltmp9, $4  }
0x9a: {  	v3 =	vld.idx.msk [tilespmem:v0+s26+$0x30 ss:$0x1], $0xffff  }
0x9b: {  	v4 =	vld.idx.msk [tilespmem:v0+s26+$0x40 ss:$0x1], $0xffff  }
0x9c: {  	v5 =	vld.idx.msk [tilespmem:v0+s26+$0x50 ss:$0x1], $0xffff;
	s27 =	simm.s32 $0x80;
	s12 =	sadd.s32 $0xFFFFFFFF, s3;
	[tilespmem:s8+$0x30] =	vst v6  }
0x9d: {  	p0 =	por $0x1, $0x1;
	s3 =	smov.u32 s8;
	s7 =	sand.u32 $0x3F80, s27;
	[tilespmem:s8+$0xFFFFFFC0] =	vst v7;
	v6 =	vld.idx.msk [tilespmem:v0+s26+$0x60 ss:$0x1], $0xffff  }
.LBB1_10:
0x9e: {  	p1 =	sne.s32 s12, $0x1;
	v7 =	vld.idx.msk [tilespmem:v0+s7+$0x70 ss:$0x1], $0xffff;
	[tilespmem:s3+$0xFFFFFFD0] =	vst v1  }
0x9f: {  	v8 =	vld.idx.msk [tilespmem:v0+s7+$0x0 ss:$0x1], $0xffff;
	[tilespmem:s3+$0xFFFFFFE0] =	vst v2  }
0xa0: {  	v1 =	vld.idx.msk [tilespmem:v0+s7+$0x10 ss:$0x1], $0xffff;
	[tilespmem:s3+$0xFFFFFFF0] =	vst v3  }
.Ltmp10:
0xa1: {  	v2 =	vld.idx.msk [tilespmem:v0+s7+$0x20 ss:$0x1], $0xffff;
	[tilespmem:s3+$0x0] =	vst v4;
	(pc) =	sbr.rel @p1 .LBB1_10-.Ltmp10, $4  }
0xa2: {  	v3 =	vld.idx.msk [tilespmem:v0+s7+$0x30 ss:$0x1], $0xffff;
	[tilespmem:s3+$0x10] =	vst v5  }
0xa3: {  	v4 =	vld.idx.msk [tilespmem:v0+s7+$0x40 ss:$0x1], $0xffff;
	[tilespmem:s3+$0x20] =	vst v6;
	s3 =	sadd.s32 $0x80, s3  }
0xa4: {  	s27 =	sadd.s32 $0x80, s27;
	v5 =	vld.idx.msk [tilespmem:v0+s7+$0x50 ss:$0x1], $0xffff;
	[tilespmem:s3+$0x30] =	vst v7  }
0xa5: {  	s12 =	sadd.s32 $0xFFFFFFFF, s12;
	[tilespmem:s3+$0xFFFFFFC0] =	vst v8;
	v6 =	vld.idx.msk [tilespmem:v0+s7+$0x60 ss:$0x1], $0xffff;
	s7 =	sand.u32 $0x3F80, s27  }
0xa6: {  	s26 =	smov.u32 s7  }
.LBB1_12:
0xa7: {  	_ =	sdelay $0x2  }
0xa8: {  	[tilespmem:s3+$0xFFFFFFD0] =	vst @p0 v1  }
0xa9: {  	v56 =	vld.idx.msk [tilespmem:v0+s26+$0x70 ss:$0x1], $0xffff;
	[tilespmem:s3+$0xFFFFFFE0] =	vst @p0 v2  }
0xaa: {  	v57 =	vld.idx.msk [tilespmem:v0+s26+$0x0 ss:$0x1], $0xffff;
	[tilespmem:s3+$0xFFFFFFF0] =	vst @p0 v3  }
0xab: {  	v58 =	vld.idx.msk [tilespmem:v0+s26+$0x10 ss:$0x1], $0xffff;
	[tilespmem:s3+$0x0] =	vst @p0 v4  }
0xac: {  	v59 =	vld.idx.msk [tilespmem:v0+s26+$0x20 ss:$0x1], $0xffff;
	s7 =	sadd.s32 @p0 $0x80, s3;
	[tilespmem:s3+$0x10] =	vst @p0 v5  }
0xad: {  	v60 =	vld.idx.msk [tilespmem:v0+s26+$0x30 ss:$0x1], $0xffff;
	s8 =	smov.u32 @p0 s7;
	[tilespmem:s3+$0x20] =	vst @p0 v6  }
0xae: {  	v61 =	vld.idx.msk [tilespmem:v0+s26+$0x40 ss:$0x1], $0xffff;
	[tilespmem:s8+$0x30] =	vst v56  }
0xaf: {  	v62 =	vld.idx.msk [tilespmem:v0+s26+$0x50 ss:$0x1], $0xffff;
	s2 =	sadd.s32 $0x1, s2;
	[tilespmem:s8+$0xFFFFFFC0] =	vst v57  }
0xb0: {  	v63 =	vld.idx.msk [tilespmem:v0+s26+$0x60 ss:$0x1], $0xffff;
	p0 =	sne.s32 s2, s31;
	[tilespmem:s8+$0xFFFFFFD0] =	vst v58  }
.Ltmp11:
0xb1: {  	[tilespmem:s8+$0xFFFFFFE0] =	vst v59;
	(pc) =	sbr.rel @p0 .LBB1_6-.Ltmp11, $4  }
.Ltmp12:
0xb2: {  	[tilespmem:s8+$0xFFFFFFF0] =	vst v60;
	(pc) =	sbr.rel @!p0 .LBB1_13-.Ltmp12, $4  }
0xb3: {  	[tilespmem:s8+$0x0] =	vst v61  }
0xb4: {  	[tilespmem:s8+$0x10] =	vst v62  }
0xb5: {  	s9 =	sadd.s32 $0x80, s9;
	[tilespmem:s8+$0x20] =	vst v63  }
0xb6: {  	_ = 	snop  }
.LBB1_7:
.Ltmp13:
0xb7: {  	(pc) =	sbr.rel .LBB1_12-.Ltmp13, $2  }
0xb8: {  	_ =	sdelay $0x2  }
0xb9: {  	s3 =	smov.u32 s8  }
.LBB1_9:
.Ltmp14:
0xba: {  	(pc) =	sbr.rel .LBB1_12-.Ltmp14, $2  }
0xbb: {  	_ =	sdelay $0x2  }
0xbc: {  	s26 =	smov.u32 s7;
	s3 =	smov.u32 s8  }
.LBB1_17:
0xbd: {  	_ =	sfence.sel $0x180000  }
0xbe: {  	s0 =	simm.s32 $0x1;
	[bflag:$0x0] =	sbarrier.arrive $0xFFFF  }
0xbf: {  	s30 =	simm.s32 $0x2;
	[sflag:s0] =	ssyncpa.u1 $0x1  }
0xc0: {  	[sflag:s30] =	ssyncpa.u1 $0x1  }
0xc1: {  	_ =	strace $0x90000047  }
0xc2: {  	s31 =	stileid.u32;
	[bflag:$0x2] =	sbarrier.arrive $0xFFFF  }
0xc3: {  	p0 =	sne.s32 s31, $0x0;
	s0 =	rddreg [dreg:$0x1]  }
0xc4: {  	s0 =	sadd.s32 @!p0 $0x100000, s0  }
0xc5: {  	[sflag:s0] =	ssyncadd.tile.s32 @!p0 $0x1;
	_ =	shalt  }
.Lfunc_end1:
_tile_overlayer_lowered:
.L_overlay_start_2:
0xc6: {  	(tag) =	ssettag $0x2  }
0xc7: {  	s0 =	rddreg [dreg:$0x0];
	s2 =	stileid.u32  }
0xc8: {  	s1 =	rddreg [dreg:$0x1];
	p0 =	sne.s32 s2, $0x0  }
0xc9: {  	s3 =	rddreg [dreg:$0x2];
	[bflag:$0x3] =	sbarrier.arrive $0xFFFF;
	s2 =	simm.s32 @!p0 $0x1C01  }
0xca: {  	[timem:s3], [sflag:s2] =	dma.local @!p0 [hbm:s0], s1  }
0xcb: {  	s0 =	simm.s32 @!p0 $0x1  }
0xcc: {  	_ =	swait.ge @!p0 [sflag:s0], s1  }
0xcd: {  	s1 =	ssub.s32 @!p0 $0x0, s1;
	[sflag:s0] =	ssyncset.done @!p0 $0x0  }
0xce: {  	[sflag:s0] =	ssyncadd.s32 @!p0 s1  }
0xcf: {  	[bflag:$0x3] =	sbarrier.arrive $0xFFFF  }
0xd0: {  	_ =	shalt  }

</sc_bundles>
